<compile_context>
chip_gen: v7x
topology: tpu7x:2x2x1
jax: 0.10.2.dev20260603
libtpu: 0.0.44.dev20260713+nightly
codegen_flags: <defaults>
</compile_context>

<pallas_src>
import functools

import jax
import jax.numpy as jnp
from jax import lax
from jax.experimental import pallas as pl
from jax.experimental.pallas import tpu as pltpu
from jax.experimental.pallas import tpu_sc as plsc

_N = 4194304
_FLAT = _N * 3
_NC = 2
_NS = 16
_NW = _NC * _NS
_PER_W = _FLAT // _NW
_CHUNK = 24576
_NCHUNK = _PER_W // _CHUNK

_mesh = plsc.VectorSubcoreMesh(core_axis_name="c", subcore_axis_name="s")


@functools.partial(
    pl.kernel,
    out_type=jax.ShapeDtypeStruct((_FLAT,), jnp.float32),
    mesh=_mesh,
    scratch_types=[
        pltpu.VMEM((16,), jnp.float32),
        pltpu.VMEM((16,), jnp.float32),
        pltpu.VMEM((_CHUNK,), jnp.float32),
        pltpu.VMEM((_CHUNK,), jnp.float32),
        pltpu.SemaphoreType.DMA,
        pltpu.SemaphoreType.DMA,
        pltpu.SemaphoreType.DMA,
        pltpu.SemaphoreType.DMA,
    ],
)
def _sc_wrap(x_hbm, pa_hbm, pb_hbm, o_hbm,
             pa_v, pb_v, buf0, buf1, si0, si1, so0, so1):
    pltpu.sync_copy(pa_hbm, pa_v)
    pltpu.sync_copy(pb_hbm, pb_v)

    def _bf(x):
        u = lax.bitcast_convert_type(x, jnp.uint32)
        r = u + jnp.uint32(0x7FFF) + (
            lax.shift_right_logical(u, jnp.uint32(16)) & jnp.uint32(1))
        r = r & jnp.uint32(0xFFFF0000)
        return lax.bitcast_convert_type(r, jnp.float32)

    pa = pa_v[...]
    pb = pb_v[...]
    t = _bf(pa[0])
    p = _bf(pa[1])
    h = [
        jnp.maximum(_bf(pa[2 + 2 * j]) * t + _bf(pa[3 + 2 * j]) * p + pa[10 + j],
                    jnp.float32(0.0))
        for j in range(4)
    ]
    hb = [_bf(x) for x in h]
    s0 = (((_bf(pb[0]) * hb[0] + _bf(pb[1]) * hb[1]) + _bf(pb[2]) * hb[2])
          + _bf(pb[3]) * hb[3]) + pb[8]
    s2 = (((_bf(pb[4]) * hb[0] + _bf(pb[5]) * hb[1]) + _bf(pb[6]) * hb[2])
          + _bf(pb[7]) * hb[3]) + pb[9]

    zero_v = jnp.zeros((16,), jnp.float32)
    one_v = jnp.full((16,), 1.0, jnp.float32)

    def _red(s):
        sv = jnp.broadcast_to(s, (16,))
        sv = lax.rem(sv, one_v)
        return jnp.where(sv < zero_v, sv + one_v, sv)

    s0v = _red(s0)
    s2v = _red(s2)

    lane = lax.iota(jnp.int32, 16)
    svs = []
    for k in range(3):
        colk = lax.rem(lane + jnp.int32(k), jnp.int32(3))
        svs.append(jnp.where(colk == 0, s0v,
                             jnp.where(colk == 2, s2v, zero_v)))

    wid = lax.axis_index("s") * _NC + lax.axis_index("c")
    base = wid * _PER_W

    bufs = (buf0, buf1)
    sins = (si0, si1)
    souts = (so0, so1)

    def start_in(c):
        return pltpu.async_copy(
            x_hbm.at[pl.ds(base + c * _CHUNK, _CHUNK)],
            bufs[c % 2], sins[c % 2])

    def start_out(c):
        return pltpu.async_copy(
            bufs[c % 2], o_hbm.at[pl.ds(base + c * _CHUNK, _CHUNK)],
            souts[c % 2])

    for c in range(_NCHUNK):
        buf = bufs[c % 2]
        pltpu.sync_copy(x_hbm.at[pl.ds(base + c * _CHUNK, _CHUNK)], buf)

        @plsc.parallel_loop(0, _CHUNK // 48, unroll=8)
        def _(j):
            o = j * 48
            for k in range(3):
                x = buf[pl.ds(o + 16 * k, 16)]
                tt = x - svs[k]
                buf[pl.ds(o + 16 * k, 16)] = jnp.where(
                    tt < zero_v, tt + one_v, tt)

        pltpu.sync_copy(buf, o_hbm.at[pl.ds(base + c * _CHUNK, _CHUNK)])


def kernel(pos, scale, temp, press, W1, b1, W2, b2):
    pa = jnp.concatenate([
        temp.reshape(1), press.reshape(1), W1.reshape(-1), b1.reshape(-1),
        jnp.zeros((2,), jnp.float32),
    ])
    pb = jnp.concatenate([
        W2.reshape(-1), b2.reshape(-1), jnp.zeros((6,), jnp.float32),
    ])
    flat = _sc_wrap(pos.reshape(-1), pa, pb)
    return (flat.reshape(_N, 3), 0.0)

# --- scband reference (transcript-rebuilt; emitter-appended) ---
"""Pipeline reference for scband-conditional-circular-shift-layer-npt-88579405513045 (READ-ONLY COPY).

The authoritative reference and input builder live on the scoring server;
editing this copy changes nothing except your own understanding.
"""

import jax, jax.numpy as jnp
import numpy as np

N = 4194304
D = 3
CHANGED = jnp.array([0, 2], dtype=jnp.int32)
LOWER = jnp.float32(0.0)
UPPER = jnp.float32(1.0)


def wrap_to_unit_cube(x, lower, upper):
    # wrap values back into [lower, upper) periodically
    return lower + jnp.mod(x - lower, upper - lower)


def setup_inputs(seed: int = 0) -> dict:
    key = jax.random.key(seed)
    ks = jax.random.split(key, 8)
    pos = jax.random.uniform(ks[0], (N, D), dtype=jnp.float32)
    scale = jnp.ones((), dtype=jnp.float32)
    temp = jax.random.uniform(ks[1], (), dtype=jnp.float32)
    press = jax.random.uniform(ks[2], (), dtype=jnp.float32)
    # eqx.nn.MLP(in_size=2, out_size=2, width_size=4, depth=1): Linear(2->4), relu, Linear(4->2)
    lim1 = 1.0 / np.sqrt(2.0)
    W1 = jax.random.uniform(ks[3], (4, 2), minval=-lim1, maxval=lim1, dtype=jnp.float32)
    b1 = jax.random.uniform(ks[4], (4,), minval=-lim1, maxval=lim1, dtype=jnp.float32)
    lim2 = 1.0 / np.sqrt(4.0)
    W2 = jax.random.uniform(ks[5], (2, 4), minval=-lim2, maxval=lim2, dtype=jnp.float32)
    b2 = jax.random.uniform(ks[6], (2,), minval=-lim2, maxval=lim2, dtype=jnp.float32)
    return {"pos": pos, "scale": scale, "temp": temp, "press": press,
            "W1": W1, "b1": b1, "W2": W2, "b2": b2}


def reference(pos, scale, temp, press, W1, b1, W2, b2):
    # shift = mlp([temp, press])
    inp = jnp.stack([temp, press])
    h = jnp.maximum(W1 @ inp + b1, 0.0)
    shift = W2 @ h + b2  # shape [n_changed]
    sign = jnp.float32(1.0)  # inverse=False -> (-1)**0 = 1
    gathered = pos[:, CHANGED]  # gather of changed columns
    new_pos = pos.at[:, CHANGED].set(
        wrap_to_unit_cube(gathered - sign * shift, LOWER, UPPER)
    )  # scatter-overwrite into selected columns
    return (new_pos, 0.0)

if __name__ == "__main__":
    import jax
    _d = setup_inputs()
    print(jax.jit(kernel)(*tuple(_d.values())))

</pallas_src>

<mosaic_0001>
#map = affine_map<(d0, d1) -> (0)>
module attributes {stable_mosaic.version = 14 : i64} {
  func.func @_sc_wrap(%arg0: i32, %arg1: i32, %arg2: memref<12582912xf32, #tpu.memory_space<hbm>>, %arg3: memref<16xf32, #tpu.memory_space<hbm>>, %arg4: memref<16xf32, #tpu.memory_space<hbm>>, %arg5: memref<12582912xf32, #tpu.memory_space<hbm>>, %arg6: memref<16xf32, #tpu.memory_space<vmem>>, %arg7: memref<16xf32, #tpu.memory_space<vmem>>, %arg8: memref<24576xf32, #tpu.memory_space<vmem>>, %arg9: memref<24576xf32, #tpu.memory_space<vmem>>, %arg10: memref<!tpu.dma_semaphore, #tpu.memory_space<semaphore_mem>>, %arg11: memref<!tpu.dma_semaphore, #tpu.memory_space<semaphore_mem>>, %arg12: memref<!tpu.dma_semaphore, #tpu.memory_space<semaphore_mem>>, %arg13: memref<!tpu.dma_semaphore, #tpu.memory_space<semaphore_mem>>) attributes {dimension_semantics = [#tpu.dimension_semantics<core_parallel>, #tpu.dimension_semantics<subcore_parallel>], iteration_bounds = array<i64: 2, 16>, scalar_prefetch = 0 : i64, scratch_operands = 8 : i64, tpu.core_type = #tpu.core_type<sc_vector_subcore>, window_params = [{transform_indices = #map}, {transform_indices = #map}, {transform_indices = #map}, {transform_indices = #map}]} {
    "tpu.region"() ({
      %run_scoped3A = tpu.sem_alloc : memref<!tpu.dma_semaphore, #tpu.memory_space<semaphore_mem>>
      tpu.enqueue_dma source(%arg3 : memref<16xf32, #tpu.memory_space<hbm>>) target(%arg6 : memref<16xf32, #tpu.memory_space<vmem>>) target_semaphore(%run_scoped3A : memref<!tpu.dma_semaphore, #tpu.memory_space<semaphore_mem>>)
      tpu.wait_dma2 semaphore(%run_scoped3A : memref<!tpu.dma_semaphore, #tpu.memory_space<semaphore_mem>>) src(%arg3 : memref<16xf32, #tpu.memory_space<hbm>>) dst(%arg6 : memref<16xf32, #tpu.memory_space<vmem>>)
      tpu.yield
    }) : () -> ()
    "tpu.region"() ({
      %run_scoped3A = tpu.sem_alloc : memref<!tpu.dma_semaphore, #tpu.memory_space<semaphore_mem>>
      tpu.enqueue_dma source(%arg4 : memref<16xf32, #tpu.memory_space<hbm>>) target(%arg7 : memref<16xf32, #tpu.memory_space<vmem>>) target_semaphore(%run_scoped3A : memref<!tpu.dma_semaphore, #tpu.memory_space<semaphore_mem>>)
      tpu.wait_dma2 semaphore(%run_scoped3A : memref<!tpu.dma_semaphore, #tpu.memory_space<semaphore_mem>>) src(%arg4 : memref<16xf32, #tpu.memory_space<hbm>>) dst(%arg7 : memref<16xf32, #tpu.memory_space<vmem>>)
      tpu.yield
    }) : () -> ()
    %get3A = arith.constant 0 : index
    %get3A_0 = tpu.vector_load %arg6[%get3A] {strides = array<i32>} : memref<16xf32, #tpu.memory_space<vmem>>, vector<16xf32>,
    %get3A_1 = vector.shape_cast %get3A_0 : vector<16xf32> to vector<16xf32>
    %get3A_2 = arith.constant 0 : index
    %get3A_3 = tpu.vector_load %arg7[%get3A_2] {strides = array<i32>} : memref<16xf32, #tpu.memory_space<vmem>>, vector<16xf32>,
    %get3A_4 = vector.shape_cast %get3A_3 : vector<16xf32> to vector<16xf32>
    %slice3A = vector.extract_strided_slice %get3A_1 {offsets = [0], sizes = [1], strides = [1]} : vector<16xf32> to vector<1xf32>
    %squeeze3A = vector.extract %slice3A[0] : f32 from vector<1xf32>
    %bitcast_convert_type3A = arith.bitcast %squeeze3A : f32 to i32
    %add3A = arith.constant 32767 : i32
    %add3A_5 = arith.addi %bitcast_convert_type3A, %add3A : i32
    %shift_right_logical3A = arith.constant 16 : i32
    %shift_right_logical3A_6 = arith.shrui %bitcast_convert_type3A, %shift_right_logical3A : i32
    %and3A = arith.constant 1 : i32
    %and3A_7 = arith.andi %shift_right_logical3A_6, %and3A : i32
    %add3A_8 = arith.addi %add3A_5, %and3A_7 : i32
    %and3A_9 = arith.constant -65536 : i32
    %and3A_10 = arith.andi %add3A_8, %and3A_9 : i32
    %bitcast_convert_type3A_11 = arith.bitcast %and3A_10 : i32 to f32
    %slice3A_12 = vector.extract_strided_slice %get3A_1 {offsets = [1], sizes = [1], strides = [1]} : vector<16xf32> to vector<1xf32>
    %squeeze3A_13 = vector.extract %slice3A_12[0] : f32 from vector<1xf32>
    %bitcast_convert_type3A_14 = arith.bitcast %squeeze3A_13 : f32 to i32
    %add3A_15 = arith.constant 32767 : i32
    %add3A_16 = arith.addi %bitcast_convert_type3A_14, %add3A_15 : i32
    %shift_right_logical3A_17 = arith.constant 16 : i32
    %shift_right_logical3A_18 = arith.shrui %bitcast_convert_type3A_14, %shift_right_logical3A_17 : i32
    %and3A_19 = arith.constant 1 : i32
    %and3A_20 = arith.andi %shift_right_logical3A_18, %and3A_19 : i32
    %add3A_21 = arith.addi %add3A_16, %and3A_20 : i32
    %and3A_22 = arith.constant -65536 : i32
    %and3A_23 = arith.andi %add3A_21, %and3A_22 : i32
    %bitcast_convert_type3A_24 = arith.bitcast %and3A_23 : i32 to f32
    %slice3A_25 = vector.extract_strided_slice %get3A_1 {offsets = [2], sizes = [1], strides = [1]} : vector<16xf32> to vector<1xf32>
    %squeeze3A_26 = vector.extract %slice3A_25[0] : f32 from vector<1xf32>
    %bitcast_convert_type3A_27 = arith.bitcast %squeeze3A_26 : f32 to i32
    %add3A_28 = arith.constant 32767 : i32
    %add3A_29 = arith.addi %bitcast_convert_type3A_27, %add3A_28 : i32
    %shift_right_logical3A_30 = arith.constant 16 : i32
    %shift_right_logical3A_31 = arith.shrui %bitcast_convert_type3A_27, %shift_right_logical3A_30 : i32
    %and3A_32 = arith.constant 1 : i32
    %and3A_33 = arith.andi %shift_right_logical3A_31, %and3A_32 : i32
    %add3A_34 = arith.addi %add3A_29, %and3A_33 : i32
    %and3A_35 = arith.constant -65536 : i32
    %and3A_36 = arith.andi %add3A_34, %and3A_35 : i32
    %bitcast_convert_type3A_37 = arith.bitcast %and3A_36 : i32 to f32
    %mul3A = arith.mulf %bitcast_convert_type3A_37, %bitcast_convert_type3A_11 : f32
    %slice3A_38 = vector.extract_strided_slice %get3A_1 {offsets = [3], sizes = [1], strides = [1]} : vector<16xf32> to vector<1xf32>
    %squeeze3A_39 = vector.extract %slice3A_38[0] : f32 from vector<1xf32>
    %bitcast_convert_type3A_40 = arith.bitcast %squeeze3A_39 : f32 to i32
    %add3A_41 = arith.constant 32767 : i32
    %add3A_42 = arith.addi %bitcast_convert_type3A_40, %add3A_41 : i32
    %shift_right_logical3A_43 = arith.constant 16 : i32
    %shift_right_logical3A_44 = arith.shrui %bitcast_convert_type3A_40, %shift_right_logical3A_43 : i32
    %and3A_45 = arith.constant 1 : i32
    %and3A_46 = arith.andi %shift_right_logical3A_44, %and3A_45 : i32
    %add3A_47 = arith.addi %add3A_42, %and3A_46 : i32
    %and3A_48 = arith.constant -65536 : i32
    %and3A_49 = arith.andi %add3A_47, %and3A_48 : i32
    %bitcast_convert_type3A_50 = arith.bitcast %and3A_49 : i32 to f32
    %mul3A_51 = arith.mulf %bitcast_convert_type3A_50, %bitcast_convert_type3A_24 : f32
    %add3A_52 = arith.addf %mul3A, %mul3A_51 : f32
    %slice3A_53 = vector.extract_strided_slice %get3A_1 {offsets = [10], sizes = [1], strides = [1]} : vector<16xf32> to vector<1xf32>
    %squeeze3A_54 = vector.extract %slice3A_53[0] : f32 from vector<1xf32>
    %add3A_55 = arith.addf %add3A_52, %squeeze3A_54 : f32
    %max3A = arith.constant 0.000000e+00 : f32
    %max3A_56 = arith.maximumf %add3A_55, %max3A : f32
    %slice3A_57 = vector.extract_strided_slice %get3A_1 {offsets = [4], sizes = [1], strides = [1]} : vector<16xf32> to vector<1xf32>
    %squeeze3A_58 = vector.extract %slice3A_57[0] : f32 from vector<1xf32>
    %bitcast_convert_type3A_59 = arith.bitcast %squeeze3A_58 : f32 to i32
    %add3A_60 = arith.constant 32767 : i32
    %add3A_61 = arith.addi %bitcast_convert_type3A_59, %add3A_60 : i32
    %shift_right_logical3A_62 = arith.constant 16 : i32
    %shift_right_logical3A_63 = arith.shrui %bitcast_convert_type3A_59, %shift_right_logical3A_62 : i32
    %and3A_64 = arith.constant 1 : i32
    %and3A_65 = arith.andi %shift_right_logical3A_63, %and3A_64 : i32
    %add3A_66 = arith.addi %add3A_61, %and3A_65 : i32
    %and3A_67 = arith.constant -65536 : i32
    %and3A_68 = arith.andi %add3A_66, %and3A_67 : i32
    %bitcast_convert_type3A_69 = arith.bitcast %and3A_68 : i32 to f32
    %mul3A_70 = arith.mulf %bitcast_convert_type3A_69, %bitcast_convert_type3A_11 : f32
    %slice3A_71 = vector.extract_strided_slice %get3A_1 {offsets = [5], sizes = [1], strides = [1]} : vector<16xf32> to vector<1xf32>
    %squeeze3A_72 = vector.extract %slice3A_71[0] : f32 from vector<1xf32>
    %bitcast_convert_type3A_73 = arith.bitcast %squeeze3A_72 : f32 to i32
    %add3A_74 = arith.constant 32767 : i32
    %add3A_75 = arith.addi %bitcast_convert_type3A_73, %add3A_74 : i32
    %shift_right_logical3A_76 = arith.constant 16 : i32
    %shift_right_logical3A_77 = arith.shrui %bitcast_convert_type3A_73, %shift_right_logical3A_76 : i32
    %and3A_78 = arith.constant 1 : i32
    %and3A_79 = arith.andi %shift_right_logical3A_77, %and3A_78 : i32
    %add3A_80 = arith.addi %add3A_75, %and3A_79 : i32
    %and3A_81 = arith.constant -65536 : i32
    %and3A_82 = arith.andi %add3A_80, %and3A_81 : i32
    %bitcast_convert_type3A_83 = arith.bitcast %and3A_82 : i32 to f32
    %mul3A_84 = arith.mulf %bitcast_convert_type3A_83, %bitcast_convert_type3A_24 : f32
    %add3A_85 = arith.addf %mul3A_70, %mul3A_84 : f32
    %slice3A_86 = vector.extract_strided_slice %get3A_1 {offsets = [11], sizes = [1], strides = [1]} : vector<16xf32> to vector<1xf32>
    %squeeze3A_87 = vector.extract %slice3A_86[0] : f32 from vector<1xf32>
    %add3A_88 = arith.addf %add3A_85, %squeeze3A_87 : f32
    %max3A_89 = arith.constant 0.000000e+00 : f32
    %max3A_90 = arith.maximumf %add3A_88, %max3A_89 : f32
    %slice3A_91 = vector.extract_strided_slice %get3A_1 {offsets = [6], sizes = [1], strides = [1]} : vector<16xf32> to vector<1xf32>
    %squeeze3A_92 = vector.extract %slice3A_91[0] : f32 from vector<1xf32>
    %bitcast_convert_type3A_93 = arith.bitcast %squeeze3A_92 : f32 to i32
    %add3A_94 = arith.constant 32767 : i32
    %add3A_95 = arith.addi %bitcast_convert_type3A_93, %add3A_94 : i32
    %shift_right_logical3A_96 = arith.constant 16 : i32
    %shift_right_logical3A_97 = arith.shrui %bitcast_convert_type3A_93, %shift_right_logical3A_96 : i32
    %and3A_98 = arith.constant 1 : i32
    %and3A_99 = arith.andi %shift_right_logical3A_97, %and3A_98 : i32
    %add3A_100 = arith.addi %add3A_95, %and3A_99 : i32
    %and3A_101 = arith.constant -65536 : i32
    %and3A_102 = arith.andi %add3A_100, %and3A_101 : i32
    %bitcast_convert_type3A_103 = arith.bitcast %and3A_102 : i32 to f32
    %mul3A_104 = arith.mulf %bitcast_convert_type3A_103, %bitcast_convert_type3A_11 : f32
    %slice3A_105 = vector.extract_strided_slice %get3A_1 {offsets = [7], sizes = [1], strides = [1]} : vector<16xf32> to vector<1xf32>
    %squeeze3A_106 = vector.extract %slice3A_105[0] : f32 from vector<1xf32>
    %bitcast_convert_type3A_107 = arith.bitcast %squeeze3A_106 : f32 to i32
    %add3A_108 = arith.constant 32767 : i32
    %add3A_109 = arith.addi %bitcast_convert_type3A_107, %add3A_108 : i32
    %shift_right_logical3A_110 = arith.constant 16 : i32
    %shift_right_logical3A_111 = arith.shrui %bitcast_convert_type3A_107, %shift_right_logical3A_110 : i32
    %and3A_112 = arith.constant 1 : i32
    %and3A_113 = arith.andi %shift_right_logical3A_111, %and3A_112 : i32
    %add3A_114 = arith.addi %add3A_109, %and3A_113 : i32
    %and3A_115 = arith.constant -65536 : i32
    %and3A_116 = arith.andi %add3A_114, %and3A_115 : i32
    %bitcast_convert_type3A_117 = arith.bitcast %and3A_116 : i32 to f32
    %mul3A_118 = arith.mulf %bitcast_convert_type3A_117, %bitcast_convert_type3A_24 : f32
    %add3A_119 = arith.addf %mul3A_104, %mul3A_118 : f32
    %slice3A_120 = vector.extract_strided_slice %get3A_1 {offsets = [12], sizes = [1], strides = [1]} : vector<16xf32> to vector<1xf32>
    %squeeze3A_121 = vector.extract %slice3A_120[0] : f32 from vector<1xf32>
    %add3A_122 = arith.addf %add3A_119, %squeeze3A_121 : f32
    %max3A_123 = arith.constant 0.000000e+00 : f32
    %max3A_124 = arith.maximumf %add3A_122, %max3A_123 : f32
    %slice3A_125 = vector.extract_strided_slice %get3A_1 {offsets = [8], sizes = [1], strides = [1]} : vector<16xf32> to vector<1xf32>
    %squeeze3A_126 = vector.extract %slice3A_125[0] : f32 from vector<1xf32>
    %bitcast_convert_type3A_127 = arith.bitcast %squeeze3A_126 : f32 to i32
    %add3A_128 = arith.constant 32767 : i32
    %add3A_129 = arith.addi %bitcast_convert_type3A_127, %add3A_128 : i32
    %shift_right_logical3A_130 = arith.constant 16 : i32
    %shift_right_logical3A_131 = arith.shrui %bitcast_convert_type3A_127, %shift_right_logical3A_130 : i32
    %and3A_132 = arith.constant 1 : i32
    %and3A_133 = arith.andi %shift_right_logical3A_131, %and3A_132 : i32
    %add3A_134 = arith.addi %add3A_129, %and3A_133 : i32
    %and3A_135 = arith.constant -65536 : i32
    %and3A_136 = arith.andi %add3A_134, %and3A_135 : i32
    %bitcast_convert_type3A_137 = arith.bitcast %and3A_136 : i32 to f32
    %mul3A_138 = arith.mulf %bitcast_convert_type3A_137, %bitcast_convert_type3A_11 : f32
    %slice3A_139 = vector.extract_strided_slice %get3A_1 {offsets = [9], sizes = [1], strides = [1]} : vector<16xf32> to vector<1xf32>
    %squeeze3A_140 = vector.extract %slice3A_139[0] : f32 from vector<1xf32>
    %bitcast_convert_type3A_141 = arith.bitcast %squeeze3A_140 : f32 to i32
    %add3A_142 = arith.constant 32767 : i32
    %add3A_143 = arith.addi %bitcast_convert_type3A_141, %add3A_142 : i32
    %shift_right_logical3A_144 = arith.constant 16 : i32
    %shift_right_logical3A_145 = arith.shrui %bitcast_convert_type3A_141, %shift_right_logical3A_144 : i32
    %and3A_146 = arith.constant 1 : i32
    %and3A_147 = arith.andi %shift_right_logical3A_145, %and3A_146 : i32
    %add3A_148 = arith.addi %add3A_143, %and3A_147 : i32
    %and3A_149 = arith.constant -65536 : i32
    %and3A_150 = arith.andi %add3A_148, %and3A_149 : i32
    %bitcast_convert_type3A_151 = arith.bitcast %and3A_150 : i32 to f32
    %mul3A_152 = arith.mulf %bitcast_convert_type3A_151, %bitcast_convert_type3A_24 : f32
    %add3A_153 = arith.addf %mul3A_138, %mul3A_152 : f32
    %slice3A_154 = vector.extract_strided_slice %get3A_1 {offsets = [13], sizes = [1], strides = [1]} : vector<16xf32> to vector<1xf32>
    %squeeze3A_155 = vector.extract %slice3A_154[0] : f32 from vector<1xf32>
    %add3A_156 = arith.addf %add3A_153, %squeeze3A_155 : f32
    %max3A_157 = arith.constant 0.000000e+00 : f32
    %max3A_158 = arith.maximumf %add3A_156, %max3A_157 : f32
    %bitcast_convert_type3A_159 = arith.bitcast %max3A_56 : f32 to i32
    %add3A_160 = arith.constant 32767 : i32
    %add3A_161 = arith.addi %bitcast_convert_type3A_159, %add3A_160 : i32
    %shift_right_logical3A_162 = arith.constant 16 : i32
    %shift_right_logical3A_163 = arith.shrui %bitcast_convert_type3A_159, %shift_right_logical3A_162 : i32
    %and3A_164 = arith.constant 1 : i32
    %and3A_165 = arith.andi %shift_right_logical3A_163, %and3A_164 : i32
    %add3A_166 = arith.addi %add3A_161, %and3A_165 : i32
    %and3A_167 = arith.constant -65536 : i32
    %and3A_168 = arith.andi %add3A_166, %and3A_167 : i32
    %bitcast_convert_type3A_169 = arith.bitcast %and3A_168 : i32 to f32
    %bitcast_convert_type3A_170 = arith.bitcast %max3A_90 : f32 to i32
    %add3A_171 = arith.constant 32767 : i32
    %add3A_172 = arith.addi %bitcast_convert_type3A_170, %add3A_171 : i32
    %shift_right_logical3A_173 = arith.constant 16 : i32
    %shift_right_logical3A_174 = arith.shrui %bitcast_convert_type3A_170, %shift_right_logical3A_173 : i32
    %and3A_175 = arith.constant 1 : i32
    %and3A_176 = arith.andi %shift_right_logical3A_174, %and3A_175 : i32
    %add3A_177 = arith.addi %add3A_172, %and3A_176 : i32
    %and3A_178 = arith.constant -65536 : i32
    %and3A_179 = arith.andi %add3A_177, %and3A_178 : i32
    %bitcast_convert_type3A_180 = arith.bitcast %and3A_179 : i32 to f32
    %bitcast_convert_type3A_181 = arith.bitcast %max3A_124 : f32 to i32
    %add3A_182 = arith.constant 32767 : i32
    %add3A_183 = arith.addi %bitcast_convert_type3A_181, %add3A_182 : i32
    %shift_right_logical3A_184 = arith.constant 16 : i32
    %shift_right_logical3A_185 = arith.shrui %bitcast_convert_type3A_181, %shift_right_logical3A_184 : i32
    %and3A_186 = arith.constant 1 : i32
    %and3A_187 = arith.andi %shift_right_logical3A_185, %and3A_186 : i32
    %add3A_188 = arith.addi %add3A_183, %and3A_187 : i32
    %and3A_189 = arith.constant -65536 : i32
    %and3A_190 = arith.andi %add3A_188, %and3A_189 : i32
    %bitcast_convert_type3A_191 = arith.bitcast %and3A_190 : i32 to f32
    %bitcast_convert_type3A_192 = arith.bitcast %max3A_158 : f32 to i32
    %add3A_193 = arith.constant 32767 : i32
    %add3A_194 = arith.addi %bitcast_convert_type3A_192, %add3A_193 : i32
    %shift_right_logical3A_195 = arith.constant 16 : i32
    %shift_right_logical3A_196 = arith.shrui %bitcast_convert_type3A_192, %shift_right_logical3A_195 : i32
    %and3A_197 = arith.constant 1 : i32
    %and3A_198 = arith.andi %shift_right_logical3A_196, %and3A_197 : i32
    %add3A_199 = arith.addi %add3A_194, %and3A_198 : i32
    %and3A_200 = arith.constant -65536 : i32
    %and3A_201 = arith.andi %add3A_199, %and3A_200 : i32
    %bitcast_convert_type3A_202 = arith.bitcast %and3A_201 : i32 to f32
    %slice3A_203 = vector.extract_strided_slice %get3A_4 {offsets = [0], sizes = [1], strides = [1]} : vector<16xf32> to vector<1xf32>
    %squeeze3A_204 = vector.extract %slice3A_203[0] : f32 from vector<1xf32>
    %bitcast_convert_type3A_205 = arith.bitcast %squeeze3A_204 : f32 to i32
    %add3A_206 = arith.constant 32767 : i32
    %add3A_207 = arith.addi %bitcast_convert_type3A_205, %add3A_206 : i32
    %shift_right_logical3A_208 = arith.constant 16 : i32
    %shift_right_logical3A_209 = arith.shrui %bitcast_convert_type3A_205, %shift_right_logical3A_208 : i32
    %and3A_210 = arith.constant 1 : i32
    %and3A_211 = arith.andi %shift_right_logical3A_209, %and3A_210 : i32
    %add3A_212 = arith.addi %add3A_207, %and3A_211 : i32
    %and3A_213 = arith.constant -65536 : i32
    %and3A_214 = arith.andi %add3A_212, %and3A_213 : i32
    %bitcast_convert_type3A_215 = arith.bitcast %and3A_214 : i32 to f32
    %mul3A_216 = arith.mulf %bitcast_convert_type3A_215, %bitcast_convert_type3A_169 : f32
    %slice3A_217 = vector.extract_strided_slice %get3A_4 {offsets = [1], sizes = [1], strides = [1]} : vector<16xf32> to vector<1xf32>
    %squeeze3A_218 = vector.extract %slice3A_217[0] : f32 from vector<1xf32>
    %bitcast_convert_type3A_219 = arith.bitcast %squeeze3A_218 : f32 to i32
    %add3A_220 = arith.constant 32767 : i32
    %add3A_221 = arith.addi %bitcast_convert_type3A_219, %add3A_220 : i32
    %shift_right_logical3A_222 = arith.constant 16 : i32
    %shift_right_logical3A_223 = arith.shrui %bitcast_convert_type3A_219, %shift_right_logical3A_222 : i32
    %and3A_224 = arith.constant 1 : i32
    %and3A_225 = arith.andi %shift_right_logical3A_223, %and3A_224 : i32
    %add3A_226 = arith.addi %add3A_221, %and3A_225 : i32
    %and3A_227 = arith.constant -65536 : i32
    %and3A_228 = arith.andi %add3A_226, %and3A_227 : i32
    %bitcast_convert_type3A_229 = arith.bitcast %and3A_228 : i32 to f32
    %mul3A_230 = arith.mulf %bitcast_convert_type3A_229, %bitcast_convert_type3A_180 : f32
    %add3A_231 = arith.addf %mul3A_216, %mul3A_230 : f32
    %slice3A_232 = vector.extract_strided_slice %get3A_4 {offsets = [2], sizes = [1], strides = [1]} : vector<16xf32> to vector<1xf32>
    %squeeze3A_233 = vector.extract %slice3A_232[0] : f32 from vector<1xf32>
    %bitcast_convert_type3A_234 = arith.bitcast %squeeze3A_233 : f32 to i32
    %add3A_235 = arith.constant 32767 : i32
    %add3A_236 = arith.addi %bitcast_convert_type3A_234, %add3A_235 : i32
    %shift_right_logical3A_237 = arith.constant 16 : i32
    %shift_right_logical3A_238 = arith.shrui %bitcast_convert_type3A_234, %shift_right_logical3A_237 : i32
    %and3A_239 = arith.constant 1 : i32
    %and3A_240 = arith.andi %shift_right_logical3A_238, %and3A_239 : i32
    %add3A_241 = arith.addi %add3A_236, %and3A_240 : i32
    %and3A_242 = arith.constant -65536 : i32
    %and3A_243 = arith.andi %add3A_241, %and3A_242 : i32
    %bitcast_convert_type3A_244 = arith.bitcast %and3A_243 : i32 to f32
    %mul3A_245 = arith.mulf %bitcast_convert_type3A_244, %bitcast_convert_type3A_191 : f32
    %add3A_246 = arith.addf %add3A_231, %mul3A_245 : f32
    %slice3A_247 = vector.extract_strided_slice %get3A_4 {offsets = [3], sizes = [1], strides = [1]} : vector<16xf32> to vector<1xf32>
    %squeeze3A_248 = vector.extract %slice3A_247[0] : f32 from vector<1xf32>
    %bitcast_convert_type3A_249 = arith.bitcast %squeeze3A_248 : f32 to i32
    %add3A_250 = arith.constant 32767 : i32
    %add3A_251 = arith.addi %bitcast_convert_type3A_249, %add3A_250 : i32
    %shift_right_logical3A_252 = arith.constant 16 : i32
    %shift_right_logical3A_253 = arith.shrui %bitcast_convert_type3A_249, %shift_right_logical3A_252 : i32
    %and3A_254 = arith.constant 1 : i32
    %and3A_255 = arith.andi %shift_right_logical3A_253, %and3A_254 : i32
    %add3A_256 = arith.addi %add3A_251, %and3A_255 : i32
    %and3A_257 = arith.constant -65536 : i32
    %and3A_258 = arith.andi %add3A_256, %and3A_257 : i32
    %bitcast_convert_type3A_259 = arith.bitcast %and3A_258 : i32 to f32
    %mul3A_260 = arith.mulf %bitcast_convert_type3A_259, %bitcast_convert_type3A_202 : f32
    %add3A_261 = arith.addf %add3A_246, %mul3A_260 : f32
    %slice3A_262 = vector.extract_strided_slice %get3A_4 {offsets = [8], sizes = [1], strides = [1]} : vector<16xf32> to vector<1xf32>
    %squeeze3A_263 = vector.extract %slice3A_262[0] : f32 from vector<1xf32>
    %add3A_264 = arith.addf %add3A_261, %squeeze3A_263 : f32
    %slice3A_265 = vector.extract_strided_slice %get3A_4 {offsets = [4], sizes = [1], strides = [1]} : vector<16xf32> to vector<1xf32>
    %squeeze3A_266 = vector.extract %slice3A_265[0] : f32 from vector<1xf32>
    %bitcast_convert_type3A_267 = arith.bitcast %squeeze3A_266 : f32 to i32
    %add3A_268 = arith.constant 32767 : i32
    %add3A_269 = arith.addi %bitcast_convert_type3A_267, %add3A_268 : i32
    %shift_right_logical3A_270 = arith.constant 16 : i32
    %shift_right_logical3A_271 = arith.shrui %bitcast_convert_type3A_267, %shift_right_logical3A_270 : i32
    %and3A_272 = arith.constant 1 : i32
    %and3A_273 = arith.andi %shift_right_logical3A_271, %and3A_272 : i32
    %add3A_274 = arith.addi %add3A_269, %and3A_273 : i32
    %and3A_275 = arith.constant -65536 : i32
    %and3A_276 = arith.andi %add3A_274, %and3A_275 : i32
    %bitcast_convert_type3A_277 = arith.bitcast %and3A_276 : i32 to f32
    %mul3A_278 = arith.mulf %bitcast_convert_type3A_277, %bitcast_convert_type3A_169 : f32
    %slice3A_279 = vector.extract_strided_slice %get3A_4 {offsets = [5], sizes = [1], strides = [1]} : vector<16xf32> to vector<1xf32>
    %squeeze3A_280 = vector.extract %slice3A_279[0] : f32 from vector<1xf32>
    %bitcast_convert_type3A_281 = arith.bitcast %squeeze3A_280 : f32 to i32
    %add3A_282 = arith.constant 32767 : i32
    %add3A_283 = arith.addi %bitcast_convert_type3A_281, %add3A_282 : i32
    %shift_right_logical3A_284 = arith.constant 16 : i32
    %shift_right_logical3A_285 = arith.shrui %bitcast_convert_type3A_281, %shift_right_logical3A_284 : i32
    %and3A_286 = arith.constant 1 : i32
    %and3A_287 = arith.andi %shift_right_logical3A_285, %and3A_286 : i32
    %add3A_288 = arith.addi %add3A_283, %and3A_287 : i32
    %and3A_289 = arith.constant -65536 : i32
    %and3A_290 = arith.andi %add3A_288, %and3A_289 : i32
    %bitcast_convert_type3A_291 = arith.bitcast %and3A_290 : i32 to f32
    %mul3A_292 = arith.mulf %bitcast_convert_type3A_291, %bitcast_convert_type3A_180 : f32
    %add3A_293 = arith.addf %mul3A_278, %mul3A_292 : f32
    %slice3A_294 = vector.extract_strided_slice %get3A_4 {offsets = [6], sizes = [1], strides = [1]} : vector<16xf32> to vector<1xf32>
    %squeeze3A_295 = vector.extract %slice3A_294[0] : f32 from vector<1xf32>
    %bitcast_convert_type3A_296 = arith.bitcast %squeeze3A_295 : f32 to i32
    %add3A_297 = arith.constant 32767 : i32
    %add3A_298 = arith.addi %bitcast_convert_type3A_296, %add3A_297 : i32
    %shift_right_logical3A_299 = arith.constant 16 : i32
    %shift_right_logical3A_300 = arith.shrui %bitcast_convert_type3A_296, %shift_right_logical3A_299 : i32
    %and3A_301 = arith.constant 1 : i32
    %and3A_302 = arith.andi %shift_right_logical3A_300, %and3A_301 : i32
    %add3A_303 = arith.addi %add3A_298, %and3A_302 : i32
    %and3A_304 = arith.constant -65536 : i32
    %and3A_305 = arith.andi %add3A_303, %and3A_304 : i32
    %bitcast_convert_type3A_306 = arith.bitcast %and3A_305 : i32 to f32
    %mul3A_307 = arith.mulf %bitcast_convert_type3A_306, %bitcast_convert_type3A_191 : f32
    %add3A_308 = arith.addf %add3A_293, %mul3A_307 : f32
    %slice3A_309 = vector.extract_strided_slice %get3A_4 {offsets = [7], sizes = [1], strides = [1]} : vector<16xf32> to vector<1xf32>
    %squeeze3A_310 = vector.extract %slice3A_309[0] : f32 from vector<1xf32>
    %bitcast_convert_type3A_311 = arith.bitcast %squeeze3A_310 : f32 to i32
    %add3A_312 = arith.constant 32767 : i32
    %add3A_313 = arith.addi %bitcast_convert_type3A_311, %add3A_312 : i32
    %shift_right_logical3A_314 = arith.constant 16 : i32
    %shift_right_logical3A_315 = arith.shrui %bitcast_convert_type3A_311, %shift_right_logical3A_314 : i32
    %and3A_316 = arith.constant 1 : i32
    %and3A_317 = arith.andi %shift_right_logical3A_315, %and3A_316 : i32
    %add3A_318 = arith.addi %add3A_313, %and3A_317 : i32
    %and3A_319 = arith.constant -65536 : i32
    %and3A_320 = arith.andi %add3A_318, %and3A_319 : i32
    %bitcast_convert_type3A_321 = arith.bitcast %and3A_320 : i32 to f32
    %mul3A_322 = arith.mulf %bitcast_convert_type3A_321, %bitcast_convert_type3A_202 : f32
    %add3A_323 = arith.addf %add3A_308, %mul3A_322 : f32
    %slice3A_324 = vector.extract_strided_slice %get3A_4 {offsets = [9], sizes = [1], strides = [1]} : vector<16xf32> to vector<1xf32>
    %squeeze3A_325 = vector.extract %slice3A_324[0] : f32 from vector<1xf32>
    %add3A_326 = arith.addf %add3A_323, %squeeze3A_325 : f32
    %broadcast_in_dim3A = arith.constant 0.000000e+00 : f32
    %broadcast_in_dim3A_327 = vector.broadcast %broadcast_in_dim3A : f32 to vector<16xf32>
    %broadcast_in_dim3A_328 = arith.constant 1.000000e+00 : f32
    %broadcast_in_dim3A_329 = vector.broadcast %broadcast_in_dim3A_328 : f32 to vector<16xf32>
    %broadcast_in_dim3A_330 = vector.broadcast %add3A_264 : f32 to vector<16xf32>
    %rem3A = arith.remf %broadcast_in_dim3A_330, %broadcast_in_dim3A_329 : vector<16xf32>
    %lt3A = arith.cmpf olt, %rem3A, %broadcast_in_dim3A_327 : vector<16xf32>
    %add3A_331 = arith.addf %rem3A, %broadcast_in_dim3A_329 : vector<16xf32>
    %select_n3A = arith.select %lt3A, %add3A_331, %rem3A : vector<16xi1>, vector<16xf32>
    %broadcast_in_dim3A_332 = vector.broadcast %add3A_326 : f32 to vector<16xf32>
    %rem3A_333 = arith.remf %broadcast_in_dim3A_332, %broadcast_in_dim3A_329 : vector<16xf32>
    %lt3A_334 = arith.cmpf olt, %rem3A_333, %broadcast_in_dim3A_327 : vector<16xf32>
    %add3A_335 = arith.addf %rem3A_333, %broadcast_in_dim3A_329 : vector<16xf32>
    %select_n3A_336 = arith.select %lt3A_334, %add3A_335, %rem3A_333 : vector<16xi1>, vector<16xf32>
    %iota3A = tpu.iota {dimensions = array<i32: 0>} : vector<16xi32>
    %add3A_337 = arith.constant 0 : i32
    %add3A_338 = vector.broadcast %add3A_337 : i32 to vector<16xi32>
    %add3A_339 = arith.addi %iota3A, %add3A_338 : vector<16xi32>
    %rem3A_340 = arith.constant 3 : i32
    %rem3A_341 = vector.broadcast %rem3A_340 : i32 to vector<16xi32>
    %rem3A_342 = arith.remsi %add3A_339, %rem3A_341 : vector<16xi32>
    %eq3A = arith.constant 0 : i32
    %eq3A_343 = vector.broadcast %eq3A : i32 to vector<16xi32>
    %eq3A_344 = arith.cmpi eq, %rem3A_342, %eq3A_343 : vector<16xi32>
    %eq3A_345 = arith.constant 2 : i32
    %eq3A_346 = vector.broadcast %eq3A_345 : i32 to vector<16xi32>
    %eq3A_347 = arith.cmpi eq, %rem3A_342, %eq3A_346 : vector<16xi32>
    %select_n3A_348 = arith.select %eq3A_347, %select_n3A_336, %broadcast_in_dim3A_327 : vector<16xi1>, vector<16xf32>
    %select_n3A_349 = arith.select %eq3A_344, %select_n3A, %select_n3A_348 : vector<16xi1>, vector<16xf32>
    %add3A_350 = arith.constant 1 : i32
    %add3A_351 = vector.broadcast %add3A_350 : i32 to vector<16xi32>
    %add3A_352 = arith.addi %iota3A, %add3A_351 : vector<16xi32>
    %rem3A_353 = arith.constant 3 : i32
    %rem3A_354 = vector.broadcast %rem3A_353 : i32 to vector<16xi32>
    %rem3A_355 = arith.remsi %add3A_352, %rem3A_354 : vector<16xi32>
    %eq3A_356 = arith.constant 0 : i32
    %eq3A_357 = vector.broadcast %eq3A_356 : i32 to vector<16xi32>
    %eq3A_358 = arith.cmpi eq, %rem3A_355, %eq3A_357 : vector<16xi32>
    %eq3A_359 = arith.constant 2 : i32
    %eq3A_360 = vector.broadcast %eq3A_359 : i32 to vector<16xi32>
    %eq3A_361 = arith.cmpi eq, %rem3A_355, %eq3A_360 : vector<16xi32>
    %select_n3A_362 = arith.select %eq3A_361, %select_n3A_336, %broadcast_in_dim3A_327 : vector<16xi1>, vector<16xf32>
    %select_n3A_363 = arith.select %eq3A_358, %select_n3A, %select_n3A_362 : vector<16xi1>, vector<16xf32>
    %add3A_364 = arith.constant 2 : i32
    %add3A_365 = vector.broadcast %add3A_364 : i32 to vector<16xi32>
    %add3A_366 = arith.addi %iota3A, %add3A_365 : vector<16xi32>
    %rem3A_367 = arith.constant 3 : i32
    %rem3A_368 = vector.broadcast %rem3A_367 : i32 to vector<16xi32>
    %rem3A_369 = arith.remsi %add3A_366, %rem3A_368 : vector<16xi32>
    %eq3A_370 = arith.constant 0 : i32
    %eq3A_371 = vector.broadcast %eq3A_370 : i32 to vector<16xi32>
    %eq3A_372 = arith.cmpi eq, %rem3A_369, %eq3A_371 : vector<16xi32>
    %eq3A_373 = arith.constant 2 : i32
    %eq3A_374 = vector.broadcast %eq3A_373 : i32 to vector<16xi32>
    %eq3A_375 = arith.cmpi eq, %rem3A_369, %eq3A_374 : vector<16xi32>
    %select_n3A_376 = arith.select %eq3A_375, %select_n3A_336, %broadcast_in_dim3A_327 : vector<16xi1>, vector<16xf32>
    %select_n3A_377 = arith.select %eq3A_372, %select_n3A, %select_n3A_376 : vector<16xi1>, vector<16xf32>
    %mul3A_378 = arith.constant 2 : i32
    %mul3A_379 = arith.muli %arg1, %mul3A_378 : i32
    %add3A_380 = arith.addi %mul3A_379, %arg0 : i32
    %mul3A_381 = arith.constant 393216 : i32
    %mul3A_382 = arith.muli %add3A_380, %mul3A_381 : i32
    %add3A_383 = arith.constant 0 : i32
    %add3A_384 = arith.addi %mul3A_382, %add3A_383 : i32
    "tpu.region"() ({
      %run_scoped3A = tpu.sem_alloc : memref<!tpu.dma_semaphore, #tpu.memory_space<semaphore_mem>>
      %dma_start3A = tpu.memref_slice %arg2[%add3A_384] : memref<12582912xf32, #tpu.memory_space<hbm>> -> memref<24576xf32, #tpu.memory_space<hbm>>
      %dma_start3A_494 = tpu.memref_slice %arg2[%add3A_384] : memref<12582912xf32, #tpu.memory_space<hbm>> -> memref<24576xf32, #tpu.memory_space<hbm>>
      tpu.enqueue_dma source(%dma_start3A_494 : memref<24576xf32, #tpu.memory_space<hbm>>) target(%arg8 : memref<24576xf32, #tpu.memory_space<vmem>>) target_semaphore(%run_scoped3A : memref<!tpu.dma_semaphore, #tpu.memory_space<semaphore_mem>>)
      %dma_wait3A = tpu.memref_slice %arg2[%add3A_384] : memref<12582912xf32, #tpu.memory_space<hbm>> -> memref<24576xf32, #tpu.memory_space<hbm>>
      %dma_wait3A_495 = tpu.memref_slice %arg2[%add3A_384] : memref<12582912xf32, #tpu.memory_space<hbm>> -> memref<24576xf32, #tpu.memory_space<hbm>>
      tpu.wait_dma2 semaphore(%run_scoped3A : memref<!tpu.dma_semaphore, #tpu.memory_space<semaphore_mem>>) src(%dma_wait3A_495 : memref<24576xf32, #tpu.memory_space<hbm>>) dst(%arg8 : memref<24576xf32, #tpu.memory_space<vmem>>)
      tpu.yield
    }) : () -> ()
    %parallel_loop3A = arith.constant 0 : i32
    %parallel_loop3A_385 = arith.constant 512 : i32
    %parallel_loop3A_386 = arith.constant 1 : i32
    scf.for %parallel_loop3A_494 = %parallel_loop3A to %parallel_loop3A_385 step %parallel_loop3A_386  : i32 {
      %parallel_loop3A_495 = arith.constant 48 : i32
      %parallel_loop3A_496 = arith.muli %parallel_loop3A_494, %parallel_loop3A_495 : i32
      %parallel_loop3A_497 = arith.constant 0 : i32
      %parallel_loop3A_498 = arith.addi %parallel_loop3A_496, %parallel_loop3A_497 : i32
      %parallel_loop3A_499 = arith.index_cast %parallel_loop3A_498 : i32 to index
      %parallel_loop3A_500 = tpu.vector_load %arg8[%parallel_loop3A_499] {strides = array<i32>} : memref<24576xf32, #tpu.memory_space<vmem>>, vector<16xf32>,
      %parallel_loop3A_501 = vector.shape_cast %parallel_loop3A_500 : vector<16xf32> to vector<16xf32>
      %parallel_loop3A_502 = arith.subf %parallel_loop3A_501, %select_n3A_349 : vector<16xf32>
      %parallel_loop3A_503 = arith.cmpf olt, %parallel_loop3A_502, %broadcast_in_dim3A_327 : vector<16xf32>
      %parallel_loop3A_504 = arith.addf %parallel_loop3A_502, %broadcast_in_dim3A_329 : vector<16xf32>
      %parallel_loop3A_505 = arith.select %parallel_loop3A_503, %parallel_loop3A_504, %parallel_loop3A_502 : vector<16xi1>, vector<16xf32>
      %parallel_loop3A_506 = arith.constant 0 : i32
      %parallel_loop3A_507 = arith.addi %parallel_loop3A_496, %parallel_loop3A_506 : i32
      %parallel_loop3A_508 = arith.index_cast %parallel_loop3A_507 : i32 to index
      %parallel_loop3A_509 = tpu.vector_load %arg8[%parallel_loop3A_508] {strides = array<i32>} : memref<24576xf32, #tpu.memory_space<vmem>>, vector<16xf32>,
      %parallel_loop3A_510 = vector.shape_cast %parallel_loop3A_509 : vector<16xf32> to vector<16xf32>
      %parallel_loop3A_511 = vector.shape_cast %parallel_loop3A_505 : vector<16xf32> to vector<16xf32>
      tpu.vector_store %arg8[%parallel_loop3A_508], %parallel_loop3A_511 {strides = array<i32>} : memref<24576xf32, #tpu.memory_space<vmem>>, vector<16xf32>,
      %parallel_loop3A_512 = arith.constant 16 : i32
      %parallel_loop3A_513 = arith.addi %parallel_loop3A_496, %parallel_loop3A_512 : i32
      %parallel_loop3A_514 = arith.index_cast %parallel_loop3A_513 : i32 to index
      %parallel_loop3A_515 = tpu.vector_load %arg8[%parallel_loop3A_514] {strides = array<i32>} : memref<24576xf32, #tpu.memory_space<vmem>>, vector<16xf32>,
      %parallel_loop3A_516 = vector.shape_cast %parallel_loop3A_515 : vector<16xf32> to vector<16xf32>
      %parallel_loop3A_517 = arith.subf %parallel_loop3A_516, %select_n3A_363 : vector<16xf32>
      %parallel_loop3A_518 = arith.cmpf olt, %parallel_loop3A_517, %broadcast_in_dim3A_327 : vector<16xf32>
      %parallel_loop3A_519 = arith.addf %parallel_loop3A_517, %broadcast_in_dim3A_329 : vector<16xf32>
      %parallel_loop3A_520 = arith.select %parallel_loop3A_518, %parallel_loop3A_519, %parallel_loop3A_517 : vector<16xi1>, vector<16xf32>
      %parallel_loop3A_521 = arith.constant 16 : i32
      %parallel_loop3A_522 = arith.addi %parallel_loop3A_496, %parallel_loop3A_521 : i32
      %parallel_loop3A_523 = arith.index_cast %parallel_loop3A_522 : i32 to index
      %parallel_loop3A_524 = tpu.vector_load %arg8[%parallel_loop3A_523] {strides = array<i32>} : memref<24576xf32, #tpu.memory_space<vmem>>, vector<16xf32>,
      %parallel_loop3A_525 = vector.shape_cast %parallel_loop3A_524 : vector<16xf32> to vector<16xf32>
      %parallel_loop3A_526 = vector.shape_cast %parallel_loop3A_520 : vector<16xf32> to vector<16xf32>
      tpu.vector_store %arg8[%parallel_loop3A_523], %parallel_loop3A_526 {strides = array<i32>} : memref<24576xf32, #tpu.memory_space<vmem>>, vector<16xf32>,
      %parallel_loop3A_527 = arith.constant 32 : i32
      %parallel_loop3A_528 = arith.addi %parallel_loop3A_496, %parallel_loop3A_527 : i32
      %parallel_loop3A_529 = arith.index_cast %parallel_loop3A_528 : i32 to index
      %parallel_loop3A_530 = tpu.vector_load %arg8[%parallel_loop3A_529] {strides = array<i32>} : memref<24576xf32, #tpu.memory_space<vmem>>, vector<16xf32>,
      %parallel_loop3A_531 = vector.shape_cast %parallel_loop3A_530 : vector<16xf32> to vector<16xf32>
      %parallel_loop3A_532 = arith.subf %parallel_loop3A_531, %select_n3A_377 : vector<16xf32>
      %parallel_loop3A_533 = arith.cmpf olt, %parallel_loop3A_532, %broadcast_in_dim3A_327 : vector<16xf32>
      %parallel_loop3A_534 = arith.addf %parallel_loop3A_532, %broadcast_in_dim3A_329 : vector<16xf32>
      %parallel_loop3A_535 = arith.select %parallel_loop3A_533, %parallel_loop3A_534, %parallel_loop3A_532 : vector<16xi1>, vector<16xf32>
      %parallel_loop3A_536 = arith.constant 32 : i32
      %parallel_loop3A_537 = arith.addi %parallel_loop3A_496, %parallel_loop3A_536 : i32
      %parallel_loop3A_538 = arith.index_cast %parallel_loop3A_537 : i32 to index
      %parallel_loop3A_539 = tpu.vector_load %arg8[%parallel_loop3A_538] {strides = array<i32>} : memref<24576xf32, #tpu.memory_space<vmem>>, vector<16xf32>,
      %parallel_loop3A_540 = vector.shape_cast %parallel_loop3A_539 : vector<16xf32> to vector<16xf32>
      %parallel_loop3A_541 = vector.shape_cast %parallel_loop3A_535 : vector<16xf32> to vector<16xf32>
      tpu.vector_store %arg8[%parallel_loop3A_538], %parallel_loop3A_541 {strides = array<i32>} : memref<24576xf32, #tpu.memory_space<vmem>>, vector<16xf32>,
    } {sc.loop_unroll_factor = 8 : i64, sc.parallel_access}
    %add3A_387 = arith.constant 0 : i32
    %add3A_388 = arith.addi %mul3A_382, %add3A_387 : i32
    "tpu.region"() ({
      %run_scoped3A = tpu.sem_alloc : memref<!tpu.dma_semaphore, #tpu.memory_space<semaphore_mem>>
      %dma_start3A = tpu.memref_slice %arg5[%add3A_388] : memref<12582912xf32, #tpu.memory_space<hbm>> -> memref<24576xf32, #tpu.memory_space<hbm>>
      %dma_start3A_494 = tpu.memref_slice %arg5[%add3A_388] : memref<12582912xf32, #tpu.memory_space<hbm>> -> memref<24576xf32, #tpu.memory_space<hbm>>
      tpu.enqueue_dma source(%arg8 : memref<24576xf32, #tpu.memory_space<vmem>>) target(%dma_start3A_494 : memref<24576xf32, #tpu.memory_space<hbm>>) target_semaphore(%run_scoped3A : memref<!tpu.dma_semaphore, #tpu.memory_space<semaphore_mem>>)
      %dma_wait3A = tpu.memref_slice %arg5[%add3A_388] : memref<12582912xf32, #tpu.memory_space<hbm>> -> memref<24576xf32, #tpu.memory_space<hbm>>
      %dma_wait3A_495 = tpu.memref_slice %arg5[%add3A_388] : memref<12582912xf32, #tpu.memory_space<hbm>> -> memref<24576xf32, #tpu.memory_space<hbm>>
      tpu.wait_dma2 semaphore(%run_scoped3A : memref<!tpu.dma_semaphore, #tpu.memory_space<semaphore_mem>>) src(%arg8 : memref<24576xf32, #tpu.memory_space<vmem>>) dst(%dma_wait3A_495 : memref<24576xf32, #tpu.memory_space<hbm>>)
      tpu.yield
    }) : () -> ()
    %add3A_389 = arith.constant 24576 : i32
    %add3A_390 = arith.addi %mul3A_382, %add3A_389 : i32
    "tpu.region"() ({
      %run_scoped3A = tpu.sem_alloc : memref<!tpu.dma_semaphore, #tpu.memory_space<semaphore_mem>>
      %dma_start3A = tpu.memref_slice %arg2[%add3A_390] : memref<12582912xf32, #tpu.memory_space<hbm>> -> memref<24576xf32, #tpu.memory_space<hbm>>
      %dma_start3A_494 = tpu.memref_slice %arg2[%add3A_390] : memref<12582912xf32, #tpu.memory_space<hbm>> -> memref<24576xf32, #tpu.memory_space<hbm>>
      tpu.enqueue_dma source(%dma_start3A_494 : memref<24576xf32, #tpu.memory_space<hbm>>) target(%arg9 : memref<24576xf32, #tpu.memory_space<vmem>>) target_semaphore(%run_scoped3A : memref<!tpu.dma_semaphore, #tpu.memory_space<semaphore_mem>>)
      %dma_wait3A = tpu.memref_slice %arg2[%add3A_390] : memref<12582912xf32, #tpu.memory_space<hbm>> -> memref<24576xf32, #tpu.memory_space<hbm>>
      %dma_wait3A_495 = tpu.memref_slice %arg2[%add3A_390] : memref<12582912xf32, #tpu.memory_space<hbm>> -> memref<24576xf32, #tpu.memory_space<hbm>>
      tpu.wait_dma2 semaphore(%run_scoped3A : memref<!tpu.dma_semaphore, #tpu.memory_space<semaphore_mem>>) src(%dma_wait3A_495 : memref<24576xf32, #tpu.memory_space<hbm>>) dst(%arg9 : memref<24576xf32, #tpu.memory_space<vmem>>)
      tpu.yield
    }) : () -> ()
    %parallel_loop3A_391 = arith.constant 0 : i32
    %parallel_loop3A_392 = arith.constant 512 : i32
    %parallel_loop3A_393 = arith.constant 1 : i32
    scf.for %parallel_loop3A_494 = %parallel_loop3A_391 to %parallel_loop3A_392 step %parallel_loop3A_393  : i32 {
      %parallel_loop3A_495 = arith.constant 48 : i32
      %parallel_loop3A_496 = arith.muli %parallel_loop3A_494, %parallel_loop3A_495 : i32
      %parallel_loop3A_497 = arith.constant 0 : i32
      %parallel_loop3A_498 = arith.addi %parallel_loop3A_496, %parallel_loop3A_497 : i32
      %parallel_loop3A_499 = arith.index_cast %parallel_loop3A_498 : i32 to index
      %parallel_loop3A_500 = tpu.vector_load %arg9[%parallel_loop3A_499] {strides = array<i32>} : memref<24576xf32, #tpu.memory_space<vmem>>, vector<16xf32>,
      %parallel_loop3A_501 = vector.shape_cast %parallel_loop3A_500 : vector<16xf32> to vector<16xf32>
      %parallel_loop3A_502 = arith.subf %parallel_loop3A_501, %select_n3A_349 : vector<16xf32>
      %parallel_loop3A_503 = arith.cmpf olt, %parallel_loop3A_502, %broadcast_in_dim3A_327 : vector<16xf32>
      %parallel_loop3A_504 = arith.addf %parallel_loop3A_502, %broadcast_in_dim3A_329 : vector<16xf32>
      %parallel_loop3A_505 = arith.select %parallel_loop3A_503, %parallel_loop3A_504, %parallel_loop3A_502 : vector<16xi1>, vector<16xf32>
      %parallel_loop3A_506 = arith.constant 0 : i32
      %parallel_loop3A_507 = arith.addi %parallel_loop3A_496, %parallel_loop3A_506 : i32
      %parallel_loop3A_508 = arith.index_cast %parallel_loop3A_507 : i32 to index
      %parallel_loop3A_509 = tpu.vector_load %arg9[%parallel_loop3A_508] {strides = array<i32>} : memref<24576xf32, #tpu.memory_space<vmem>>, vector<16xf32>,
      %parallel_loop3A_510 = vector.shape_cast %parallel_loop3A_509 : vector<16xf32> to vector<16xf32>
      %parallel_loop3A_511 = vector.shape_cast %parallel_loop3A_505 : vector<16xf32> to vector<16xf32>
      tpu.vector_store %arg9[%parallel_loop3A_508], %parallel_loop3A_511 {strides = array<i32>} : memref<24576xf32, #tpu.memory_space<vmem>>, vector<16xf32>,
      %parallel_loop3A_512 = arith.constant 16 : i32
      %parallel_loop3A_513 = arith.addi %parallel_loop3A_496, %parallel_loop3A_512 : i32
      %parallel_loop3A_514 = arith.index_cast %parallel_loop3A_513 : i32 to index
      %parallel_loop3A_515 = tpu.vector_load %arg9[%parallel_loop3A_514] {strides = array<i32>} : memref<24576xf32, #tpu.memory_space<vmem>>, vector<16xf32>,
      %parallel_loop3A_516 = vector.shape_cast %parallel_loop3A_515 : vector<16xf32> to vector<16xf32>
      %parallel_loop3A_517 = arith.subf %parallel_loop3A_516, %select_n3A_363 : vector<16xf32>
      %parallel_loop3A_518 = arith.cmpf olt, %parallel_loop3A_517, %broadcast_in_dim3A_327 : vector<16xf32>
      %parallel_loop3A_519 = arith.addf %parallel_loop3A_517, %broadcast_in_dim3A_329 : vector<16xf32>
      %parallel_loop3A_520 = arith.select %parallel_loop3A_518, %parallel_loop3A_519, %parallel_loop3A_517 : vector<16xi1>, vector<16xf32>
      %parallel_loop3A_521 = arith.constant 16 : i32
      %parallel_loop3A_522 = arith.addi %parallel_loop3A_496, %parallel_loop3A_521 : i32
      %parallel_loop3A_523 = arith.index_cast %parallel_loop3A_522 : i32 to index
      %parallel_loop3A_524 = tpu.vector_load %arg9[%parallel_loop3A_523] {strides = array<i32>} : memref<24576xf32, #tpu.memory_space<vmem>>, vector<16xf32>,
      %parallel_loop3A_525 = vector.shape_cast %parallel_loop3A_524 : vector<16xf32> to vector<16xf32>
      %parallel_loop3A_526 = vector.shape_cast %parallel_loop3A_520 : vector<16xf32> to vector<16xf32>
      tpu.vector_store %arg9[%parallel_loop3A_523], %parallel_loop3A_526 {strides = array<i32>} : memref<24576xf32, #tpu.memory_space<vmem>>, vector<16xf32>,
      %parallel_loop3A_527 = arith.constant 32 : i32
      %parallel_loop3A_528 = arith.addi %parallel_loop3A_496, %parallel_loop3A_527 : i32
      %parallel_loop3A_529 = arith.index_cast %parallel_loop3A_528 : i32 to index
      %parallel_loop3A_530 = tpu.vector_load %arg9[%parallel_loop3A_529] {strides = array<i32>} : memref<24576xf32, #tpu.memory_space<vmem>>, vector<16xf32>,
      %parallel_loop3A_531 = vector.shape_cast %parallel_loop3A_530 : vector<16xf32> to vector<16xf32>
      %parallel_loop3A_532 = arith.subf %parallel_loop3A_531, %select_n3A_377 : vector<16xf32>
      %parallel_loop3A_533 = arith.cmpf olt, %parallel_loop3A_532, %broadcast_in_dim3A_327 : vector<16xf32>
      %parallel_loop3A_534 = arith.addf %parallel_loop3A_532, %broadcast_in_dim3A_329 : vector<16xf32>
      %parallel_loop3A_535 = arith.select %parallel_loop3A_533, %parallel_loop3A_534, %parallel_loop3A_532 : vector<16xi1>, vector<16xf32>
      %parallel_loop3A_536 = arith.constant 32 : i32
      %parallel_loop3A_537 = arith.addi %parallel_loop3A_496, %parallel_loop3A_536 : i32
      %parallel_loop3A_538 = arith.index_cast %parallel_loop3A_537 : i32 to index
      %parallel_loop3A_539 = tpu.vector_load %arg9[%parallel_loop3A_538] {strides = array<i32>} : memref<24576xf32, #tpu.memory_space<vmem>>, vector<16xf32>,
      %parallel_loop3A_540 = vector.shape_cast %parallel_loop3A_539 : vector<16xf32> to vector<16xf32>
      %parallel_loop3A_541 = vector.shape_cast %parallel_loop3A_535 : vector<16xf32> to vector<16xf32>
      tpu.vector_store %arg9[%parallel_loop3A_538], %parallel_loop3A_541 {strides = array<i32>} : memref<24576xf32, #tpu.memory_space<vmem>>, vector<16xf32>,
    } {sc.loop_unroll_factor = 8 : i64, sc.parallel_access}
    %add3A_394 = arith.constant 24576 : i32
    %add3A_395 = arith.addi %mul3A_382, %add3A_394 : i32
    "tpu.region"() ({
      %run_scoped3A = tpu.sem_alloc : memref<!tpu.dma_semaphore, #tpu.memory_space<semaphore_mem>>
      %dma_start3A = tpu.memref_slice %arg5[%add3A_395] : memref<12582912xf32, #tpu.memory_space<hbm>> -> memref<24576xf32, #tpu.memory_space<hbm>>
      %dma_start3A_494 = tpu.memref_slice %arg5[%add3A_395] : memref<12582912xf32, #tpu.memory_space<hbm>> -> memref<24576xf32, #tpu.memory_space<hbm>>
      tpu.enqueue_dma source(%arg9 : memref<24576xf32, #tpu.memory_space<vmem>>) target(%dma_start3A_494 : memref<24576xf32, #tpu.memory_space<hbm>>) target_semaphore(%run_scoped3A : memref<!tpu.dma_semaphore, #tpu.memory_space<semaphore_mem>>)
      %dma_wait3A = tpu.memref_slice %arg5[%add3A_395] : memref<12582912xf32, #tpu.memory_space<hbm>> -> memref<24576xf32, #tpu.memory_space<hbm>>
      %dma_wait3A_495 = tpu.memref_slice %arg5[%add3A_395] : memref<12582912xf32, #tpu.memory_space<hbm>> -> memref<24576xf32, #tpu.memory_space<hbm>>
      tpu.wait_dma2 semaphore(%run_scoped3A : memref<!tpu.dma_semaphore, #tpu.memory_space<semaphore_mem>>) src(%arg9 : memref<24576xf32, #tpu.memory_space<vmem>>) dst(%dma_wait3A_495 : memref<24576xf32, #tpu.memory_space<hbm>>)
      tpu.yield
    }) : () -> ()
    %add3A_396 = arith.constant 49152 : i32
    %add3A_397 = arith.addi %mul3A_382, %add3A_396 : i32
    "tpu.region"() ({
      %run_scoped3A = tpu.sem_alloc : memref<!tpu.dma_semaphore, #tpu.memory_space<semaphore_mem>>
      %dma_start3A = tpu.memref_slice %arg2[%add3A_397] : memref<12582912xf32, #tpu.memory_space<hbm>> -> memref<24576xf32, #tpu.memory_space<hbm>>
      %dma_start3A_494 = tpu.memref_slice %arg2[%add3A_397] : memref<12582912xf32, #tpu.memory_space<hbm>> -> memref<24576xf32, #tpu.memory_space<hbm>>
      tpu.enqueue_dma source(%dma_start3A_494 : memref<24576xf32, #tpu.memory_space<hbm>>) target(%arg8 : memref<24576xf32, #tpu.memory_space<vmem>>) target_semaphore(%run_scoped3A : memref<!tpu.dma_semaphore, #tpu.memory_space<semaphore_mem>>)
      %dma_wait3A = tpu.memref_slice %arg2[%add3A_397] : memref<12582912xf32, #tpu.memory_space<hbm>> -> memref<24576xf32, #tpu.memory_space<hbm>>
      %dma_wait3A_495 = tpu.memref_slice %arg2[%add3A_397] : memref<12582912xf32, #tpu.memory_space<hbm>> -> memref<24576xf32, #tpu.memory_space<hbm>>
      tpu.wait_dma2 semaphore(%run_scoped3A : memref<!tpu.dma_semaphore, #tpu.memory_space<semaphore_mem>>) src(%dma_wait3A_495 : memref<24576xf32, #tpu.memory_space<hbm>>) dst(%arg8 : memref<24576xf32, #tpu.memory_space<vmem>>)
      tpu.yield
    }) : () -> ()
    %parallel_loop3A_398 = arith.constant 0 : i32
    %parallel_loop3A_399 = arith.constant 512 : i32
    %parallel_loop3A_400 = arith.constant 1 : i32
    scf.for %parallel_loop3A_494 = %parallel_loop3A_398 to %parallel_loop3A_399 step %parallel_loop3A_400  : i32 {
      %parallel_loop3A_495 = arith.constant 48 : i32
      %parallel_loop3A_496 = arith.muli %parallel_loop3A_494, %parallel_loop3A_495 : i32
      %parallel_loop3A_497 = arith.constant 0 : i32
      %parallel_loop3A_498 = arith.addi %parallel_loop3A_496, %parallel_loop3A_497 : i32
      %parallel_loop3A_499 = arith.index_cast %parallel_loop3A_498 : i32 to index
      %parallel_loop3A_500 = tpu.vector_load %arg8[%parallel_loop3A_499] {strides = array<i32>} : memref<24576xf32, #tpu.memory_space<vmem>>, vector<16xf32>,
      %parallel_loop3A_501 = vector.shape_cast %parallel_loop3A_500 : vector<16xf32> to vector<16xf32>
      %parallel_loop3A_502 = arith.subf %parallel_loop3A_501, %select_n3A_349 : vector<16xf32>
      %parallel_loop3A_503 = arith.cmpf olt, %parallel_loop3A_502, %broadcast_in_dim3A_327 : vector<16xf32>
      %parallel_loop3A_504 = arith.addf %parallel_loop3A_502, %broadcast_in_dim3A_329 : vector<16xf32>
      %parallel_loop3A_505 = arith.select %parallel_loop3A_503, %parallel_loop3A_504, %parallel_loop3A_502 : vector<16xi1>, vector<16xf32>
      %parallel_loop3A_506 = arith.constant 0 : i32
      %parallel_loop3A_507 = arith.addi %parallel_loop3A_496, %parallel_loop3A_506 : i32
      %parallel_loop3A_508 = arith.index_cast %parallel_loop3A_507 : i32 to index
      %parallel_loop3A_509 = tpu.vector_load %arg8[%parallel_loop3A_508] {strides = array<i32>} : memref<24576xf32, #tpu.memory_space<vmem>>, vector<16xf32>,
      %parallel_loop3A_510 = vector.shape_cast %parallel_loop3A_509 : vector<16xf32> to vector<16xf32>
      %parallel_loop3A_511 = vector.shape_cast %parallel_loop3A_505 : vector<16xf32> to vector<16xf32>
      tpu.vector_store %arg8[%parallel_loop3A_508], %parallel_loop3A_511 {strides = array<i32>} : memref<24576xf32, #tpu.memory_space<vmem>>, vector<16xf32>,
      %parallel_loop3A_512 = arith.constant 16 : i32
      %parallel_loop3A_513 = arith.addi %parallel_loop3A_496, %parallel_loop3A_512 : i32
      %parallel_loop3A_514 = arith.index_cast %parallel_loop3A_513 : i32 to index
      %parallel_loop3A_515 = tpu.vector_load %arg8[%parallel_loop3A_514] {strides = array<i32>} : memref<24576xf32, #tpu.memory_space<vmem>>, vector<16xf32>,
      %parallel_loop3A_516 = vector.shape_cast %parallel_loop3A_515 : vector<16xf32> to vector<16xf32>
      %parallel_loop3A_517 = arith.subf %parallel_loop3A_516, %select_n3A_363 : vector<16xf32>
      %parallel_loop3A_518 = arith.cmpf olt, %parallel_loop3A_517, %broadcast_in_dim3A_327 : vector<16xf32>
      %parallel_loop3A_519 = arith.addf %parallel_loop3A_517, %broadcast_in_dim3A_329 : vector<16xf32>
      %parallel_loop3A_520 = arith.select %parallel_loop3A_518, %parallel_loop3A_519, %parallel_loop3A_517 : vector<16xi1>, vector<16xf32>
      %parallel_loop3A_521 = arith.constant 16 : i32
      %parallel_loop3A_522 = arith.addi %parallel_loop3A_496, %parallel_loop3A_521 : i32
      %parallel_loop3A_523 = arith.index_cast %parallel_loop3A_522 : i32 to index
      %parallel_loop3A_524 = tpu.vector_load %arg8[%parallel_loop3A_523] {strides = array<i32>} : memref<24576xf32, #tpu.memory_space<vmem>>, vector<16xf32>,
      %parallel_loop3A_525 = vector.shape_cast %parallel_loop3A_524 : vector<16xf32> to vector<16xf32>
      %parallel_loop3A_526 = vector.shape_cast %parallel_loop3A_520 : vector<16xf32> to vector<16xf32>
      tpu.vector_store %arg8[%parallel_loop3A_523], %parallel_loop3A_526 {strides = array<i32>} : memref<24576xf32, #tpu.memory_space<vmem>>, vector<16xf32>,
      %parallel_loop3A_527 = arith.constant 32 : i32
      %parallel_loop3A_528 = arith.addi %parallel_loop3A_496, %parallel_loop3A_527 : i32
      %parallel_loop3A_529 = arith.index_cast %parallel_loop3A_528 : i32 to index
      %parallel_loop3A_530 = tpu.vector_load %arg8[%parallel_loop3A_529] {strides = array<i32>} : memref<24576xf32, #tpu.memory_space<vmem>>, vector<16xf32>,
      %parallel_loop3A_531 = vector.shape_cast %parallel_loop3A_530 : vector<16xf32> to vector<16xf32>
      %parallel_loop3A_532 = arith.subf %parallel_loop3A_531, %select_n3A_377 : vector<16xf32>
      %parallel_loop3A_533 = arith.cmpf olt, %parallel_loop3A_532, %broadcast_in_dim3A_327 : vector<16xf32>
      %parallel_loop3A_534 = arith.addf %parallel_loop3A_532, %broadcast_in_dim3A_329 : vector<16xf32>
      %parallel_loop3A_535 = arith.select %parallel_loop3A_533, %parallel_loop3A_534, %parallel_loop3A_532 : vector<16xi1>, vector<16xf32>
      %parallel_loop3A_536 = arith.constant 32 : i32
      %parallel_loop3A_537 = arith.addi %parallel_loop3A_496, %parallel_loop3A_536 : i32
      %parallel_loop3A_538 = arith.index_cast %parallel_loop3A_537 : i32 to index
      %parallel_loop3A_539 = tpu.vector_load %arg8[%parallel_loop3A_538] {strides = array<i32>} : memref<24576xf32, #tpu.memory_space<vmem>>, vector<16xf32>,
      %parallel_loop3A_540 = vector.shape_cast %parallel_loop3A_539 : vector<16xf32> to vector<16xf32>
      %parallel_loop3A_541 = vector.shape_cast %parallel_loop3A_535 : vector<16xf32> to vector<16xf32>
      tpu.vector_store %arg8[%parallel_loop3A_538], %parallel_loop3A_541 {strides = array<i32>} : memref<24576xf32, #tpu.memory_space<vmem>>, vector<16xf32>,
    } {sc.loop_unroll_factor = 8 : i64, sc.parallel_access}
    %add3A_401 = arith.constant 49152 : i32
    %add3A_402 = arith.addi %mul3A_382, %add3A_401 : i32
    "tpu.region"() ({
      %run_scoped3A = tpu.sem_alloc : memref<!tpu.dma_semaphore, #tpu.memory_space<semaphore_mem>>
      %dma_start3A = tpu.memref_slice %arg5[%add3A_402] : memref<12582912xf32, #tpu.memory_space<hbm>> -> memref<24576xf32, #tpu.memory_space<hbm>>
      %dma_start3A_494 = tpu.memref_slice %arg5[%add3A_402] : memref<12582912xf32, #tpu.memory_space<hbm>> -> memref<24576xf32, #tpu.memory_space<hbm>>
      tpu.enqueue_dma source(%arg8 : memref<24576xf32, #tpu.memory_space<vmem>>) target(%dma_start3A_494 : memref<24576xf32, #tpu.memory_space<hbm>>) target_semaphore(%run_scoped3A : memref<!tpu.dma_semaphore, #tpu.memory_space<semaphore_mem>>)
      %dma_wait3A = tpu.memref_slice %arg5[%add3A_402] : memref<12582912xf32, #tpu.memory_space<hbm>> -> memref<24576xf32, #tpu.memory_space<hbm>>
      %dma_wait3A_495 = tpu.memref_slice %arg5[%add3A_402] : memref<12582912xf32, #tpu.memory_space<hbm>> -> memref<24576xf32, #tpu.memory_space<hbm>>
      tpu.wait_dma2 semaphore(%run_scoped3A : memref<!tpu.dma_semaphore, #tpu.memory_space<semaphore_mem>>) src(%arg8 : memref<24576xf32, #tpu.memory_space<vmem>>) dst(%dma_wait3A_495 : memref<24576xf32, #tpu.memory_space<hbm>>)
      tpu.yield
    }) : () -> ()
    %add3A_403 = arith.constant 73728 : i32
    %add3A_404 = arith.addi %mul3A_382, %add3A_403 : i32
    "tpu.region"() ({
      %run_scoped3A = tpu.sem_alloc : memref<!tpu.dma_semaphore, #tpu.memory_space<semaphore_mem>>
      %dma_start3A = tpu.memref_slice %arg2[%add3A_404] : memref<12582912xf32, #tpu.memory_space<hbm>> -> memref<24576xf32, #tpu.memory_space<hbm>>
      %dma_start3A_494 = tpu.memref_slice %arg2[%add3A_404] : memref<12582912xf32, #tpu.memory_space<hbm>> -> memref<24576xf32, #tpu.memory_space<hbm>>
      tpu.enqueue_dma source(%dma_start3A_494 : memref<24576xf32, #tpu.memory_space<hbm>>) target(%arg9 : memref<24576xf32, #tpu.memory_space<vmem>>) target_semaphore(%run_scoped3A : memref<!tpu.dma_semaphore, #tpu.memory_space<semaphore_mem>>)
      %dma_wait3A = tpu.memref_slice %arg2[%add3A_404] : memref<12582912xf32, #tpu.memory_space<hbm>> -> memref<24576xf32, #tpu.memory_space<hbm>>
      %dma_wait3A_495 = tpu.memref_slice %arg2[%add3A_404] : memref<12582912xf32, #tpu.memory_space<hbm>> -> memref<24576xf32, #tpu.memory_space<hbm>>
      tpu.wait_dma2 semaphore(%run_scoped3A : memref<!tpu.dma_semaphore, #tpu.memory_space<semaphore_mem>>) src(%dma_wait3A_495 : memref<24576xf32, #tpu.memory_space<hbm>>) dst(%arg9 : memref<24576xf32, #tpu.memory_space<vmem>>)
      tpu.yield
    }) : () -> ()
    %parallel_loop3A_405 = arith.constant 0 : i32
    %parallel_loop3A_406 = arith.constant 512 : i32
    %parallel_loop3A_407 = arith.constant 1 : i32
    scf.for %parallel_loop3A_494 = %parallel_loop3A_405 to %parallel_loop3A_406 step %parallel_loop3A_407  : i32 {
      %parallel_loop3A_495 = arith.constant 48 : i32
      %parallel_loop3A_496 = arith.muli %parallel_loop3A_494, %parallel_loop3A_495 : i32
      %parallel_loop3A_497 = arith.constant 0 : i32
      %parallel_loop3A_498 = arith.addi %parallel_loop3A_496, %parallel_loop3A_497 : i32
      %parallel_loop3A_499 = arith.index_cast %parallel_loop3A_498 : i32 to index
      %parallel_loop3A_500 = tpu.vector_load %arg9[%parallel_loop3A_499] {strides = array<i32>} : memref<24576xf32, #tpu.memory_space<vmem>>, vector<16xf32>,
      %parallel_loop3A_501 = vector.shape_cast %parallel_loop3A_500 : vector<16xf32> to vector<16xf32>
      %parallel_loop3A_502 = arith.subf %parallel_loop3A_501, %select_n3A_349 : vector<16xf32>
      %parallel_loop3A_503 = arith.cmpf olt, %parallel_loop3A_502, %broadcast_in_dim3A_327 : vector<16xf32>
      %parallel_loop3A_504 = arith.addf %parallel_loop3A_502, %broadcast_in_dim3A_329 : vector<16xf32>
      %parallel_loop3A_505 = arith.select %parallel_loop3A_503, %parallel_loop3A_504, %parallel_loop3A_502 : vector<16xi1>, vector<16xf32>
      %parallel_loop3A_506 = arith.constant 0 : i32
      %parallel_loop3A_507 = arith.addi %parallel_loop3A_496, %parallel_loop3A_506 : i32
      %parallel_loop3A_508 = arith.index_cast %parallel_loop3A_507 : i32 to index
      %parallel_loop3A_509 = tpu.vector_load %arg9[%parallel_loop3A_508] {strides = array<i32>} : memref<24576xf32, #tpu.memory_space<vmem>>, vector<16xf32>,
      %parallel_loop3A_510 = vector.shape_cast %parallel_loop3A_509 : vector<16xf32> to vector<16xf32>
      %parallel_loop3A_511 = vector.shape_cast %parallel_loop3A_505 : vector<16xf32> to vector<16xf32>
      tpu.vector_store %arg9[%parallel_loop3A_508], %parallel_loop3A_511 {strides = array<i32>} : memref<24576xf32, #tpu.memory_space<vmem>>, vector<16xf32>,
      %parallel_loop3A_512 = arith.constant 16 : i32
      %parallel_loop3A_513 = arith.addi %parallel_loop3A_496, %parallel_loop3A_512 : i32
      %parallel_loop3A_514 = arith.index_cast %parallel_loop3A_513 : i32 to index
      %parallel_loop3A_515 = tpu.vector_load %arg9[%parallel_loop3A_514] {strides = array<i32>} : memref<24576xf32, #tpu.memory_space<vmem>>, vector<16xf32>,
      %parallel_loop3A_516 = vector.shape_cast %parallel_loop3A_515 : vector<16xf32> to vector<16xf32>
      %parallel_loop3A_517 = arith.subf %parallel_loop3A_516, %select_n3A_363 : vector<16xf32>
      %parallel_loop3A_518 = arith.cmpf olt, %parallel_loop3A_517, %broadcast_in_dim3A_327 : vector<16xf32>
      %parallel_loop3A_519 = arith.addf %parallel_loop3A_517, %broadcast_in_dim3A_329 : vector<16xf32>
      %parallel_loop3A_520 = arith.select %parallel_loop3A_518, %parallel_loop3A_519, %parallel_loop3A_517 : vector<16xi1>, vector<16xf32>
      %parallel_loop3A_521 = arith.constant 16 : i32
      %parallel_loop3A_522 = arith.addi %parallel_loop3A_496, %parallel_loop3A_521 : i32
      %parallel_loop3A_523 = arith.index_cast %parallel_loop3A_522 : i32 to index
      %parallel_loop3A_524 = tpu.vector_load %arg9[%parallel_loop3A_523] {strides = array<i32>} : memref<24576xf32, #tpu.memory_space<vmem>>, vector<16xf32>,
      %parallel_loop3A_525 = vector.shape_cast %parallel_loop3A_524 : vector<16xf32> to vector<16xf32>
      %parallel_loop3A_526 = vector.shape_cast %parallel_loop3A_520 : vector<16xf32> to vector<16xf32>
      tpu.vector_store %arg9[%parallel_loop3A_523], %parallel_loop3A_526 {strides = array<i32>} : memref<24576xf32, #tpu.memory_space<vmem>>, vector<16xf32>,
      %parallel_loop3A_527 = arith.constant 32 : i32
      %parallel_loop3A_528 = arith.addi %parallel_loop3A_496, %parallel_loop3A_527 : i32
      %parallel_loop3A_529 = arith.index_cast %parallel_loop3A_528 : i32 to index
      %parallel_loop3A_530 = tpu.vector_load %arg9[%parallel_loop3A_529] {strides = array<i32>} : memref<24576xf32, #tpu.memory_space<vmem>>, vector<16xf32>,
      %parallel_loop3A_531 = vector.shape_cast %parallel_loop3A_530 : vector<16xf32> to vector<16xf32>
      %parallel_loop3A_532 = arith.subf %parallel_loop3A_531, %select_n3A_377 : vector<16xf32>
      %parallel_loop3A_533 = arith.cmpf olt, %parallel_loop3A_532, %broadcast_in_dim3A_327 : vector<16xf32>
      %parallel_loop3A_534 = arith.addf %parallel_loop3A_532, %broadcast_in_dim3A_329 : vector<16xf32>
      %parallel_loop3A_535 = arith.select %parallel_loop3A_533, %parallel_loop3A_534, %parallel_loop3A_532 : vector<16xi1>, vector<16xf32>
      %parallel_loop3A_536 = arith.constant 32 : i32
      %parallel_loop3A_537 = arith.addi %parallel_loop3A_496, %parallel_loop3A_536 : i32
      %parallel_loop3A_538 = arith.index_cast %parallel_loop3A_537 : i32 to index
      %parallel_loop3A_539 = tpu.vector_load %arg9[%parallel_loop3A_538] {strides = array<i32>} : memref<24576xf32, #tpu.memory_space<vmem>>, vector<16xf32>,
      %parallel_loop3A_540 = vector.shape_cast %parallel_loop3A_539 : vector<16xf32> to vector<16xf32>
      %parallel_loop3A_541 = vector.shape_cast %parallel_loop3A_535 : vector<16xf32> to vector<16xf32>
      tpu.vector_store %arg9[%parallel_loop3A_538], %parallel_loop3A_541 {strides = array<i32>} : memref<24576xf32, #tpu.memory_space<vmem>>, vector<16xf32>,
    } {sc.loop_unroll_factor = 8 : i64, sc.parallel_access}
    %add3A_408 = arith.constant 73728 : i32
    %add3A_409 = arith.addi %mul3A_382, %add3A_408 : i32
    "tpu.region"() ({
      %run_scoped3A = tpu.sem_alloc : memref<!tpu.dma_semaphore, #tpu.memory_space<semaphore_mem>>
      %dma_start3A = tpu.memref_slice %arg5[%add3A_409] : memref<12582912xf32, #tpu.memory_space<hbm>> -> memref<24576xf32, #tpu.memory_space<hbm>>
      %dma_start3A_494 = tpu.memref_slice %arg5[%add3A_409] : memref<12582912xf32, #tpu.memory_space<hbm>> -> memref<24576xf32, #tpu.memory_space<hbm>>
      tpu.enqueue_dma source(%arg9 : memref<24576xf32, #tpu.memory_space<vmem>>) target(%dma_start3A_494 : memref<24576xf32, #tpu.memory_space<hbm>>) target_semaphore(%run_scoped3A : memref<!tpu.dma_semaphore, #tpu.memory_space<semaphore_mem>>)
      %dma_wait3A = tpu.memref_slice %arg5[%add3A_409] : memref<12582912xf32, #tpu.memory_space<hbm>> -> memref<24576xf32, #tpu.memory_space<hbm>>
      %dma_wait3A_495 = tpu.memref_slice %arg5[%add3A_409] : memref<12582912xf32, #tpu.memory_space<hbm>> -> memref<24576xf32, #tpu.memory_space<hbm>>
      tpu.wait_dma2 semaphore(%run_scoped3A : memref<!tpu.dma_semaphore, #tpu.memory_space<semaphore_mem>>) src(%arg9 : memref<24576xf32, #tpu.memory_space<vmem>>) dst(%dma_wait3A_495 : memref<24576xf32, #tpu.memory_space<hbm>>)
      tpu.yield
    }) : () -> ()
    %add3A_410 = arith.constant 98304 : i32
    %add3A_411 = arith.addi %mul3A_382, %add3A_410 : i32
    "tpu.region"() ({
      %run_scoped3A = tpu.sem_alloc : memref<!tpu.dma_semaphore, #tpu.memory_space<semaphore_mem>>
      %dma_start3A = tpu.memref_slice %arg2[%add3A_411] : memref<12582912xf32, #tpu.memory_space<hbm>> -> memref<24576xf32, #tpu.memory_space<hbm>>
      %dma_start3A_494 = tpu.memref_slice %arg2[%add3A_411] : memref<12582912xf32, #tpu.memory_space<hbm>> -> memref<24576xf32, #tpu.memory_space<hbm>>
      tpu.enqueue_dma source(%dma_start3A_494 : memref<24576xf32, #tpu.memory_space<hbm>>) target(%arg8 : memref<24576xf32, #tpu.memory_space<vmem>>) target_semaphore(%run_scoped3A : memref<!tpu.dma_semaphore, #tpu.memory_space<semaphore_mem>>)
      %dma_wait3A = tpu.memref_slice %arg2[%add3A_411] : memref<12582912xf32, #tpu.memory_space<hbm>> -> memref<24576xf32, #tpu.memory_space<hbm>>
      %dma_wait3A_495 = tpu.memref_slice %arg2[%add3A_411] : memref<12582912xf32, #tpu.memory_space<hbm>> -> memref<24576xf32, #tpu.memory_space<hbm>>
      tpu.wait_dma2 semaphore(%run_scoped3A : memref<!tpu.dma_semaphore, #tpu.memory_space<semaphore_mem>>) src(%dma_wait3A_495 : memref<24576xf32, #tpu.memory_space<hbm>>) dst(%arg8 : memref<24576xf32, #tpu.memory_space<vmem>>)
      tpu.yield
    }) : () -> ()
    %parallel_loop3A_412 = arith.constant 0 : i32
    %parallel_loop3A_413 = arith.constant 512 : i32
    %parallel_loop3A_414 = arith.constant 1 : i32
    scf.for %parallel_loop3A_494 = %parallel_loop3A_412 to %parallel_loop3A_413 step %parallel_loop3A_414  : i32 {
      %parallel_loop3A_495 = arith.constant 48 : i32
      %parallel_loop3A_496 = arith.muli %parallel_loop3A_494, %parallel_loop3A_495 : i32
      %parallel_loop3A_497 = arith.constant 0 : i32
      %parallel_loop3A_498 = arith.addi %parallel_loop3A_496, %parallel_loop3A_497 : i32
      %parallel_loop3A_499 = arith.index_cast %parallel_loop3A_498 : i32 to index
      %parallel_loop3A_500 = tpu.vector_load %arg8[%parallel_loop3A_499] {strides = array<i32>} : memref<24576xf32, #tpu.memory_space<vmem>>, vector<16xf32>,
      %parallel_loop3A_501 = vector.shape_cast %parallel_loop3A_500 : vector<16xf32> to vector<16xf32>
      %parallel_loop3A_502 = arith.subf %parallel_loop3A_501, %select_n3A_349 : vector<16xf32>
      %parallel_loop3A_503 = arith.cmpf olt, %parallel_loop3A_502, %broadcast_in_dim3A_327 : vector<16xf32>
      %parallel_loop3A_504 = arith.addf %parallel_loop3A_502, %broadcast_in_dim3A_329 : vector<16xf32>
      %parallel_loop3A_505 = arith.select %parallel_loop3A_503, %parallel_loop3A_504, %parallel_loop3A_502 : vector<16xi1>, vector<16xf32>
      %parallel_loop3A_506 = arith.constant 0 : i32
      %parallel_loop3A_507 = arith.addi %parallel_loop3A_496, %parallel_loop3A_506 : i32
      %parallel_loop3A_508 = arith.index_cast %parallel_loop3A_507 : i32 to index
      %parallel_loop3A_509 = tpu.vector_load %arg8[%parallel_loop3A_508] {strides = array<i32>} : memref<24576xf32, #tpu.memory_space<vmem>>, vector<16xf32>,
      %parallel_loop3A_510 = vector.shape_cast %parallel_loop3A_509 : vector<16xf32> to vector<16xf32>
      %parallel_loop3A_511 = vector.shape_cast %parallel_loop3A_505 : vector<16xf32> to vector<16xf32>
      tpu.vector_store %arg8[%parallel_loop3A_508], %parallel_loop3A_511 {strides = array<i32>} : memref<24576xf32, #tpu.memory_space<vmem>>, vector<16xf32>,
      %parallel_loop3A_512 = arith.constant 16 : i32
      %parallel_loop3A_513 = arith.addi %parallel_loop3A_496, %parallel_loop3A_512 : i32
      %parallel_loop3A_514 = arith.index_cast %parallel_loop3A_513 : i32 to index
      %parallel_loop3A_515 = tpu.vector_load %arg8[%parallel_loop3A_514] {strides = array<i32>} : memref<24576xf32, #tpu.memory_space<vmem>>, vector<16xf32>,
      %parallel_loop3A_516 = vector.shape_cast %parallel_loop3A_515 : vector<16xf32> to vector<16xf32>
      %parallel_loop3A_517 = arith.subf %parallel_loop3A_516, %select_n3A_363 : vector<16xf32>
      %parallel_loop3A_518 = arith.cmpf olt, %parallel_loop3A_517, %broadcast_in_dim3A_327 : vector<16xf32>
      %parallel_loop3A_519 = arith.addf %parallel_loop3A_517, %broadcast_in_dim3A_329 : vector<16xf32>
      %parallel_loop3A_520 = arith.select %parallel_loop3A_518, %parallel_loop3A_519, %parallel_loop3A_517 : vector<16xi1>, vector<16xf32>
      %parallel_loop3A_521 = arith.constant 16 : i32
      %parallel_loop3A_522 = arith.addi %parallel_loop3A_496, %parallel_loop3A_521 : i32
      %parallel_loop3A_523 = arith.index_cast %parallel_loop3A_522 : i32 to index
      %parallel_loop3A_524 = tpu.vector_load %arg8[%parallel_loop3A_523] {strides = array<i32>} : memref<24576xf32, #tpu.memory_space<vmem>>, vector<16xf32>,
      %parallel_loop3A_525 = vector.shape_cast %parallel_loop3A_524 : vector<16xf32> to vector<16xf32>
      %parallel_loop3A_526 = vector.shape_cast %parallel_loop3A_520 : vector<16xf32> to vector<16xf32>
      tpu.vector_store %arg8[%parallel_loop3A_523], %parallel_loop3A_526 {strides = array<i32>} : memref<24576xf32, #tpu.memory_space<vmem>>, vector<16xf32>,
      %parallel_loop3A_527 = arith.constant 32 : i32
      %parallel_loop3A_528 = arith.addi %parallel_loop3A_496, %parallel_loop3A_527 : i32
      %parallel_loop3A_529 = arith.index_cast %parallel_loop3A_528 : i32 to index
      %parallel_loop3A_530 = tpu.vector_load %arg8[%parallel_loop3A_529] {strides = array<i32>} : memref<24576xf32, #tpu.memory_space<vmem>>, vector<16xf32>,
      %parallel_loop3A_531 = vector.shape_cast %parallel_loop3A_530 : vector<16xf32> to vector<16xf32>
      %parallel_loop3A_532 = arith.subf %parallel_loop3A_531, %select_n3A_377 : vector<16xf32>
      %parallel_loop3A_533 = arith.cmpf olt, %parallel_loop3A_532, %broadcast_in_dim3A_327 : vector<16xf32>
      %parallel_loop3A_534 = arith.addf %parallel_loop3A_532, %broadcast_in_dim3A_329 : vector<16xf32>
      %parallel_loop3A_535 = arith.select %parallel_loop3A_533, %parallel_loop3A_534, %parallel_loop3A_532 : vector<16xi1>, vector<16xf32>
      %parallel_loop3A_536 = arith.constant 32 : i32
      %parallel_loop3A_537 = arith.addi %parallel_loop3A_496, %parallel_loop3A_536 : i32
      %parallel_loop3A_538 = arith.index_cast %parallel_loop3A_537 : i32 to index
      %parallel_loop3A_539 = tpu.vector_load %arg8[%parallel_loop3A_538] {strides = array<i32>} : memref<24576xf32, #tpu.memory_space<vmem>>, vector<16xf32>,
      %parallel_loop3A_540 = vector.shape_cast %parallel_loop3A_539 : vector<16xf32> to vector<16xf32>
      %parallel_loop3A_541 = vector.shape_cast %parallel_loop3A_535 : vector<16xf32> to vector<16xf32>
      tpu.vector_store %arg8[%parallel_loop3A_538], %parallel_loop3A_541 {strides = array<i32>} : memref<24576xf32, #tpu.memory_space<vmem>>, vector<16xf32>,
    } {sc.loop_unroll_factor = 8 : i64, sc.parallel_access}
    %add3A_415 = arith.constant 98304 : i32
    %add3A_416 = arith.addi %mul3A_382, %add3A_415 : i32
    "tpu.region"() ({
      %run_scoped3A = tpu.sem_alloc : memref<!tpu.dma_semaphore, #tpu.memory_space<semaphore_mem>>
      %dma_start3A = tpu.memref_slice %arg5[%add3A_416] : memref<12582912xf32, #tpu.memory_space<hbm>> -> memref<24576xf32, #tpu.memory_space<hbm>>
      %dma_start3A_494 = tpu.memref_slice %arg5[%add3A_416] : memref<12582912xf32, #tpu.memory_space<hbm>> -> memref<24576xf32, #tpu.memory_space<hbm>>
      tpu.enqueue_dma source(%arg8 : memref<24576xf32, #tpu.memory_space<vmem>>) target(%dma_start3A_494 : memref<24576xf32, #tpu.memory_space<hbm>>) target_semaphore(%run_scoped3A : memref<!tpu.dma_semaphore, #tpu.memory_space<semaphore_mem>>)
      %dma_wait3A = tpu.memref_slice %arg5[%add3A_416] : memref<12582912xf32, #tpu.memory_space<hbm>> -> memref<24576xf32, #tpu.memory_space<hbm>>
      %dma_wait3A_495 = tpu.memref_slice %arg5[%add3A_416] : memref<12582912xf32, #tpu.memory_space<hbm>> -> memref<24576xf32, #tpu.memory_space<hbm>>
      tpu.wait_dma2 semaphore(%run_scoped3A : memref<!tpu.dma_semaphore, #tpu.memory_space<semaphore_mem>>) src(%arg8 : memref<24576xf32, #tpu.memory_space<vmem>>) dst(%dma_wait3A_495 : memref<24576xf32, #tpu.memory_space<hbm>>)
      tpu.yield
    }) : () -> ()
    %add3A_417 = arith.constant 122880 : i32
    %add3A_418 = arith.addi %mul3A_382, %add3A_417 : i32
    "tpu.region"() ({
      %run_scoped3A = tpu.sem_alloc : memref<!tpu.dma_semaphore, #tpu.memory_space<semaphore_mem>>
      %dma_start3A = tpu.memref_slice %arg2[%add3A_418] : memref<12582912xf32, #tpu.memory_space<hbm>> -> memref<24576xf32, #tpu.memory_space<hbm>>
      %dma_start3A_494 = tpu.memref_slice %arg2[%add3A_418] : memref<12582912xf32, #tpu.memory_space<hbm>> -> memref<24576xf32, #tpu.memory_space<hbm>>
      tpu.enqueue_dma source(%dma_start3A_494 : memref<24576xf32, #tpu.memory_space<hbm>>) target(%arg9 : memref<24576xf32, #tpu.memory_space<vmem>>) target_semaphore(%run_scoped3A : memref<!tpu.dma_semaphore, #tpu.memory_space<semaphore_mem>>)
      %dma_wait3A = tpu.memref_slice %arg2[%add3A_418] : memref<12582912xf32, #tpu.memory_space<hbm>> -> memref<24576xf32, #tpu.memory_space<hbm>>
      %dma_wait3A_495 = tpu.memref_slice %arg2[%add3A_418] : memref<12582912xf32, #tpu.memory_space<hbm>> -> memref<24576xf32, #tpu.memory_space<hbm>>
      tpu.wait_dma2 semaphore(%run_scoped3A : memref<!tpu.dma_semaphore, #tpu.memory_space<semaphore_mem>>) src(%dma_wait3A_495 : memref<24576xf32, #tpu.memory_space<hbm>>) dst(%arg9 : memref<24576xf32, #tpu.memory_space<vmem>>)
      tpu.yield
    }) : () -> ()
    %parallel_loop3A_419 = arith.constant 0 : i32
    %parallel_loop3A_420 = arith.constant 512 : i32
    %parallel_loop3A_421 = arith.constant 1 : i32
    scf.for %parallel_loop3A_494 = %parallel_loop3A_419 to %parallel_loop3A_420 step %parallel_loop3A_421  : i32 {
      %parallel_loop3A_495 = arith.constant 48 : i32
      %parallel_loop3A_496 = arith.muli %parallel_loop3A_494, %parallel_loop3A_495 : i32
      %parallel_loop3A_497 = arith.constant 0 : i32
      %parallel_loop3A_498 = arith.addi %parallel_loop3A_496, %parallel_loop3A_497 : i32
      %parallel_loop3A_499 = arith.index_cast %parallel_loop3A_498 : i32 to index
      %parallel_loop3A_500 = tpu.vector_load %arg9[%parallel_loop3A_499] {strides = array<i32>} : memref<24576xf32, #tpu.memory_space<vmem>>, vector<16xf32>,
      %parallel_loop3A_501 = vector.shape_cast %parallel_loop3A_500 : vector<16xf32> to vector<16xf32>
      %parallel_loop3A_502 = arith.subf %parallel_loop3A_501, %select_n3A_349 : vector<16xf32>
      %parallel_loop3A_503 = arith.cmpf olt, %parallel_loop3A_502, %broadcast_in_dim3A_327 : vector<16xf32>
      %parallel_loop3A_504 = arith.addf %parallel_loop3A_502, %broadcast_in_dim3A_329 : vector<16xf32>
      %parallel_loop3A_505 = arith.select %parallel_loop3A_503, %parallel_loop3A_504, %parallel_loop3A_502 : vector<16xi1>, vector<16xf32>
      %parallel_loop3A_506 = arith.constant 0 : i32
      %parallel_loop3A_507 = arith.addi %parallel_loop3A_496, %parallel_loop3A_506 : i32
      %parallel_loop3A_508 = arith.index_cast %parallel_loop3A_507 : i32 to index
      %parallel_loop3A_509 = tpu.vector_load %arg9[%parallel_loop3A_508] {strides = array<i32>} : memref<24576xf32, #tpu.memory_space<vmem>>, vector<16xf32>,
      %parallel_loop3A_510 = vector.shape_cast %parallel_loop3A_509 : vector<16xf32> to vector<16xf32>
      %parallel_loop3A_511 = vector.shape_cast %parallel_loop3A_505 : vector<16xf32> to vector<16xf32>
      tpu.vector_store %arg9[%parallel_loop3A_508], %parallel_loop3A_511 {strides = array<i32>} : memref<24576xf32, #tpu.memory_space<vmem>>, vector<16xf32>,
      %parallel_loop3A_512 = arith.constant 16 : i32
      %parallel_loop3A_513 = arith.addi %parallel_loop3A_496, %parallel_loop3A_512 : i32
      %parallel_loop3A_514 = arith.index_cast %parallel_loop3A_513 : i32 to index
      %parallel_loop3A_515 = tpu.vector_load %arg9[%parallel_loop3A_514] {strides = array<i32>} : memref<24576xf32, #tpu.memory_space<vmem>>, vector<16xf32>,
      %parallel_loop3A_516 = vector.shape_cast %parallel_loop3A_515 : vector<16xf32> to vector<16xf32>
      %parallel_loop3A_517 = arith.subf %parallel_loop3A_516, %select_n3A_363 : vector<16xf32>
      %parallel_loop3A_518 = arith.cmpf olt, %parallel_loop3A_517, %broadcast_in_dim3A_327 : vector<16xf32>
      %parallel_loop3A_519 = arith.addf %parallel_loop3A_517, %broadcast_in_dim3A_329 : vector<16xf32>
      %parallel_loop3A_520 = arith.select %parallel_loop3A_518, %parallel_loop3A_519, %parallel_loop3A_517 : vector<16xi1>, vector<16xf32>
      %parallel_loop3A_521 = arith.constant 16 : i32
      %parallel_loop3A_522 = arith.addi %parallel_loop3A_496, %parallel_loop3A_521 : i32
      %parallel_loop3A_523 = arith.index_cast %parallel_loop3A_522 : i32 to index
      %parallel_loop3A_524 = tpu.vector_load %arg9[%parallel_loop3A_523] {strides = array<i32>} : memref<24576xf32, #tpu.memory_space<vmem>>, vector<16xf32>,
      %parallel_loop3A_525 = vector.shape_cast %parallel_loop3A_524 : vector<16xf32> to vector<16xf32>
      %parallel_loop3A_526 = vector.shape_cast %parallel_loop3A_520 : vector<16xf32> to vector<16xf32>
      tpu.vector_store %arg9[%parallel_loop3A_523], %parallel_loop3A_526 {strides = array<i32>} : memref<24576xf32, #tpu.memory_space<vmem>>, vector<16xf32>,
      %parallel_loop3A_527 = arith.constant 32 : i32
      %parallel_loop3A_528 = arith.addi %parallel_loop3A_496, %parallel_loop3A_527 : i32
      %parallel_loop3A_529 = arith.index_cast %parallel_loop3A_528 : i32 to index
      %parallel_loop3A_530 = tpu.vector_load %arg9[%parallel_loop3A_529] {strides = array<i32>} : memref<24576xf32, #tpu.memory_space<vmem>>, vector<16xf32>,
      %parallel_loop3A_531 = vector.shape_cast %parallel_loop3A_530 : vector<16xf32> to vector<16xf32>
      %parallel_loop3A_532 = arith.subf %parallel_loop3A_531, %select_n3A_377 : vector<16xf32>
      %parallel_loop3A_533 = arith.cmpf olt, %parallel_loop3A_532, %broadcast_in_dim3A_327 : vector<16xf32>
      %parallel_loop3A_534 = arith.addf %parallel_loop3A_532, %broadcast_in_dim3A_329 : vector<16xf32>
      %parallel_loop3A_535 = arith.select %parallel_loop3A_533, %parallel_loop3A_534, %parallel_loop3A_532 : vector<16xi1>, vector<16xf32>
      %parallel_loop3A_536 = arith.constant 32 : i32
      %parallel_loop3A_537 = arith.addi %parallel_loop3A_496, %parallel_loop3A_536 : i32
      %parallel_loop3A_538 = arith.index_cast %parallel_loop3A_537 : i32 to index
      %parallel_loop3A_539 = tpu.vector_load %arg9[%parallel_loop3A_538] {strides = array<i32>} : memref<24576xf32, #tpu.memory_space<vmem>>, vector<16xf32>,
      %parallel_loop3A_540 = vector.shape_cast %parallel_loop3A_539 : vector<16xf32> to vector<16xf32>
      %parallel_loop3A_541 = vector.shape_cast %parallel_loop3A_535 : vector<16xf32> to vector<16xf32>
      tpu.vector_store %arg9[%parallel_loop3A_538], %parallel_loop3A_541 {strides = array<i32>} : memref<24576xf32, #tpu.memory_space<vmem>>, vector<16xf32>,
    } {sc.loop_unroll_factor = 8 : i64, sc.parallel_access}
    %add3A_422 = arith.constant 122880 : i32
    %add3A_423 = arith.addi %mul3A_382, %add3A_422 : i32
    "tpu.region"() ({
      %run_scoped3A = tpu.sem_alloc : memref<!tpu.dma_semaphore, #tpu.memory_space<semaphore_mem>>
      %dma_start3A = tpu.memref_slice %arg5[%add3A_423] : memref<12582912xf32, #tpu.memory_space<hbm>> -> memref<24576xf32, #tpu.memory_space<hbm>>
      %dma_start3A_494 = tpu.memref_slice %arg5[%add3A_423] : memref<12582912xf32, #tpu.memory_space<hbm>> -> memref<24576xf32, #tpu.memory_space<hbm>>
      tpu.enqueue_dma source(%arg9 : memref<24576xf32, #tpu.memory_space<vmem>>) target(%dma_start3A_494 : memref<24576xf32, #tpu.memory_space<hbm>>) target_semaphore(%run_scoped3A : memref<!tpu.dma_semaphore, #tpu.memory_space<semaphore_mem>>)
      %dma_wait3A = tpu.memref_slice %arg5[%add3A_423] : memref<12582912xf32, #tpu.memory_space<hbm>> -> memref<24576xf32, #tpu.memory_space<hbm>>
      %dma_wait3A_495 = tpu.memref_slice %arg5[%add3A_423] : memref<12582912xf32, #tpu.memory_space<hbm>> -> memref<24576xf32, #tpu.memory_space<hbm>>
      tpu.wait_dma2 semaphore(%run_scoped3A : memref<!tpu.dma_semaphore, #tpu.memory_space<semaphore_mem>>) src(%arg9 : memref<24576xf32, #tpu.memory_space<vmem>>) dst(%dma_wait3A_495 : memref<24576xf32, #tpu.memory_space<hbm>>)
      tpu.yield
    }) : () -> ()
    %add3A_424 = arith.constant 147456 : i32
    %add3A_425 = arith.addi %mul3A_382, %add3A_424 : i32
    "tpu.region"() ({
      %run_scoped3A = tpu.sem_alloc : memref<!tpu.dma_semaphore, #tpu.memory_space<semaphore_mem>>
      %dma_start3A = tpu.memref_slice %arg2[%add3A_425] : memref<12582912xf32, #tpu.memory_space<hbm>> -> memref<24576xf32, #tpu.memory_space<hbm>>
      %dma_start3A_494 = tpu.memref_slice %arg2[%add3A_425] : memref<12582912xf32, #tpu.memory_space<hbm>> -> memref<24576xf32, #tpu.memory_space<hbm>>
      tpu.enqueue_dma source(%dma_start3A_494 : memref<24576xf32, #tpu.memory_space<hbm>>) target(%arg8 : memref<24576xf32, #tpu.memory_space<vmem>>) target_semaphore(%run_scoped3A : memref<!tpu.dma_semaphore, #tpu.memory_space<semaphore_mem>>)
      %dma_wait3A = tpu.memref_slice %arg2[%add3A_425] : memref<12582912xf32, #tpu.memory_space<hbm>> -> memref<24576xf32, #tpu.memory_space<hbm>>
      %dma_wait3A_495 = tpu.memref_slice %arg2[%add3A_425] : memref<12582912xf32, #tpu.memory_space<hbm>> -> memref<24576xf32, #tpu.memory_space<hbm>>
      tpu.wait_dma2 semaphore(%run_scoped3A : memref<!tpu.dma_semaphore, #tpu.memory_space<semaphore_mem>>) src(%dma_wait3A_495 : memref<24576xf32, #tpu.memory_space<hbm>>) dst(%arg8 : memref<24576xf32, #tpu.memory_space<vmem>>)
      tpu.yield
    }) : () -> ()
    %parallel_loop3A_426 = arith.constant 0 : i32
    %parallel_loop3A_427 = arith.constant 512 : i32
    %parallel_loop3A_428 = arith.constant 1 : i32
    scf.for %parallel_loop3A_494 = %parallel_loop3A_426 to %parallel_loop3A_427 step %parallel_loop3A_428  : i32 {
      %parallel_loop3A_495 = arith.constant 48 : i32
      %parallel_loop3A_496 = arith.muli %parallel_loop3A_494, %parallel_loop3A_495 : i32
      %parallel_loop3A_497 = arith.constant 0 : i32
      %parallel_loop3A_498 = arith.addi %parallel_loop3A_496, %parallel_loop3A_497 : i32
      %parallel_loop3A_499 = arith.index_cast %parallel_loop3A_498 : i32 to index
      %parallel_loop3A_500 = tpu.vector_load %arg8[%parallel_loop3A_499] {strides = array<i32>} : memref<24576xf32, #tpu.memory_space<vmem>>, vector<16xf32>,
      %parallel_loop3A_501 = vector.shape_cast %parallel_loop3A_500 : vector<16xf32> to vector<16xf32>
      %parallel_loop3A_502 = arith.subf %parallel_loop3A_501, %select_n3A_349 : vector<16xf32>
      %parallel_loop3A_503 = arith.cmpf olt, %parallel_loop3A_502, %broadcast_in_dim3A_327 : vector<16xf32>
      %parallel_loop3A_504 = arith.addf %parallel_loop3A_502, %broadcast_in_dim3A_329 : vector<16xf32>
      %parallel_loop3A_505 = arith.select %parallel_loop3A_503, %parallel_loop3A_504, %parallel_loop3A_502 : vector<16xi1>, vector<16xf32>
      %parallel_loop3A_506 = arith.constant 0 : i32
      %parallel_loop3A_507 = arith.addi %parallel_loop3A_496, %parallel_loop3A_506 : i32
      %parallel_loop3A_508 = arith.index_cast %parallel_loop3A_507 : i32 to index
      %parallel_loop3A_509 = tpu.vector_load %arg8[%parallel_loop3A_508] {strides = array<i32>} : memref<24576xf32, #tpu.memory_space<vmem>>, vector<16xf32>,
      %parallel_loop3A_510 = vector.shape_cast %parallel_loop3A_509 : vector<16xf32> to vector<16xf32>
      %parallel_loop3A_511 = vector.shape_cast %parallel_loop3A_505 : vector<16xf32> to vector<16xf32>
      tpu.vector_store %arg8[%parallel_loop3A_508], %parallel_loop3A_511 {strides = array<i32>} : memref<24576xf32, #tpu.memory_space<vmem>>, vector<16xf32>,
      %parallel_loop3A_512 = arith.constant 16 : i32
      %parallel_loop3A_513 = arith.addi %parallel_loop3A_496, %parallel_loop3A_512 : i32
      %parallel_loop3A_514 = arith.index_cast %parallel_loop3A_513 : i32 to index
      %parallel_loop3A_515 = tpu.vector_load %arg8[%parallel_loop3A_514] {strides = array<i32>} : memref<24576xf32, #tpu.memory_space<vmem>>, vector<16xf32>,
      %parallel_loop3A_516 = vector.shape_cast %parallel_loop3A_515 : vector<16xf32> to vector<16xf32>
      %parallel_loop3A_517 = arith.subf %parallel_loop3A_516, %select_n3A_363 : vector<16xf32>
      %parallel_loop3A_518 = arith.cmpf olt, %parallel_loop3A_517, %broadcast_in_dim3A_327 : vector<16xf32>
      %parallel_loop3A_519 = arith.addf %parallel_loop3A_517, %broadcast_in_dim3A_329 : vector<16xf32>
      %parallel_loop3A_520 = arith.select %parallel_loop3A_518, %parallel_loop3A_519, %parallel_loop3A_517 : vector<16xi1>, vector<16xf32>
      %parallel_loop3A_521 = arith.constant 16 : i32
      %parallel_loop3A_522 = arith.addi %parallel_loop3A_496, %parallel_loop3A_521 : i32
      %parallel_loop3A_523 = arith.index_cast %parallel_loop3A_522 : i32 to index
      %parallel_loop3A_524 = tpu.vector_load %arg8[%parallel_loop3A_523] {strides = array<i32>} : memref<24576xf32, #tpu.memory_space<vmem>>, vector<16xf32>,
      %parallel_loop3A_525 = vector.shape_cast %parallel_loop3A_524 : vector<16xf32> to vector<16xf32>
      %parallel_loop3A_526 = vector.shape_cast %parallel_loop3A_520 : vector<16xf32> to vector<16xf32>
      tpu.vector_store %arg8[%parallel_loop3A_523], %parallel_loop3A_526 {strides = array<i32>} : memref<24576xf32, #tpu.memory_space<vmem>>, vector<16xf32>,
      %parallel_loop3A_527 = arith.constant 32 : i32
      %parallel_loop3A_528 = arith.addi %parallel_loop3A_496, %parallel_loop3A_527 : i32
      %parallel_loop3A_529 = arith.index_cast %parallel_loop3A_528 : i32 to index
      %parallel_loop3A_530 = tpu.vector_load %arg8[%parallel_loop3A_529] {strides = array<i32>} : memref<24576xf32, #tpu.memory_space<vmem>>, vector<16xf32>,
      %parallel_loop3A_531 = vector.shape_cast %parallel_loop3A_530 : vector<16xf32> to vector<16xf32>
      %parallel_loop3A_532 = arith.subf %parallel_loop3A_531, %select_n3A_377 : vector<16xf32>
      %parallel_loop3A_533 = arith.cmpf olt, %parallel_loop3A_532, %broadcast_in_dim3A_327 : vector<16xf32>
      %parallel_loop3A_534 = arith.addf %parallel_loop3A_532, %broadcast_in_dim3A_329 : vector<16xf32>
      %parallel_loop3A_535 = arith.select %parallel_loop3A_533, %parallel_loop3A_534, %parallel_loop3A_532 : vector<16xi1>, vector<16xf32>
      %parallel_loop3A_536 = arith.constant 32 : i32
      %parallel_loop3A_537 = arith.addi %parallel_loop3A_496, %parallel_loop3A_536 : i32
      %parallel_loop3A_538 = arith.index_cast %parallel_loop3A_537 : i32 to index
      %parallel_loop3A_539 = tpu.vector_load %arg8[%parallel_loop3A_538] {strides = array<i32>} : memref<24576xf32, #tpu.memory_space<vmem>>, vector<16xf32>,
      %parallel_loop3A_540 = vector.shape_cast %parallel_loop3A_539 : vector<16xf32> to vector<16xf32>
      %parallel_loop3A_541 = vector.shape_cast %parallel_loop3A_535 : vector<16xf32> to vector<16xf32>
      tpu.vector_store %arg8[%parallel_loop3A_538], %parallel_loop3A_541 {strides = array<i32>} : memref<24576xf32, #tpu.memory_space<vmem>>, vector<16xf32>,
    } {sc.loop_unroll_factor = 8 : i64, sc.parallel_access}
    %add3A_429 = arith.constant 147456 : i32
    %add3A_430 = arith.addi %mul3A_382, %add3A_429 : i32
    "tpu.region"() ({
      %run_scoped3A = tpu.sem_alloc : memref<!tpu.dma_semaphore, #tpu.memory_space<semaphore_mem>>
      %dma_start3A = tpu.memref_slice %arg5[%add3A_430] : memref<12582912xf32, #tpu.memory_space<hbm>> -> memref<24576xf32, #tpu.memory_space<hbm>>
      %dma_start3A_494 = tpu.memref_slice %arg5[%add3A_430] : memref<12582912xf32, #tpu.memory_space<hbm>> -> memref<24576xf32, #tpu.memory_space<hbm>>
      tpu.enqueue_dma source(%arg8 : memref<24576xf32, #tpu.memory_space<vmem>>) target(%dma_start3A_494 : memref<24576xf32, #tpu.memory_space<hbm>>) target_semaphore(%run_scoped3A : memref<!tpu.dma_semaphore, #tpu.memory_space<semaphore_mem>>)
      %dma_wait3A = tpu.memref_slice %arg5[%add3A_430] : memref<12582912xf32, #tpu.memory_space<hbm>> -> memref<24576xf32, #tpu.memory_space<hbm>>
      %dma_wait3A_495 = tpu.memref_slice %arg5[%add3A_430] : memref<12582912xf32, #tpu.memory_space<hbm>> -> memref<24576xf32, #tpu.memory_space<hbm>>
      tpu.wait_dma2 semaphore(%run_scoped3A : memref<!tpu.dma_semaphore, #tpu.memory_space<semaphore_mem>>) src(%arg8 : memref<24576xf32, #tpu.memory_space<vmem>>) dst(%dma_wait3A_495 : memref<24576xf32, #tpu.memory_space<hbm>>)
      tpu.yield
    }) : () -> ()
    %add3A_431 = arith.constant 172032 : i32
    %add3A_432 = arith.addi %mul3A_382, %add3A_431 : i32
    "tpu.region"() ({
      %run_scoped3A = tpu.sem_alloc : memref<!tpu.dma_semaphore, #tpu.memory_space<semaphore_mem>>
      %dma_start3A = tpu.memref_slice %arg2[%add3A_432] : memref<12582912xf32, #tpu.memory_space<hbm>> -> memref<24576xf32, #tpu.memory_space<hbm>>
      %dma_start3A_494 = tpu.memref_slice %arg2[%add3A_432] : memref<12582912xf32, #tpu.memory_space<hbm>> -> memref<24576xf32, #tpu.memory_space<hbm>>
      tpu.enqueue_dma source(%dma_start3A_494 : memref<24576xf32, #tpu.memory_space<hbm>>) target(%arg9 : memref<24576xf32, #tpu.memory_space<vmem>>) target_semaphore(%run_scoped3A : memref<!tpu.dma_semaphore, #tpu.memory_space<semaphore_mem>>)
      %dma_wait3A = tpu.memref_slice %arg2[%add3A_432] : memref<12582912xf32, #tpu.memory_space<hbm>> -> memref<24576xf32, #tpu.memory_space<hbm>>
      %dma_wait3A_495 = tpu.memref_slice %arg2[%add3A_432] : memref<12582912xf32, #tpu.memory_space<hbm>> -> memref<24576xf32, #tpu.memory_space<hbm>>
      tpu.wait_dma2 semaphore(%run_scoped3A : memref<!tpu.dma_semaphore, #tpu.memory_space<semaphore_mem>>) src(%dma_wait3A_495 : memref<24576xf32, #tpu.memory_space<hbm>>) dst(%arg9 : memref<24576xf32, #tpu.memory_space<vmem>>)
      tpu.yield
    }) : () -> ()
    %parallel_loop3A_433 = arith.constant 0 : i32
    %parallel_loop3A_434 = arith.constant 512 : i32
    %parallel_loop3A_435 = arith.constant 1 : i32
    scf.for %parallel_loop3A_494 = %parallel_loop3A_433 to %parallel_loop3A_434 step %parallel_loop3A_435  : i32 {
      %parallel_loop3A_495 = arith.constant 48 : i32
      %parallel_loop3A_496 = arith.muli %parallel_loop3A_494, %parallel_loop3A_495 : i32
      %parallel_loop3A_497 = arith.constant 0 : i32
      %parallel_loop3A_498 = arith.addi %parallel_loop3A_496, %parallel_loop3A_497 : i32
      %parallel_loop3A_499 = arith.index_cast %parallel_loop3A_498 : i32 to index
      %parallel_loop3A_500 = tpu.vector_load %arg9[%parallel_loop3A_499] {strides = array<i32>} : memref<24576xf32, #tpu.memory_space<vmem>>, vector<16xf32>,
      %parallel_loop3A_501 = vector.shape_cast %parallel_loop3A_500 : vector<16xf32> to vector<16xf32>
      %parallel_loop3A_502 = arith.subf %parallel_loop3A_501, %select_n3A_349 : vector<16xf32>
      %parallel_loop3A_503 = arith.cmpf olt, %parallel_loop3A_502, %broadcast_in_dim3A_327 : vector<16xf32>
      %parallel_loop3A_504 = arith.addf %parallel_loop3A_502, %broadcast_in_dim3A_329 : vector<16xf32>
      %parallel_loop3A_505 = arith.select %parallel_loop3A_503, %parallel_loop3A_504, %parallel_loop3A_502 : vector<16xi1>, vector<16xf32>
      %parallel_loop3A_506 = arith.constant 0 : i32
      %parallel_loop3A_507 = arith.addi %parallel_loop3A_496, %parallel_loop3A_506 : i32
      %parallel_loop3A_508 = arith.index_cast %parallel_loop3A_507 : i32 to index
      %parallel_loop3A_509 = tpu.vector_load %arg9[%parallel_loop3A_508] {strides = array<i32>} : memref<24576xf32, #tpu.memory_space<vmem>>, vector<16xf32>,
      %parallel_loop3A_510 = vector.shape_cast %parallel_loop3A_509 : vector<16xf32> to vector<16xf32>
      %parallel_loop3A_511 = vector.shape_cast %parallel_loop3A_505 : vector<16xf32> to vector<16xf32>
      tpu.vector_store %arg9[%parallel_loop3A_508], %parallel_loop3A_511 {strides = array<i32>} : memref<24576xf32, #tpu.memory_space<vmem>>, vector<16xf32>,
      %parallel_loop3A_512 = arith.constant 16 : i32
      %parallel_loop3A_513 = arith.addi %parallel_loop3A_496, %parallel_loop3A_512 : i32
      %parallel_loop3A_514 = arith.index_cast %parallel_loop3A_513 : i32 to index
      %parallel_loop3A_515 = tpu.vector_load %arg9[%parallel_loop3A_514] {strides = array<i32>} : memref<24576xf32, #tpu.memory_space<vmem>>, vector<16xf32>,
      %parallel_loop3A_516 = vector.shape_cast %parallel_loop3A_515 : vector<16xf32> to vector<16xf32>
      %parallel_loop3A_517 = arith.subf %parallel_loop3A_516, %select_n3A_363 : vector<16xf32>
      %parallel_loop3A_518 = arith.cmpf olt, %parallel_loop3A_517, %broadcast_in_dim3A_327 : vector<16xf32>
      %parallel_loop3A_519 = arith.addf %parallel_loop3A_517, %broadcast_in_dim3A_329 : vector<16xf32>
      %parallel_loop3A_520 = arith.select %parallel_loop3A_518, %parallel_loop3A_519, %parallel_loop3A_517 : vector<16xi1>, vector<16xf32>
      %parallel_loop3A_521 = arith.constant 16 : i32
      %parallel_loop3A_522 = arith.addi %parallel_loop3A_496, %parallel_loop3A_521 : i32
      %parallel_loop3A_523 = arith.index_cast %parallel_loop3A_522 : i32 to index
      %parallel_loop3A_524 = tpu.vector_load %arg9[%parallel_loop3A_523] {strides = array<i32>} : memref<24576xf32, #tpu.memory_space<vmem>>, vector<16xf32>,
      %parallel_loop3A_525 = vector.shape_cast %parallel_loop3A_524 : vector<16xf32> to vector<16xf32>
      %parallel_loop3A_526 = vector.shape_cast %parallel_loop3A_520 : vector<16xf32> to vector<16xf32>
      tpu.vector_store %arg9[%parallel_loop3A_523], %parallel_loop3A_526 {strides = array<i32>} : memref<24576xf32, #tpu.memory_space<vmem>>, vector<16xf32>,
      %parallel_loop3A_527 = arith.constant 32 : i32
      %parallel_loop3A_528 = arith.addi %parallel_loop3A_496, %parallel_loop3A_527 : i32
      %parallel_loop3A_529 = arith.index_cast %parallel_loop3A_528 : i32 to index
      %parallel_loop3A_530 = tpu.vector_load %arg9[%parallel_loop3A_529] {strides = array<i32>} : memref<24576xf32, #tpu.memory_space<vmem>>, vector<16xf32>,
      %parallel_loop3A_531 = vector.shape_cast %parallel_loop3A_530 : vector<16xf32> to vector<16xf32>
      %parallel_loop3A_532 = arith.subf %parallel_loop3A_531, %select_n3A_377 : vector<16xf32>
      %parallel_loop3A_533 = arith.cmpf olt, %parallel_loop3A_532, %broadcast_in_dim3A_327 : vector<16xf32>
      %parallel_loop3A_534 = arith.addf %parallel_loop3A_532, %broadcast_in_dim3A_329 : vector<16xf32>
      %parallel_loop3A_535 = arith.select %parallel_loop3A_533, %parallel_loop3A_534, %parallel_loop3A_532 : vector<16xi1>, vector<16xf32>
      %parallel_loop3A_536 = arith.constant 32 : i32
      %parallel_loop3A_537 = arith.addi %parallel_loop3A_496, %parallel_loop3A_536 : i32
      %parallel_loop3A_538 = arith.index_cast %parallel_loop3A_537 : i32 to index
      %parallel_loop3A_539 = tpu.vector_load %arg9[%parallel_loop3A_538] {strides = array<i32>} : memref<24576xf32, #tpu.memory_space<vmem>>, vector<16xf32>,
      %parallel_loop3A_540 = vector.shape_cast %parallel_loop3A_539 : vector<16xf32> to vector<16xf32>
      %parallel_loop3A_541 = vector.shape_cast %parallel_loop3A_535 : vector<16xf32> to vector<16xf32>
      tpu.vector_store %arg9[%parallel_loop3A_538], %parallel_loop3A_541 {strides = array<i32>} : memref<24576xf32, #tpu.memory_space<vmem>>, vector<16xf32>,
    } {sc.loop_unroll_factor = 8 : i64, sc.parallel_access}
    %add3A_436 = arith.constant 172032 : i32
    %add3A_437 = arith.addi %mul3A_382, %add3A_436 : i32
    "tpu.region"() ({
      %run_scoped3A = tpu.sem_alloc : memref<!tpu.dma_semaphore, #tpu.memory_space<semaphore_mem>>
      %dma_start3A = tpu.memref_slice %arg5[%add3A_437] : memref<12582912xf32, #tpu.memory_space<hbm>> -> memref<24576xf32, #tpu.memory_space<hbm>>
      %dma_start3A_494 = tpu.memref_slice %arg5[%add3A_437] : memref<12582912xf32, #tpu.memory_space<hbm>> -> memref<24576xf32, #tpu.memory_space<hbm>>
      tpu.enqueue_dma source(%arg9 : memref<24576xf32, #tpu.memory_space<vmem>>) target(%dma_start3A_494 : memref<24576xf32, #tpu.memory_space<hbm>>) target_semaphore(%run_scoped3A : memref<!tpu.dma_semaphore, #tpu.memory_space<semaphore_mem>>)
      %dma_wait3A = tpu.memref_slice %arg5[%add3A_437] : memref<12582912xf32, #tpu.memory_space<hbm>> -> memref<24576xf32, #tpu.memory_space<hbm>>
      %dma_wait3A_495 = tpu.memref_slice %arg5[%add3A_437] : memref<12582912xf32, #tpu.memory_space<hbm>> -> memref<24576xf32, #tpu.memory_space<hbm>>
      tpu.wait_dma2 semaphore(%run_scoped3A : memref<!tpu.dma_semaphore, #tpu.memory_space<semaphore_mem>>) src(%arg9 : memref<24576xf32, #tpu.memory_space<vmem>>) dst(%dma_wait3A_495 : memref<24576xf32, #tpu.memory_space<hbm>>)
      tpu.yield
    }) : () -> ()
    %add3A_438 = arith.constant 196608 : i32
    %add3A_439 = arith.addi %mul3A_382, %add3A_438 : i32
    "tpu.region"() ({
      %run_scoped3A = tpu.sem_alloc : memref<!tpu.dma_semaphore, #tpu.memory_space<semaphore_mem>>
      %dma_start3A = tpu.memref_slice %arg2[%add3A_439] : memref<12582912xf32, #tpu.memory_space<hbm>> -> memref<24576xf32, #tpu.memory_space<hbm>>
      %dma_start3A_494 = tpu.memref_slice %arg2[%add3A_439] : memref<12582912xf32, #tpu.memory_space<hbm>> -> memref<24576xf32, #tpu.memory_space<hbm>>
      tpu.enqueue_dma source(%dma_start3A_494 : memref<24576xf32, #tpu.memory_space<hbm>>) target(%arg8 : memref<24576xf32, #tpu.memory_space<vmem>>) target_semaphore(%run_scoped3A : memref<!tpu.dma_semaphore, #tpu.memory_space<semaphore_mem>>)
      %dma_wait3A = tpu.memref_slice %arg2[%add3A_439] : memref<12582912xf32, #tpu.memory_space<hbm>> -> memref<24576xf32, #tpu.memory_space<hbm>>
      %dma_wait3A_495 = tpu.memref_slice %arg2[%add3A_439] : memref<12582912xf32, #tpu.memory_space<hbm>> -> memref<24576xf32, #tpu.memory_space<hbm>>
      tpu.wait_dma2 semaphore(%run_scoped3A : memref<!tpu.dma_semaphore, #tpu.memory_space<semaphore_mem>>) src(%dma_wait3A_495 : memref<24576xf32, #tpu.memory_space<hbm>>) dst(%arg8 : memref<24576xf32, #tpu.memory_space<vmem>>)
      tpu.yield
    }) : () -> ()
    %parallel_loop3A_440 = arith.constant 0 : i32
    %parallel_loop3A_441 = arith.constant 512 : i32
    %parallel_loop3A_442 = arith.constant 1 : i32
    scf.for %parallel_loop3A_494 = %parallel_loop3A_440 to %parallel_loop3A_441 step %parallel_loop3A_442  : i32 {
      %parallel_loop3A_495 = arith.constant 48 : i32
      %parallel_loop3A_496 = arith.muli %parallel_loop3A_494, %parallel_loop3A_495 : i32
      %parallel_loop3A_497 = arith.constant 0 : i32
      %parallel_loop3A_498 = arith.addi %parallel_loop3A_496, %parallel_loop3A_497 : i32
      %parallel_loop3A_499 = arith.index_cast %parallel_loop3A_498 : i32 to index
      %parallel_loop3A_500 = tpu.vector_load %arg8[%parallel_loop3A_499] {strides = array<i32>} : memref<24576xf32, #tpu.memory_space<vmem>>, vector<16xf32>,
      %parallel_loop3A_501 = vector.shape_cast %parallel_loop3A_500 : vector<16xf32> to vector<16xf32>
      %parallel_loop3A_502 = arith.subf %parallel_loop3A_501, %select_n3A_349 : vector<16xf32>
      %parallel_loop3A_503 = arith.cmpf olt, %parallel_loop3A_502, %broadcast_in_dim3A_327 : vector<16xf32>
      %parallel_loop3A_504 = arith.addf %parallel_loop3A_502, %broadcast_in_dim3A_329 : vector<16xf32>
      %parallel_loop3A_505 = arith.select %parallel_loop3A_503, %parallel_loop3A_504, %parallel_loop3A_502 : vector<16xi1>, vector<16xf32>
      %parallel_loop3A_506 = arith.constant 0 : i32
      %parallel_loop3A_507 = arith.addi %parallel_loop3A_496, %parallel_loop3A_506 : i32
      %parallel_loop3A_508 = arith.index_cast %parallel_loop3A_507 : i32 to index
      %parallel_loop3A_509 = tpu.vector_load %arg8[%parallel_loop3A_508] {strides = array<i32>} : memref<24576xf32, #tpu.memory_space<vmem>>, vector<16xf32>,
      %parallel_loop3A_510 = vector.shape_cast %parallel_loop3A_509 : vector<16xf32> to vector<16xf32>
      %parallel_loop3A_511 = vector.shape_cast %parallel_loop3A_505 : vector<16xf32> to vector<16xf32>
      tpu.vector_store %arg8[%parallel_loop3A_508], %parallel_loop3A_511 {strides = array<i32>} : memref<24576xf32, #tpu.memory_space<vmem>>, vector<16xf32>,
      %parallel_loop3A_512 = arith.constant 16 : i32
      %parallel_loop3A_513 = arith.addi %parallel_loop3A_496, %parallel_loop3A_512 : i32
      %parallel_loop3A_514 = arith.index_cast %parallel_loop3A_513 : i32 to index
      %parallel_loop3A_515 = tpu.vector_load %arg8[%parallel_loop3A_514] {strides = array<i32>} : memref<24576xf32, #tpu.memory_space<vmem>>, vector<16xf32>,
      %parallel_loop3A_516 = vector.shape_cast %parallel_loop3A_515 : vector<16xf32> to vector<16xf32>
      %parallel_loop3A_517 = arith.subf %parallel_loop3A_516, %select_n3A_363 : vector<16xf32>
      %parallel_loop3A_518 = arith.cmpf olt, %parallel_loop3A_517, %broadcast_in_dim3A_327 : vector<16xf32>
      %parallel_loop3A_519 = arith.addf %parallel_loop3A_517, %broadcast_in_dim3A_329 : vector<16xf32>
      %parallel_loop3A_520 = arith.select %parallel_loop3A_518, %parallel_loop3A_519, %parallel_loop3A_517 : vector<16xi1>, vector<16xf32>
      %parallel_loop3A_521 = arith.constant 16 : i32
      %parallel_loop3A_522 = arith.addi %parallel_loop3A_496, %parallel_loop3A_521 : i32
      %parallel_loop3A_523 = arith.index_cast %parallel_loop3A_522 : i32 to index
      %parallel_loop3A_524 = tpu.vector_load %arg8[%parallel_loop3A_523] {strides = array<i32>} : memref<24576xf32, #tpu.memory_space<vmem>>, vector<16xf32>,
      %parallel_loop3A_525 = vector.shape_cast %parallel_loop3A_524 : vector<16xf32> to vector<16xf32>
      %parallel_loop3A_526 = vector.shape_cast %parallel_loop3A_520 : vector<16xf32> to vector<16xf32>
      tpu.vector_store %arg8[%parallel_loop3A_523], %parallel_loop3A_526 {strides = array<i32>} : memref<24576xf32, #tpu.memory_space<vmem>>, vector<16xf32>,
      %parallel_loop3A_527 = arith.constant 32 : i32
      %parallel_loop3A_528 = arith.addi %parallel_loop3A_496, %parallel_loop3A_527 : i32
      %parallel_loop3A_529 = arith.index_cast %parallel_loop3A_528 : i32 to index
      %parallel_loop3A_530 = tpu.vector_load %arg8[%parallel_loop3A_529] {strides = array<i32>} : memref<24576xf32, #tpu.memory_space<vmem>>, vector<16xf32>,
      %parallel_loop3A_531 = vector.shape_cast %parallel_loop3A_530 : vector<16xf32> to vector<16xf32>
      %parallel_loop3A_532 = arith.subf %parallel_loop3A_531, %select_n3A_377 : vector<16xf32>
      %parallel_loop3A_533 = arith.cmpf olt, %parallel_loop3A_532, %broadcast_in_dim3A_327 : vector<16xf32>
      %parallel_loop3A_534 = arith.addf %parallel_loop3A_532, %broadcast_in_dim3A_329 : vector<16xf32>
      %parallel_loop3A_535 = arith.select %parallel_loop3A_533, %parallel_loop3A_534, %parallel_loop3A_532 : vector<16xi1>, vector<16xf32>
      %parallel_loop3A_536 = arith.constant 32 : i32
      %parallel_loop3A_537 = arith.addi %parallel_loop3A_496, %parallel_loop3A_536 : i32
      %parallel_loop3A_538 = arith.index_cast %parallel_loop3A_537 : i32 to index
      %parallel_loop3A_539 = tpu.vector_load %arg8[%parallel_loop3A_538] {strides = array<i32>} : memref<24576xf32, #tpu.memory_space<vmem>>, vector<16xf32>,
      %parallel_loop3A_540 = vector.shape_cast %parallel_loop3A_539 : vector<16xf32> to vector<16xf32>
      %parallel_loop3A_541 = vector.shape_cast %parallel_loop3A_535 : vector<16xf32> to vector<16xf32>
      tpu.vector_store %arg8[%parallel_loop3A_538], %parallel_loop3A_541 {strides = array<i32>} : memref<24576xf32, #tpu.memory_space<vmem>>, vector<16xf32>,
    } {sc.loop_unroll_factor = 8 : i64, sc.parallel_access}
    %add3A_443 = arith.constant 196608 : i32
    %add3A_444 = arith.addi %mul3A_382, %add3A_443 : i32
    "tpu.region"() ({
      %run_scoped3A = tpu.sem_alloc : memref<!tpu.dma_semaphore, #tpu.memory_space<semaphore_mem>>
      %dma_start3A = tpu.memref_slice %arg5[%add3A_444] : memref<12582912xf32, #tpu.memory_space<hbm>> -> memref<24576xf32, #tpu.memory_space<hbm>>
      %dma_start3A_494 = tpu.memref_slice %arg5[%add3A_444] : memref<12582912xf32, #tpu.memory_space<hbm>> -> memref<24576xf32, #tpu.memory_space<hbm>>
      tpu.enqueue_dma source(%arg8 : memref<24576xf32, #tpu.memory_space<vmem>>) target(%dma_start3A_494 : memref<24576xf32, #tpu.memory_space<hbm>>) target_semaphore(%run_scoped3A : memref<!tpu.dma_semaphore, #tpu.memory_space<semaphore_mem>>)
      %dma_wait3A = tpu.memref_slice %arg5[%add3A_444] : memref<12582912xf32, #tpu.memory_space<hbm>> -> memref<24576xf32, #tpu.memory_space<hbm>>
      %dma_wait3A_495 = tpu.memref_slice %arg5[%add3A_444] : memref<12582912xf32, #tpu.memory_space<hbm>> -> memref<24576xf32, #tpu.memory_space<hbm>>
      tpu.wait_dma2 semaphore(%run_scoped3A : memref<!tpu.dma_semaphore, #tpu.memory_space<semaphore_mem>>) src(%arg8 : memref<24576xf32, #tpu.memory_space<vmem>>) dst(%dma_wait3A_495 : memref<24576xf32, #tpu.memory_space<hbm>>)
      tpu.yield
    }) : () -> ()
    %add3A_445 = arith.constant 221184 : i32
    %add3A_446 = arith.addi %mul3A_382, %add3A_445 : i32
    "tpu.region"() ({
      %run_scoped3A = tpu.sem_alloc : memref<!tpu.dma_semaphore, #tpu.memory_space<semaphore_mem>>
      %dma_start3A = tpu.memref_slice %arg2[%add3A_446] : memref<12582912xf32, #tpu.memory_space<hbm>> -> memref<24576xf32, #tpu.memory_space<hbm>>
      %dma_start3A_494 = tpu.memref_slice %arg2[%add3A_446] : memref<12582912xf32, #tpu.memory_space<hbm>> -> memref<24576xf32, #tpu.memory_space<hbm>>
      tpu.enqueue_dma source(%dma_start3A_494 : memref<24576xf32, #tpu.memory_space<hbm>>) target(%arg9 : memref<24576xf32, #tpu.memory_space<vmem>>) target_semaphore(%run_scoped3A : memref<!tpu.dma_semaphore, #tpu.memory_space<semaphore_mem>>)
      %dma_wait3A = tpu.memref_slice %arg2[%add3A_446] : memref<12582912xf32, #tpu.memory_space<hbm>> -> memref<24576xf32, #tpu.memory_space<hbm>>
      %dma_wait3A_495 = tpu.memref_slice %arg2[%add3A_446] : memref<12582912xf32, #tpu.memory_space<hbm>> -> memref<24576xf32, #tpu.memory_space<hbm>>
      tpu.wait_dma2 semaphore(%run_scoped3A : memref<!tpu.dma_semaphore, #tpu.memory_space<semaphore_mem>>) src(%dma_wait3A_495 : memref<24576xf32, #tpu.memory_space<hbm>>) dst(%arg9 : memref<24576xf32, #tpu.memory_space<vmem>>)
      tpu.yield
    }) : () -> ()
    %parallel_loop3A_447 = arith.constant 0 : i32
    %parallel_loop3A_448 = arith.constant 512 : i32
    %parallel_loop3A_449 = arith.constant 1 : i32
    scf.for %parallel_loop3A_494 = %parallel_loop3A_447 to %parallel_loop3A_448 step %parallel_loop3A_449  : i32 {
      %parallel_loop3A_495 = arith.constant 48 : i32
      %parallel_loop3A_496 = arith.muli %parallel_loop3A_494, %parallel_loop3A_495 : i32
      %parallel_loop3A_497 = arith.constant 0 : i32
      %parallel_loop3A_498 = arith.addi %parallel_loop3A_496, %parallel_loop3A_497 : i32
      %parallel_loop3A_499 = arith.index_cast %parallel_loop3A_498 : i32 to index
      %parallel_loop3A_500 = tpu.vector_load %arg9[%parallel_loop3A_499] {strides = array<i32>} : memref<24576xf32, #tpu.memory_space<vmem>>, vector<16xf32>,
      %parallel_loop3A_501 = vector.shape_cast %parallel_loop3A_500 : vector<16xf32> to vector<16xf32>
      %parallel_loop3A_502 = arith.subf %parallel_loop3A_501, %select_n3A_349 : vector<16xf32>
      %parallel_loop3A_503 = arith.cmpf olt, %parallel_loop3A_502, %broadcast_in_dim3A_327 : vector<16xf32>
      %parallel_loop3A_504 = arith.addf %parallel_loop3A_502, %broadcast_in_dim3A_329 : vector<16xf32>
      %parallel_loop3A_505 = arith.select %parallel_loop3A_503, %parallel_loop3A_504, %parallel_loop3A_502 : vector<16xi1>, vector<16xf32>
      %parallel_loop3A_506 = arith.constant 0 : i32
      %parallel_loop3A_507 = arith.addi %parallel_loop3A_496, %parallel_loop3A_506 : i32
      %parallel_loop3A_508 = arith.index_cast %parallel_loop3A_507 : i32 to index
      %parallel_loop3A_509 = tpu.vector_load %arg9[%parallel_loop3A_508] {strides = array<i32>} : memref<24576xf32, #tpu.memory_space<vmem>>, vector<16xf32>,
      %parallel_loop3A_510 = vector.shape_cast %parallel_loop3A_509 : vector<16xf32> to vector<16xf32>
      %parallel_loop3A_511 = vector.shape_cast %parallel_loop3A_505 : vector<16xf32> to vector<16xf32>
      tpu.vector_store %arg9[%parallel_loop3A_508], %parallel_loop3A_511 {strides = array<i32>} : memref<24576xf32, #tpu.memory_space<vmem>>, vector<16xf32>,
      %parallel_loop3A_512 = arith.constant 16 : i32
      %parallel_loop3A_513 = arith.addi %parallel_loop3A_496, %parallel_loop3A_512 : i32
      %parallel_loop3A_514 = arith.index_cast %parallel_loop3A_513 : i32 to index
      %parallel_loop3A_515 = tpu.vector_load %arg9[%parallel_loop3A_514] {strides = array<i32>} : memref<24576xf32, #tpu.memory_space<vmem>>, vector<16xf32>,
      %parallel_loop3A_516 = vector.shape_cast %parallel_loop3A_515 : vector<16xf32> to vector<16xf32>
      %parallel_loop3A_517 = arith.subf %parallel_loop3A_516, %select_n3A_363 : vector<16xf32>
      %parallel_loop3A_518 = arith.cmpf olt, %parallel_loop3A_517, %broadcast_in_dim3A_327 : vector<16xf32>
      %parallel_loop3A_519 = arith.addf %parallel_loop3A_517, %broadcast_in_dim3A_329 : vector<16xf32>
      %parallel_loop3A_520 = arith.select %parallel_loop3A_518, %parallel_loop3A_519, %parallel_loop3A_517 : vector<16xi1>, vector<16xf32>
      %parallel_loop3A_521 = arith.constant 16 : i32
      %parallel_loop3A_522 = arith.addi %parallel_loop3A_496, %parallel_loop3A_521 : i32
      %parallel_loop3A_523 = arith.index_cast %parallel_loop3A_522 : i32 to index
      %parallel_loop3A_524 = tpu.vector_load %arg9[%parallel_loop3A_523] {strides = array<i32>} : memref<24576xf32, #tpu.memory_space<vmem>>, vector<16xf32>,
      %parallel_loop3A_525 = vector.shape_cast %parallel_loop3A_524 : vector<16xf32> to vector<16xf32>
      %parallel_loop3A_526 = vector.shape_cast %parallel_loop3A_520 : vector<16xf32> to vector<16xf32>
      tpu.vector_store %arg9[%parallel_loop3A_523], %parallel_loop3A_526 {strides = array<i32>} : memref<24576xf32, #tpu.memory_space<vmem>>, vector<16xf32>,
      %parallel_loop3A_527 = arith.constant 32 : i32
      %parallel_loop3A_528 = arith.addi %parallel_loop3A_496, %parallel_loop3A_527 : i32
      %parallel_loop3A_529 = arith.index_cast %parallel_loop3A_528 : i32 to index
      %parallel_loop3A_530 = tpu.vector_load %arg9[%parallel_loop3A_529] {strides = array<i32>} : memref<24576xf32, #tpu.memory_space<vmem>>, vector<16xf32>,
      %parallel_loop3A_531 = vector.shape_cast %parallel_loop3A_530 : vector<16xf32> to vector<16xf32>
      %parallel_loop3A_532 = arith.subf %parallel_loop3A_531, %select_n3A_377 : vector<16xf32>
      %parallel_loop3A_533 = arith.cmpf olt, %parallel_loop3A_532, %broadcast_in_dim3A_327 : vector<16xf32>
      %parallel_loop3A_534 = arith.addf %parallel_loop3A_532, %broadcast_in_dim3A_329 : vector<16xf32>
      %parallel_loop3A_535 = arith.select %parallel_loop3A_533, %parallel_loop3A_534, %parallel_loop3A_532 : vector<16xi1>, vector<16xf32>
      %parallel_loop3A_536 = arith.constant 32 : i32
      %parallel_loop3A_537 = arith.addi %parallel_loop3A_496, %parallel_loop3A_536 : i32
      %parallel_loop3A_538 = arith.index_cast %parallel_loop3A_537 : i32 to index
      %parallel_loop3A_539 = tpu.vector_load %arg9[%parallel_loop3A_538] {strides = array<i32>} : memref<24576xf32, #tpu.memory_space<vmem>>, vector<16xf32>,
      %parallel_loop3A_540 = vector.shape_cast %parallel_loop3A_539 : vector<16xf32> to vector<16xf32>
      %parallel_loop3A_541 = vector.shape_cast %parallel_loop3A_535 : vector<16xf32> to vector<16xf32>
      tpu.vector_store %arg9[%parallel_loop3A_538], %parallel_loop3A_541 {strides = array<i32>} : memref<24576xf32, #tpu.memory_space<vmem>>, vector<16xf32>,
    } {sc.loop_unroll_factor = 8 : i64, sc.parallel_access}
    %add3A_450 = arith.constant 221184 : i32
    %add3A_451 = arith.addi %mul3A_382, %add3A_450 : i32
    "tpu.region"() ({
      %run_scoped3A = tpu.sem_alloc : memref<!tpu.dma_semaphore, #tpu.memory_space<semaphore_mem>>
      %dma_start3A = tpu.memref_slice %arg5[%add3A_451] : memref<12582912xf32, #tpu.memory_space<hbm>> -> memref<24576xf32, #tpu.memory_space<hbm>>
      %dma_start3A_494 = tpu.memref_slice %arg5[%add3A_451] : memref<12582912xf32, #tpu.memory_space<hbm>> -> memref<24576xf32, #tpu.memory_space<hbm>>
      tpu.enqueue_dma source(%arg9 : memref<24576xf32, #tpu.memory_space<vmem>>) target(%dma_start3A_494 : memref<24576xf32, #tpu.memory_space<hbm>>) target_semaphore(%run_scoped3A : memref<!tpu.dma_semaphore, #tpu.memory_space<semaphore_mem>>)
      %dma_wait3A = tpu.memref_slice %arg5[%add3A_451] : memref<12582912xf32, #tpu.memory_space<hbm>> -> memref<24576xf32, #tpu.memory_space<hbm>>
      %dma_wait3A_495 = tpu.memref_slice %arg5[%add3A_451] : memref<12582912xf32, #tpu.memory_space<hbm>> -> memref<24576xf32, #tpu.memory_space<hbm>>
      tpu.wait_dma2 semaphore(%run_scoped3A : memref<!tpu.dma_semaphore, #tpu.memory_space<semaphore_mem>>) src(%arg9 : memref<24576xf32, #tpu.memory_space<vmem>>) dst(%dma_wait3A_495 : memref<24576xf32, #tpu.memory_space<hbm>>)
      tpu.yield
    }) : () -> ()
    %add3A_452 = arith.constant 245760 : i32
    %add3A_453 = arith.addi %mul3A_382, %add3A_452 : i32
    "tpu.region"() ({
      %run_scoped3A = tpu.sem_alloc : memref<!tpu.dma_semaphore, #tpu.memory_space<semaphore_mem>>
      %dma_start3A = tpu.memref_slice %arg2[%add3A_453] : memref<12582912xf32, #tpu.memory_space<hbm>> -> memref<24576xf32, #tpu.memory_space<hbm>>
      %dma_start3A_494 = tpu.memref_slice %arg2[%add3A_453] : memref<12582912xf32, #tpu.memory_space<hbm>> -> memref<24576xf32, #tpu.memory_space<hbm>>
      tpu.enqueue_dma source(%dma_start3A_494 : memref<24576xf32, #tpu.memory_space<hbm>>) target(%arg8 : memref<24576xf32, #tpu.memory_space<vmem>>) target_semaphore(%run_scoped3A : memref<!tpu.dma_semaphore, #tpu.memory_space<semaphore_mem>>)
      %dma_wait3A = tpu.memref_slice %arg2[%add3A_453] : memref<12582912xf32, #tpu.memory_space<hbm>> -> memref<24576xf32, #tpu.memory_space<hbm>>
      %dma_wait3A_495 = tpu.memref_slice %arg2[%add3A_453] : memref<12582912xf32, #tpu.memory_space<hbm>> -> memref<24576xf32, #tpu.memory_space<hbm>>
      tpu.wait_dma2 semaphore(%run_scoped3A : memref<!tpu.dma_semaphore, #tpu.memory_space<semaphore_mem>>) src(%dma_wait3A_495 : memref<24576xf32, #tpu.memory_space<hbm>>) dst(%arg8 : memref<24576xf32, #tpu.memory_space<vmem>>)
      tpu.yield
    }) : () -> ()
    %parallel_loop3A_454 = arith.constant 0 : i32
    %parallel_loop3A_455 = arith.constant 512 : i32
    %parallel_loop3A_456 = arith.constant 1 : i32
    scf.for %parallel_loop3A_494 = %parallel_loop3A_454 to %parallel_loop3A_455 step %parallel_loop3A_456  : i32 {
      %parallel_loop3A_495 = arith.constant 48 : i32
      %parallel_loop3A_496 = arith.muli %parallel_loop3A_494, %parallel_loop3A_495 : i32
      %parallel_loop3A_497 = arith.constant 0 : i32
      %parallel_loop3A_498 = arith.addi %parallel_loop3A_496, %parallel_loop3A_497 : i32
      %parallel_loop3A_499 = arith.index_cast %parallel_loop3A_498 : i32 to index
      %parallel_loop3A_500 = tpu.vector_load %arg8[%parallel_loop3A_499] {strides = array<i32>} : memref<24576xf32, #tpu.memory_space<vmem>>, vector<16xf32>,
      %parallel_loop3A_501 = vector.shape_cast %parallel_loop3A_500 : vector<16xf32> to vector<16xf32>
      %parallel_loop3A_502 = arith.subf %parallel_loop3A_501, %select_n3A_349 : vector<16xf32>
      %parallel_loop3A_503 = arith.cmpf olt, %parallel_loop3A_502, %broadcast_in_dim3A_327 : vector<16xf32>
      %parallel_loop3A_504 = arith.addf %parallel_loop3A_502, %broadcast_in_dim3A_329 : vector<16xf32>
      %parallel_loop3A_505 = arith.select %parallel_loop3A_503, %parallel_loop3A_504, %parallel_loop3A_502 : vector<16xi1>, vector<16xf32>
      %parallel_loop3A_506 = arith.constant 0 : i32
      %parallel_loop3A_507 = arith.addi %parallel_loop3A_496, %parallel_loop3A_506 : i32
      %parallel_loop3A_508 = arith.index_cast %parallel_loop3A_507 : i32 to index
      %parallel_loop3A_509 = tpu.vector_load %arg8[%parallel_loop3A_508] {strides = array<i32>} : memref<24576xf32, #tpu.memory_space<vmem>>, vector<16xf32>,
      %parallel_loop3A_510 = vector.shape_cast %parallel_loop3A_509 : vector<16xf32> to vector<16xf32>
      %parallel_loop3A_511 = vector.shape_cast %parallel_loop3A_505 : vector<16xf32> to vector<16xf32>
      tpu.vector_store %arg8[%parallel_loop3A_508], %parallel_loop3A_511 {strides = array<i32>} : memref<24576xf32, #tpu.memory_space<vmem>>, vector<16xf32>,
      %parallel_loop3A_512 = arith.constant 16 : i32
      %parallel_loop3A_513 = arith.addi %parallel_loop3A_496, %parallel_loop3A_512 : i32
      %parallel_loop3A_514 = arith.index_cast %parallel_loop3A_513 : i32 to index
      %parallel_loop3A_515 = tpu.vector_load %arg8[%parallel_loop3A_514] {strides = array<i32>} : memref<24576xf32, #tpu.memory_space<vmem>>, vector<16xf32>,
      %parallel_loop3A_516 = vector.shape_cast %parallel_loop3A_515 : vector<16xf32> to vector<16xf32>
      %parallel_loop3A_517 = arith.subf %parallel_loop3A_516, %select_n3A_363 : vector<16xf32>
      %parallel_loop3A_518 = arith.cmpf olt, %parallel_loop3A_517, %broadcast_in_dim3A_327 : vector<16xf32>
      %parallel_loop3A_519 = arith.addf %parallel_loop3A_517, %broadcast_in_dim3A_329 : vector<16xf32>
      %parallel_loop3A_520 = arith.select %parallel_loop3A_518, %parallel_loop3A_519, %parallel_loop3A_517 : vector<16xi1>, vector<16xf32>
      %parallel_loop3A_521 = arith.constant 16 : i32
      %parallel_loop3A_522 = arith.addi %parallel_loop3A_496, %parallel_loop3A_521 : i32
      %parallel_loop3A_523 = arith.index_cast %parallel_loop3A_522 : i32 to index
      %parallel_loop3A_524 = tpu.vector_load %arg8[%parallel_loop3A_523] {strides = array<i32>} : memref<24576xf32, #tpu.memory_space<vmem>>, vector<16xf32>,
      %parallel_loop3A_525 = vector.shape_cast %parallel_loop3A_524 : vector<16xf32> to vector<16xf32>
      %parallel_loop3A_526 = vector.shape_cast %parallel_loop3A_520 : vector<16xf32> to vector<16xf32>
      tpu.vector_store %arg8[%parallel_loop3A_523], %parallel_loop3A_526 {strides = array<i32>} : memref<24576xf32, #tpu.memory_space<vmem>>, vector<16xf32>,
      %parallel_loop3A_527 = arith.constant 32 : i32
      %parallel_loop3A_528 = arith.addi %parallel_loop3A_496, %parallel_loop3A_527 : i32
      %parallel_loop3A_529 = arith.index_cast %parallel_loop3A_528 : i32 to index
      %parallel_loop3A_530 = tpu.vector_load %arg8[%parallel_loop3A_529] {strides = array<i32>} : memref<24576xf32, #tpu.memory_space<vmem>>, vector<16xf32>,
      %parallel_loop3A_531 = vector.shape_cast %parallel_loop3A_530 : vector<16xf32> to vector<16xf32>
      %parallel_loop3A_532 = arith.subf %parallel_loop3A_531, %select_n3A_377 : vector<16xf32>
      %parallel_loop3A_533 = arith.cmpf olt, %parallel_loop3A_532, %broadcast_in_dim3A_327 : vector<16xf32>
      %parallel_loop3A_534 = arith.addf %parallel_loop3A_532, %broadcast_in_dim3A_329 : vector<16xf32>
      %parallel_loop3A_535 = arith.select %parallel_loop3A_533, %parallel_loop3A_534, %parallel_loop3A_532 : vector<16xi1>, vector<16xf32>
      %parallel_loop3A_536 = arith.constant 32 : i32
      %parallel_loop3A_537 = arith.addi %parallel_loop3A_496, %parallel_loop3A_536 : i32
      %parallel_loop3A_538 = arith.index_cast %parallel_loop3A_537 : i32 to index
      %parallel_loop3A_539 = tpu.vector_load %arg8[%parallel_loop3A_538] {strides = array<i32>} : memref<24576xf32, #tpu.memory_space<vmem>>, vector<16xf32>,
      %parallel_loop3A_540 = vector.shape_cast %parallel_loop3A_539 : vector<16xf32> to vector<16xf32>
      %parallel_loop3A_541 = vector.shape_cast %parallel_loop3A_535 : vector<16xf32> to vector<16xf32>
      tpu.vector_store %arg8[%parallel_loop3A_538], %parallel_loop3A_541 {strides = array<i32>} : memref<24576xf32, #tpu.memory_space<vmem>>, vector<16xf32>,
    } {sc.loop_unroll_factor = 8 : i64, sc.parallel_access}
    %add3A_457 = arith.constant 245760 : i32
    %add3A_458 = arith.addi %mul3A_382, %add3A_457 : i32
    "tpu.region"() ({
      %run_scoped3A = tpu.sem_alloc : memref<!tpu.dma_semaphore, #tpu.memory_space<semaphore_mem>>
      %dma_start3A = tpu.memref_slice %arg5[%add3A_458] : memref<12582912xf32, #tpu.memory_space<hbm>> -> memref<24576xf32, #tpu.memory_space<hbm>>
      %dma_start3A_494 = tpu.memref_slice %arg5[%add3A_458] : memref<12582912xf32, #tpu.memory_space<hbm>> -> memref<24576xf32, #tpu.memory_space<hbm>>
      tpu.enqueue_dma source(%arg8 : memref<24576xf32, #tpu.memory_space<vmem>>) target(%dma_start3A_494 : memref<24576xf32, #tpu.memory_space<hbm>>) target_semaphore(%run_scoped3A : memref<!tpu.dma_semaphore, #tpu.memory_space<semaphore_mem>>)
      %dma_wait3A = tpu.memref_slice %arg5[%add3A_458] : memref<12582912xf32, #tpu.memory_space<hbm>> -> memref<24576xf32, #tpu.memory_space<hbm>>
      %dma_wait3A_495 = tpu.memref_slice %arg5[%add3A_458] : memref<12582912xf32, #tpu.memory_space<hbm>> -> memref<24576xf32, #tpu.memory_space<hbm>>
      tpu.wait_dma2 semaphore(%run_scoped3A : memref<!tpu.dma_semaphore, #tpu.memory_space<semaphore_mem>>) src(%arg8 : memref<24576xf32, #tpu.memory_space<vmem>>) dst(%dma_wait3A_495 : memref<24576xf32, #tpu.memory_space<hbm>>)
      tpu.yield
    }) : () -> ()
    %add3A_459 = arith.constant 270336 : i32
    %add3A_460 = arith.addi %mul3A_382, %add3A_459 : i32
    "tpu.region"() ({
      %run_scoped3A = tpu.sem_alloc : memref<!tpu.dma_semaphore, #tpu.memory_space<semaphore_mem>>
      %dma_start3A = tpu.memref_slice %arg2[%add3A_460] : memref<12582912xf32, #tpu.memory_space<hbm>> -> memref<24576xf32, #tpu.memory_space<hbm>>
      %dma_start3A_494 = tpu.memref_slice %arg2[%add3A_460] : memref<12582912xf32, #tpu.memory_space<hbm>> -> memref<24576xf32, #tpu.memory_space<hbm>>
      tpu.enqueue_dma source(%dma_start3A_494 : memref<24576xf32, #tpu.memory_space<hbm>>) target(%arg9 : memref<24576xf32, #tpu.memory_space<vmem>>) target_semaphore(%run_scoped3A : memref<!tpu.dma_semaphore, #tpu.memory_space<semaphore_mem>>)
      %dma_wait3A = tpu.memref_slice %arg2[%add3A_460] : memref<12582912xf32, #tpu.memory_space<hbm>> -> memref<24576xf32, #tpu.memory_space<hbm>>
      %dma_wait3A_495 = tpu.memref_slice %arg2[%add3A_460] : memref<12582912xf32, #tpu.memory_space<hbm>> -> memref<24576xf32, #tpu.memory_space<hbm>>
      tpu.wait_dma2 semaphore(%run_scoped3A : memref<!tpu.dma_semaphore, #tpu.memory_space<semaphore_mem>>) src(%dma_wait3A_495 : memref<24576xf32, #tpu.memory_space<hbm>>) dst(%arg9 : memref<24576xf32, #tpu.memory_space<vmem>>)
      tpu.yield
    }) : () -> ()
    %parallel_loop3A_461 = arith.constant 0 : i32
    %parallel_loop3A_462 = arith.constant 512 : i32
    %parallel_loop3A_463 = arith.constant 1 : i32
    scf.for %parallel_loop3A_494 = %parallel_loop3A_461 to %parallel_loop3A_462 step %parallel_loop3A_463  : i32 {
      %parallel_loop3A_495 = arith.constant 48 : i32
      %parallel_loop3A_496 = arith.muli %parallel_loop3A_494, %parallel_loop3A_495 : i32
      %parallel_loop3A_497 = arith.constant 0 : i32
      %parallel_loop3A_498 = arith.addi %parallel_loop3A_496, %parallel_loop3A_497 : i32
      %parallel_loop3A_499 = arith.index_cast %parallel_loop3A_498 : i32 to index
      %parallel_loop3A_500 = tpu.vector_load %arg9[%parallel_loop3A_499] {strides = array<i32>} : memref<24576xf32, #tpu.memory_space<vmem>>, vector<16xf32>,
      %parallel_loop3A_501 = vector.shape_cast %parallel_loop3A_500 : vector<16xf32> to vector<16xf32>
      %parallel_loop3A_502 = arith.subf %parallel_loop3A_501, %select_n3A_349 : vector<16xf32>
      %parallel_loop3A_503 = arith.cmpf olt, %parallel_loop3A_502, %broadcast_in_dim3A_327 : vector<16xf32>
      %parallel_loop3A_504 = arith.addf %parallel_loop3A_502, %broadcast_in_dim3A_329 : vector<16xf32>
      %parallel_loop3A_505 = arith.select %parallel_loop3A_503, %parallel_loop3A_504, %parallel_loop3A_502 : vector<16xi1>, vector<16xf32>
      %parallel_loop3A_506 = arith.constant 0 : i32
      %parallel_loop3A_507 = arith.addi %parallel_loop3A_496, %parallel_loop3A_506 : i32
      %parallel_loop3A_508 = arith.index_cast %parallel_loop3A_507 : i32 to index
      %parallel_loop3A_509 = tpu.vector_load %arg9[%parallel_loop3A_508] {strides = array<i32>} : memref<24576xf32, #tpu.memory_space<vmem>>, vector<16xf32>,
      %parallel_loop3A_510 = vector.shape_cast %parallel_loop3A_509 : vector<16xf32> to vector<16xf32>
      %parallel_loop3A_511 = vector.shape_cast %parallel_loop3A_505 : vector<16xf32> to vector<16xf32>
      tpu.vector_store %arg9[%parallel_loop3A_508], %parallel_loop3A_511 {strides = array<i32>} : memref<24576xf32, #tpu.memory_space<vmem>>, vector<16xf32>,
      %parallel_loop3A_512 = arith.constant 16 : i32
      %parallel_loop3A_513 = arith.addi %parallel_loop3A_496, %parallel_loop3A_512 : i32
      %parallel_loop3A_514 = arith.index_cast %parallel_loop3A_513 : i32 to index
      %parallel_loop3A_515 = tpu.vector_load %arg9[%parallel_loop3A_514] {strides = array<i32>} : memref<24576xf32, #tpu.memory_space<vmem>>, vector<16xf32>,
      %parallel_loop3A_516 = vector.shape_cast %parallel_loop3A_515 : vector<16xf32> to vector<16xf32>
      %parallel_loop3A_517 = arith.subf %parallel_loop3A_516, %select_n3A_363 : vector<16xf32>
      %parallel_loop3A_518 = arith.cmpf olt, %parallel_loop3A_517, %broadcast_in_dim3A_327 : vector<16xf32>
      %parallel_loop3A_519 = arith.addf %parallel_loop3A_517, %broadcast_in_dim3A_329 : vector<16xf32>
      %parallel_loop3A_520 = arith.select %parallel_loop3A_518, %parallel_loop3A_519, %parallel_loop3A_517 : vector<16xi1>, vector<16xf32>
      %parallel_loop3A_521 = arith.constant 16 : i32
      %parallel_loop3A_522 = arith.addi %parallel_loop3A_496, %parallel_loop3A_521 : i32
      %parallel_loop3A_523 = arith.index_cast %parallel_loop3A_522 : i32 to index
      %parallel_loop3A_524 = tpu.vector_load %arg9[%parallel_loop3A_523] {strides = array<i32>} : memref<24576xf32, #tpu.memory_space<vmem>>, vector<16xf32>,
      %parallel_loop3A_525 = vector.shape_cast %parallel_loop3A_524 : vector<16xf32> to vector<16xf32>
      %parallel_loop3A_526 = vector.shape_cast %parallel_loop3A_520 : vector<16xf32> to vector<16xf32>
      tpu.vector_store %arg9[%parallel_loop3A_523], %parallel_loop3A_526 {strides = array<i32>} : memref<24576xf32, #tpu.memory_space<vmem>>, vector<16xf32>,
      %parallel_loop3A_527 = arith.constant 32 : i32
      %parallel_loop3A_528 = arith.addi %parallel_loop3A_496, %parallel_loop3A_527 : i32
      %parallel_loop3A_529 = arith.index_cast %parallel_loop3A_528 : i32 to index
      %parallel_loop3A_530 = tpu.vector_load %arg9[%parallel_loop3A_529] {strides = array<i32>} : memref<24576xf32, #tpu.memory_space<vmem>>, vector<16xf32>,
      %parallel_loop3A_531 = vector.shape_cast %parallel_loop3A_530 : vector<16xf32> to vector<16xf32>
      %parallel_loop3A_532 = arith.subf %parallel_loop3A_531, %select_n3A_377 : vector<16xf32>
      %parallel_loop3A_533 = arith.cmpf olt, %parallel_loop3A_532, %broadcast_in_dim3A_327 : vector<16xf32>
      %parallel_loop3A_534 = arith.addf %parallel_loop3A_532, %broadcast_in_dim3A_329 : vector<16xf32>
      %parallel_loop3A_535 = arith.select %parallel_loop3A_533, %parallel_loop3A_534, %parallel_loop3A_532 : vector<16xi1>, vector<16xf32>
      %parallel_loop3A_536 = arith.constant 32 : i32
      %parallel_loop3A_537 = arith.addi %parallel_loop3A_496, %parallel_loop3A_536 : i32
      %parallel_loop3A_538 = arith.index_cast %parallel_loop3A_537 : i32 to index
      %parallel_loop3A_539 = tpu.vector_load %arg9[%parallel_loop3A_538] {strides = array<i32>} : memref<24576xf32, #tpu.memory_space<vmem>>, vector<16xf32>,
      %parallel_loop3A_540 = vector.shape_cast %parallel_loop3A_539 : vector<16xf32> to vector<16xf32>
      %parallel_loop3A_541 = vector.shape_cast %parallel_loop3A_535 : vector<16xf32> to vector<16xf32>
      tpu.vector_store %arg9[%parallel_loop3A_538], %parallel_loop3A_541 {strides = array<i32>} : memref<24576xf32, #tpu.memory_space<vmem>>, vector<16xf32>,
    } {sc.loop_unroll_factor = 8 : i64, sc.parallel_access}
    %add3A_464 = arith.constant 270336 : i32
    %add3A_465 = arith.addi %mul3A_382, %add3A_464 : i32
    "tpu.region"() ({
      %run_scoped3A = tpu.sem_alloc : memref<!tpu.dma_semaphore, #tpu.memory_space<semaphore_mem>>
      %dma_start3A = tpu.memref_slice %arg5[%add3A_465] : memref<12582912xf32, #tpu.memory_space<hbm>> -> memref<24576xf32, #tpu.memory_space<hbm>>
      %dma_start3A_494 = tpu.memref_slice %arg5[%add3A_465] : memref<12582912xf32, #tpu.memory_space<hbm>> -> memref<24576xf32, #tpu.memory_space<hbm>>
      tpu.enqueue_dma source(%arg9 : memref<24576xf32, #tpu.memory_space<vmem>>) target(%dma_start3A_494 : memref<24576xf32, #tpu.memory_space<hbm>>) target_semaphore(%run_scoped3A : memref<!tpu.dma_semaphore, #tpu.memory_space<semaphore_mem>>)
      %dma_wait3A = tpu.memref_slice %arg5[%add3A_465] : memref<12582912xf32, #tpu.memory_space<hbm>> -> memref<24576xf32, #tpu.memory_space<hbm>>
      %dma_wait3A_495 = tpu.memref_slice %arg5[%add3A_465] : memref<12582912xf32, #tpu.memory_space<hbm>> -> memref<24576xf32, #tpu.memory_space<hbm>>
      tpu.wait_dma2 semaphore(%run_scoped3A : memref<!tpu.dma_semaphore, #tpu.memory_space<semaphore_mem>>) src(%arg9 : memref<24576xf32, #tpu.memory_space<vmem>>) dst(%dma_wait3A_495 : memref<24576xf32, #tpu.memory_space<hbm>>)
      tpu.yield
    }) : () -> ()
    %add3A_466 = arith.constant 294912 : i32
    %add3A_467 = arith.addi %mul3A_382, %add3A_466 : i32
    "tpu.region"() ({
      %run_scoped3A = tpu.sem_alloc : memref<!tpu.dma_semaphore, #tpu.memory_space<semaphore_mem>>
      %dma_start3A = tpu.memref_slice %arg2[%add3A_467] : memref<12582912xf32, #tpu.memory_space<hbm>> -> memref<24576xf32, #tpu.memory_space<hbm>>
      %dma_start3A_494 = tpu.memref_slice %arg2[%add3A_467] : memref<12582912xf32, #tpu.memory_space<hbm>> -> memref<24576xf32, #tpu.memory_space<hbm>>
      tpu.enqueue_dma source(%dma_start3A_494 : memref<24576xf32, #tpu.memory_space<hbm>>) target(%arg8 : memref<24576xf32, #tpu.memory_space<vmem>>) target_semaphore(%run_scoped3A : memref<!tpu.dma_semaphore, #tpu.memory_space<semaphore_mem>>)
      %dma_wait3A = tpu.memref_slice %arg2[%add3A_467] : memref<12582912xf32, #tpu.memory_space<hbm>> -> memref<24576xf32, #tpu.memory_space<hbm>>
      %dma_wait3A_495 = tpu.memref_slice %arg2[%add3A_467] : memref<12582912xf32, #tpu.memory_space<hbm>> -> memref<24576xf32, #tpu.memory_space<hbm>>
      tpu.wait_dma2 semaphore(%run_scoped3A : memref<!tpu.dma_semaphore, #tpu.memory_space<semaphore_mem>>) src(%dma_wait3A_495 : memref<24576xf32, #tpu.memory_space<hbm>>) dst(%arg8 : memref<24576xf32, #tpu.memory_space<vmem>>)
      tpu.yield
    }) : () -> ()
    %parallel_loop3A_468 = arith.constant 0 : i32
    %parallel_loop3A_469 = arith.constant 512 : i32
    %parallel_loop3A_470 = arith.constant 1 : i32
    scf.for %parallel_loop3A_494 = %parallel_loop3A_468 to %parallel_loop3A_469 step %parallel_loop3A_470  : i32 {
      %parallel_loop3A_495 = arith.constant 48 : i32
      %parallel_loop3A_496 = arith.muli %parallel_loop3A_494, %parallel_loop3A_495 : i32
      %parallel_loop3A_497 = arith.constant 0 : i32
      %parallel_loop3A_498 = arith.addi %parallel_loop3A_496, %parallel_loop3A_497 : i32
      %parallel_loop3A_499 = arith.index_cast %parallel_loop3A_498 : i32 to index
      %parallel_loop3A_500 = tpu.vector_load %arg8[%parallel_loop3A_499] {strides = array<i32>} : memref<24576xf32, #tpu.memory_space<vmem>>, vector<16xf32>,
      %parallel_loop3A_501 = vector.shape_cast %parallel_loop3A_500 : vector<16xf32> to vector<16xf32>
      %parallel_loop3A_502 = arith.subf %parallel_loop3A_501, %select_n3A_349 : vector<16xf32>
      %parallel_loop3A_503 = arith.cmpf olt, %parallel_loop3A_502, %broadcast_in_dim3A_327 : vector<16xf32>
      %parallel_loop3A_504 = arith.addf %parallel_loop3A_502, %broadcast_in_dim3A_329 : vector<16xf32>
      %parallel_loop3A_505 = arith.select %parallel_loop3A_503, %parallel_loop3A_504, %parallel_loop3A_502 : vector<16xi1>, vector<16xf32>
      %parallel_loop3A_506 = arith.constant 0 : i32
      %parallel_loop3A_507 = arith.addi %parallel_loop3A_496, %parallel_loop3A_506 : i32
      %parallel_loop3A_508 = arith.index_cast %parallel_loop3A_507 : i32 to index
      %parallel_loop3A_509 = tpu.vector_load %arg8[%parallel_loop3A_508] {strides = array<i32>} : memref<24576xf32, #tpu.memory_space<vmem>>, vector<16xf32>,
      %parallel_loop3A_510 = vector.shape_cast %parallel_loop3A_509 : vector<16xf32> to vector<16xf32>
      %parallel_loop3A_511 = vector.shape_cast %parallel_loop3A_505 : vector<16xf32> to vector<16xf32>
      tpu.vector_store %arg8[%parallel_loop3A_508], %parallel_loop3A_511 {strides = array<i32>} : memref<24576xf32, #tpu.memory_space<vmem>>, vector<16xf32>,
      %parallel_loop3A_512 = arith.constant 16 : i32
      %parallel_loop3A_513 = arith.addi %parallel_loop3A_496, %parallel_loop3A_512 : i32
      %parallel_loop3A_514 = arith.index_cast %parallel_loop3A_513 : i32 to index
      %parallel_loop3A_515 = tpu.vector_load %arg8[%parallel_loop3A_514] {strides = array<i32>} : memref<24576xf32, #tpu.memory_space<vmem>>, vector<16xf32>,
      %parallel_loop3A_516 = vector.shape_cast %parallel_loop3A_515 : vector<16xf32> to vector<16xf32>
      %parallel_loop3A_517 = arith.subf %parallel_loop3A_516, %select_n3A_363 : vector<16xf32>
      %parallel_loop3A_518 = arith.cmpf olt, %parallel_loop3A_517, %broadcast_in_dim3A_327 : vector<16xf32>
      %parallel_loop3A_519 = arith.addf %parallel_loop3A_517, %broadcast_in_dim3A_329 : vector<16xf32>
      %parallel_loop3A_520 = arith.select %parallel_loop3A_518, %parallel_loop3A_519, %parallel_loop3A_517 : vector<16xi1>, vector<16xf32>
      %parallel_loop3A_521 = arith.constant 16 : i32
      %parallel_loop3A_522 = arith.addi %parallel_loop3A_496, %parallel_loop3A_521 : i32
      %parallel_loop3A_523 = arith.index_cast %parallel_loop3A_522 : i32 to index
      %parallel_loop3A_524 = tpu.vector_load %arg8[%parallel_loop3A_523] {strides = array<i32>} : memref<24576xf32, #tpu.memory_space<vmem>>, vector<16xf32>,
      %parallel_loop3A_525 = vector.shape_cast %parallel_loop3A_524 : vector<16xf32> to vector<16xf32>
      %parallel_loop3A_526 = vector.shape_cast %parallel_loop3A_520 : vector<16xf32> to vector<16xf32>
      tpu.vector_store %arg8[%parallel_loop3A_523], %parallel_loop3A_526 {strides = array<i32>} : memref<24576xf32, #tpu.memory_space<vmem>>, vector<16xf32>,
      %parallel_loop3A_527 = arith.constant 32 : i32
      %parallel_loop3A_528 = arith.addi %parallel_loop3A_496, %parallel_loop3A_527 : i32
      %parallel_loop3A_529 = arith.index_cast %parallel_loop3A_528 : i32 to index
      %parallel_loop3A_530 = tpu.vector_load %arg8[%parallel_loop3A_529] {strides = array<i32>} : memref<24576xf32, #tpu.memory_space<vmem>>, vector<16xf32>,
      %parallel_loop3A_531 = vector.shape_cast %parallel_loop3A_530 : vector<16xf32> to vector<16xf32>
      %parallel_loop3A_532 = arith.subf %parallel_loop3A_531, %select_n3A_377 : vector<16xf32>
      %parallel_loop3A_533 = arith.cmpf olt, %parallel_loop3A_532, %broadcast_in_dim3A_327 : vector<16xf32>
      %parallel_loop3A_534 = arith.addf %parallel_loop3A_532, %broadcast_in_dim3A_329 : vector<16xf32>
      %parallel_loop3A_535 = arith.select %parallel_loop3A_533, %parallel_loop3A_534, %parallel_loop3A_532 : vector<16xi1>, vector<16xf32>
      %parallel_loop3A_536 = arith.constant 32 : i32
      %parallel_loop3A_537 = arith.addi %parallel_loop3A_496, %parallel_loop3A_536 : i32
      %parallel_loop3A_538 = arith.index_cast %parallel_loop3A_537 : i32 to index
      %parallel_loop3A_539 = tpu.vector_load %arg8[%parallel_loop3A_538] {strides = array<i32>} : memref<24576xf32, #tpu.memory_space<vmem>>, vector<16xf32>,
      %parallel_loop3A_540 = vector.shape_cast %parallel_loop3A_539 : vector<16xf32> to vector<16xf32>
      %parallel_loop3A_541 = vector.shape_cast %parallel_loop3A_535 : vector<16xf32> to vector<16xf32>
      tpu.vector_store %arg8[%parallel_loop3A_538], %parallel_loop3A_541 {strides = array<i32>} : memref<24576xf32, #tpu.memory_space<vmem>>, vector<16xf32>,
    } {sc.loop_unroll_factor = 8 : i64, sc.parallel_access}
    %add3A_471 = arith.constant 294912 : i32
    %add3A_472 = arith.addi %mul3A_382, %add3A_471 : i32
    "tpu.region"() ({
      %run_scoped3A = tpu.sem_alloc : memref<!tpu.dma_semaphore, #tpu.memory_space<semaphore_mem>>
      %dma_start3A = tpu.memref_slice %arg5[%add3A_472] : memref<12582912xf32, #tpu.memory_space<hbm>> -> memref<24576xf32, #tpu.memory_space<hbm>>
      %dma_start3A_494 = tpu.memref_slice %arg5[%add3A_472] : memref<12582912xf32, #tpu.memory_space<hbm>> -> memref<24576xf32, #tpu.memory_space<hbm>>
      tpu.enqueue_dma source(%arg8 : memref<24576xf32, #tpu.memory_space<vmem>>) target(%dma_start3A_494 : memref<24576xf32, #tpu.memory_space<hbm>>) target_semaphore(%run_scoped3A : memref<!tpu.dma_semaphore, #tpu.memory_space<semaphore_mem>>)
      %dma_wait3A = tpu.memref_slice %arg5[%add3A_472] : memref<12582912xf32, #tpu.memory_space<hbm>> -> memref<24576xf32, #tpu.memory_space<hbm>>
      %dma_wait3A_495 = tpu.memref_slice %arg5[%add3A_472] : memref<12582912xf32, #tpu.memory_space<hbm>> -> memref<24576xf32, #tpu.memory_space<hbm>>
      tpu.wait_dma2 semaphore(%run_scoped3A : memref<!tpu.dma_semaphore, #tpu.memory_space<semaphore_mem>>) src(%arg8 : memref<24576xf32, #tpu.memory_space<vmem>>) dst(%dma_wait3A_495 : memref<24576xf32, #tpu.memory_space<hbm>>)
      tpu.yield
    }) : () -> ()
    %add3A_473 = arith.constant 319488 : i32
    %add3A_474 = arith.addi %mul3A_382, %add3A_473 : i32
    "tpu.region"() ({
      %run_scoped3A = tpu.sem_alloc : memref<!tpu.dma_semaphore, #tpu.memory_space<semaphore_mem>>
      %dma_start3A = tpu.memref_slice %arg2[%add3A_474] : memref<12582912xf32, #tpu.memory_space<hbm>> -> memref<24576xf32, #tpu.memory_space<hbm>>
      %dma_start3A_494 = tpu.memref_slice %arg2[%add3A_474] : memref<12582912xf32, #tpu.memory_space<hbm>> -> memref<24576xf32, #tpu.memory_space<hbm>>
      tpu.enqueue_dma source(%dma_start3A_494 : memref<24576xf32, #tpu.memory_space<hbm>>) target(%arg9 : memref<24576xf32, #tpu.memory_space<vmem>>) target_semaphore(%run_scoped3A : memref<!tpu.dma_semaphore, #tpu.memory_space<semaphore_mem>>)
      %dma_wait3A = tpu.memref_slice %arg2[%add3A_474] : memref<12582912xf32, #tpu.memory_space<hbm>> -> memref<24576xf32, #tpu.memory_space<hbm>>
      %dma_wait3A_495 = tpu.memref_slice %arg2[%add3A_474] : memref<12582912xf32, #tpu.memory_space<hbm>> -> memref<24576xf32, #tpu.memory_space<hbm>>
      tpu.wait_dma2 semaphore(%run_scoped3A : memref<!tpu.dma_semaphore, #tpu.memory_space<semaphore_mem>>) src(%dma_wait3A_495 : memref<24576xf32, #tpu.memory_space<hbm>>) dst(%arg9 : memref<24576xf32, #tpu.memory_space<vmem>>)
      tpu.yield
    }) : () -> ()
    %parallel_loop3A_475 = arith.constant 0 : i32
    %parallel_loop3A_476 = arith.constant 512 : i32
    %parallel_loop3A_477 = arith.constant 1 : i32
    scf.for %parallel_loop3A_494 = %parallel_loop3A_475 to %parallel_loop3A_476 step %parallel_loop3A_477  : i32 {
      %parallel_loop3A_495 = arith.constant 48 : i32
      %parallel_loop3A_496 = arith.muli %parallel_loop3A_494, %parallel_loop3A_495 : i32
      %parallel_loop3A_497 = arith.constant 0 : i32
      %parallel_loop3A_498 = arith.addi %parallel_loop3A_496, %parallel_loop3A_497 : i32
      %parallel_loop3A_499 = arith.index_cast %parallel_loop3A_498 : i32 to index
      %parallel_loop3A_500 = tpu.vector_load %arg9[%parallel_loop3A_499] {strides = array<i32>} : memref<24576xf32, #tpu.memory_space<vmem>>, vector<16xf32>,
      %parallel_loop3A_501 = vector.shape_cast %parallel_loop3A_500 : vector<16xf32> to vector<16xf32>
      %parallel_loop3A_502 = arith.subf %parallel_loop3A_501, %select_n3A_349 : vector<16xf32>
      %parallel_loop3A_503 = arith.cmpf olt, %parallel_loop3A_502, %broadcast_in_dim3A_327 : vector<16xf32>
      %parallel_loop3A_504 = arith.addf %parallel_loop3A_502, %broadcast_in_dim3A_329 : vector<16xf32>
      %parallel_loop3A_505 = arith.select %parallel_loop3A_503, %parallel_loop3A_504, %parallel_loop3A_502 : vector<16xi1>, vector<16xf32>
      %parallel_loop3A_506 = arith.constant 0 : i32
      %parallel_loop3A_507 = arith.addi %parallel_loop3A_496, %parallel_loop3A_506 : i32
      %parallel_loop3A_508 = arith.index_cast %parallel_loop3A_507 : i32 to index
      %parallel_loop3A_509 = tpu.vector_load %arg9[%parallel_loop3A_508] {strides = array<i32>} : memref<24576xf32, #tpu.memory_space<vmem>>, vector<16xf32>,
      %parallel_loop3A_510 = vector.shape_cast %parallel_loop3A_509 : vector<16xf32> to vector<16xf32>
      %parallel_loop3A_511 = vector.shape_cast %parallel_loop3A_505 : vector<16xf32> to vector<16xf32>
      tpu.vector_store %arg9[%parallel_loop3A_508], %parallel_loop3A_511 {strides = array<i32>} : memref<24576xf32, #tpu.memory_space<vmem>>, vector<16xf32>,
      %parallel_loop3A_512 = arith.constant 16 : i32
      %parallel_loop3A_513 = arith.addi %parallel_loop3A_496, %parallel_loop3A_512 : i32
      %parallel_loop3A_514 = arith.index_cast %parallel_loop3A_513 : i32 to index
      %parallel_loop3A_515 = tpu.vector_load %arg9[%parallel_loop3A_514] {strides = array<i32>} : memref<24576xf32, #tpu.memory_space<vmem>>, vector<16xf32>,
      %parallel_loop3A_516 = vector.shape_cast %parallel_loop3A_515 : vector<16xf32> to vector<16xf32>
      %parallel_loop3A_517 = arith.subf %parallel_loop3A_516, %select_n3A_363 : vector<16xf32>
      %parallel_loop3A_518 = arith.cmpf olt, %parallel_loop3A_517, %broadcast_in_dim3A_327 : vector<16xf32>
      %parallel_loop3A_519 = arith.addf %parallel_loop3A_517, %broadcast_in_dim3A_329 : vector<16xf32>
      %parallel_loop3A_520 = arith.select %parallel_loop3A_518, %parallel_loop3A_519, %parallel_loop3A_517 : vector<16xi1>, vector<16xf32>
      %parallel_loop3A_521 = arith.constant 16 : i32
      %parallel_loop3A_522 = arith.addi %parallel_loop3A_496, %parallel_loop3A_521 : i32
      %parallel_loop3A_523 = arith.index_cast %parallel_loop3A_522 : i32 to index
      %parallel_loop3A_524 = tpu.vector_load %arg9[%parallel_loop3A_523] {strides = array<i32>} : memref<24576xf32, #tpu.memory_space<vmem>>, vector<16xf32>,
      %parallel_loop3A_525 = vector.shape_cast %parallel_loop3A_524 : vector<16xf32> to vector<16xf32>
      %parallel_loop3A_526 = vector.shape_cast %parallel_loop3A_520 : vector<16xf32> to vector<16xf32>
      tpu.vector_store %arg9[%parallel_loop3A_523], %parallel_loop3A_526 {strides = array<i32>} : memref<24576xf32, #tpu.memory_space<vmem>>, vector<16xf32>,
      %parallel_loop3A_527 = arith.constant 32 : i32
      %parallel_loop3A_528 = arith.addi %parallel_loop3A_496, %parallel_loop3A_527 : i32
      %parallel_loop3A_529 = arith.index_cast %parallel_loop3A_528 : i32 to index
      %parallel_loop3A_530 = tpu.vector_load %arg9[%parallel_loop3A_529] {strides = array<i32>} : memref<24576xf32, #tpu.memory_space<vmem>>, vector<16xf32>,
      %parallel_loop3A_531 = vector.shape_cast %parallel_loop3A_530 : vector<16xf32> to vector<16xf32>
      %parallel_loop3A_532 = arith.subf %parallel_loop3A_531, %select_n3A_377 : vector<16xf32>
      %parallel_loop3A_533 = arith.cmpf olt, %parallel_loop3A_532, %broadcast_in_dim3A_327 : vector<16xf32>
      %parallel_loop3A_534 = arith.addf %parallel_loop3A_532, %broadcast_in_dim3A_329 : vector<16xf32>
      %parallel_loop3A_535 = arith.select %parallel_loop3A_533, %parallel_loop3A_534, %parallel_loop3A_532 : vector<16xi1>, vector<16xf32>
      %parallel_loop3A_536 = arith.constant 32 : i32
      %parallel_loop3A_537 = arith.addi %parallel_loop3A_496, %parallel_loop3A_536 : i32
      %parallel_loop3A_538 = arith.index_cast %parallel_loop3A_537 : i32 to index
      %parallel_loop3A_539 = tpu.vector_load %arg9[%parallel_loop3A_538] {strides = array<i32>} : memref<24576xf32, #tpu.memory_space<vmem>>, vector<16xf32>,
      %parallel_loop3A_540 = vector.shape_cast %parallel_loop3A_539 : vector<16xf32> to vector<16xf32>
      %parallel_loop3A_541 = vector.shape_cast %parallel_loop3A_535 : vector<16xf32> to vector<16xf32>
      tpu.vector_store %arg9[%parallel_loop3A_538], %parallel_loop3A_541 {strides = array<i32>} : memref<24576xf32, #tpu.memory_space<vmem>>, vector<16xf32>,
    } {sc.loop_unroll_factor = 8 : i64, sc.parallel_access}
    %add3A_478 = arith.constant 319488 : i32
    %add3A_479 = arith.addi %mul3A_382, %add3A_478 : i32
    "tpu.region"() ({
      %run_scoped3A = tpu.sem_alloc : memref<!tpu.dma_semaphore, #tpu.memory_space<semaphore_mem>>
      %dma_start3A = tpu.memref_slice %arg5[%add3A_479] : memref<12582912xf32, #tpu.memory_space<hbm>> -> memref<24576xf32, #tpu.memory_space<hbm>>
      %dma_start3A_494 = tpu.memref_slice %arg5[%add3A_479] : memref<12582912xf32, #tpu.memory_space<hbm>> -> memref<24576xf32, #tpu.memory_space<hbm>>
      tpu.enqueue_dma source(%arg9 : memref<24576xf32, #tpu.memory_space<vmem>>) target(%dma_start3A_494 : memref<24576xf32, #tpu.memory_space<hbm>>) target_semaphore(%run_scoped3A : memref<!tpu.dma_semaphore, #tpu.memory_space<semaphore_mem>>)
      %dma_wait3A = tpu.memref_slice %arg5[%add3A_479] : memref<12582912xf32, #tpu.memory_space<hbm>> -> memref<24576xf32, #tpu.memory_space<hbm>>
      %dma_wait3A_495 = tpu.memref_slice %arg5[%add3A_479] : memref<12582912xf32, #tpu.memory_space<hbm>> -> memref<24576xf32, #tpu.memory_space<hbm>>
      tpu.wait_dma2 semaphore(%run_scoped3A : memref<!tpu.dma_semaphore, #tpu.memory_space<semaphore_mem>>) src(%arg9 : memref<24576xf32, #tpu.memory_space<vmem>>) dst(%dma_wait3A_495 : memref<24576xf32, #tpu.memory_space<hbm>>)
      tpu.yield
    }) : () -> ()
    %add3A_480 = arith.constant 344064 : i32
    %add3A_481 = arith.addi %mul3A_382, %add3A_480 : i32
    "tpu.region"() ({
      %run_scoped3A = tpu.sem_alloc : memref<!tpu.dma_semaphore, #tpu.memory_space<semaphore_mem>>
      %dma_start3A = tpu.memref_slice %arg2[%add3A_481] : memref<12582912xf32, #tpu.memory_space<hbm>> -> memref<24576xf32, #tpu.memory_space<hbm>>
      %dma_start3A_494 = tpu.memref_slice %arg2[%add3A_481] : memref<12582912xf32, #tpu.memory_space<hbm>> -> memref<24576xf32, #tpu.memory_space<hbm>>
      tpu.enqueue_dma source(%dma_start3A_494 : memref<24576xf32, #tpu.memory_space<hbm>>) target(%arg8 : memref<24576xf32, #tpu.memory_space<vmem>>) target_semaphore(%run_scoped3A : memref<!tpu.dma_semaphore, #tpu.memory_space<semaphore_mem>>)
      %dma_wait3A = tpu.memref_slice %arg2[%add3A_481] : memref<12582912xf32, #tpu.memory_space<hbm>> -> memref<24576xf32, #tpu.memory_space<hbm>>
      %dma_wait3A_495 = tpu.memref_slice %arg2[%add3A_481] : memref<12582912xf32, #tpu.memory_space<hbm>> -> memref<24576xf32, #tpu.memory_space<hbm>>
      tpu.wait_dma2 semaphore(%run_scoped3A : memref<!tpu.dma_semaphore, #tpu.memory_space<semaphore_mem>>) src(%dma_wait3A_495 : memref<24576xf32, #tpu.memory_space<hbm>>) dst(%arg8 : memref<24576xf32, #tpu.memory_space<vmem>>)
      tpu.yield
    }) : () -> ()
    %parallel_loop3A_482 = arith.constant 0 : i32
    %parallel_loop3A_483 = arith.constant 512 : i32
    %parallel_loop3A_484 = arith.constant 1 : i32
    scf.for %parallel_loop3A_494 = %parallel_loop3A_482 to %parallel_loop3A_483 step %parallel_loop3A_484  : i32 {
      %parallel_loop3A_495 = arith.constant 48 : i32
      %parallel_loop3A_496 = arith.muli %parallel_loop3A_494, %parallel_loop3A_495 : i32
      %parallel_loop3A_497 = arith.constant 0 : i32
      %parallel_loop3A_498 = arith.addi %parallel_loop3A_496, %parallel_loop3A_497 : i32
      %parallel_loop3A_499 = arith.index_cast %parallel_loop3A_498 : i32 to index
      %parallel_loop3A_500 = tpu.vector_load %arg8[%parallel_loop3A_499] {strides = array<i32>} : memref<24576xf32, #tpu.memory_space<vmem>>, vector<16xf32>,
      %parallel_loop3A_501 = vector.shape_cast %parallel_loop3A_500 : vector<16xf32> to vector<16xf32>
      %parallel_loop3A_502 = arith.subf %parallel_loop3A_501, %select_n3A_349 : vector<16xf32>
      %parallel_loop3A_503 = arith.cmpf olt, %parallel_loop3A_502, %broadcast_in_dim3A_327 : vector<16xf32>
      %parallel_loop3A_504 = arith.addf %parallel_loop3A_502, %broadcast_in_dim3A_329 : vector<16xf32>
      %parallel_loop3A_505 = arith.select %parallel_loop3A_503, %parallel_loop3A_504, %parallel_loop3A_502 : vector<16xi1>, vector<16xf32>
      %parallel_loop3A_506 = arith.constant 0 : i32
      %parallel_loop3A_507 = arith.addi %parallel_loop3A_496, %parallel_loop3A_506 : i32
      %parallel_loop3A_508 = arith.index_cast %parallel_loop3A_507 : i32 to index
      %parallel_loop3A_509 = tpu.vector_load %arg8[%parallel_loop3A_508] {strides = array<i32>} : memref<24576xf32, #tpu.memory_space<vmem>>, vector<16xf32>,
      %parallel_loop3A_510 = vector.shape_cast %parallel_loop3A_509 : vector<16xf32> to vector<16xf32>
      %parallel_loop3A_511 = vector.shape_cast %parallel_loop3A_505 : vector<16xf32> to vector<16xf32>
      tpu.vector_store %arg8[%parallel_loop3A_508], %parallel_loop3A_511 {strides = array<i32>} : memref<24576xf32, #tpu.memory_space<vmem>>, vector<16xf32>,
      %parallel_loop3A_512 = arith.constant 16 : i32
      %parallel_loop3A_513 = arith.addi %parallel_loop3A_496, %parallel_loop3A_512 : i32
      %parallel_loop3A_514 = arith.index_cast %parallel_loop3A_513 : i32 to index
      %parallel_loop3A_515 = tpu.vector_load %arg8[%parallel_loop3A_514] {strides = array<i32>} : memref<24576xf32, #tpu.memory_space<vmem>>, vector<16xf32>,
      %parallel_loop3A_516 = vector.shape_cast %parallel_loop3A_515 : vector<16xf32> to vector<16xf32>
      %parallel_loop3A_517 = arith.subf %parallel_loop3A_516, %select_n3A_363 : vector<16xf32>
      %parallel_loop3A_518 = arith.cmpf olt, %parallel_loop3A_517, %broadcast_in_dim3A_327 : vector<16xf32>
      %parallel_loop3A_519 = arith.addf %parallel_loop3A_517, %broadcast_in_dim3A_329 : vector<16xf32>
      %parallel_loop3A_520 = arith.select %parallel_loop3A_518, %parallel_loop3A_519, %parallel_loop3A_517 : vector<16xi1>, vector<16xf32>
      %parallel_loop3A_521 = arith.constant 16 : i32
      %parallel_loop3A_522 = arith.addi %parallel_loop3A_496, %parallel_loop3A_521 : i32
      %parallel_loop3A_523 = arith.index_cast %parallel_loop3A_522 : i32 to index
      %parallel_loop3A_524 = tpu.vector_load %arg8[%parallel_loop3A_523] {strides = array<i32>} : memref<24576xf32, #tpu.memory_space<vmem>>, vector<16xf32>,
      %parallel_loop3A_525 = vector.shape_cast %parallel_loop3A_524 : vector<16xf32> to vector<16xf32>
      %parallel_loop3A_526 = vector.shape_cast %parallel_loop3A_520 : vector<16xf32> to vector<16xf32>
      tpu.vector_store %arg8[%parallel_loop3A_523], %parallel_loop3A_526 {strides = array<i32>} : memref<24576xf32, #tpu.memory_space<vmem>>, vector<16xf32>,
      %parallel_loop3A_527 = arith.constant 32 : i32
      %parallel_loop3A_528 = arith.addi %parallel_loop3A_496, %parallel_loop3A_527 : i32
      %parallel_loop3A_529 = arith.index_cast %parallel_loop3A_528 : i32 to index
      %parallel_loop3A_530 = tpu.vector_load %arg8[%parallel_loop3A_529] {strides = array<i32>} : memref<24576xf32, #tpu.memory_space<vmem>>, vector<16xf32>,
      %parallel_loop3A_531 = vector.shape_cast %parallel_loop3A_530 : vector<16xf32> to vector<16xf32>
      %parallel_loop3A_532 = arith.subf %parallel_loop3A_531, %select_n3A_377 : vector<16xf32>
      %parallel_loop3A_533 = arith.cmpf olt, %parallel_loop3A_532, %broadcast_in_dim3A_327 : vector<16xf32>
      %parallel_loop3A_534 = arith.addf %parallel_loop3A_532, %broadcast_in_dim3A_329 : vector<16xf32>
      %parallel_loop3A_535 = arith.select %parallel_loop3A_533, %parallel_loop3A_534, %parallel_loop3A_532 : vector<16xi1>, vector<16xf32>
      %parallel_loop3A_536 = arith.constant 32 : i32
      %parallel_loop3A_537 = arith.addi %parallel_loop3A_496, %parallel_loop3A_536 : i32
      %parallel_loop3A_538 = arith.index_cast %parallel_loop3A_537 : i32 to index
      %parallel_loop3A_539 = tpu.vector_load %arg8[%parallel_loop3A_538] {strides = array<i32>} : memref<24576xf32, #tpu.memory_space<vmem>>, vector<16xf32>,
      %parallel_loop3A_540 = vector.shape_cast %parallel_loop3A_539 : vector<16xf32> to vector<16xf32>
      %parallel_loop3A_541 = vector.shape_cast %parallel_loop3A_535 : vector<16xf32> to vector<16xf32>
      tpu.vector_store %arg8[%parallel_loop3A_538], %parallel_loop3A_541 {strides = array<i32>} : memref<24576xf32, #tpu.memory_space<vmem>>, vector<16xf32>,
    } {sc.loop_unroll_factor = 8 : i64, sc.parallel_access}
    %add3A_485 = arith.constant 344064 : i32
    %add3A_486 = arith.addi %mul3A_382, %add3A_485 : i32
    "tpu.region"() ({
      %run_scoped3A = tpu.sem_alloc : memref<!tpu.dma_semaphore, #tpu.memory_space<semaphore_mem>>
      %dma_start3A = tpu.memref_slice %arg5[%add3A_486] : memref<12582912xf32, #tpu.memory_space<hbm>> -> memref<24576xf32, #tpu.memory_space<hbm>>
      %dma_start3A_494 = tpu.memref_slice %arg5[%add3A_486] : memref<12582912xf32, #tpu.memory_space<hbm>> -> memref<24576xf32, #tpu.memory_space<hbm>>
      tpu.enqueue_dma source(%arg8 : memref<24576xf32, #tpu.memory_space<vmem>>) target(%dma_start3A_494 : memref<24576xf32, #tpu.memory_space<hbm>>) target_semaphore(%run_scoped3A : memref<!tpu.dma_semaphore, #tpu.memory_space<semaphore_mem>>)
      %dma_wait3A = tpu.memref_slice %arg5[%add3A_486] : memref<12582912xf32, #tpu.memory_space<hbm>> -> memref<24576xf32, #tpu.memory_space<hbm>>
      %dma_wait3A_495 = tpu.memref_slice %arg5[%add3A_486] : memref<12582912xf32, #tpu.memory_space<hbm>> -> memref<24576xf32, #tpu.memory_space<hbm>>
      tpu.wait_dma2 semaphore(%run_scoped3A : memref<!tpu.dma_semaphore, #tpu.memory_space<semaphore_mem>>) src(%arg8 : memref<24576xf32, #tpu.memory_space<vmem>>) dst(%dma_wait3A_495 : memref<24576xf32, #tpu.memory_space<hbm>>)
      tpu.yield
    }) : () -> ()
    %add3A_487 = arith.constant 368640 : i32
    %add3A_488 = arith.addi %mul3A_382, %add3A_487 : i32
    "tpu.region"() ({
      %run_scoped3A = tpu.sem_alloc : memref<!tpu.dma_semaphore, #tpu.memory_space<semaphore_mem>>
      %dma_start3A = tpu.memref_slice %arg2[%add3A_488] : memref<12582912xf32, #tpu.memory_space<hbm>> -> memref<24576xf32, #tpu.memory_space<hbm>>
      %dma_start3A_494 = tpu.memref_slice %arg2[%add3A_488] : memref<12582912xf32, #tpu.memory_space<hbm>> -> memref<24576xf32, #tpu.memory_space<hbm>>
      tpu.enqueue_dma source(%dma_start3A_494 : memref<24576xf32, #tpu.memory_space<hbm>>) target(%arg9 : memref<24576xf32, #tpu.memory_space<vmem>>) target_semaphore(%run_scoped3A : memref<!tpu.dma_semaphore, #tpu.memory_space<semaphore_mem>>)
      %dma_wait3A = tpu.memref_slice %arg2[%add3A_488] : memref<12582912xf32, #tpu.memory_space<hbm>> -> memref<24576xf32, #tpu.memory_space<hbm>>
      %dma_wait3A_495 = tpu.memref_slice %arg2[%add3A_488] : memref<12582912xf32, #tpu.memory_space<hbm>> -> memref<24576xf32, #tpu.memory_space<hbm>>
      tpu.wait_dma2 semaphore(%run_scoped3A : memref<!tpu.dma_semaphore, #tpu.memory_space<semaphore_mem>>) src(%dma_wait3A_495 : memref<24576xf32, #tpu.memory_space<hbm>>) dst(%arg9 : memref<24576xf32, #tpu.memory_space<vmem>>)
      tpu.yield
    }) : () -> ()
    %parallel_loop3A_489 = arith.constant 0 : i32
    %parallel_loop3A_490 = arith.constant 512 : i32
    %parallel_loop3A_491 = arith.constant 1 : i32
    scf.for %parallel_loop3A_494 = %parallel_loop3A_489 to %parallel_loop3A_490 step %parallel_loop3A_491  : i32 {
      %parallel_loop3A_495 = arith.constant 48 : i32
      %parallel_loop3A_496 = arith.muli %parallel_loop3A_494, %parallel_loop3A_495 : i32
      %parallel_loop3A_497 = arith.constant 0 : i32
      %parallel_loop3A_498 = arith.addi %parallel_loop3A_496, %parallel_loop3A_497 : i32
      %parallel_loop3A_499 = arith.index_cast %parallel_loop3A_498 : i32 to index
      %parallel_loop3A_500 = tpu.vector_load %arg9[%parallel_loop3A_499] {strides = array<i32>} : memref<24576xf32, #tpu.memory_space<vmem>>, vector<16xf32>,
      %parallel_loop3A_501 = vector.shape_cast %parallel_loop3A_500 : vector<16xf32> to vector<16xf32>
      %parallel_loop3A_502 = arith.subf %parallel_loop3A_501, %select_n3A_349 : vector<16xf32>
      %parallel_loop3A_503 = arith.cmpf olt, %parallel_loop3A_502, %broadcast_in_dim3A_327 : vector<16xf32>
      %parallel_loop3A_504 = arith.addf %parallel_loop3A_502, %broadcast_in_dim3A_329 : vector<16xf32>
      %parallel_loop3A_505 = arith.select %parallel_loop3A_503, %parallel_loop3A_504, %parallel_loop3A_502 : vector<16xi1>, vector<16xf32>
      %parallel_loop3A_506 = arith.constant 0 : i32
      %parallel_loop3A_507 = arith.addi %parallel_loop3A_496, %parallel_loop3A_506 : i32
      %parallel_loop3A_508 = arith.index_cast %parallel_loop3A_507 : i32 to index
      %parallel_loop3A_509 = tpu.vector_load %arg9[%parallel_loop3A_508] {strides = array<i32>} : memref<24576xf32, #tpu.memory_space<vmem>>, vector<16xf32>,
      %parallel_loop3A_510 = vector.shape_cast %parallel_loop3A_509 : vector<16xf32> to vector<16xf32>
      %parallel_loop3A_511 = vector.shape_cast %parallel_loop3A_505 : vector<16xf32> to vector<16xf32>
      tpu.vector_store %arg9[%parallel_loop3A_508], %parallel_loop3A_511 {strides = array<i32>} : memref<24576xf32, #tpu.memory_space<vmem>>, vector<16xf32>,
      %parallel_loop3A_512 = arith.constant 16 : i32
      %parallel_loop3A_513 = arith.addi %parallel_loop3A_496, %parallel_loop3A_512 : i32
      %parallel_loop3A_514 = arith.index_cast %parallel_loop3A_513 : i32 to index
      %parallel_loop3A_515 = tpu.vector_load %arg9[%parallel_loop3A_514] {strides = array<i32>} : memref<24576xf32, #tpu.memory_space<vmem>>, vector<16xf32>,
      %parallel_loop3A_516 = vector.shape_cast %parallel_loop3A_515 : vector<16xf32> to vector<16xf32>
      %parallel_loop3A_517 = arith.subf %parallel_loop3A_516, %select_n3A_363 : vector<16xf32>
      %parallel_loop3A_518 = arith.cmpf olt, %parallel_loop3A_517, %broadcast_in_dim3A_327 : vector<16xf32>
      %parallel_loop3A_519 = arith.addf %parallel_loop3A_517, %broadcast_in_dim3A_329 : vector<16xf32>
      %parallel_loop3A_520 = arith.select %parallel_loop3A_518, %parallel_loop3A_519, %parallel_loop3A_517 : vector<16xi1>, vector<16xf32>
      %parallel_loop3A_521 = arith.constant 16 : i32
      %parallel_loop3A_522 = arith.addi %parallel_loop3A_496, %parallel_loop3A_521 : i32
      %parallel_loop3A_523 = arith.index_cast %parallel_loop3A_522 : i32 to index
      %parallel_loop3A_524 = tpu.vector_load %arg9[%parallel_loop3A_523] {strides = array<i32>} : memref<24576xf32, #tpu.memory_space<vmem>>, vector<16xf32>,
      %parallel_loop3A_525 = vector.shape_cast %parallel_loop3A_524 : vector<16xf32> to vector<16xf32>
      %parallel_loop3A_526 = vector.shape_cast %parallel_loop3A_520 : vector<16xf32> to vector<16xf32>
      tpu.vector_store %arg9[%parallel_loop3A_523], %parallel_loop3A_526 {strides = array<i32>} : memref<24576xf32, #tpu.memory_space<vmem>>, vector<16xf32>,
      %parallel_loop3A_527 = arith.constant 32 : i32
      %parallel_loop3A_528 = arith.addi %parallel_loop3A_496, %parallel_loop3A_527 : i32
      %parallel_loop3A_529 = arith.index_cast %parallel_loop3A_528 : i32 to index
      %parallel_loop3A_530 = tpu.vector_load %arg9[%parallel_loop3A_529] {strides = array<i32>} : memref<24576xf32, #tpu.memory_space<vmem>>, vector<16xf32>,
      %parallel_loop3A_531 = vector.shape_cast %parallel_loop3A_530 : vector<16xf32> to vector<16xf32>
      %parallel_loop3A_532 = arith.subf %parallel_loop3A_531, %select_n3A_377 : vector<16xf32>
      %parallel_loop3A_533 = arith.cmpf olt, %parallel_loop3A_532, %broadcast_in_dim3A_327 : vector<16xf32>
      %parallel_loop3A_534 = arith.addf %parallel_loop3A_532, %broadcast_in_dim3A_329 : vector<16xf32>
      %parallel_loop3A_535 = arith.select %parallel_loop3A_533, %parallel_loop3A_534, %parallel_loop3A_532 : vector<16xi1>, vector<16xf32>
      %parallel_loop3A_536 = arith.constant 32 : i32
      %parallel_loop3A_537 = arith.addi %parallel_loop3A_496, %parallel_loop3A_536 : i32
      %parallel_loop3A_538 = arith.index_cast %parallel_loop3A_537 : i32 to index
      %parallel_loop3A_539 = tpu.vector_load %arg9[%parallel_loop3A_538] {strides = array<i32>} : memref<24576xf32, #tpu.memory_space<vmem>>, vector<16xf32>,
      %parallel_loop3A_540 = vector.shape_cast %parallel_loop3A_539 : vector<16xf32> to vector<16xf32>
      %parallel_loop3A_541 = vector.shape_cast %parallel_loop3A_535 : vector<16xf32> to vector<16xf32>
      tpu.vector_store %arg9[%parallel_loop3A_538], %parallel_loop3A_541 {strides = array<i32>} : memref<24576xf32, #tpu.memory_space<vmem>>, vector<16xf32>,
    } {sc.loop_unroll_factor = 8 : i64, sc.parallel_access}
    %add3A_492 = arith.constant 368640 : i32
    %add3A_493 = arith.addi %mul3A_382, %add3A_492 : i32
    "tpu.region"() ({
      %run_scoped3A = tpu.sem_alloc : memref<!tpu.dma_semaphore, #tpu.memory_space<semaphore_mem>>
      %dma_start3A = tpu.memref_slice %arg5[%add3A_493] : memref<12582912xf32, #tpu.memory_space<hbm>> -> memref<24576xf32, #tpu.memory_space<hbm>>
      %dma_start3A_494 = tpu.memref_slice %arg5[%add3A_493] : memref<12582912xf32, #tpu.memory_space<hbm>> -> memref<24576xf32, #tpu.memory_space<hbm>>
      tpu.enqueue_dma source(%arg9 : memref<24576xf32, #tpu.memory_space<vmem>>) target(%dma_start3A_494 : memref<24576xf32, #tpu.memory_space<hbm>>) target_semaphore(%run_scoped3A : memref<!tpu.dma_semaphore, #tpu.memory_space<semaphore_mem>>)
      %dma_wait3A = tpu.memref_slice %arg5[%add3A_493] : memref<12582912xf32, #tpu.memory_space<hbm>> -> memref<24576xf32, #tpu.memory_space<hbm>>
      %dma_wait3A_495 = tpu.memref_slice %arg5[%add3A_493] : memref<12582912xf32, #tpu.memory_space<hbm>> -> memref<24576xf32, #tpu.memory_space<hbm>>
      tpu.wait_dma2 semaphore(%run_scoped3A : memref<!tpu.dma_semaphore, #tpu.memory_space<semaphore_mem>>) src(%arg9 : memref<24576xf32, #tpu.memory_space<vmem>>) dst(%dma_wait3A_495 : memref<24576xf32, #tpu.memory_space<hbm>>)
      tpu.yield
    }) : () -> ()
    return
  }
}

</mosaic_0001>

<sc_bundles>
// kernel: kernel.3.cloned.1.call-start
scs
__scs_entry_jumppad:
0x0: {  	(pc) =	sbr.rel $0x88, $3  }
0x1: {  	(tag) =	ssettag $0x0;
	lr =	simm.s32 $0x1  }
0x2: {  	[smem:$0x3F9A] =	sst lr;
	_ =	strace $0xD0000000  }
0x3: {  	_ = 	snop  }
0x4: {  	_ = 	snop  }
0x5: {  	_ = 	snop  }
0x6: {  	_ = 	snop  }
0x7: {  	_ = 	snop  }
__scs_overlays_trampoline_lowered:
0x8: {  	[smem:$0x3FA9] =	sst s0  }
0x9: {  	[smem:$0x3FAA] =	sst s1  }
0xa: {  	[smem:$0x3FAB] =	sst s2  }
0xb: {  	[smem:$0x3FAC] =	sst s3  }
0xc: {  	[smem:$0x3FAD] =	sst s4  }
0xd: {  	[smem:$0x3FAE] =	sst s5  }
0xe: {  	[smem:$0x3FAF] =	sst s6  }
0xf: {  	[smem:$0x3FB0] =	sst s7  }
0x10: {  	[smem:$0x3FB1] =	sst s8  }
0x11: {  	[smem:$0x3FB2] =	sst s9;
	s0 =	simm.s32 @!p0 $0x0  }
0x12: {  	s1 =	sld [smem:$0x3F98];
	s0 =	simm.s32 @p0 $0x1  }
0x13: {  	[smem:$0x3FB3] =	sst s0;
	s0 =	simm.s32 @!p1 $0x0  }
0x14: {  	s2 =	sld [smem:$0x3F97];
	s0 =	simm.s32 @p1 $0x1  }
0x15: {  	[smem:$0x3FB4] =	sst s0;
	s0 =	simm.s32 @!p2 $0x0  }
0x16: {  	s3 =	sld [smem:$0x3FDB];
	s0 =	simm.s32 @p2 $0x1  }
0x17: {  	s4 =	simm.s32 $0x1BF5;
	[smem:$0x3FB6] =	sst s0  }
0x18: {  	s0 =	sld [smem:$0x3F99];
	_ =	swait.ge [sflag:s4], $0x0  }
0x19: {  	s7 =	sld [smem:$0x3F9A]  }
0x1a: {  	s8 =	sadd.s32 $0xFFFFE003, lr  }
0x1b: {  	s9 =	sadd.s32 $0xFFFFFEF7, lr;
	s5 =	simm.s32 $0xFFFFFFFF;
	p2 =	slt.u32 s8, $0xFFFFF086  }
0x1c: {  	p1 =	slt.u32 s9, $0xF7A;
	s5 =	simm.s32 @!p2 $0x0  }
0x1d: {  	s5 =	simm.s32 @p1 $0x1;
	p0 =	seq.s32 s7, s2  }
0x1e: {  	s7 =	smul.u32 @!p0 $0xF7A, s2;
	p2 =	seq.s32 @!p0 s5, $0x0  }
0x1f: {  	s9 =	smul.u32 $0xF7A, s1;
	s8 =	simm.s32 @!p0 $0x1BF5;
	p2 =	por !p2, p0  }
0x20: {  	[sflag:s8] =	ssyncset.s32 @!p0 $0xFFFFF086;
	s6 =	sadd.s32 @!p0 s3, s7;
	s7 =	simm.s32 @!p0 $0x108  }
0x21: {  	s3 =	sadd.s32 s3, s9;
	s6 =	sadd.s32 @!p0 $0x88, s6;
	s7 =	simm.s32 @p2 $0x1082  }
0x22: {  	[simem:s7], [sflag:s8] =	dma.local @!p0 [hbm:s6], $0xF7A  }
0x23: {  	s9 =	sor.u32 $0xD0000000, s2;
	s6 =	simm.s32 $0x108;
	_ =	swait.ge @!p0 [sflag:s8], $0x0  }
0x24: {  	s3 =	sadd.s32 $0x88, s3;
	s6 =	simm.s32 @!p1 $0x1082;
	[sflag:s4] =	ssyncset.s32 $0xFFFFF086  }
0x25: {  	[simem:s6], [sflag:s4] =	dma.local [hbm:s3], $0xF7A  }
0x26: {  	[smem:$0x3F9A] =	sst s1;
	(tag) =	ssettag s2;
	_ =	strace s9  }
0x27: {  	s1 =	sld [smem:$0x3FAA]  }
0x28: {  	s2 =	sld [smem:$0x3FAB]  }
0x29: {  	s4 =	sld [smem:$0x3FAD]  }
0x2a: {  	p0 =	seq.s32 s5, $0x0;
	s5 =	sld [smem:$0x3FAE]  }
0x2b: {  	s6 =	sld [smem:$0x3FAF]  }
0x2c: {  	s7 =	sld [smem:$0x3FB0]  }
0x2d: {  	s3 =	simm.s32 $0x108;
	s8 =	sld [smem:$0x3FB1]  }
0x2e: {  	s3 =	simm.s32 @!p0 $0x1082;
	s9 =	sld [smem:$0x3FB2]  }
0x2f: {  	lr =	sadd.s32 s0, s3;
	s0 =	sld [smem:$0x3FA9]  }
0x30: {  	s3 =	sld [smem:$0x3FAC]  }
0x31: {  	[smem:$0x3FB5] =	sst s10  }
0x32: {  	s10 =	sld [smem:$0x3FB3];
	_ =	sdelay $0x3  }
0x33: {  	p0 =	seq.s32 s10, $0x1;
	s10 =	sld [smem:$0x3FB5];
	_ =	sdelay $0x3  }
0x34: {  	[smem:$0x3FB5] =	sst s10  }
0x35: {  	s10 =	sld [smem:$0x3FB4];
	_ =	sdelay $0x3  }
0x36: {  	p1 =	seq.s32 s10, $0x1;
	s10 =	sld [smem:$0x3FB5];
	_ =	sdelay $0x3  }
0x37: {  	[smem:$0x3FB5] =	sst s10  }
0x38: {  	s10 =	sld [smem:$0x3FB6]  }
0x39: {  	_ = 	snop;
	(pc) =	sbr.ind lr, $3  }
0x3a: {  	_ = 	snop  }
0x3b: {  	_ = 	snop  }
0x3c: {  	p2 =	seq.s32 s10, $0x1;
	s10 =	sld [smem:$0x3FB5]  }
0x3d: {  	_ =	shalt  }
0x3e: {  	_ =	shalt  }
0x3f: {  	_ =	shalt  }
0x40: {  	_ =	shalt  }
0x41: {  	_ =	shalt  }
0x42: {  	_ =	shalt  }
0x43: {  	_ =	shalt  }
0x44: {  	_ =	shalt  }
0x45: {  	_ =	shalt  }
0x46: {  	_ =	shalt  }
0x47: {  	_ =	shalt  }
0x48: {  	_ =	shalt  }
0x49: {  	_ =	shalt  }
0x4a: {  	_ =	shalt  }
0x4b: {  	_ =	shalt  }
0x4c: {  	_ =	shalt  }
0x4d: {  	_ =	shalt  }
0x4e: {  	_ =	shalt  }
0x4f: {  	_ =	shalt  }
0x50: {  	_ =	shalt  }
0x51: {  	_ =	shalt  }
0x52: {  	_ =	shalt  }
0x53: {  	_ =	shalt  }
0x54: {  	_ =	shalt  }
0x55: {  	_ =	shalt  }
0x56: {  	_ =	shalt  }
0x57: {  	_ =	shalt  }
0x58: {  	_ =	shalt  }
0x59: {  	_ =	shalt  }
0x5a: {  	_ =	shalt  }
0x5b: {  	_ =	shalt  }
0x5c: {  	_ =	shalt  }
0x5d: {  	_ =	shalt  }
0x5e: {  	_ =	shalt  }
0x5f: {  	_ =	shalt  }
0x60: {  	_ =	shalt  }
0x61: {  	_ =	shalt  }
0x62: {  	_ =	shalt  }
0x63: {  	_ =	shalt  }
0x64: {  	_ =	shalt  }
0x65: {  	_ =	shalt  }
0x66: {  	_ =	shalt  }
0x67: {  	_ =	shalt  }
0x68: {  	_ =	shalt  }
0x69: {  	_ =	shalt  }
0x6a: {  	_ =	shalt  }
0x6b: {  	_ =	shalt  }
0x6c: {  	_ =	shalt  }
0x6d: {  	_ =	shalt  }
0x6e: {  	_ =	shalt  }
0x6f: {  	_ =	shalt  }
0x70: {  	_ =	shalt  }
0x71: {  	_ =	shalt  }
0x72: {  	_ =	shalt  }
0x73: {  	_ =	shalt  }
0x74: {  	_ =	shalt  }
0x75: {  	_ =	shalt  }
0x76: {  	_ =	shalt  }
0x77: {  	_ =	shalt  }
0x78: {  	_ =	shalt  }
0x79: {  	_ =	shalt  }
0x7a: {  	_ =	shalt  }
0x7b: {  	_ =	shalt  }
0x7c: {  	_ =	shalt  }
0x7d: {  	_ =	shalt  }
0x7e: {  	_ =	shalt  }
0x7f: {  	_ =	shalt  }
0x80: {  	_ =	shalt  }
0x81: {  	_ =	shalt  }
0x82: {  	_ =	shalt  }
0x83: {  	_ =	shalt  }
0x84: {  	_ =	shalt  }
0x85: {  	_ =	shalt  }
0x86: {  	_ =	shalt  }
0x87: {  	_ =	shalt  }
.Lfunc_end0:
.L_simem_size_0:
called_computation.1_lowered:
.L_overlay_start_0:
0x88: {  	s2 =	sld [smem:$0x3FD9]  }
0x89: {  	s3 =	sld [smem:$0x3FFE];
	_ =	sdelay $0x1  }
0x8a: {  	s1 =	srdreg.scid  }
0x8b: {  	s0 =	sand.u32 $0x1, s1  }
0x8c: {  	s14 =	sshll.u32 s0, $0xA;
	s2 =	sadd.s32 s3, s2  }
0x8d: {  	s2 =	sadd.s32 s2, s14  }
0x8e: {  	[smem:$0x3FC1] =	sst s2  }
0x8f: {  	_ = 	snop  }
0x90: {  	s2 =	sld [smem:$0x3FD0];
	_ =	sdelay $0x2  }
0x91: {  	s15 =	simm.s32 $0xA;
	s4 =	simm.s32 $0x10  }
0x92: {  	[smem:s4], [sflag:s15] =	dma.local [hbm:s2], $0x1  }
0x93: {  	_ =	swait.eq [sflag:s15], $0x1  }
0x94: {  	[sflag:s15] =	ssyncset.done $0x0  }
0x95: {  	[sflag:s15] =	ssyncadd.s32 $0xFFFFFFFF  }
0x96: {  	s16 =	sld [smem:$0x10];
	(tm) =	ssettm $0x1  }
0x97: {  	s17 =	sld [smem:$0x3FFB];
	_ =	sdelay $0x3  }
0x98: {  	_ =	strace s17  }
0x99: {  	s3 =	sld [smem:$0x3FFC];
	_ =	sdelay $0x3  }
0x9a: {  	_ =	strace s3  }
0x9b: {  	s3 =	sld [smem:$0x3FFD];
	_ =	sdelay $0x3  }
0x9c: {  	_ =	strace s3  }
0x9d: {  	_ =	strace $0x8FFFFFFF  }
0x9e: {  	s18 =	sld [smem:$0x3FDB];
	_ =	sdelay $0x1  }
0x9f: {  	s19 =	simm.s32 $_scs_section_size  }
0xa0: {  	s5 =	simm.s32 $_size__tile_overlayer_lowered;
	s6 =	simm.s32 $_tile_overlayer_lowered  }
0xa1: {  	s22 =	simm.s32 $0x1BFF;
	s21 =	sshll.u32 s6, $0x1;
	s3 =	sadd.s32 s19, s18  }
0xa2: {  	s7 =	simm.s32 $0x0;
	s20 =	sshll.u32 s5, $0x1;
	s5 =	sadd.s32 s21, s3  }
0xa3: {  	[timem:s7], [sflag:s22] =	dma.local [hbm:s5], s20  }
0xa4: {  	_ =	swait.ge [sflag:s22], s20  }
0xa5: {  	s4 =	ssub.s32 $0x0, s20;
	[sflag:s22] =	ssyncset.done $0x0  }
0xa6: {  	[sflag:s22] =	ssyncadd.s32 s4;
	_ =	sdelay $0x1  }
0xa7: {  	s23 =	simm.s32 $0x1B8B  }
0xa8: {  	_ =	swait.ge [sflag:s23], $0x1  }
0xa9: {  	[sflag:s23] =	ssyncset.done $0x0  }
0xaa: {  	s25 =	simm.s32 $0x1B8E;
	s24 =	sld [smem:$0x3FFE];
	[sflag:s23] =	ssyncadd.s32 $0xFFFFFFFF  }
0xab: {  	s26 =	simm.s32 $execute0_lowered;
	[smem:$0x3FD2] =	sst s25  }
0xac: {  	s5 =	sshll.u32 s26, $0x1;
	_ =	strace $0x80000046;
	[dreg:$0x1] =	wrdreg $0xFFFFFFFF  }
0xad: {  	s28 =	simm.s32 $_size_execute0_lowered;
	s3 =	sadd.s32 s3, s5;
	[dreg:$0x0] =	wrdreg $0x0  }
0xae: {  	s5 =	sshll.u32 s28, $0x1;
	[dreg:$0x2] =	wrdreg s3  }
0xaf: {  	[dreg:$0x3] =	wrdreg s5  }
0xb0: {  	[dreg:$0x4] =	wrdreg $0xC0  }
0xb1: {  	_ =	task [dreg:s7], $0x5FFFF  }
0xb2: {  	[dreg:$0x1] =	wrdreg $0xFFFFFFFF  }
0xb3: {  	[dreg:$0x0] =	wrdreg $0x60  }
0xb4: {  	[dreg:$0x2] =	wrdreg s16  }
0xb5: {  	[dreg:$0x3] =	wrdreg s24  }
0xb6: {  	[dreg:$0x4] =	wrdreg $0x9  }
0xb7: {  	_ =	task.clear_ibuf [dreg:s7], $0x5FFFF;
	_ =	strace $0x90000046  }
0xb8: {  	s29 =	simm.s32 $0x9;
	_ =	strace $0x80000048  }
0xb9: {  	_ =	swait.ge [sflag:s29], $0x1  }
0xba: {  	[sflag:s29] =	ssyncadd.s32 $0xFFFFFFFF  }
0xbb: {  	_ =	strace $0x90000048  }
0xbc: {  	_ =	sfence  }
0xbd: {  	s30 =	sld [smem:$0x0];
	_ =	sdelay $0x2  }
0xbe: {  	s31 =	sshll.u32 s1, $0xD;
	s1 =	sshrl.u32 s1, $0x2  }
0xbf: {  	s3 =	sand.u32 $0x4000, s31;
	s1 =	sadd.s32 s1, s30  }
0xc0: {  	s0 =	sor.u32 s3, s0;
	s1 =	sshll.u32 s1, $0x11  }
0xc1: {  	s0 =	sor.u32 s1, s0  }
0xc2: {  	s0 =	sadd.s32 $0x8F2B, s0  }
0xc3: {  	[sflag:s0] =	ssyncadd.remote.s32 $0x1  }
0xc4: {  	_ =	sfence.sel $0xFFFF  }
0xc5: {  	[dreg:$0x0] =	wrdreg $0xFFFFFFFF;
	(pc) =	sbr.abs _section_cstart, $3  }
0xc6: {  	[dreg:$0x1] =	wrdreg $0xFFFFFFFF  }
0xc7: {  	_ =	task.clear_ibuf [dreg:s7], $0x2FFFF;
	_ =	strace $0x9FFFFFFF  }
0xc8: {  	(tm) =	ssettm $0x7FFFFFFF  }
0xc9: {  	_ =	shalt  }
tec
execute0_lowered:
.L_overlay_start_1:
0x0: {  	(tag) =	ssettag $0x1  }
0x1: {  	s0 =	srdreg.scid;
	s1 =	stileid.u32  }
0x2: {  	s0 =	sand.u32 $0x1, s0;
	s1 =	sshll.u32 s1, $0x1  }
0x3: {  	s3 =	rddreg [dreg:$0x0];
	s1 =	sor.u32 s0, s1  }
0x4: {  	s6 =	rddreg [dreg:$0x1];
	s2 =	simm.s32 $0x0;
	s1 =	smul.u32 $0x60000, s1  }
0x5: {  	[smem:$0x7FF] =	sst s2  }
0x6: {  	s4 =	sadd.s32 $0x1600, s6;
	s5 =	ssub.s32 $0x2, s0;
	s0 =	sshrl.u32 s1, $0x3  }
0x7: {  	_ =	strace $0x80000047;
	s7 =	sshrl.u32 s5, $0x1;
	s1 =	sor.u32 $0xC00, s0  }
0x8: {  	s7 =	ssub.s32 s5, s7;
	s5 =	sadd.s32 $0x1400, s6;
	s21 =	sadd.s32 s3, s1  }
0x9: {  	s22 =	sor.u32 $0x1800, s0;
	s1 =	sadd.s32 s4, s1;
	[dreg:$0x3] =	wrdreg s21  }
0xa: {  	s24 =	sor.u32 $0x2400, s0;
	s23 =	sadd.s32 s3, s22;
	[dreg:$0x4] =	wrdreg s1  }
0xb: {  	s26 =	sor.u32 $0x3000, s0;
	s25 =	sadd.s32 s3, s24;
	[dreg:$0x5] =	wrdreg s23  }
0xc: {  	s9 =	sor.u32 $0x3C00, s0;
	s8 =	sadd.s32 s3, s26;
	[dreg:$0x7] =	wrdreg s25  }
0xd: {  	s11 =	sadd.s32 $0x4800, s0;
	s10 =	sadd.s32 s3, s9;
	[dreg:$0x9] =	wrdreg s8  }
0xe: {  	s13 =	sadd.s32 $0x5400, s0;
	s12 =	sadd.s32 s3, s11;
	[dreg:$0xb] =	wrdreg s10  }
0xf: {  	s15 =	sadd.s32 $0x6000, s0;
	s14 =	sadd.s32 s3, s13;
	[dreg:$0xd] =	wrdreg s12  }
0x10: {  	vm0 =	vcmask $0x1310;
	vm1 =	vcmask $0x704;
	v0 =	vimm.f32 $1.000000000e+00;
	s17 =	sadd.s32 $0x6C00, s0;
	s16 =	sadd.s32 s3, s15;
	[dreg:$0xf] =	wrdreg s14  }
0x11: {  	vm7 =	vcmask $0x1F1C;
	vm8 =	vcmask $0x2B28;
	vm9 =	vcmask $0xF0C;
	s19 =	sadd.s32 $0x7800, s0;
	s18 =	sadd.s32 s3, s17;
	[dreg:$0x11] =	wrdreg s16  }
0x12: {  	vm2 =	vcmask $0x33C;
	vm3 =	vcmask $0x3734;
	vm10 =	vcmask $0x1B18;
	s6 =	sadd.s32 $0x1200, s6;
	s20 =	sadd.s32 s3, s19;
	[dreg:$0x13] =	wrdreg s18  }
0x13: {  	vm12 =	vcmask $0x2724;
	vm13 =	vcmask $0x130C;
	vm14 =	vcmask $0x73C;
	s7 =	smax.u32 s7, $0x1;
	s1 =	sadd.s32 s4, s22;
	[dreg:$0x15] =	wrdreg s20  }
0x14: {  	vm15 =	vcmask $0x3330;
	vm4 =	vcmask $0x338;
	vm5 =	vcmask $0x2B24;
	s21 =	sadd.s32 $0x8400, s0;
	[dreg:$0x6] =	wrdreg s1;
	s1 =	sadd.s32 s4, s24  }
0x15: {  	vm0 =	vmor vm1, vm0;
	vm1 =	vmor vm2, vm9;
	vm9 =	vcmask $0xF08;
	s23 =	sadd.s32 $0x9000, s0;
	s22 =	sadd.s32 s3, s21;
	[dreg:$0x8] =	wrdreg s1  }
0x16: {  	vm0 =	vmor vm0, vm7;
	vm11 =	vmor vm1, vm10;
	vm1 =	vmor vm14, vm13;
	s30 =	sadd.s32 s3, s0;
	s24 =	sadd.s32 s3, s23;
	[dreg:$0x17] =	wrdreg s22  }
0x17: {  	vm2 =	vmor vm4, vm9;
	vm10 =	vcmask $0x1B14;
	vm13 =	vcmask $0x332C;
	s31 =	sadd.s32 s4, s0;
	s1 =	sadd.s32 s4, s26;
	[dreg:$0x19] =	wrdreg s24  }
0x18: {  	(erf) = vrcp.f32 v0;
	vm0 =	vmor vm0, vm8;
	v0 =	vimm.s32 $0x0;
	s25 =	sadd.s32 $0x9C00, s0;
	[dreg:$0xa] =	wrdreg s1;
	s1 =	sadd.s32 s4, s9  }
0x19: {  	vm8 =	vcmask $0x1F18;
	vm2 =	vmor vm2, vm10;
	vm0 =	vmor vm0, vm3;
	s8 =	sadd.s32 $0xB400, s0;
	[dreg:$0xc] =	wrdreg s1;
	s1 =	sadd.s32 s4, s11  }
0x1a: {  	vm1 =	vmor vm1, vm8;
	v0 =	vsel vm0, $0xFFFFFFFF, v0;
	vm0 =	vmor vm11, vm12;
	s10 =	simm.s32 $0x6100;
	[dreg:$0xe] =	wrdreg s1;
	s1 =	sadd.s32 s4, s13  }
0x1b: {  	vm1 =	vmor vm1, vm5;
	[tilespmem:$0x1FFC0] =	vst v0;
	vm0 =	vmor vm0, vm15;
	v0 =	vimm.s32 $0x0;
	s28 =	sadd.s32 s3, s25;
	[dreg:$0x10] =	wrdreg s1;
	s1 =	sadd.s32 s4, s15  }
0x1c: {  	vm11 =	vcmask $0x2720;
	vm12 =	vcmask $0x3730;
	v0 =	vsel vm0, $0xFFFFFFFF, v0;
	s29 =	sadd.s32 s4, s25;
	[dreg:$0x12] =	wrdreg s1;
	s1 =	sadd.s32 s4, s17  }
0x1d: {  	vm2 =	vmor vm2, vm11;
	vm14 =	vmor vm1, vm12;
	[tilespmem:$0x1FFD0] =	vst v0;
	v0 =	vimm.s32 $0x0;
	s26 =	sadd.s32 $0xA800, s0;
	[dreg:$0x14] =	wrdreg s1;
	s1 =	sadd.s32 s4, s19  }
0x1e: {  	v1 =	vimm.s32 $0x0;
	vm15 =	vmor vm2, vm13;
	v0 =	vsel vm14, $0xFFFFFFFF, v0;
	s0 =	sadd.s32 s4, s26;
	[dreg:$0x16] =	wrdreg s1;
	s1 =	sadd.s32 s4, s21  }
0x1f: {  	v1 =	vsel vm15, $0xFFFFFFFF, v1;
	s9 =	simm.s32 $0x100;
	[dreg:$0x18] =	wrdreg s1;
	s1 =	sadd.s32 s4, s23  }
0x20: {  	[tilespmem:$0x1FFF0] =	vst v1;
	s11 =	simm.s32 $0x0;
	s4 =	sadd.s32 s4, s8;
	[dreg:$0x1a] =	wrdreg s1  }
0x21: {  	[tilespmem:$0x1FFE0] =	vst v0;
	v0 =	vpop (erf);
	s1 =	sadd.s32 s3, s26;
	s3 =	sadd.s32 s3, s8;
	s8 =	simm.s32 $0x1  }
.LBB2_1:
0x22: {  	[tilespmem:s2], [sflag:$0x1] =	stream.linear.gather [hbm4b:s5+s2], $0x80, $0x38;
	[tilespmem:$0xC100] =	vst v63  }
0x23: {  	_ =	swait.ge [sflag:s8], $0x80  }
0x24: {  	[sflag:s8] =	ssyncset.done $0x0  }
0x25: {  	s12 =	simm.s32 $0x80;
	[sflag:s8] =	ssyncadd.s32 $0xFFFFFF80  }
0x26: {  	[tilespmem:s12], [sflag:$0x1] =	stream.linear.gather [hbm4b:s6+s2], $0x80, $0x38;
	[tilespmem:$0xC100] =	vst v63  }
0x27: {  	_ =	swait.ge [sflag:s8], $0x80  }
0x28: {  	[sflag:s8] =	ssyncset.done $0x0  }
0x29: {  	[sflag:s8] =	ssyncadd.s32 $0xFFFFFF80  }
0x2a: {  	v2 =	vld [tilespmem:$0x0];
	_ =	sdelay $0x4  }
0x2b: {  	(v2sf) =	vpush v2, $0x0  }
0x2c: {  	(v2sf) =	vpush v2, $0x1  }
0x2d: {  	(v2sf) =	vpush v2, $0x2  }
0x2e: {  	(v2sf) =	vpush v2, $0x3  }
0x2f: {  	(v2sf) =	vpush v2, $0xA;
	_ =	sdelay $0x1  }
0x30: {  	(v2sf) =	vpush v2, $0x4;
	_ =	sdelay $0x1  }
0x31: {  	(v2sf) =	vpush v2, $0x5  }
0x32: {  	(v2sf) =	vpush v2, $0xB;
	_ =	sdelay $0x1  }
0x33: {  	(v2sf) =	vpush v2, $0x6;
	_ =	sdelay $0x2  }
0x34: {  	(v2sf) =	vpush v2, $0x7  }
0x35: {  	s13 =	spop (v2sf)  }
0x36: {  	(v2sf) =	vpush v2, $0xC;
	s14 =	spop (v2sf);
	s19 =	sshrl.u32 s13, $0x10  }
0x37: {  	(v2sf) =	vpush v2, $0x8;
	s15 =	spop (v2sf);
	s19 =	sand.u32 $0x1, s19  }
0x38: {  	s22 =	sshrl.u32 s14, $0x10;
	s16 =	spop (v2sf);
	s13 =	sadd.s32 s19, s13  }
0x39: {  	(v2sf) =	vpush v2, $0x9;
	s26 =	sshrl.u32 s15, $0x10;
	s22 =	sand.u32 $0x1, s22;
	s17 =	spop (v2sf)  }
0x3a: {  	v1 =	vld [tilespmem:$0x80];
	(v2sf) =	vpush v2, $0xD;
	s13 =	sadd.s32 $0x7FFF, s13;
	s19 =	sand.u32 $0x1, s26;
	s14 =	sadd.s32 s22, s14  }
0x3b: {  	s24 =	sshrl.u32 s16, $0x10;
	s18 =	spop (v2sf);
	s15 =	sadd.s32 s19, s15  }
0x3c: {  	s23 =	sand.u32 $0xFFFF0000, s13;
	s13 =	sadd.s32 $0x7FFF, s14;
	s25 =	sand.u32 $0x1, s24  }
0x3d: {  	s20 =	spop (v2sf);
	s22 =	sadd.s32 $0x7FFF, s15;
	s26 =	sshrl.u32 s18, $0x10  }
0x3e: {  	s12 =	spop (v2sf);
	s14 =	sand.u32 $0xFFFF0000, s22;
	s22 =	sand.u32 $0xFFFF0000, s13  }
0x3f: {  	(v2sf) =	vpush v1, $0x0;
	s15 =	sand.u32 $0x1, s26;
	s13 =	smul.f32 s23, s14;
	s14 =	sadd.s32 s25, s16  }
0x40: {  	s24 =	sshrl.u32 s20, $0x10;
	s21 =	spop (v2sf);
	s14 =	sadd.s32 $0x7FFF, s14  }
0x41: {  	s15 =	sadd.s32 s15, s18;
	s24 =	sand.u32 $0x1, s24;
	s14 =	sand.u32 $0xFFFF0000, s14  }
0x42: {  	(v2sf) =	vpush v1, $0x1;
	s15 =	sadd.s32 $0x7FFF, s15;
	s18 =	sadd.s32 s24, s20;
	s14 =	smul.f32 s22, s14  }
0x43: {  	(v2sf) =	vpush v1, $0x2;
	s19 =	spop (v2sf);
	s15 =	sand.u32 $0xFFFF0000, s15;
	s18 =	sadd.s32 $0x7FFF, s18  }
0x44: {  	s25 =	sand.u32 $0xFFFF0000, s18;
	s13 =	sadd.f32 s14, s13;
	s14 =	smul.f32 s23, s15  }
0x45: {  	s26 =	sshrl.u32 s21, $0x10;
	s16 =	spop (v2sf);
	s15 =	smul.f32 s22, s25  }
0x46: {  	s25 =	sshrl.u32 s19, $0x10;
	s20 =	spop (v2sf);
	(v2sf) =	vpush v1, $0x3;
	s17 =	sadd.f32 s13, s17  }
0x47: {  	s14 =	sadd.f32 s15, s14;
	s13 =	sand.u32 $0x1, s26;
	s15 =	sand.u32 $0x1, s25  }
0x48: {  	s18 =	spop (v2sf);
	(v2sf) =	vpush v1, $0x8;
	s13 =	sadd.s32 s13, s21;
	s15 =	sadd.s32 s15, s19  }
0x49: {  	s26 =	sshrl.u32 s20, $0x10;
	s24 =	spop (v2sf);
	s13 =	sadd.s32 $0x7FFF, s13  }
0x4a: {  	s19 =	sand.u32 $0x1, s26;
	s15 =	sadd.s32 $0x7FFF, s15;
	s12 =	sadd.f32 s14, s12  }
0x4b: {  	s13 =	sand.u32 $0xFFFF0000, s13;
	s19 =	sadd.s32 s19, s20;
	s20 =	sshrl.u32 s18, $0x10  }
0x4c: {  	s26 =	smul.f32 s23, s13;
	s13 =	sand.u32 $0xFFFF0000, s15;
	s15 =	sand.u32 $0x1, s20  }
0x4d: {  	(v2sf) =	vpush v1, $0x4;
	s19 =	sadd.s32 $0x7FFF, s19;
	s20 =	smul.f32 s22, s13;
	s15 =	sadd.s32 s15, s18  }
0x4e: {  	s21 =	spop (v2sf);
	s19 =	sand.u32 $0xFFFF0000, s19;
	s15 =	sadd.s32 $0x7FFF, s15  }
0x4f: {  	(v2sf) =	vpush v1, $0x5;
	s18 =	smul.f32 s23, s19;
	s26 =	sadd.f32 s20, s26;
	s15 =	sand.u32 $0xFFFF0000, s15  }
0x50: {  	s20 =	smul.f32 s22, s15;
	s22 =	smax.f32 s17, $0.0e+00  }
0x51: {  	s25 =	spop (v2sf);
	s16 =	sadd.f32 s26, s16;
	s23 =	sshrl.u32 s22, $0x10  }
0x52: {  	s13 =	spop (v2sf);
	s14 =	sadd.f32 s20, s18;
	s20 =	sand.u32 $0x1, s23  }
0x53: {  	s26 =	smax.f32 s12, $0.0e+00;
	s16 =	smax.f32 s16, $0.0e+00;
	s12 =	sadd.s32 s20, s22  }
0x54: {  	s22 =	sshrl.u32 s26, $0x10;
	s14 =	sadd.f32 s14, s24;
	s23 =	sadd.s32 $0x7FFF, s12  }
0x55: {  	s15 =	sand.u32 $0x1, s22;
	s24 =	sshrl.u32 s21, $0x10;
	s17 =	spop (v2sf);
	(v2sf) =	vpush v1, $0x6  }
0x56: {  	s18 =	sand.u32 $0xFFFF0000, s23;
	s15 =	sadd.s32 s15, s26;
	s26 =	sshrl.u32 s16, $0x10  }
0x57: {  	s19 =	sand.u32 $0x1, s24;
	s23 =	sshrl.u32 s25, $0x10;
	s12 =	spop (v2sf);
	(v2sf) =	vpush v1, $0x7  }
0x58: {  	s14 =	smax.f32 s14, $0.0e+00;
	s15 =	sadd.s32 $0x7FFF, s15;
	s22 =	sand.u32 $0x1, s26  }
0x59: {  	s19 =	sadd.s32 s19, s21;
	s21 =	sand.u32 $0x1, s23;
	s15 =	sand.u32 $0xFFFF0000, s15  }
0x5a: {  	s16 =	sadd.s32 s22, s16;
	s19 =	sadd.s32 $0x7FFF, s19;
	s24 =	sshrl.u32 s14, $0x10  }
0x5b: {  	s21 =	sadd.s32 s21, s25;
	s19 =	sand.u32 $0xFFFF0000, s19;
	s22 =	sand.u32 $0x1, s24  }
0x5c: {  	s21 =	sadd.s32 $0x7FFF, s21;
	s16 =	sadd.s32 $0x7FFF, s16;
	s20 =	spop (v2sf)  }
0x5d: {  	s19 =	smul.f32 s18, s19;
	s21 =	sand.u32 $0xFFFF0000, s21;
	s14 =	sadd.s32 s22, s14  }
0x5e: {  	s25 =	sshrl.u32 s20, $0x10;
	s24 =	spop (v2sf);
	s21 =	smul.f32 s15, s21  }
0x5f: {  	s16 =	sand.u32 $0xFFFF0000, s16;
	s23 =	sand.u32 $0x1, s25;
	s26 =	sshrl.u32 s24, $0x10  }
0x60: {  	(v2sf) =	vpush v1, $0x9;
	s20 =	sadd.s32 s23, s20;
	s23 =	sand.u32 $0x1, s26;
	s19 =	sadd.f32 s21, s19  }
0x61: {  	s26 =	sshrl.u32 s13, $0x10;
	s20 =	sadd.s32 $0x7FFF, s20;
	s25 =	sadd.s32 s23, s24  }
0x62: {  	s22 =	sand.u32 $0x1, s26;
	s20 =	sand.u32 $0xFFFF0000, s20;
	s21 =	sadd.s32 $0x7FFF, s25  }
0x63: {  	s23 =	sshrl.u32 s17, $0x10;
	s18 =	smul.f32 s18, s20;
	s21 =	sand.u32 $0xFFFF0000, s21  }
0x64: {  	s13 =	sadd.s32 s22, s13;
	s15 =	smul.f32 s15, s21;
	s24 =	spop (v2sf)  }
0x65: {  	s20 =	sand.u32 $0x1, s23;
	s13 =	sadd.s32 $0x7FFF, s13;
	s25 =	sshrl.u32 s24, $0x10  }
0x66: {  	s15 =	sadd.f32 s15, s18;
	s26 =	spop (v2sf);
	s18 =	sand.u32 $0x1, s25  }
0x67: {  	s17 =	sadd.s32 s20, s17;
	s22 =	sshrl.u32 s26, $0x10;
	s18 =	sadd.s32 s18, s24  }
0x68: {  	s13 =	sand.u32 $0xFFFF0000, s13;
	s21 =	sand.u32 $0x1, s22;
	s18 =	sadd.s32 $0x7FFF, s18  }
0x69: {  	s13 =	smul.f32 s16, s13;
	s20 =	sadd.s32 s21, s26;
	s18 =	sand.u32 $0xFFFF0000, s18  }
0x6a: {  	s14 =	sadd.s32 $0x7FFF, s14;
	s23 =	sadd.s32 $0x7FFF, s20;
	s16 =	smul.f32 s16, s18  }
0x6b: {  	s14 =	sand.u32 $0xFFFF0000, s14;
	s17 =	sadd.s32 $0x7FFF, s17;
	s18 =	sand.u32 $0xFFFF0000, s23  }
0x6c: {  	s24 =	sand.u32 $0xFFFF0000, s17;
	s25 =	smul.f32 s14, s18;
	s15 =	sadd.f32 s15, s16  }
0x6d: {  	s13 =	sadd.f32 s19, s13;
	s14 =	smul.f32 s14, s24  }
0x6e: {  	s15 =	sadd.f32 s15, s25  }
0x6f: {  	s26 =	spop (v2sf);
	s13 =	sadd.f32 s13, s14  }
0x70: {  	s14 =	sadd.f32 s15, s26;
	_ =	sdelay $0x1  }
0x71: {  	v1 =	vmov s14  }
0x72: {  	v3 =	vand.u32 $0x7FFFFFFF, v1  }
0x73: {  	v5 =	vmul.f32 v3, v0  }
0x74: {  	s12 =	sadd.f32 s13, s12  }
0x75: {  	v5 =	vfloor.f32 v5  }
0x76: {  	v2 =	vmov s12;
	v3 =	vsub.f32 v3, v5  }
0x77: {  	v4 =	vand.u32 $0x7FFFFFFF, v2  }
0x78: {  	v6 =	vmul.f32 v4, v0;
	vm0 =	veq.f32 v3, $1.000000000e+00  }
0x79: {  	v3 =	vsel vm0, $0x0, v3  }
0x7a: {  	v1 =	vand.u32 $0x80000000, v1;
	v6 =	vfloor.f32 v6;
	v3 =	vand.u32 $0x7FFFFFFF, v3  }
0x7b: {  	v4 =	vsub.f32 v4, v6;
	v1 =	vor.u32 v1, v3  }
0x7c: {  	[tilespmem:s9], [sflag:$0x1] =	stream.linear.gather [hbm4b:s30+s2], $0x6000, $0x38;
	v3 =	vadd.f32 $1.000000000e+00, v1;
	[tilespmem:$0xC100] =	vst v63  }
0x7d: {  	_ =	swait.ge [sflag:s8], $0x6000;
	vm1 =	veq.f32 v4, $1.000000000e+00;
	vm0 =	vlt.f32 v1, $0.0e+00  }
0x7e: {  	v4 =	vsel vm1, $0x0, v4;
	v3 =	vsel vm0, v3, v1;
	v1 =	vld [tilespmem:$0x1FFD0]  }
0x7f: {  	[sflag:s8] =	ssyncset.done $0x0;
	v9 =	vld [tilespmem:$0x1FFF0];
	v2 =	vand.u32 $0x80000000, v2;
	v4 =	vand.u32 $0x7FFFFFFF, v4  }
0x80: {  	[sflag:s8] =	ssyncadd.s32 $0xFFFFA000;
	s12 =	simm.s32 $0x1C0;
	v2 =	vor.u32 v2, v4  }
0x81: {  	v4 =	vld [tilespmem:s12+$0xB0];
	v5 =	vadd.f32 $1.000000000e+00, v2  }
0x82: {  	vm1 =	vlt.f32 v2, $0.0e+00  }
0x83: {  	v5 =	vsel vm1, v5, v2;
	vm1 =	vnez.u8 v1  }
0x84: {  	v10 =	vld [tilespmem:$0x1FFE0];
	vm0 =	vnez.u8 v9;
	v1 =	vnsel vm1, $0x0, v3  }
0x85: {  	v6 =	vld [tilespmem:s12+$0xFFFFFF50];
	v1 =	vsel vm0, v1, v5  }
0x86: {  	v11 =	vsub.f32 v4, v1;
	v4 =	vld [tilespmem:$0x1FFC0]  }
0x87: {  	v7 =	vld [tilespmem:s12+$0xFFFFFF60]  }
0x88: {  	v9 =	vld [tilespmem:s12+$0xFFFFFF80]  }
0x89: {  	v8 =	vld [tilespmem:s12+$0xFFFFFF70];
	v2 =	vsel vm1, $0x0, v3;
	vm0 =	vnez.u8 v10  }
0x8a: {  	v10 =	vld [tilespmem:s12+$0xFFFFFF90];
	v2 =	vsel vm0, v2, v5  }
0x8b: {  	v29 =	vsub.f32 v6, v2;
	v6 =	vld [tilespmem:s12+$0xFFFFFFA0];
	vm0 =	vnez.u8 v4  }
0x8c: {  	v12 =	vld [tilespmem:s12+$0xFFFFFFC0];
	v32 =	vsub.f32 v7, v1;
	v3 =	vsel vm0, $0x0, v3  }
0x8d: {  	v7 =	vld [tilespmem:s12+$0xFFFFFFB0];
	v4 =	vsub.f32 v9, v2;
	v3 =	vsel vm1, v5, v3;
	v5 =	vadd.f32 $1.000000000e+00, v11  }
0x8e: {  	v14 =	vld [tilespmem:s12+$0xFFFFFFD0];
	v9 =	vimm.s32 $0x0;
	vm0 =	vlt.f32 v11, $0.0e+00  }
0x8f: {  	v16 =	vld [tilespmem:s12+$0xFFFFFFE0];
	vm2 =	vlt.f32 v4, $0.0e+00;
	v24 =	vsel vm0, v5, v11;
	v5 =	vsub.f32 v10, v1  }
0x90: {  	v18 =	vld [tilespmem:s12+$0xFFFFFFF0];
	v6 =	vsub.f32 v6, v3;
	v9 =	vsel vm2, $0xFFFFFFFF, v9  }
0x91: {  	v20 =	vld [tilespmem:s12+$0x0];
	[tilespmem:$0x1FF80] =	vst v9;
	v9 =	vsub.f32 v12, v1;
	v12 =	vimm.s32 $0x0;
	vm2 =	vlt.f32 v5, $0.0e+00  }
0x92: {  	v7 =	vsub.f32 v7, v2;
	v12 =	vsel vm2, $0xFFFFFFFF, v12  }
0x93: {  	v22 =	vld [tilespmem:s12+$0x10];
	vm2 =	vlt.f32 v6, $0.0e+00;
	[tilespmem:$0x1FF90] =	vst v12;
	v12 =	vsub.f32 v14, v3;
	v14 =	vimm.s32 $0x0  }
0x94: {  	v14 =	vsel vm2, $0xFFFFFFFF, v14  }
0x95: {  	v25 =	vld [tilespmem:s12+$0x20];
	vm2 =	vlt.f32 v7, $0.0e+00;
	[tilespmem:$0x1FFA0] =	vst v14;
	v14 =	vsub.f32 v16, v2;
	v16 =	vimm.s32 $0x0  }
0x96: {  	v36 =	vadd.f32 $1.000000000e+00, v29;
	v42 =	vsub.f32 v8, v3;
	v16 =	vsel vm2, $0xFFFFFFFF, v16  }
0x97: {  	v37 =	vadd.f32 $1.000000000e+00, v32;
	vm1 =	vlt.f32 v29, $0.0e+00;
	v13 =	vadd.f32 $1.000000000e+00, v7;
	v26 =	vld [tilespmem:s12+$0x30];
	[tilespmem:$0x1FFB0] =	vst v16  }
0x98: {  	v8 =	vadd.f32 $1.000000000e+00, v4;
	v45 =	vsel vm1, v36, v29;
	v43 =	vadd.f32 $1.000000000e+00, v42;
	v28 =	vld [tilespmem:s12+$0x40]  }
0x99: {  	vm0 =	vlt.f32 v32, $0.0e+00;
	v11 =	vadd.f32 $1.000000000e+00, v6;
	v10 =	vadd.f32 $1.000000000e+00, v5;
	v31 =	vld [tilespmem:s12+$0x50]  }
0x9a: {  	vm3 =	vlt.f32 v42, $0.0e+00;
	v15 =	vadd.f32 $1.000000000e+00, v9;
	v17 =	vadd.f32 $1.000000000e+00, v12;
	v33 =	vld [tilespmem:s12+$0x60]  }
0x9b: {  	v32 =	vsel vm0, v37, v32;
	v16 =	vsub.f32 v18, v1;
	v19 =	vadd.f32 $1.000000000e+00, v14;
	v34 =	vld [tilespmem:s12+$0x70]  }
0x9c: {  	vm8 =	vlt.f32 v9, $0.0e+00;
	v18 =	vsub.f32 v20, v3;
	v20 =	vsub.f32 v22, v2;
	v40 =	vld [tilespmem:s12+$0x80]  }
0x9d: {  	v29 =	vsel vm3, v43, v42;
	v44 =	vld [tilespmem:s12+$0x90];
	v21 =	vadd.f32 $1.000000000e+00, v16;
	v22 =	vsub.f32 v25, v1  }
0x9e: {  	vm9 =	vlt.f32 v12, $0.0e+00;
	[tilespmem:s12+$0xB0] =	vst v24;
	v46 =	vld [tilespmem:s12+$0xA0];
	v23 =	vadd.f32 $1.000000000e+00, v18;
	v24 =	vsub.f32 v26, v3  }
0x9f: {  	vm10 =	vlt.f32 v14, $0.0e+00;
	v47 =	vld [tilespmem:s12+$0xFFFFFF40];
	v25 =	vadd.f32 $1.000000000e+00, v20;
	v27 =	vadd.f32 $1.000000000e+00, v22  }
0xa0: {  	vm11 =	vlt.f32 v16, $0.0e+00;
	v26 =	vsub.f32 v28, v2;
	v30 =	vadd.f32 $1.000000000e+00, v24  }
0xa1: {  	vm12 =	vlt.f32 v18, $0.0e+00;
	v28 =	vsub.f32 v31, v1;
	v31 =	vsub.f32 v33, v3  }
0xa2: {  	vm13 =	vlt.f32 v20, $0.0e+00;
	v33 =	vsub.f32 v34, v2;
	v34 =	vsub.f32 v40, v1  }
0xa3: {  	vm14 =	vlt.f32 v22, $0.0e+00;
	v36 =	vsub.f32 v44, v3;
	v37 =	vsub.f32 v46, v2  }
0xa4: {  	vm15 =	vlt.f32 v24, $0.0e+00;
	v44 =	vsub.f32 v47, v3;
	v35 =	vadd.f32 $1.000000000e+00, v26  }
0xa5: {  	v38 =	vadd.f32 $1.000000000e+00, v28;
	vm2 =	vlt.f32 v26, $0.0e+00;
	v39 =	vadd.f32 $1.000000000e+00, v31  }
0xa6: {  	vm1 =	vlt.f32 v28, $0.0e+00;
	v41 =	vadd.f32 $1.000000000e+00, v33;
	v40 =	vadd.f32 $1.000000000e+00, v34  }
0xa7: {  	vm0 =	vlt.f32 v31, $0.0e+00;
	vm3 =	vlt.f32 v33, $0.0e+00;
	v43 =	vadd.f32 $1.000000000e+00, v36  }
0xa8: {  	v42 =	vadd.f32 $1.000000000e+00, v37;
	v46 =	vadd.f32 $1.000000000e+00, v44;
	vm4 =	vlt.f32 v34, $0.0e+00  }
0xa9: {  	s13 =	simm.s32 $0x0;
	s14 =	simm.s32 $0x340;
	vm6 =	vlt.f32 v36, $0.0e+00;
	vm7 =	vlt.f32 v44, $0.0e+00;
	vm5 =	vlt.f32 v37, $0.0e+00  }
.LBB2_2:
0xaa: {  	v62 =	vld [tilespmem:$0x1FF80];
	_ =	sdelay $0x4  }
0xab: {  	v44 =	vsel vm7, v46, v44;
	vm7 =	vnez.u8 v62  }
0xac: {  	v4 =	vsel vm7, v8, v4;
	v8 =	vld [tilespmem:$0x1FF90];
	_ =	sdelay $0x3  }
0xad: {  	v47 =	vld [tilespmem:s14+$0xB0]  }
0xae: {  	v61 =	vld [tilespmem:s14+$0xA0];
	vm7 =	vnez.u8 v8  }
0xaf: {  	v5 =	vsel vm7, v10, v5;
	v10 =	vld [tilespmem:$0x1FFA0]  }
0xb0: {  	v54 =	vld [tilespmem:s14+$0x30]  }
0xb1: {  	v55 =	vld [tilespmem:s14+$0x40]  }
0xb2: {  	[tilespmem:s12+$0xFFFFFF50] =	vst v45;
	v60 =	vld [tilespmem:s14+$0x90]  }
0xb3: {  	v9 =	vsel vm8, v15, v9;
	v63 =	vsel vm5, v42, v37;
	v37 =	vsub.f32 v61, v2;
	v8 =	vld [tilespmem:s14+$0xFFFFFF50]  }
0xb4: {  	v57 =	vld [tilespmem:s14+$0x60];
	v15 =	vsel vm12, v23, v18;
	v23 =	vsub.f32 v47, v1;
	vm7 =	vnez.u8 v10  }
0xb5: {  	v42 =	vadd.f32 $1.000000000e+00, v37;
	vm5 =	vlt.f32 v37, $0.0e+00;
	[tilespmem:s12+$0xFFFFFF40] =	vst v44;
	v10 =	vld [tilespmem:$0x1FFB0];
	v6 =	vsel vm7, v11, v6  }
0xb6: {  	v11 =	vsel vm9, v17, v12;
	v12 =	vsel vm10, v19, v14;
	v14 =	vld [tilespmem:s14+$0xFFFFFF70];
	[tilespmem:s12+$0xFFFFFF70] =	vst v29;
	v17 =	vsel vm14, v27, v22  }
0xb7: {  	v19 =	vsel vm15, v30, v24;
	v22 =	vsel vm1, v38, v28;
	v24 =	vsel vm0, v39, v31;
	v18 =	vld [tilespmem:s14+$0xFFFFFF80];
	[tilespmem:s12+$0xFFFFFF80] =	vst v4  }
0xb8: {  	v58 =	vld [tilespmem:s14+$0x70];
	v29 =	vsub.f32 v8, v2;
	v31 =	vsel vm6, v43, v36;
	v36 =	vsub.f32 v60, v3;
	[tilespmem:s12+$0x30] =	vst v19  }
0xb9: {  	v28 =	vsel vm4, v40, v34;
	vm0 =	vlt.f32 v23, $0.0e+00;
	[tilespmem:s12+$0x60] =	vst v24;
	v24 =	vsub.f32 v54, v3;
	v56 =	vld [tilespmem:s14+$0x50]  }
0xba: {  	v52 =	vadd.f32 $1.000000000e+00, v29;
	[tilespmem:s12+$0x50] =	vst v22;
	v22 =	vimm.s32 $0x0;
	v59 =	vld [tilespmem:s14+$0x80];
	v43 =	vadd.f32 $1.000000000e+00, v36  }
0xbb: {  	vm6 =	vlt.f32 v36, $0.0e+00;
	vm15 =	vlt.f32 v24, $0.0e+00;
	vm7 =	vnez.u8 v10;
	v10 =	vld [tilespmem:s14+$0xFFFFFF60];
	[tilespmem:s12+$0xFFFFFF60] =	vst v32  }
0xbc: {  	v7 =	vsel vm7, v13, v7;
	v13 =	vsel vm11, v21, v16;
	v16 =	vsel vm13, v25, v20;
	v21 =	vld [tilespmem:s14+$0xFFFFFF90];
	[tilespmem:s12+$0xFFFFFF90] =	vst v5  }
0xbd: {  	v20 =	vsel vm2, v35, v26;
	v25 =	vld [tilespmem:s14+$0xFFFFFFA0];
	[tilespmem:s12+$0xFFFFFFA0] =	vst v6;
	v5 =	vadd.f32 $1.000000000e+00, v23;
	v53 =	vsub.f32 v14, v3  }
0xbe: {  	v26 =	vsel vm3, v41, v33;
	v33 =	vsub.f32 v58, v2;
	v27 =	vld [tilespmem:s14+$0xFFFFFFB0];
	[tilespmem:s12+$0xFFFFFFB0] =	vst v7;
	v4 =	vsub.f32 v18, v2  }
0xbf: {  	v7 =	vimm.s32 $0x0;
	[tilespmem:s12+$0x70] =	vst v26;
	v26 =	vsub.f32 v55, v2;
	v6 =	vsel vm0, v5, v23  }
0xc0: {  	[tilespmem:s12+$0x80] =	vst v28;
	v62 =	vld [tilespmem:s14+$0xFFFFFF40];
	vm0 =	vlt.f32 v29, $0.0e+00;
	v5 =	vimm.s32 $0x0;
	v49 =	vadd.f32 $1.000000000e+00, v53  }
0xc1: {  	v14 =	vld [tilespmem:s14+$0xFFFFFFC0];
	[tilespmem:s12+$0xFFFFFFC0] =	vst v9;
	v9 =	vimm.s32 $0x0;
	v28 =	vsub.f32 v56, v1;
	v34 =	vsub.f32 v59, v1  }
0xc2: {  	v18 =	vld [tilespmem:s14+$0xFFFFFFD0];
	[tilespmem:s12+$0xFFFFFFD0] =	vst v11;
	v41 =	vadd.f32 $1.000000000e+00, v33;
	vm3 =	vlt.f32 v33, $0.0e+00;
	v5 =	vsel vm0, $0xFFFFFFFF, v5  }
0xc3: {  	[tilespmem:s14+$0xB0] =	vst v6;
	v6 =	vimm.s32 $0x0;
	v8 =	vadd.f32 $1.000000000e+00, v4;
	v35 =	vadd.f32 $1.000000000e+00, v26  }
0xc4: {  	vm2 =	vlt.f32 v26, $0.0e+00;
	v32 =	vsub.f32 v10, v1;
	[tilespmem:s12+$0x90] =	vst v31;
	v31 =	vsub.f32 v57, v3  }
0xc5: {  	v23 =	vld [tilespmem:s14+$0xFFFFFFF0];
	[tilespmem:$0x1FF40] =	vst v5;
	v38 =	vadd.f32 $1.000000000e+00, v28;
	vm1 =	vlt.f32 v28, $0.0e+00;
	v40 =	vadd.f32 $1.000000000e+00, v34  }
0xc6: {  	vm4 =	vlt.f32 v34, $0.0e+00;
	v5 =	vsub.f32 v21, v1;
	v21 =	vld [tilespmem:s14+$0xFFFFFFE0];
	[tilespmem:s12+$0xFFFFFFE0] =	vst v12;
	v12 =	vimm.s32 $0x0  }
0xc7: {  	v44 =	vsub.f32 v62, v3;
	v48 =	vadd.f32 $1.000000000e+00, v32;
	vm0 =	vlt.f32 v32, $0.0e+00  }
0xc8: {  	[tilespmem:s12+$0x40] =	vst v20;
	v50 =	vld [tilespmem:$0x1FF40];
	v39 =	vadd.f32 $1.000000000e+00, v31;
	v6 =	vsel vm0, $0xFFFFFFFF, v6;
	vm0 =	vlt.f32 v53, $0.0e+00  }
0xc9: {  	v10 =	vadd.f32 $1.000000000e+00, v5;
	vm7 =	vlt.f32 v44, $0.0e+00;
	[tilespmem:$0x1FF50] =	vst v6;
	v7 =	vsel vm0, $0xFFFFFFFF, v7  }
0xca: {  	v46 =	vadd.f32 $1.000000000e+00, v44;
	v6 =	vsub.f32 v25, v3;
	v25 =	vld [tilespmem:s14+$0x0];
	vm0 =	vlt.f32 v4, $0.0e+00;
	[tilespmem:$0x1FF60] =	vst v7  }
0xcb: {  	v7 =	vsub.f32 v27, v2;
	v9 =	vsel vm0, $0xFFFFFFFF, v9;
	v27 =	vld [tilespmem:s14+$0x10];
	[tilespmem:s12+$0x0] =	vst v15;
	vm0 =	vlt.f32 v5, $0.0e+00  }
0xcc: {  	[tilespmem:$0x1FF80] =	vst v9;
	v11 =	vadd.f32 $1.000000000e+00, v6;
	v9 =	vsub.f32 v14, v1;
	v12 =	vsel vm0, $0xFFFFFFFF, v12  }
0xcd: {  	v30 =	vld [tilespmem:s14+$0x20];
	[tilespmem:s12+$0x10] =	vst v16;
	vm0 =	vlt.f32 v6, $0.0e+00;
	v14 =	vimm.s32 $0x0;
	vm8 =	vnez.u8 v50  }
0xce: {  	v16 =	vimm.s32 $0x0;
	[tilespmem:$0x1FF90] =	vst v12;
	v14 =	vsel vm0, $0xFFFFFFFF, v14;
	v45 =	vsel vm8, v52, v29;
	v29 =	vld [tilespmem:$0x1FF50]  }
0xcf: {  	v12 =	vsub.f32 v18, v3;
	vm0 =	vlt.f32 v7, $0.0e+00;
	[tilespmem:$0x1FFA0] =	vst v14;
	v14 =	vsub.f32 v21, v2  }
0xd0: {  	[tilespmem:s12+$0xFFFFFFF0] =	vst v13;
	v13 =	vadd.f32 $1.000000000e+00, v7;
	v15 =	vadd.f32 $1.000000000e+00, v9;
	v16 =	vsel vm0, $0xFFFFFFFF, v16  }
0xd1: {  	[tilespmem:s12+$0x20] =	vst v17;
	vm9 =	vlt.f32 v9, $0.0e+00;
	v17 =	vadd.f32 $1.000000000e+00, v12;
	vm0 =	vlt.f32 v14, $0.0e+00  }
0xd2: {  	[tilespmem:$0x1FFB0] =	vst v16;
	v16 =	vsub.f32 v23, v1;
	v18 =	vsub.f32 v25, v3;
	v22 =	vsel vm0, $0xFFFFFFFF, v22  }
0xd3: {  	s13 =	sadd.s32 $0x8, s13;
	vm8 =	vmmov vm9;
	v19 =	vadd.f32 $1.000000000e+00, v14;
	[tilespmem:$0x1FF70] =	vst v22;
	vm9 =	vnez.u8 v29;
	v29 =	vld [tilespmem:$0x1FF60]  }
0xd4: {  	p0 =	slt.u32 s13, $0x1F8;
	[tilespmem:s12+$0xA0] =	vst v63;
	vm10 =	vlt.f32 v12, $0.0e+00;
	v20 =	vsub.f32 v27, v2;
	v21 =	vadd.f32 $1.000000000e+00, v16;
	v63 =	vld [tilespmem:$0x1FF70]  }
.Ltmp0:
0xd5: {  	v23 =	vadd.f32 $1.000000000e+00, v18;
	vm11 =	vlt.f32 v16, $0.0e+00;
	vm12 =	vlt.f32 v18, $0.0e+00;
	(pc) =	sbr.rel @p0 .LBB2_2-.Ltmp0, $4  }
0xd6: {  	vm0 =	vlt.f32 v31, $0.0e+00;
	v22 =	vsub.f32 v30, v1;
	v25 =	vadd.f32 $1.000000000e+00, v20  }
0xd7: {  	vm13 =	vlt.f32 v20, $0.0e+00;
	v30 =	vadd.f32 $1.000000000e+00, v24;
	v32 =	vsel vm9, v48, v32  }
0xd8: {  	vm9 =	vmmov vm10;
	v27 =	vadd.f32 $1.000000000e+00, v22;
	vm10 =	vnez.u8 v29  }
0xd9: {  	s12 =	smov.u32 s14;
	s14 =	sadd.s32 $0x180, s14;
	vm14 =	vlt.f32 v22, $0.0e+00;
	v29 =	vsel vm10, v49, v53;
	vm10 =	vnez.u8 v63  }
0xda: {  	[tilespmem:s12+$0xFFFFFF50] =	vst v45  }
0xdb: {  	v44 =	vsel vm7, v46, v44;
	[tilespmem:s12+$0xFFFFFF60] =	vst v32  }
0xdc: {  	[tilespmem:s12+$0xFFFFFF40] =	vst v44  }
0xdd: {  	v32 =	vld [tilespmem:$0x1FF80];
	_ =	sdelay $0x4  }
0xde: {  	[tilespmem:s12+$0xFFFFFF70] =	vst v29;
	vm7 =	vnez.u8 v32  }
0xdf: {  	v4 =	vsel vm7, v8, v4;
	v8 =	vld [tilespmem:$0x1FF90]  }
0xe0: {  	[tilespmem:s12+$0xFFFFFF80] =	vst v4  }
0xe1: {  	v4 =	vld [tilespmem:$0x1FFA0];
	_ =	sdelay $0x2  }
0xe2: {  	vm7 =	vnez.u8 v8  }
0xe3: {  	v5 =	vsel vm7, v10, v5  }
0xe4: {  	vm7 =	vnez.u8 v4;
	[tilespmem:s12+$0xFFFFFF90] =	vst v5  }
0xe5: {  	v4 =	vsel vm7, v11, v6;
	v5 =	vld [tilespmem:$0x1FFB0]  }
0xe6: {  	[tilespmem:s12+$0xFFFFFFA0] =	vst v4;
	v4 =	vsel vm8, v15, v9  }
0xe7: {  	[tilespmem:s12+$0xFFFFFFC0] =	vst v4;
	v4 =	vsel vm10, v19, v14  }
0xe8: {  	[tilespmem:s12+$0xFFFFFFE0] =	vst v4;
	v4 =	vsel vm12, v23, v18  }
0xe9: {  	[tilespmem:s12+$0x0] =	vst v4;
	v4 =	vsel vm14, v27, v22  }
0xea: {  	vm7 =	vnez.u8 v5;
	[tilespmem:s12+$0x20] =	vst v4;
	v4 =	vsel vm2, v35, v26  }
0xeb: {  	v5 =	vsel vm7, v13, v7;
	[tilespmem:s12+$0x40] =	vst v4  }
0xec: {  	v4 =	vsel vm0, v39, v31;
	[tilespmem:s12+$0xFFFFFFB0] =	vst v5  }
0xed: {  	v5 =	vsel vm9, v17, v12;
	[tilespmem:s12+$0x60] =	vst v4  }
0xee: {  	v4 =	vsel vm4, v40, v34;
	[tilespmem:s12+$0xFFFFFFD0] =	vst v5  }
0xef: {  	v5 =	vsel vm11, v21, v16;
	[tilespmem:s12+$0x80] =	vst v4  }
0xf0: {  	v4 =	vsel vm5, v42, v37;
	[tilespmem:s12+$0xFFFFFFF0] =	vst v5  }
0xf1: {  	v5 =	vsel vm13, v25, v20;
	[tilespmem:s12+$0xA0] =	vst v4  }
0xf2: {  	[tilespmem:s12+$0x10] =	vst v5;
	v5 =	vsel vm15, v30, v24  }
0xf3: {  	[tilespmem:s12+$0x30] =	vst v5;
	v5 =	vsel vm1, v38, v28  }
0xf4: {  	[tilespmem:s12+$0x50] =	vst v5;
	v5 =	vsel vm3, v41, v33  }
0xf5: {  	[tilespmem:s12+$0x70] =	vst v5;
	v5 =	vsel vm6, v43, v36  }
0xf6: {  	[tilespmem:s12+$0x90] =	vst v5  }
0xf7: {  	[hbm4b:s31+s2] =	stream.linear.scatter [tilespmem:s9], [sflag:$0x1], $0x6000, $0x38;
	[tilespmem:$0xC100] =	vst v63  }
0xf8: {  	_ =	swait.ge [sflag:s8], $0x6000  }
0xf9: {  	[sflag:s8] =	ssyncset.done $0x0  }
0xfa: {  	s26 =	rddreg [dreg:$0x3];
	[sflag:s8] =	ssyncadd.s32 $0xFFFFA000  }
0xfb: {  	[tilespmem:s10], [sflag:$0x1] =	stream.linear.gather [hbm4b:s26+s2], $0x6000, $0x38;
	[tilespmem:$0xC100] =	vst v63  }
0xfc: {  	_ =	swait.ge [sflag:s8], $0x6000  }
0xfd: {  	[sflag:s8] =	ssyncset.done $0x0  }
0xfe: {  	s12 =	simm.s32 $0x61C0;
	[sflag:s8] =	ssyncadd.s32 $0xFFFFA000  }
0xff: {  	v4 =	vld [tilespmem:s12+$0xB0]  }
0x100: {  	v5 =	vld [tilespmem:s12+$0xFFFFFF50]  }
0x101: {  	v6 =	vld [tilespmem:s12+$0xFFFFFF60]  }
0x102: {  	v7 =	vld [tilespmem:s12+$0xFFFFFF70]  }
0x103: {  	v8 =	vld [tilespmem:s12+$0xFFFFFF80]  }
0x104: {  	v9 =	vld [tilespmem:s12+$0xFFFFFF90]  }
0x105: {  	v11 =	vld [tilespmem:s12+$0xFFFFFFA0]  }
0x106: {  	v12 =	vld [tilespmem:s12+$0xFFFFFFB0];
	v10 =	vsub.f32 v4, v1  }
0x107: {  	v29 =	vsub.f32 v5, v2  }
0x108: {  	v54 =	vsub.f32 v6, v1;
	v5 =	vadd.f32 $1.000000000e+00, v10  }
0x109: {  	v14 =	vld [tilespmem:s12+$0xFFFFFFD0];
	v56 =	vsub.f32 v7, v3;
	v4 =	vsub.f32 v8, v2;
	vm0 =	vlt.f32 v10, $0.0e+00  }
0x10a: {  	v13 =	vld [tilespmem:s12+$0xFFFFFFC0];
	v6 =	vsub.f32 v11, v3;
	v24 =	vsel vm0, v5, v10;
	v5 =	vsub.f32 v9, v1  }
0x10b: {  	v16 =	vld [tilespmem:s12+$0xFFFFFFE0];
	v7 =	vsub.f32 v12, v2;
	vm2 =	vlt.f32 v4, $0.0e+00;
	v9 =	vimm.s32 $0x0  }
0x10c: {  	v18 =	vld [tilespmem:s12+$0xFFFFFFF0];
	v12 =	vimm.s32 $0x0;
	v9 =	vsel vm2, $0xFFFFFFFF, v9;
	vm2 =	vlt.f32 v5, $0.0e+00  }
0x10d: {  	v20 =	vld [tilespmem:s12+$0x0];
	[tilespmem:$0x1FF00] =	vst v9;
	v12 =	vsel vm2, $0xFFFFFFFF, v12  }
0x10e: {  	v22 =	vld [tilespmem:s12+$0x10];
	vm2 =	vlt.f32 v6, $0.0e+00;
	[tilespmem:$0x1FF10] =	vst v12;
	v12 =	vsub.f32 v14, v3;
	v14 =	vimm.s32 $0x0  }
0x10f: {  	v14 =	vsel vm2, $0xFFFFFFFF, v14  }
0x110: {  	v25 =	vld [tilespmem:s12+$0x20];
	vm2 =	vlt.f32 v7, $0.0e+00;
	[tilespmem:$0x1FF20] =	vst v14;
	v14 =	vsub.f32 v16, v2;
	v16 =	vimm.s32 $0x0  }
0x111: {  	v55 =	vadd.f32 $1.000000000e+00, v29;
	v57 =	vadd.f32 $1.000000000e+00, v54;
	v16 =	vsel vm2, $0xFFFFFFFF, v16  }
0x112: {  	vm1 =	vlt.f32 v29, $0.0e+00;
	v58 =	vadd.f32 $1.000000000e+00, v56;
	v8 =	vadd.f32 $1.000000000e+00, v4;
	v26 =	vld [tilespmem:s12+$0x30];
	[tilespmem:$0x1FF30] =	vst v16  }
0x113: {  	vm3 =	vlt.f32 v56, $0.0e+00;
	v11 =	vadd.f32 $1.000000000e+00, v6;
	v9 =	vsub.f32 v13, v1;
	v28 =	vld [tilespmem:s12+$0x40]  }
0x114: {  	vm0 =	vlt.f32 v54, $0.0e+00;
	v10 =	vadd.f32 $1.000000000e+00, v5;
	v13 =	vadd.f32 $1.000000000e+00, v7;
	v31 =	vld [tilespmem:s12+$0x50]  }
0x115: {  	v45 =	vsel vm1, v55, v29;
	v15 =	vadd.f32 $1.000000000e+00, v9;
	v17 =	vadd.f32 $1.000000000e+00, v12;
	v59 =	vld [tilespmem:s12+$0x60]  }
0x116: {  	v29 =	vsel vm3, v58, v56;
	v16 =	vsub.f32 v18, v1;
	v19 =	vadd.f32 $1.000000000e+00, v14;
	v60 =	vld [tilespmem:s12+$0x70]  }
0x117: {  	v32 =	vsel vm0, v57, v54;
	v18 =	vsub.f32 v20, v3;
	v20 =	vsub.f32 v22, v2;
	v61 =	vld [tilespmem:s12+$0x80]  }
0x118: {  	vm8 =	vlt.f32 v9, $0.0e+00;
	v62 =	vld [tilespmem:s12+$0x90];
	v21 =	vadd.f32 $1.000000000e+00, v16;
	v22 =	vsub.f32 v25, v1  }
0x119: {  	vm9 =	vlt.f32 v12, $0.0e+00;
	[tilespmem:s12+$0xB0] =	vst v24;
	v63 =	vld [tilespmem:s12+$0xA0];
	v23 =	vadd.f32 $1.000000000e+00, v18;
	v24 =	vsub.f32 v26, v3  }
0x11a: {  	vm10 =	vlt.f32 v14, $0.0e+00;
	v47 =	vld [tilespmem:s12+$0xFFFFFF40];
	v25 =	vadd.f32 $1.000000000e+00, v20;
	v27 =	vadd.f32 $1.000000000e+00, v22  }
0x11b: {  	vm11 =	vlt.f32 v16, $0.0e+00;
	v26 =	vsub.f32 v28, v2;
	v30 =	vadd.f32 $1.000000000e+00, v24  }
0x11c: {  	vm12 =	vlt.f32 v18, $0.0e+00;
	v28 =	vsub.f32 v31, v1;
	v31 =	vsub.f32 v59, v3  }
0x11d: {  	vm13 =	vlt.f32 v20, $0.0e+00;
	v33 =	vsub.f32 v60, v2;
	v34 =	vsub.f32 v61, v1  }
0x11e: {  	vm14 =	vlt.f32 v22, $0.0e+00;
	v36 =	vsub.f32 v62, v3;
	v37 =	vsub.f32 v63, v2  }
0x11f: {  	vm15 =	vlt.f32 v24, $0.0e+00;
	v44 =	vsub.f32 v47, v3;
	v35 =	vadd.f32 $1.000000000e+00, v26  }
0x120: {  	v38 =	vadd.f32 $1.000000000e+00, v28;
	vm2 =	vlt.f32 v26, $0.0e+00;
	v39 =	vadd.f32 $1.000000000e+00, v31  }
0x121: {  	vm1 =	vlt.f32 v28, $0.0e+00;
	v41 =	vadd.f32 $1.000000000e+00, v33;
	v40 =	vadd.f32 $1.000000000e+00, v34  }
0x122: {  	vm0 =	vlt.f32 v31, $0.0e+00;
	vm3 =	vlt.f32 v33, $0.0e+00;
	v43 =	vadd.f32 $1.000000000e+00, v36  }
0x123: {  	v42 =	vadd.f32 $1.000000000e+00, v37;
	v46 =	vadd.f32 $1.000000000e+00, v44;
	vm4 =	vlt.f32 v34, $0.0e+00  }
0x124: {  	s13 =	simm.s32 $0x0;
	s14 =	simm.s32 $0x6340;
	vm6 =	vlt.f32 v36, $0.0e+00;
	vm7 =	vlt.f32 v44, $0.0e+00;
	vm5 =	vlt.f32 v37, $0.0e+00  }
.LBB2_4:
0x125: {  	v62 =	vld [tilespmem:$0x1FF00];
	_ =	sdelay $0x4  }
0x126: {  	v44 =	vsel vm7, v46, v44;
	vm7 =	vnez.u8 v62  }
0x127: {  	v4 =	vsel vm7, v8, v4;
	v8 =	vld [tilespmem:$0x1FF10];
	_ =	sdelay $0x3  }
0x128: {  	v47 =	vld [tilespmem:s14+$0xB0]  }
0x129: {  	v61 =	vld [tilespmem:s14+$0xA0];
	vm7 =	vnez.u8 v8  }
0x12a: {  	v5 =	vsel vm7, v10, v5;
	v10 =	vld [tilespmem:$0x1FF20]  }
0x12b: {  	v54 =	vld [tilespmem:s14+$0x30]  }
0x12c: {  	v55 =	vld [tilespmem:s14+$0x40]  }
0x12d: {  	[tilespmem:s12+$0xFFFFFF50] =	vst v45;
	v60 =	vld [tilespmem:s14+$0x90]  }
0x12e: {  	v9 =	vsel vm8, v15, v9;
	v63 =	vsel vm5, v42, v37;
	v37 =	vsub.f32 v61, v2;
	v8 =	vld [tilespmem:s14+$0xFFFFFF50]  }
0x12f: {  	v57 =	vld [tilespmem:s14+$0x60];
	v15 =	vsel vm12, v23, v18;
	v23 =	vsub.f32 v47, v1;
	vm7 =	vnez.u8 v10  }
0x130: {  	v42 =	vadd.f32 $1.000000000e+00, v37;
	vm5 =	vlt.f32 v37, $0.0e+00;
	[tilespmem:s12+$0xFFFFFF40] =	vst v44;
	v10 =	vld [tilespmem:$0x1FF30];
	v6 =	vsel vm7, v11, v6  }
0x131: {  	v11 =	vsel vm9, v17, v12;
	v12 =	vsel vm10, v19, v14;
	v14 =	vld [tilespmem:s14+$0xFFFFFF70];
	[tilespmem:s12+$0xFFFFFF70] =	vst v29;
	v17 =	vsel vm14, v27, v22  }
0x132: {  	v19 =	vsel vm15, v30, v24;
	v22 =	vsel vm1, v38, v28;
	v24 =	vsel vm0, v39, v31;
	v18 =	vld [tilespmem:s14+$0xFFFFFF80];
	[tilespmem:s12+$0xFFFFFF80] =	vst v4  }
0x133: {  	v58 =	vld [tilespmem:s14+$0x70];
	v29 =	vsub.f32 v8, v2;
	v31 =	vsel vm6, v43, v36;
	v36 =	vsub.f32 v60, v3;
	[tilespmem:s12+$0x30] =	vst v19  }
0x134: {  	v28 =	vsel vm4, v40, v34;
	vm0 =	vlt.f32 v23, $0.0e+00;
	[tilespmem:s12+$0x60] =	vst v24;
	v24 =	vsub.f32 v54, v3;
	v56 =	vld [tilespmem:s14+$0x50]  }
0x135: {  	v52 =	vadd.f32 $1.000000000e+00, v29;
	[tilespmem:s12+$0x50] =	vst v22;
	v22 =	vimm.s32 $0x0;
	v59 =	vld [tilespmem:s14+$0x80];
	v43 =	vadd.f32 $1.000000000e+00, v36  }
0x136: {  	vm6 =	vlt.f32 v36, $0.0e+00;
	vm15 =	vlt.f32 v24, $0.0e+00;
	vm7 =	vnez.u8 v10;
	v10 =	vld [tilespmem:s14+$0xFFFFFF60];
	[tilespmem:s12+$0xFFFFFF60] =	vst v32  }
0x137: {  	v7 =	vsel vm7, v13, v7;
	v13 =	vsel vm11, v21, v16;
	v16 =	vsel vm13, v25, v20;
	v21 =	vld [tilespmem:s14+$0xFFFFFF90];
	[tilespmem:s12+$0xFFFFFF90] =	vst v5  }
0x138: {  	v20 =	vsel vm2, v35, v26;
	v25 =	vld [tilespmem:s14+$0xFFFFFFA0];
	[tilespmem:s12+$0xFFFFFFA0] =	vst v6;
	v5 =	vadd.f32 $1.000000000e+00, v23;
	v53 =	vsub.f32 v14, v3  }
0x139: {  	v26 =	vsel vm3, v41, v33;
	v33 =	vsub.f32 v58, v2;
	v27 =	vld [tilespmem:s14+$0xFFFFFFB0];
	[tilespmem:s12+$0xFFFFFFB0] =	vst v7;
	v4 =	vsub.f32 v18, v2  }
0x13a: {  	v7 =	vimm.s32 $0x0;
	[tilespmem:s12+$0x70] =	vst v26;
	v26 =	vsub.f32 v55, v2;
	v6 =	vsel vm0, v5, v23  }
0x13b: {  	[tilespmem:s12+$0x80] =	vst v28;
	v62 =	vld [tilespmem:s14+$0xFFFFFF40];
	vm0 =	vlt.f32 v29, $0.0e+00;
	v5 =	vimm.s32 $0x0;
	v49 =	vadd.f32 $1.000000000e+00, v53  }
0x13c: {  	v14 =	vld [tilespmem:s14+$0xFFFFFFC0];
	[tilespmem:s12+$0xFFFFFFC0] =	vst v9;
	v9 =	vimm.s32 $0x0;
	v28 =	vsub.f32 v56, v1;
	v34 =	vsub.f32 v59, v1  }
0x13d: {  	v18 =	vld [tilespmem:s14+$0xFFFFFFD0];
	[tilespmem:s12+$0xFFFFFFD0] =	vst v11;
	v41 =	vadd.f32 $1.000000000e+00, v33;
	vm3 =	vlt.f32 v33, $0.0e+00;
	v5 =	vsel vm0, $0xFFFFFFFF, v5  }
0x13e: {  	[tilespmem:s14+$0xB0] =	vst v6;
	v6 =	vimm.s32 $0x0;
	v8 =	vadd.f32 $1.000000000e+00, v4;
	v35 =	vadd.f32 $1.000000000e+00, v26  }
0x13f: {  	vm2 =	vlt.f32 v26, $0.0e+00;
	v32 =	vsub.f32 v10, v1;
	[tilespmem:s12+$0x90] =	vst v31;
	v31 =	vsub.f32 v57, v3  }
0x140: {  	v23 =	vld [tilespmem:s14+$0xFFFFFFF0];
	[tilespmem:$0x1FEC0] =	vst v5;
	v38 =	vadd.f32 $1.000000000e+00, v28;
	vm1 =	vlt.f32 v28, $0.0e+00;
	v40 =	vadd.f32 $1.000000000e+00, v34  }
0x141: {  	vm4 =	vlt.f32 v34, $0.0e+00;
	v5 =	vsub.f32 v21, v1;
	v21 =	vld [tilespmem:s14+$0xFFFFFFE0];
	[tilespmem:s12+$0xFFFFFFE0] =	vst v12;
	v12 =	vimm.s32 $0x0  }
0x142: {  	v44 =	vsub.f32 v62, v3;
	v48 =	vadd.f32 $1.000000000e+00, v32;
	vm0 =	vlt.f32 v32, $0.0e+00  }
0x143: {  	[tilespmem:s12+$0x40] =	vst v20;
	v50 =	vld [tilespmem:$0x1FEC0];
	v39 =	vadd.f32 $1.000000000e+00, v31;
	v6 =	vsel vm0, $0xFFFFFFFF, v6;
	vm0 =	vlt.f32 v53, $0.0e+00  }
0x144: {  	v10 =	vadd.f32 $1.000000000e+00, v5;
	vm7 =	vlt.f32 v44, $0.0e+00;
	[tilespmem:$0x1FED0] =	vst v6;
	v7 =	vsel vm0, $0xFFFFFFFF, v7  }
0x145: {  	v46 =	vadd.f32 $1.000000000e+00, v44;
	v6 =	vsub.f32 v25, v3;
	v25 =	vld [tilespmem:s14+$0x0];
	vm0 =	vlt.f32 v4, $0.0e+00;
	[tilespmem:$0x1FEE0] =	vst v7  }
0x146: {  	v7 =	vsub.f32 v27, v2;
	v9 =	vsel vm0, $0xFFFFFFFF, v9;
	v27 =	vld [tilespmem:s14+$0x10];
	[tilespmem:s12+$0x0] =	vst v15;
	vm0 =	vlt.f32 v5, $0.0e+00  }
0x147: {  	[tilespmem:$0x1FF00] =	vst v9;
	v11 =	vadd.f32 $1.000000000e+00, v6;
	v9 =	vsub.f32 v14, v1;
	v12 =	vsel vm0, $0xFFFFFFFF, v12  }
0x148: {  	v30 =	vld [tilespmem:s14+$0x20];
	[tilespmem:s12+$0x10] =	vst v16;
	vm0 =	vlt.f32 v6, $0.0e+00;
	v14 =	vimm.s32 $0x0;
	vm8 =	vnez.u8 v50  }
0x149: {  	v16 =	vimm.s32 $0x0;
	[tilespmem:$0x1FF10] =	vst v12;
	v14 =	vsel vm0, $0xFFFFFFFF, v14;
	v45 =	vsel vm8, v52, v29;
	v29 =	vld [tilespmem:$0x1FED0]  }
0x14a: {  	v12 =	vsub.f32 v18, v3;
	vm0 =	vlt.f32 v7, $0.0e+00;
	[tilespmem:$0x1FF20] =	vst v14;
	v14 =	vsub.f32 v21, v2  }
0x14b: {  	[tilespmem:s12+$0xFFFFFFF0] =	vst v13;
	v13 =	vadd.f32 $1.000000000e+00, v7;
	v15 =	vadd.f32 $1.000000000e+00, v9;
	v16 =	vsel vm0, $0xFFFFFFFF, v16  }
0x14c: {  	[tilespmem:s12+$0x20] =	vst v17;
	vm9 =	vlt.f32 v9, $0.0e+00;
	v17 =	vadd.f32 $1.000000000e+00, v12;
	vm0 =	vlt.f32 v14, $0.0e+00  }
0x14d: {  	[tilespmem:$0x1FF30] =	vst v16;
	v16 =	vsub.f32 v23, v1;
	v18 =	vsub.f32 v25, v3;
	v22 =	vsel vm0, $0xFFFFFFFF, v22  }
0x14e: {  	s13 =	sadd.s32 $0x8, s13;
	vm8 =	vmmov vm9;
	v19 =	vadd.f32 $1.000000000e+00, v14;
	[tilespmem:$0x1FEF0] =	vst v22;
	vm9 =	vnez.u8 v29;
	v29 =	vld [tilespmem:$0x1FEE0]  }
0x14f: {  	p0 =	slt.u32 s13, $0x1F8;
	[tilespmem:s12+$0xA0] =	vst v63;
	vm10 =	vlt.f32 v12, $0.0e+00;
	v20 =	vsub.f32 v27, v2;
	v21 =	vadd.f32 $1.000000000e+00, v16;
	v63 =	vld [tilespmem:$0x1FEF0]  }
.Ltmp1:
0x150: {  	v23 =	vadd.f32 $1.000000000e+00, v18;
	vm11 =	vlt.f32 v16, $0.0e+00;
	vm12 =	vlt.f32 v18, $0.0e+00;
	(pc) =	sbr.rel @p0 .LBB2_4-.Ltmp1, $4  }
0x151: {  	vm0 =	vlt.f32 v31, $0.0e+00;
	v22 =	vsub.f32 v30, v1;
	v25 =	vadd.f32 $1.000000000e+00, v20  }
0x152: {  	vm13 =	vlt.f32 v20, $0.0e+00;
	v30 =	vadd.f32 $1.000000000e+00, v24;
	v32 =	vsel vm9, v48, v32  }
0x153: {  	vm9 =	vmmov vm10;
	v27 =	vadd.f32 $1.000000000e+00, v22;
	vm10 =	vnez.u8 v29  }
0x154: {  	s12 =	smov.u32 s14;
	s14 =	sadd.s32 $0x180, s14;
	vm14 =	vlt.f32 v22, $0.0e+00;
	v29 =	vsel vm10, v49, v53;
	vm10 =	vnez.u8 v63  }
0x155: {  	[tilespmem:s12+$0xFFFFFF50] =	vst v45  }
0x156: {  	v44 =	vsel vm7, v46, v44;
	[tilespmem:s12+$0xFFFFFF60] =	vst v32  }
0x157: {  	[tilespmem:s12+$0xFFFFFF40] =	vst v44  }
0x158: {  	v32 =	vld [tilespmem:$0x1FF00];
	_ =	sdelay $0x4  }
0x159: {  	[tilespmem:s12+$0xFFFFFF70] =	vst v29;
	vm7 =	vnez.u8 v32  }
0x15a: {  	v4 =	vsel vm7, v8, v4;
	v8 =	vld [tilespmem:$0x1FF10]  }
0x15b: {  	[tilespmem:s12+$0xFFFFFF80] =	vst v4  }
0x15c: {  	v4 =	vld [tilespmem:$0x1FF20];
	_ =	sdelay $0x2  }
0x15d: {  	vm7 =	vnez.u8 v8  }
0x15e: {  	v5 =	vsel vm7, v10, v5  }
0x15f: {  	vm7 =	vnez.u8 v4;
	[tilespmem:s12+$0xFFFFFF90] =	vst v5  }
0x160: {  	v4 =	vsel vm7, v11, v6;
	v5 =	vld [tilespmem:$0x1FF30]  }
0x161: {  	[tilespmem:s12+$0xFFFFFFA0] =	vst v4;
	v4 =	vsel vm8, v15, v9  }
0x162: {  	[tilespmem:s12+$0xFFFFFFC0] =	vst v4;
	v4 =	vsel vm10, v19, v14  }
0x163: {  	[tilespmem:s12+$0xFFFFFFE0] =	vst v4;
	v4 =	vsel vm12, v23, v18  }
0x164: {  	[tilespmem:s12+$0x0] =	vst v4;
	v4 =	vsel vm14, v27, v22  }
0x165: {  	vm7 =	vnez.u8 v5;
	[tilespmem:s12+$0x20] =	vst v4;
	v4 =	vsel vm2, v35, v26  }
0x166: {  	v5 =	vsel vm7, v13, v7;
	[tilespmem:s12+$0x40] =	vst v4  }
0x167: {  	v4 =	vsel vm0, v39, v31;
	[tilespmem:s12+$0xFFFFFFB0] =	vst v5  }
0x168: {  	v5 =	vsel vm9, v17, v12;
	[tilespmem:s12+$0x60] =	vst v4  }
0x169: {  	v4 =	vsel vm4, v40, v34;
	[tilespmem:s12+$0xFFFFFFD0] =	vst v5  }
0x16a: {  	v5 =	vsel vm11, v21, v16;
	[tilespmem:s12+$0x80] =	vst v4  }
0x16b: {  	v4 =	vsel vm5, v42, v37;
	[tilespmem:s12+$0xFFFFFFF0] =	vst v5  }
0x16c: {  	v5 =	vsel vm13, v25, v20;
	[tilespmem:s12+$0xA0] =	vst v4  }
0x16d: {  	[tilespmem:s12+$0x10] =	vst v5;
	v5 =	vsel vm15, v30, v24  }
0x16e: {  	[tilespmem:s12+$0x30] =	vst v5;
	v5 =	vsel vm1, v38, v28  }
0x16f: {  	[tilespmem:s12+$0x50] =	vst v5;
	v5 =	vsel vm3, v41, v33  }
0x170: {  	[tilespmem:s12+$0x70] =	vst v5;
	v5 =	vsel vm6, v43, v36  }
0x171: {  	[tilespmem:s12+$0x90] =	vst v5  }
0x172: {  	s12 =	rddreg [dreg:$0x4]  }
0x173: {  	[hbm4b:s12+s2] =	stream.linear.scatter [tilespmem:s10], [sflag:$0x1], $0x6000, $0x38;
	[tilespmem:$0xC100] =	vst v63  }
0x174: {  	_ =	swait.ge [sflag:s8], $0x6000  }
0x175: {  	[sflag:s8] =	ssyncset.done $0x0  }
0x176: {  	s26 =	rddreg [dreg:$0x5];
	[sflag:s8] =	ssyncadd.s32 $0xFFFFA000  }
0x177: {  	[tilespmem:s9], [sflag:$0x1] =	stream.linear.gather [hbm4b:s26+s2], $0x6000, $0x38;
	[tilespmem:$0xC100] =	vst v63  }
0x178: {  	_ =	swait.ge [sflag:s8], $0x6000  }
0x179: {  	[sflag:s8] =	ssyncset.done $0x0  }
0x17a: {  	s12 =	simm.s32 $0x1C0;
	[sflag:s8] =	ssyncadd.s32 $0xFFFFA000  }
0x17b: {  	v4 =	vld [tilespmem:s12+$0xB0]  }
0x17c: {  	v5 =	vld [tilespmem:s12+$0xFFFFFF50]  }
0x17d: {  	v6 =	vld [tilespmem:s12+$0xFFFFFF60]  }
0x17e: {  	v7 =	vld [tilespmem:s12+$0xFFFFFF70]  }
0x17f: {  	v8 =	vld [tilespmem:s12+$0xFFFFFF80]  }
0x180: {  	v9 =	vld [tilespmem:s12+$0xFFFFFF90]  }
0x181: {  	v11 =	vld [tilespmem:s12+$0xFFFFFFA0]  }
0x182: {  	v12 =	vld [tilespmem:s12+$0xFFFFFFB0];
	v10 =	vsub.f32 v4, v1  }
0x183: {  	v29 =	vsub.f32 v5, v2  }
0x184: {  	v54 =	vsub.f32 v6, v1;
	v5 =	vadd.f32 $1.000000000e+00, v10  }
0x185: {  	v14 =	vld [tilespmem:s12+$0xFFFFFFD0];
	v56 =	vsub.f32 v7, v3;
	v4 =	vsub.f32 v8, v2;
	vm0 =	vlt.f32 v10, $0.0e+00  }
0x186: {  	v13 =	vld [tilespmem:s12+$0xFFFFFFC0];
	v6 =	vsub.f32 v11, v3;
	v24 =	vsel vm0, v5, v10;
	v5 =	vsub.f32 v9, v1  }
0x187: {  	v16 =	vld [tilespmem:s12+$0xFFFFFFE0];
	v7 =	vsub.f32 v12, v2;
	vm2 =	vlt.f32 v4, $0.0e+00;
	v9 =	vimm.s32 $0x0  }
0x188: {  	v18 =	vld [tilespmem:s12+$0xFFFFFFF0];
	v12 =	vimm.s32 $0x0;
	v9 =	vsel vm2, $0xFFFFFFFF, v9;
	vm2 =	vlt.f32 v5, $0.0e+00  }
0x189: {  	v20 =	vld [tilespmem:s12+$0x0];
	[tilespmem:$0x1FE80] =	vst v9;
	v12 =	vsel vm2, $0xFFFFFFFF, v12  }
0x18a: {  	v22 =	vld [tilespmem:s12+$0x10];
	vm2 =	vlt.f32 v6, $0.0e+00;
	[tilespmem:$0x1FE90] =	vst v12;
	v12 =	vsub.f32 v14, v3;
	v14 =	vimm.s32 $0x0  }
0x18b: {  	v14 =	vsel vm2, $0xFFFFFFFF, v14  }
0x18c: {  	v25 =	vld [tilespmem:s12+$0x20];
	vm2 =	vlt.f32 v7, $0.0e+00;
	[tilespmem:$0x1FEA0] =	vst v14;
	v14 =	vsub.f32 v16, v2;
	v16 =	vimm.s32 $0x0  }
0x18d: {  	v55 =	vadd.f32 $1.000000000e+00, v29;
	v57 =	vadd.f32 $1.000000000e+00, v54;
	v16 =	vsel vm2, $0xFFFFFFFF, v16  }
0x18e: {  	vm1 =	vlt.f32 v29, $0.0e+00;
	v58 =	vadd.f32 $1.000000000e+00, v56;
	v8 =	vadd.f32 $1.000000000e+00, v4;
	v26 =	vld [tilespmem:s12+$0x30];
	[tilespmem:$0x1FEB0] =	vst v16  }
0x18f: {  	vm3 =	vlt.f32 v56, $0.0e+00;
	v11 =	vadd.f32 $1.000000000e+00, v6;
	v9 =	vsub.f32 v13, v1;
	v28 =	vld [tilespmem:s12+$0x40]  }
0x190: {  	vm0 =	vlt.f32 v54, $0.0e+00;
	v10 =	vadd.f32 $1.000000000e+00, v5;
	v13 =	vadd.f32 $1.000000000e+00, v7;
	v31 =	vld [tilespmem:s12+$0x50]  }
0x191: {  	v45 =	vsel vm1, v55, v29;
	v15 =	vadd.f32 $1.000000000e+00, v9;
	v17 =	vadd.f32 $1.000000000e+00, v12;
	v59 =	vld [tilespmem:s12+$0x60]  }
0x192: {  	v29 =	vsel vm3, v58, v56;
	v16 =	vsub.f32 v18, v1;
	v19 =	vadd.f32 $1.000000000e+00, v14;
	v60 =	vld [tilespmem:s12+$0x70]  }
0x193: {  	v32 =	vsel vm0, v57, v54;
	v18 =	vsub.f32 v20, v3;
	v20 =	vsub.f32 v22, v2;
	v61 =	vld [tilespmem:s12+$0x80]  }
0x194: {  	vm8 =	vlt.f32 v9, $0.0e+00;
	v62 =	vld [tilespmem:s12+$0x90];
	v21 =	vadd.f32 $1.000000000e+00, v16;
	v22 =	vsub.f32 v25, v1  }
0x195: {  	vm9 =	vlt.f32 v12, $0.0e+00;
	[tilespmem:s12+$0xB0] =	vst v24;
	v63 =	vld [tilespmem:s12+$0xA0];
	v23 =	vadd.f32 $1.000000000e+00, v18;
	v24 =	vsub.f32 v26, v3  }
0x196: {  	vm10 =	vlt.f32 v14, $0.0e+00;
	v47 =	vld [tilespmem:s12+$0xFFFFFF40];
	v25 =	vadd.f32 $1.000000000e+00, v20;
	v27 =	vadd.f32 $1.000000000e+00, v22  }
0x197: {  	vm11 =	vlt.f32 v16, $0.0e+00;
	v26 =	vsub.f32 v28, v2;
	v30 =	vadd.f32 $1.000000000e+00, v24  }
0x198: {  	vm12 =	vlt.f32 v18, $0.0e+00;
	v28 =	vsub.f32 v31, v1;
	v31 =	vsub.f32 v59, v3  }
0x199: {  	vm13 =	vlt.f32 v20, $0.0e+00;
	v33 =	vsub.f32 v60, v2;
	v34 =	vsub.f32 v61, v1  }
0x19a: {  	vm14 =	vlt.f32 v22, $0.0e+00;
	v36 =	vsub.f32 v62, v3;
	v37 =	vsub.f32 v63, v2  }
0x19b: {  	vm15 =	vlt.f32 v24, $0.0e+00;
	v44 =	vsub.f32 v47, v3;
	v35 =	vadd.f32 $1.000000000e+00, v26  }
0x19c: {  	v38 =	vadd.f32 $1.000000000e+00, v28;
	vm2 =	vlt.f32 v26, $0.0e+00;
	v39 =	vadd.f32 $1.000000000e+00, v31  }
0x19d: {  	vm1 =	vlt.f32 v28, $0.0e+00;
	v41 =	vadd.f32 $1.000000000e+00, v33;
	v40 =	vadd.f32 $1.000000000e+00, v34  }
0x19e: {  	vm0 =	vlt.f32 v31, $0.0e+00;
	vm3 =	vlt.f32 v33, $0.0e+00;
	v43 =	vadd.f32 $1.000000000e+00, v36  }
0x19f: {  	v42 =	vadd.f32 $1.000000000e+00, v37;
	v46 =	vadd.f32 $1.000000000e+00, v44;
	vm4 =	vlt.f32 v34, $0.0e+00  }
0x1a0: {  	s13 =	simm.s32 $0x0;
	s14 =	simm.s32 $0x340;
	vm6 =	vlt.f32 v36, $0.0e+00;
	vm7 =	vlt.f32 v44, $0.0e+00;
	vm5 =	vlt.f32 v37, $0.0e+00  }
.LBB2_6:
0x1a1: {  	v62 =	vld [tilespmem:$0x1FE80];
	_ =	sdelay $0x4  }
0x1a2: {  	v44 =	vsel vm7, v46, v44;
	vm7 =	vnez.u8 v62  }
0x1a3: {  	v4 =	vsel vm7, v8, v4;
	v8 =	vld [tilespmem:$0x1FE90];
	_ =	sdelay $0x3  }
0x1a4: {  	v47 =	vld [tilespmem:s14+$0xB0]  }
0x1a5: {  	v61 =	vld [tilespmem:s14+$0xA0];
	vm7 =	vnez.u8 v8  }
0x1a6: {  	v5 =	vsel vm7, v10, v5;
	v10 =	vld [tilespmem:$0x1FEA0]  }
0x1a7: {  	v54 =	vld [tilespmem:s14+$0x30]  }
0x1a8: {  	v55 =	vld [tilespmem:s14+$0x40]  }
0x1a9: {  	[tilespmem:s12+$0xFFFFFF50] =	vst v45;
	v60 =	vld [tilespmem:s14+$0x90]  }
0x1aa: {  	v9 =	vsel vm8, v15, v9;
	v63 =	vsel vm5, v42, v37;
	v37 =	vsub.f32 v61, v2;
	v8 =	vld [tilespmem:s14+$0xFFFFFF50]  }
0x1ab: {  	v57 =	vld [tilespmem:s14+$0x60];
	v15 =	vsel vm12, v23, v18;
	v23 =	vsub.f32 v47, v1;
	vm7 =	vnez.u8 v10  }
0x1ac: {  	v42 =	vadd.f32 $1.000000000e+00, v37;
	vm5 =	vlt.f32 v37, $0.0e+00;
	[tilespmem:s12+$0xFFFFFF40] =	vst v44;
	v10 =	vld [tilespmem:$0x1FEB0];
	v6 =	vsel vm7, v11, v6  }
0x1ad: {  	v11 =	vsel vm9, v17, v12;
	v12 =	vsel vm10, v19, v14;
	v14 =	vld [tilespmem:s14+$0xFFFFFF70];
	[tilespmem:s12+$0xFFFFFF70] =	vst v29;
	v17 =	vsel vm14, v27, v22  }
0x1ae: {  	v19 =	vsel vm15, v30, v24;
	v22 =	vsel vm1, v38, v28;
	v24 =	vsel vm0, v39, v31;
	v18 =	vld [tilespmem:s14+$0xFFFFFF80];
	[tilespmem:s12+$0xFFFFFF80] =	vst v4  }
0x1af: {  	v58 =	vld [tilespmem:s14+$0x70];
	v29 =	vsub.f32 v8, v2;
	v31 =	vsel vm6, v43, v36;
	v36 =	vsub.f32 v60, v3;
	[tilespmem:s12+$0x30] =	vst v19  }
0x1b0: {  	v28 =	vsel vm4, v40, v34;
	vm0 =	vlt.f32 v23, $0.0e+00;
	[tilespmem:s12+$0x60] =	vst v24;
	v24 =	vsub.f32 v54, v3;
	v56 =	vld [tilespmem:s14+$0x50]  }
0x1b1: {  	v52 =	vadd.f32 $1.000000000e+00, v29;
	[tilespmem:s12+$0x50] =	vst v22;
	v22 =	vimm.s32 $0x0;
	v59 =	vld [tilespmem:s14+$0x80];
	v43 =	vadd.f32 $1.000000000e+00, v36  }
0x1b2: {  	vm6 =	vlt.f32 v36, $0.0e+00;
	vm15 =	vlt.f32 v24, $0.0e+00;
	vm7 =	vnez.u8 v10;
	v10 =	vld [tilespmem:s14+$0xFFFFFF60];
	[tilespmem:s12+$0xFFFFFF60] =	vst v32  }
0x1b3: {  	v7 =	vsel vm7, v13, v7;
	v13 =	vsel vm11, v21, v16;
	v16 =	vsel vm13, v25, v20;
	v21 =	vld [tilespmem:s14+$0xFFFFFF90];
	[tilespmem:s12+$0xFFFFFF90] =	vst v5  }
0x1b4: {  	v20 =	vsel vm2, v35, v26;
	v25 =	vld [tilespmem:s14+$0xFFFFFFA0];
	[tilespmem:s12+$0xFFFFFFA0] =	vst v6;
	v5 =	vadd.f32 $1.000000000e+00, v23;
	v53 =	vsub.f32 v14, v3  }
0x1b5: {  	v26 =	vsel vm3, v41, v33;
	v33 =	vsub.f32 v58, v2;
	v27 =	vld [tilespmem:s14+$0xFFFFFFB0];
	[tilespmem:s12+$0xFFFFFFB0] =	vst v7;
	v4 =	vsub.f32 v18, v2  }
0x1b6: {  	v7 =	vimm.s32 $0x0;
	[tilespmem:s12+$0x70] =	vst v26;
	v26 =	vsub.f32 v55, v2;
	v6 =	vsel vm0, v5, v23  }
0x1b7: {  	[tilespmem:s12+$0x80] =	vst v28;
	v62 =	vld [tilespmem:s14+$0xFFFFFF40];
	vm0 =	vlt.f32 v29, $0.0e+00;
	v5 =	vimm.s32 $0x0;
	v49 =	vadd.f32 $1.000000000e+00, v53  }
0x1b8: {  	v14 =	vld [tilespmem:s14+$0xFFFFFFC0];
	[tilespmem:s12+$0xFFFFFFC0] =	vst v9;
	v9 =	vimm.s32 $0x0;
	v28 =	vsub.f32 v56, v1;
	v34 =	vsub.f32 v59, v1  }
0x1b9: {  	v18 =	vld [tilespmem:s14+$0xFFFFFFD0];
	[tilespmem:s12+$0xFFFFFFD0] =	vst v11;
	v41 =	vadd.f32 $1.000000000e+00, v33;
	vm3 =	vlt.f32 v33, $0.0e+00;
	v5 =	vsel vm0, $0xFFFFFFFF, v5  }
0x1ba: {  	[tilespmem:s14+$0xB0] =	vst v6;
	v6 =	vimm.s32 $0x0;
	v8 =	vadd.f32 $1.000000000e+00, v4;
	v35 =	vadd.f32 $1.000000000e+00, v26  }
0x1bb: {  	vm2 =	vlt.f32 v26, $0.0e+00;
	v32 =	vsub.f32 v10, v1;
	[tilespmem:s12+$0x90] =	vst v31;
	v31 =	vsub.f32 v57, v3  }
0x1bc: {  	v23 =	vld [tilespmem:s14+$0xFFFFFFF0];
	[tilespmem:$0x1FE40] =	vst v5;
	v38 =	vadd.f32 $1.000000000e+00, v28;
	vm1 =	vlt.f32 v28, $0.0e+00;
	v40 =	vadd.f32 $1.000000000e+00, v34  }
0x1bd: {  	vm4 =	vlt.f32 v34, $0.0e+00;
	v5 =	vsub.f32 v21, v1;
	v21 =	vld [tilespmem:s14+$0xFFFFFFE0];
	[tilespmem:s12+$0xFFFFFFE0] =	vst v12;
	v12 =	vimm.s32 $0x0  }
0x1be: {  	v44 =	vsub.f32 v62, v3;
	v48 =	vadd.f32 $1.000000000e+00, v32;
	vm0 =	vlt.f32 v32, $0.0e+00  }
0x1bf: {  	[tilespmem:s12+$0x40] =	vst v20;
	v50 =	vld [tilespmem:$0x1FE40];
	v39 =	vadd.f32 $1.000000000e+00, v31;
	v6 =	vsel vm0, $0xFFFFFFFF, v6;
	vm0 =	vlt.f32 v53, $0.0e+00  }
0x1c0: {  	v10 =	vadd.f32 $1.000000000e+00, v5;
	vm7 =	vlt.f32 v44, $0.0e+00;
	[tilespmem:$0x1FE50] =	vst v6;
	v7 =	vsel vm0, $0xFFFFFFFF, v7  }
0x1c1: {  	v46 =	vadd.f32 $1.000000000e+00, v44;
	v6 =	vsub.f32 v25, v3;
	v25 =	vld [tilespmem:s14+$0x0];
	vm0 =	vlt.f32 v4, $0.0e+00;
	[tilespmem:$0x1FE60] =	vst v7  }
0x1c2: {  	v7 =	vsub.f32 v27, v2;
	v9 =	vsel vm0, $0xFFFFFFFF, v9;
	v27 =	vld [tilespmem:s14+$0x10];
	[tilespmem:s12+$0x0] =	vst v15;
	vm0 =	vlt.f32 v5, $0.0e+00  }
0x1c3: {  	[tilespmem:$0x1FE80] =	vst v9;
	v11 =	vadd.f32 $1.000000000e+00, v6;
	v9 =	vsub.f32 v14, v1;
	v12 =	vsel vm0, $0xFFFFFFFF, v12  }
0x1c4: {  	v30 =	vld [tilespmem:s14+$0x20];
	[tilespmem:s12+$0x10] =	vst v16;
	vm0 =	vlt.f32 v6, $0.0e+00;
	v14 =	vimm.s32 $0x0;
	vm8 =	vnez.u8 v50  }
0x1c5: {  	v16 =	vimm.s32 $0x0;
	[tilespmem:$0x1FE90] =	vst v12;
	v14 =	vsel vm0, $0xFFFFFFFF, v14;
	v45 =	vsel vm8, v52, v29;
	v29 =	vld [tilespmem:$0x1FE50]  }
0x1c6: {  	v12 =	vsub.f32 v18, v3;
	vm0 =	vlt.f32 v7, $0.0e+00;
	[tilespmem:$0x1FEA0] =	vst v14;
	v14 =	vsub.f32 v21, v2  }
0x1c7: {  	[tilespmem:s12+$0xFFFFFFF0] =	vst v13;
	v13 =	vadd.f32 $1.000000000e+00, v7;
	v15 =	vadd.f32 $1.000000000e+00, v9;
	v16 =	vsel vm0, $0xFFFFFFFF, v16  }
0x1c8: {  	[tilespmem:s12+$0x20] =	vst v17;
	vm9 =	vlt.f32 v9, $0.0e+00;
	v17 =	vadd.f32 $1.000000000e+00, v12;
	vm0 =	vlt.f32 v14, $0.0e+00  }
0x1c9: {  	[tilespmem:$0x1FEB0] =	vst v16;
	v16 =	vsub.f32 v23, v1;
	v18 =	vsub.f32 v25, v3;
	v22 =	vsel vm0, $0xFFFFFFFF, v22  }
0x1ca: {  	s13 =	sadd.s32 $0x8, s13;
	vm8 =	vmmov vm9;
	v19 =	vadd.f32 $1.000000000e+00, v14;
	[tilespmem:$0x1FE70] =	vst v22;
	vm9 =	vnez.u8 v29;
	v29 =	vld [tilespmem:$0x1FE60]  }
0x1cb: {  	p0 =	slt.u32 s13, $0x1F8;
	[tilespmem:s12+$0xA0] =	vst v63;
	vm10 =	vlt.f32 v12, $0.0e+00;
	v20 =	vsub.f32 v27, v2;
	v21 =	vadd.f32 $1.000000000e+00, v16;
	v63 =	vld [tilespmem:$0x1FE70]  }
.Ltmp2:
0x1cc: {  	v23 =	vadd.f32 $1.000000000e+00, v18;
	vm11 =	vlt.f32 v16, $0.0e+00;
	vm12 =	vlt.f32 v18, $0.0e+00;
	(pc) =	sbr.rel @p0 .LBB2_6-.Ltmp2, $4  }
0x1cd: {  	vm0 =	vlt.f32 v31, $0.0e+00;
	v22 =	vsub.f32 v30, v1;
	v25 =	vadd.f32 $1.000000000e+00, v20  }
0x1ce: {  	vm13 =	vlt.f32 v20, $0.0e+00;
	v30 =	vadd.f32 $1.000000000e+00, v24;
	v32 =	vsel vm9, v48, v32  }
0x1cf: {  	vm9 =	vmmov vm10;
	v27 =	vadd.f32 $1.000000000e+00, v22;
	vm10 =	vnez.u8 v29  }
0x1d0: {  	s12 =	smov.u32 s14;
	s14 =	sadd.s32 $0x180, s14;
	vm14 =	vlt.f32 v22, $0.0e+00;
	v29 =	vsel vm10, v49, v53;
	vm10 =	vnez.u8 v63  }
0x1d1: {  	[tilespmem:s12+$0xFFFFFF50] =	vst v45  }
0x1d2: {  	v44 =	vsel vm7, v46, v44;
	[tilespmem:s12+$0xFFFFFF60] =	vst v32  }
0x1d3: {  	[tilespmem:s12+$0xFFFFFF40] =	vst v44  }
0x1d4: {  	v32 =	vld [tilespmem:$0x1FE80];
	_ =	sdelay $0x4  }
0x1d5: {  	[tilespmem:s12+$0xFFFFFF70] =	vst v29;
	vm7 =	vnez.u8 v32  }
0x1d6: {  	v4 =	vsel vm7, v8, v4;
	v8 =	vld [tilespmem:$0x1FE90]  }
0x1d7: {  	[tilespmem:s12+$0xFFFFFF80] =	vst v4  }
0x1d8: {  	v4 =	vld [tilespmem:$0x1FEA0];
	_ =	sdelay $0x2  }
0x1d9: {  	vm7 =	vnez.u8 v8  }
0x1da: {  	v5 =	vsel vm7, v10, v5  }
0x1db: {  	vm7 =	vnez.u8 v4;
	[tilespmem:s12+$0xFFFFFF90] =	vst v5  }
0x1dc: {  	v4 =	vsel vm7, v11, v6;
	v5 =	vld [tilespmem:$0x1FEB0]  }
0x1dd: {  	[tilespmem:s12+$0xFFFFFFA0] =	vst v4;
	v4 =	vsel vm8, v15, v9  }
0x1de: {  	[tilespmem:s12+$0xFFFFFFC0] =	vst v4;
	v4 =	vsel vm10, v19, v14  }
0x1df: {  	[tilespmem:s12+$0xFFFFFFE0] =	vst v4;
	v4 =	vsel vm12, v23, v18  }
0x1e0: {  	[tilespmem:s12+$0x0] =	vst v4;
	v4 =	vsel vm14, v27, v22  }
0x1e1: {  	vm7 =	vnez.u8 v5;
	[tilespmem:s12+$0x20] =	vst v4;
	v4 =	vsel vm2, v35, v26  }
0x1e2: {  	v5 =	vsel vm7, v13, v7;
	[tilespmem:s12+$0x40] =	vst v4  }
0x1e3: {  	v4 =	vsel vm0, v39, v31;
	[tilespmem:s12+$0xFFFFFFB0] =	vst v5  }
0x1e4: {  	v5 =	vsel vm9, v17, v12;
	[tilespmem:s12+$0x60] =	vst v4  }
0x1e5: {  	v4 =	vsel vm4, v40, v34;
	[tilespmem:s12+$0xFFFFFFD0] =	vst v5  }
0x1e6: {  	v5 =	vsel vm11, v21, v16;
	[tilespmem:s12+$0x80] =	vst v4  }
0x1e7: {  	v4 =	vsel vm5, v42, v37;
	[tilespmem:s12+$0xFFFFFFF0] =	vst v5  }
0x1e8: {  	v5 =	vsel vm13, v25, v20;
	[tilespmem:s12+$0xA0] =	vst v4  }
0x1e9: {  	[tilespmem:s12+$0x10] =	vst v5;
	v5 =	vsel vm15, v30, v24  }
0x1ea: {  	[tilespmem:s12+$0x30] =	vst v5;
	v5 =	vsel vm1, v38, v28  }
0x1eb: {  	[tilespmem:s12+$0x50] =	vst v5;
	v5 =	vsel vm3, v41, v33  }
0x1ec: {  	[tilespmem:s12+$0x70] =	vst v5;
	v5 =	vsel vm6, v43, v36  }
0x1ed: {  	[tilespmem:s12+$0x90] =	vst v5  }
0x1ee: {  	s12 =	rddreg [dreg:$0x6]  }
0x1ef: {  	[hbm4b:s12+s2] =	stream.linear.scatter [tilespmem:s9], [sflag:$0x1], $0x6000, $0x38;
	[tilespmem:$0xC100] =	vst v63  }
0x1f0: {  	_ =	swait.ge [sflag:s8], $0x6000  }
0x1f1: {  	[sflag:s8] =	ssyncset.done $0x0  }
0x1f2: {  	s26 =	rddreg [dreg:$0x7];
	[sflag:s8] =	ssyncadd.s32 $0xFFFFA000  }
0x1f3: {  	[tilespmem:s10], [sflag:$0x1] =	stream.linear.gather [hbm4b:s26+s2], $0x6000, $0x38;
	[tilespmem:$0xC100] =	vst v63  }
0x1f4: {  	_ =	swait.ge [sflag:s8], $0x6000  }
0x1f5: {  	[sflag:s8] =	ssyncset.done $0x0  }
0x1f6: {  	s12 =	simm.s32 $0x61C0;
	[sflag:s8] =	ssyncadd.s32 $0xFFFFA000  }
0x1f7: {  	v4 =	vld [tilespmem:s12+$0xB0]  }
0x1f8: {  	v5 =	vld [tilespmem:s12+$0xFFFFFF50]  }
0x1f9: {  	v6 =	vld [tilespmem:s12+$0xFFFFFF60]  }
0x1fa: {  	v7 =	vld [tilespmem:s12+$0xFFFFFF70]  }
0x1fb: {  	v8 =	vld [tilespmem:s12+$0xFFFFFF80]  }
0x1fc: {  	v9 =	vld [tilespmem:s12+$0xFFFFFF90]  }
0x1fd: {  	v11 =	vld [tilespmem:s12+$0xFFFFFFA0]  }
0x1fe: {  	v12 =	vld [tilespmem:s12+$0xFFFFFFB0];
	v10 =	vsub.f32 v4, v1  }
0x1ff: {  	v29 =	vsub.f32 v5, v2  }
0x200: {  	v54 =	vsub.f32 v6, v1;
	v5 =	vadd.f32 $1.000000000e+00, v10  }
0x201: {  	v14 =	vld [tilespmem:s12+$0xFFFFFFD0];
	v56 =	vsub.f32 v7, v3;
	v4 =	vsub.f32 v8, v2;
	vm0 =	vlt.f32 v10, $0.0e+00  }
0x202: {  	v13 =	vld [tilespmem:s12+$0xFFFFFFC0];
	v6 =	vsub.f32 v11, v3;
	v24 =	vsel vm0, v5, v10;
	v5 =	vsub.f32 v9, v1  }
0x203: {  	v16 =	vld [tilespmem:s12+$0xFFFFFFE0];
	v7 =	vsub.f32 v12, v2;
	vm2 =	vlt.f32 v4, $0.0e+00;
	v9 =	vimm.s32 $0x0  }
0x204: {  	v18 =	vld [tilespmem:s12+$0xFFFFFFF0];
	v12 =	vimm.s32 $0x0;
	v9 =	vsel vm2, $0xFFFFFFFF, v9;
	vm2 =	vlt.f32 v5, $0.0e+00  }
0x205: {  	v20 =	vld [tilespmem:s12+$0x0];
	[tilespmem:$0x1FE00] =	vst v9;
	v12 =	vsel vm2, $0xFFFFFFFF, v12  }
0x206: {  	v22 =	vld [tilespmem:s12+$0x10];
	vm2 =	vlt.f32 v6, $0.0e+00;
	[tilespmem:$0x1FE10] =	vst v12;
	v12 =	vsub.f32 v14, v3;
	v14 =	vimm.s32 $0x0  }
0x207: {  	v14 =	vsel vm2, $0xFFFFFFFF, v14  }
0x208: {  	v25 =	vld [tilespmem:s12+$0x20];
	vm2 =	vlt.f32 v7, $0.0e+00;
	[tilespmem:$0x1FE20] =	vst v14;
	v14 =	vsub.f32 v16, v2;
	v16 =	vimm.s32 $0x0  }
0x209: {  	v55 =	vadd.f32 $1.000000000e+00, v29;
	v57 =	vadd.f32 $1.000000000e+00, v54;
	v16 =	vsel vm2, $0xFFFFFFFF, v16  }
0x20a: {  	vm1 =	vlt.f32 v29, $0.0e+00;
	v58 =	vadd.f32 $1.000000000e+00, v56;
	v8 =	vadd.f32 $1.000000000e+00, v4;
	v26 =	vld [tilespmem:s12+$0x30];
	[tilespmem:$0x1FE30] =	vst v16  }
0x20b: {  	vm3 =	vlt.f32 v56, $0.0e+00;
	v11 =	vadd.f32 $1.000000000e+00, v6;
	v9 =	vsub.f32 v13, v1;
	v28 =	vld [tilespmem:s12+$0x40]  }
0x20c: {  	vm0 =	vlt.f32 v54, $0.0e+00;
	v10 =	vadd.f32 $1.000000000e+00, v5;
	v13 =	vadd.f32 $1.000000000e+00, v7;
	v31 =	vld [tilespmem:s12+$0x50]  }
0x20d: {  	v45 =	vsel vm1, v55, v29;
	v15 =	vadd.f32 $1.000000000e+00, v9;
	v17 =	vadd.f32 $1.000000000e+00, v12;
	v59 =	vld [tilespmem:s12+$0x60]  }
0x20e: {  	v29 =	vsel vm3, v58, v56;
	v16 =	vsub.f32 v18, v1;
	v19 =	vadd.f32 $1.000000000e+00, v14;
	v60 =	vld [tilespmem:s12+$0x70]  }
0x20f: {  	v32 =	vsel vm0, v57, v54;
	v18 =	vsub.f32 v20, v3;
	v20 =	vsub.f32 v22, v2;
	v61 =	vld [tilespmem:s12+$0x80]  }
0x210: {  	vm8 =	vlt.f32 v9, $0.0e+00;
	v62 =	vld [tilespmem:s12+$0x90];
	v21 =	vadd.f32 $1.000000000e+00, v16;
	v22 =	vsub.f32 v25, v1  }
0x211: {  	vm9 =	vlt.f32 v12, $0.0e+00;
	[tilespmem:s12+$0xB0] =	vst v24;
	v63 =	vld [tilespmem:s12+$0xA0];
	v23 =	vadd.f32 $1.000000000e+00, v18;
	v24 =	vsub.f32 v26, v3  }
0x212: {  	vm10 =	vlt.f32 v14, $0.0e+00;
	v47 =	vld [tilespmem:s12+$0xFFFFFF40];
	v25 =	vadd.f32 $1.000000000e+00, v20;
	v27 =	vadd.f32 $1.000000000e+00, v22  }
0x213: {  	vm11 =	vlt.f32 v16, $0.0e+00;
	v26 =	vsub.f32 v28, v2;
	v30 =	vadd.f32 $1.000000000e+00, v24  }
0x214: {  	vm12 =	vlt.f32 v18, $0.0e+00;
	v28 =	vsub.f32 v31, v1;
	v31 =	vsub.f32 v59, v3  }
0x215: {  	vm13 =	vlt.f32 v20, $0.0e+00;
	v33 =	vsub.f32 v60, v2;
	v34 =	vsub.f32 v61, v1  }
0x216: {  	vm14 =	vlt.f32 v22, $0.0e+00;
	v36 =	vsub.f32 v62, v3;
	v37 =	vsub.f32 v63, v2  }
0x217: {  	vm15 =	vlt.f32 v24, $0.0e+00;
	v44 =	vsub.f32 v47, v3;
	v35 =	vadd.f32 $1.000000000e+00, v26  }
0x218: {  	v38 =	vadd.f32 $1.000000000e+00, v28;
	vm2 =	vlt.f32 v26, $0.0e+00;
	v39 =	vadd.f32 $1.000000000e+00, v31  }
0x219: {  	vm1 =	vlt.f32 v28, $0.0e+00;
	v41 =	vadd.f32 $1.000000000e+00, v33;
	v40 =	vadd.f32 $1.000000000e+00, v34  }
0x21a: {  	vm0 =	vlt.f32 v31, $0.0e+00;
	vm3 =	vlt.f32 v33, $0.0e+00;
	v43 =	vadd.f32 $1.000000000e+00, v36  }
0x21b: {  	v42 =	vadd.f32 $1.000000000e+00, v37;
	v46 =	vadd.f32 $1.000000000e+00, v44;
	vm4 =	vlt.f32 v34, $0.0e+00  }
0x21c: {  	s13 =	simm.s32 $0x0;
	s14 =	simm.s32 $0x6340;
	vm6 =	vlt.f32 v36, $0.0e+00;
	vm7 =	vlt.f32 v44, $0.0e+00;
	vm5 =	vlt.f32 v37, $0.0e+00  }
.LBB2_8:
0x21d: {  	v62 =	vld [tilespmem:$0x1FE00];
	_ =	sdelay $0x4  }
0x21e: {  	v44 =	vsel vm7, v46, v44;
	vm7 =	vnez.u8 v62  }
0x21f: {  	v4 =	vsel vm7, v8, v4;
	v8 =	vld [tilespmem:$0x1FE10];
	_ =	sdelay $0x3  }
0x220: {  	v47 =	vld [tilespmem:s14+$0xB0]  }
0x221: {  	v61 =	vld [tilespmem:s14+$0xA0];
	vm7 =	vnez.u8 v8  }
0x222: {  	v5 =	vsel vm7, v10, v5;
	v10 =	vld [tilespmem:$0x1FE20]  }
0x223: {  	v54 =	vld [tilespmem:s14+$0x30]  }
0x224: {  	v55 =	vld [tilespmem:s14+$0x40]  }
0x225: {  	[tilespmem:s12+$0xFFFFFF50] =	vst v45;
	v60 =	vld [tilespmem:s14+$0x90]  }
0x226: {  	v9 =	vsel vm8, v15, v9;
	v63 =	vsel vm5, v42, v37;
	v37 =	vsub.f32 v61, v2;
	v8 =	vld [tilespmem:s14+$0xFFFFFF50]  }
0x227: {  	v57 =	vld [tilespmem:s14+$0x60];
	v15 =	vsel vm12, v23, v18;
	v23 =	vsub.f32 v47, v1;
	vm7 =	vnez.u8 v10  }
0x228: {  	v42 =	vadd.f32 $1.000000000e+00, v37;
	vm5 =	vlt.f32 v37, $0.0e+00;
	[tilespmem:s12+$0xFFFFFF40] =	vst v44;
	v10 =	vld [tilespmem:$0x1FE30];
	v6 =	vsel vm7, v11, v6  }
0x229: {  	v11 =	vsel vm9, v17, v12;
	v12 =	vsel vm10, v19, v14;
	v14 =	vld [tilespmem:s14+$0xFFFFFF70];
	[tilespmem:s12+$0xFFFFFF70] =	vst v29;
	v17 =	vsel vm14, v27, v22  }
0x22a: {  	v19 =	vsel vm15, v30, v24;
	v22 =	vsel vm1, v38, v28;
	v24 =	vsel vm0, v39, v31;
	v18 =	vld [tilespmem:s14+$0xFFFFFF80];
	[tilespmem:s12+$0xFFFFFF80] =	vst v4  }
0x22b: {  	v58 =	vld [tilespmem:s14+$0x70];
	v29 =	vsub.f32 v8, v2;
	v31 =	vsel vm6, v43, v36;
	v36 =	vsub.f32 v60, v3;
	[tilespmem:s12+$0x30] =	vst v19  }
0x22c: {  	v28 =	vsel vm4, v40, v34;
	vm0 =	vlt.f32 v23, $0.0e+00;
	[tilespmem:s12+$0x60] =	vst v24;
	v24 =	vsub.f32 v54, v3;
	v56 =	vld [tilespmem:s14+$0x50]  }
0x22d: {  	v52 =	vadd.f32 $1.000000000e+00, v29;
	[tilespmem:s12+$0x50] =	vst v22;
	v22 =	vimm.s32 $0x0;
	v59 =	vld [tilespmem:s14+$0x80];
	v43 =	vadd.f32 $1.000000000e+00, v36  }
0x22e: {  	vm6 =	vlt.f32 v36, $0.0e+00;
	vm15 =	vlt.f32 v24, $0.0e+00;
	vm7 =	vnez.u8 v10;
	v10 =	vld [tilespmem:s14+$0xFFFFFF60];
	[tilespmem:s12+$0xFFFFFF60] =	vst v32  }
0x22f: {  	v7 =	vsel vm7, v13, v7;
	v13 =	vsel vm11, v21, v16;
	v16 =	vsel vm13, v25, v20;
	v21 =	vld [tilespmem:s14+$0xFFFFFF90];
	[tilespmem:s12+$0xFFFFFF90] =	vst v5  }
0x230: {  	v20 =	vsel vm2, v35, v26;
	v25 =	vld [tilespmem:s14+$0xFFFFFFA0];
	[tilespmem:s12+$0xFFFFFFA0] =	vst v6;
	v5 =	vadd.f32 $1.000000000e+00, v23;
	v53 =	vsub.f32 v14, v3  }
0x231: {  	v26 =	vsel vm3, v41, v33;
	v33 =	vsub.f32 v58, v2;
	v27 =	vld [tilespmem:s14+$0xFFFFFFB0];
	[tilespmem:s12+$0xFFFFFFB0] =	vst v7;
	v4 =	vsub.f32 v18, v2  }
0x232: {  	v7 =	vimm.s32 $0x0;
	[tilespmem:s12+$0x70] =	vst v26;
	v26 =	vsub.f32 v55, v2;
	v6 =	vsel vm0, v5, v23  }
0x233: {  	[tilespmem:s12+$0x80] =	vst v28;
	v62 =	vld [tilespmem:s14+$0xFFFFFF40];
	vm0 =	vlt.f32 v29, $0.0e+00;
	v5 =	vimm.s32 $0x0;
	v49 =	vadd.f32 $1.000000000e+00, v53  }
0x234: {  	v14 =	vld [tilespmem:s14+$0xFFFFFFC0];
	[tilespmem:s12+$0xFFFFFFC0] =	vst v9;
	v9 =	vimm.s32 $0x0;
	v28 =	vsub.f32 v56, v1;
	v34 =	vsub.f32 v59, v1  }
0x235: {  	v18 =	vld [tilespmem:s14+$0xFFFFFFD0];
	[tilespmem:s12+$0xFFFFFFD0] =	vst v11;
	v41 =	vadd.f32 $1.000000000e+00, v33;
	vm3 =	vlt.f32 v33, $0.0e+00;
	v5 =	vsel vm0, $0xFFFFFFFF, v5  }
0x236: {  	[tilespmem:s14+$0xB0] =	vst v6;
	v6 =	vimm.s32 $0x0;
	v8 =	vadd.f32 $1.000000000e+00, v4;
	v35 =	vadd.f32 $1.000000000e+00, v26  }
0x237: {  	vm2 =	vlt.f32 v26, $0.0e+00;
	v32 =	vsub.f32 v10, v1;
	[tilespmem:s12+$0x90] =	vst v31;
	v31 =	vsub.f32 v57, v3  }
0x238: {  	v23 =	vld [tilespmem:s14+$0xFFFFFFF0];
	[tilespmem:$0x1FDC0] =	vst v5;
	v38 =	vadd.f32 $1.000000000e+00, v28;
	vm1 =	vlt.f32 v28, $0.0e+00;
	v40 =	vadd.f32 $1.000000000e+00, v34  }
0x239: {  	vm4 =	vlt.f32 v34, $0.0e+00;
	v5 =	vsub.f32 v21, v1;
	v21 =	vld [tilespmem:s14+$0xFFFFFFE0];
	[tilespmem:s12+$0xFFFFFFE0] =	vst v12;
	v12 =	vimm.s32 $0x0  }
0x23a: {  	v44 =	vsub.f32 v62, v3;
	v48 =	vadd.f32 $1.000000000e+00, v32;
	vm0 =	vlt.f32 v32, $0.0e+00  }
0x23b: {  	[tilespmem:s12+$0x40] =	vst v20;
	v50 =	vld [tilespmem:$0x1FDC0];
	v39 =	vadd.f32 $1.000000000e+00, v31;
	v6 =	vsel vm0, $0xFFFFFFFF, v6;
	vm0 =	vlt.f32 v53, $0.0e+00  }
0x23c: {  	v10 =	vadd.f32 $1.000000000e+00, v5;
	vm7 =	vlt.f32 v44, $0.0e+00;
	[tilespmem:$0x1FDD0] =	vst v6;
	v7 =	vsel vm0, $0xFFFFFFFF, v7  }
0x23d: {  	v46 =	vadd.f32 $1.000000000e+00, v44;
	v6 =	vsub.f32 v25, v3;
	v25 =	vld [tilespmem:s14+$0x0];
	vm0 =	vlt.f32 v4, $0.0e+00;
	[tilespmem:$0x1FDE0] =	vst v7  }
0x23e: {  	v7 =	vsub.f32 v27, v2;
	v9 =	vsel vm0, $0xFFFFFFFF, v9;
	v27 =	vld [tilespmem:s14+$0x10];
	[tilespmem:s12+$0x0] =	vst v15;
	vm0 =	vlt.f32 v5, $0.0e+00  }
0x23f: {  	[tilespmem:$0x1FE00] =	vst v9;
	v11 =	vadd.f32 $1.000000000e+00, v6;
	v9 =	vsub.f32 v14, v1;
	v12 =	vsel vm0, $0xFFFFFFFF, v12  }
0x240: {  	v30 =	vld [tilespmem:s14+$0x20];
	[tilespmem:s12+$0x10] =	vst v16;
	vm0 =	vlt.f32 v6, $0.0e+00;
	v14 =	vimm.s32 $0x0;
	vm8 =	vnez.u8 v50  }
0x241: {  	v16 =	vimm.s32 $0x0;
	[tilespmem:$0x1FE10] =	vst v12;
	v14 =	vsel vm0, $0xFFFFFFFF, v14;
	v45 =	vsel vm8, v52, v29;
	v29 =	vld [tilespmem:$0x1FDD0]  }
0x242: {  	v12 =	vsub.f32 v18, v3;
	vm0 =	vlt.f32 v7, $0.0e+00;
	[tilespmem:$0x1FE20] =	vst v14;
	v14 =	vsub.f32 v21, v2  }
0x243: {  	[tilespmem:s12+$0xFFFFFFF0] =	vst v13;
	v13 =	vadd.f32 $1.000000000e+00, v7;
	v15 =	vadd.f32 $1.000000000e+00, v9;
	v16 =	vsel vm0, $0xFFFFFFFF, v16  }
0x244: {  	[tilespmem:s12+$0x20] =	vst v17;
	vm9 =	vlt.f32 v9, $0.0e+00;
	v17 =	vadd.f32 $1.000000000e+00, v12;
	vm0 =	vlt.f32 v14, $0.0e+00  }
0x245: {  	[tilespmem:$0x1FE30] =	vst v16;
	v16 =	vsub.f32 v23, v1;
	v18 =	vsub.f32 v25, v3;
	v22 =	vsel vm0, $0xFFFFFFFF, v22  }
0x246: {  	s13 =	sadd.s32 $0x8, s13;
	vm8 =	vmmov vm9;
	v19 =	vadd.f32 $1.000000000e+00, v14;
	[tilespmem:$0x1FDF0] =	vst v22;
	vm9 =	vnez.u8 v29;
	v29 =	vld [tilespmem:$0x1FDE0]  }
0x247: {  	p0 =	slt.u32 s13, $0x1F8;
	[tilespmem:s12+$0xA0] =	vst v63;
	vm10 =	vlt.f32 v12, $0.0e+00;
	v20 =	vsub.f32 v27, v2;
	v21 =	vadd.f32 $1.000000000e+00, v16;
	v63 =	vld [tilespmem:$0x1FDF0]  }
.Ltmp3:
0x248: {  	v23 =	vadd.f32 $1.000000000e+00, v18;
	vm11 =	vlt.f32 v16, $0.0e+00;
	vm12 =	vlt.f32 v18, $0.0e+00;
	(pc) =	sbr.rel @p0 .LBB2_8-.Ltmp3, $4  }
0x249: {  	vm0 =	vlt.f32 v31, $0.0e+00;
	v22 =	vsub.f32 v30, v1;
	v25 =	vadd.f32 $1.000000000e+00, v20  }
0x24a: {  	vm13 =	vlt.f32 v20, $0.0e+00;
	v30 =	vadd.f32 $1.000000000e+00, v24;
	v32 =	vsel vm9, v48, v32  }
0x24b: {  	vm9 =	vmmov vm10;
	v27 =	vadd.f32 $1.000000000e+00, v22;
	vm10 =	vnez.u8 v29  }
0x24c: {  	s12 =	smov.u32 s14;
	s14 =	sadd.s32 $0x180, s14;
	vm14 =	vlt.f32 v22, $0.0e+00;
	v29 =	vsel vm10, v49, v53;
	vm10 =	vnez.u8 v63  }
0x24d: {  	[tilespmem:s12+$0xFFFFFF50] =	vst v45  }
0x24e: {  	v44 =	vsel vm7, v46, v44;
	[tilespmem:s12+$0xFFFFFF60] =	vst v32  }
0x24f: {  	[tilespmem:s12+$0xFFFFFF40] =	vst v44  }
0x250: {  	v32 =	vld [tilespmem:$0x1FE00];
	_ =	sdelay $0x4  }
0x251: {  	[tilespmem:s12+$0xFFFFFF70] =	vst v29;
	vm7 =	vnez.u8 v32  }
0x252: {  	v4 =	vsel vm7, v8, v4;
	v8 =	vld [tilespmem:$0x1FE10]  }
0x253: {  	[tilespmem:s12+$0xFFFFFF80] =	vst v4  }
0x254: {  	v4 =	vld [tilespmem:$0x1FE20];
	_ =	sdelay $0x2  }
0x255: {  	vm7 =	vnez.u8 v8  }
0x256: {  	v5 =	vsel vm7, v10, v5  }
0x257: {  	vm7 =	vnez.u8 v4;
	[tilespmem:s12+$0xFFFFFF90] =	vst v5  }
0x258: {  	v4 =	vsel vm7, v11, v6;
	v5 =	vld [tilespmem:$0x1FE30]  }
0x259: {  	[tilespmem:s12+$0xFFFFFFA0] =	vst v4;
	v4 =	vsel vm8, v15, v9  }
0x25a: {  	[tilespmem:s12+$0xFFFFFFC0] =	vst v4;
	v4 =	vsel vm10, v19, v14  }
0x25b: {  	[tilespmem:s12+$0xFFFFFFE0] =	vst v4;
	v4 =	vsel vm12, v23, v18  }
0x25c: {  	[tilespmem:s12+$0x0] =	vst v4;
	v4 =	vsel vm14, v27, v22  }
0x25d: {  	vm7 =	vnez.u8 v5;
	[tilespmem:s12+$0x20] =	vst v4;
	v4 =	vsel vm2, v35, v26  }
0x25e: {  	v5 =	vsel vm7, v13, v7;
	[tilespmem:s12+$0x40] =	vst v4  }
0x25f: {  	v4 =	vsel vm0, v39, v31;
	[tilespmem:s12+$0xFFFFFFB0] =	vst v5  }
0x260: {  	v5 =	vsel vm9, v17, v12;
	[tilespmem:s12+$0x60] =	vst v4  }
0x261: {  	v4 =	vsel vm4, v40, v34;
	[tilespmem:s12+$0xFFFFFFD0] =	vst v5  }
0x262: {  	v5 =	vsel vm11, v21, v16;
	[tilespmem:s12+$0x80] =	vst v4  }
0x263: {  	v4 =	vsel vm5, v42, v37;
	[tilespmem:s12+$0xFFFFFFF0] =	vst v5  }
0x264: {  	v5 =	vsel vm13, v25, v20;
	[tilespmem:s12+$0xA0] =	vst v4  }
0x265: {  	[tilespmem:s12+$0x10] =	vst v5;
	v5 =	vsel vm15, v30, v24  }
0x266: {  	[tilespmem:s12+$0x30] =	vst v5;
	v5 =	vsel vm1, v38, v28  }
0x267: {  	[tilespmem:s12+$0x50] =	vst v5;
	v5 =	vsel vm3, v41, v33  }
0x268: {  	[tilespmem:s12+$0x70] =	vst v5;
	v5 =	vsel vm6, v43, v36  }
0x269: {  	[tilespmem:s12+$0x90] =	vst v5  }
0x26a: {  	s12 =	rddreg [dreg:$0x8]  }
0x26b: {  	[hbm4b:s12+s2] =	stream.linear.scatter [tilespmem:s10], [sflag:$0x1], $0x6000, $0x38;
	[tilespmem:$0xC100] =	vst v63  }
0x26c: {  	_ =	swait.ge [sflag:s8], $0x6000  }
0x26d: {  	[sflag:s8] =	ssyncset.done $0x0  }
0x26e: {  	s26 =	rddreg [dreg:$0x9];
	[sflag:s8] =	ssyncadd.s32 $0xFFFFA000  }
0x26f: {  	[tilespmem:s9], [sflag:$0x1] =	stream.linear.gather [hbm4b:s26+s2], $0x6000, $0x38;
	[tilespmem:$0xC100] =	vst v63  }
0x270: {  	_ =	swait.ge [sflag:s8], $0x6000  }
0x271: {  	[sflag:s8] =	ssyncset.done $0x0  }
0x272: {  	s12 =	simm.s32 $0x1C0;
	[sflag:s8] =	ssyncadd.s32 $0xFFFFA000  }
0x273: {  	v4 =	vld [tilespmem:s12+$0xB0]  }
0x274: {  	v5 =	vld [tilespmem:s12+$0xFFFFFF50]  }
0x275: {  	v6 =	vld [tilespmem:s12+$0xFFFFFF60]  }
0x276: {  	v7 =	vld [tilespmem:s12+$0xFFFFFF70]  }
0x277: {  	v8 =	vld [tilespmem:s12+$0xFFFFFF80]  }
0x278: {  	v9 =	vld [tilespmem:s12+$0xFFFFFF90]  }
0x279: {  	v11 =	vld [tilespmem:s12+$0xFFFFFFA0]  }
0x27a: {  	v12 =	vld [tilespmem:s12+$0xFFFFFFB0];
	v10 =	vsub.f32 v4, v1  }
0x27b: {  	v29 =	vsub.f32 v5, v2  }
0x27c: {  	v54 =	vsub.f32 v6, v1;
	v5 =	vadd.f32 $1.000000000e+00, v10  }
0x27d: {  	v14 =	vld [tilespmem:s12+$0xFFFFFFD0];
	v56 =	vsub.f32 v7, v3;
	v4 =	vsub.f32 v8, v2;
	vm0 =	vlt.f32 v10, $0.0e+00  }
0x27e: {  	v13 =	vld [tilespmem:s12+$0xFFFFFFC0];
	v6 =	vsub.f32 v11, v3;
	v24 =	vsel vm0, v5, v10;
	v5 =	vsub.f32 v9, v1  }
0x27f: {  	v16 =	vld [tilespmem:s12+$0xFFFFFFE0];
	v7 =	vsub.f32 v12, v2;
	vm2 =	vlt.f32 v4, $0.0e+00;
	v9 =	vimm.s32 $0x0  }
0x280: {  	v18 =	vld [tilespmem:s12+$0xFFFFFFF0];
	v12 =	vimm.s32 $0x0;
	v9 =	vsel vm2, $0xFFFFFFFF, v9;
	vm2 =	vlt.f32 v5, $0.0e+00  }
0x281: {  	v20 =	vld [tilespmem:s12+$0x0];
	[tilespmem:$0x1FD80] =	vst v9;
	v12 =	vsel vm2, $0xFFFFFFFF, v12  }
0x282: {  	v22 =	vld [tilespmem:s12+$0x10];
	vm2 =	vlt.f32 v6, $0.0e+00;
	[tilespmem:$0x1FD90] =	vst v12;
	v12 =	vsub.f32 v14, v3;
	v14 =	vimm.s32 $0x0  }
0x283: {  	v14 =	vsel vm2, $0xFFFFFFFF, v14  }
0x284: {  	v25 =	vld [tilespmem:s12+$0x20];
	vm2 =	vlt.f32 v7, $0.0e+00;
	[tilespmem:$0x1FDA0] =	vst v14;
	v14 =	vsub.f32 v16, v2;
	v16 =	vimm.s32 $0x0  }
0x285: {  	v55 =	vadd.f32 $1.000000000e+00, v29;
	v57 =	vadd.f32 $1.000000000e+00, v54;
	v16 =	vsel vm2, $0xFFFFFFFF, v16  }
0x286: {  	vm1 =	vlt.f32 v29, $0.0e+00;
	v58 =	vadd.f32 $1.000000000e+00, v56;
	v8 =	vadd.f32 $1.000000000e+00, v4;
	v26 =	vld [tilespmem:s12+$0x30];
	[tilespmem:$0x1FDB0] =	vst v16  }
0x287: {  	vm3 =	vlt.f32 v56, $0.0e+00;
	v11 =	vadd.f32 $1.000000000e+00, v6;
	v9 =	vsub.f32 v13, v1;
	v28 =	vld [tilespmem:s12+$0x40]  }
0x288: {  	vm0 =	vlt.f32 v54, $0.0e+00;
	v10 =	vadd.f32 $1.000000000e+00, v5;
	v13 =	vadd.f32 $1.000000000e+00, v7;
	v31 =	vld [tilespmem:s12+$0x50]  }
0x289: {  	v45 =	vsel vm1, v55, v29;
	v15 =	vadd.f32 $1.000000000e+00, v9;
	v17 =	vadd.f32 $1.000000000e+00, v12;
	v59 =	vld [tilespmem:s12+$0x60]  }
0x28a: {  	v29 =	vsel vm3, v58, v56;
	v16 =	vsub.f32 v18, v1;
	v19 =	vadd.f32 $1.000000000e+00, v14;
	v60 =	vld [tilespmem:s12+$0x70]  }
0x28b: {  	v32 =	vsel vm0, v57, v54;
	v18 =	vsub.f32 v20, v3;
	v20 =	vsub.f32 v22, v2;
	v61 =	vld [tilespmem:s12+$0x80]  }
0x28c: {  	vm8 =	vlt.f32 v9, $0.0e+00;
	v62 =	vld [tilespmem:s12+$0x90];
	v21 =	vadd.f32 $1.000000000e+00, v16;
	v22 =	vsub.f32 v25, v1  }
0x28d: {  	vm9 =	vlt.f32 v12, $0.0e+00;
	[tilespmem:s12+$0xB0] =	vst v24;
	v63 =	vld [tilespmem:s12+$0xA0];
	v23 =	vadd.f32 $1.000000000e+00, v18;
	v24 =	vsub.f32 v26, v3  }
0x28e: {  	vm10 =	vlt.f32 v14, $0.0e+00;
	v47 =	vld [tilespmem:s12+$0xFFFFFF40];
	v25 =	vadd.f32 $1.000000000e+00, v20;
	v27 =	vadd.f32 $1.000000000e+00, v22  }
0x28f: {  	vm11 =	vlt.f32 v16, $0.0e+00;
	v26 =	vsub.f32 v28, v2;
	v30 =	vadd.f32 $1.000000000e+00, v24  }
0x290: {  	vm12 =	vlt.f32 v18, $0.0e+00;
	v28 =	vsub.f32 v31, v1;
	v31 =	vsub.f32 v59, v3  }
0x291: {  	vm13 =	vlt.f32 v20, $0.0e+00;
	v33 =	vsub.f32 v60, v2;
	v34 =	vsub.f32 v61, v1  }
0x292: {  	vm14 =	vlt.f32 v22, $0.0e+00;
	v36 =	vsub.f32 v62, v3;
	v37 =	vsub.f32 v63, v2  }
0x293: {  	vm15 =	vlt.f32 v24, $0.0e+00;
	v44 =	vsub.f32 v47, v3;
	v35 =	vadd.f32 $1.000000000e+00, v26  }
0x294: {  	v38 =	vadd.f32 $1.000000000e+00, v28;
	vm2 =	vlt.f32 v26, $0.0e+00;
	v39 =	vadd.f32 $1.000000000e+00, v31  }
0x295: {  	vm1 =	vlt.f32 v28, $0.0e+00;
	v41 =	vadd.f32 $1.000000000e+00, v33;
	v40 =	vadd.f32 $1.000000000e+00, v34  }
0x296: {  	vm0 =	vlt.f32 v31, $0.0e+00;
	vm3 =	vlt.f32 v33, $0.0e+00;
	v43 =	vadd.f32 $1.000000000e+00, v36  }
0x297: {  	v42 =	vadd.f32 $1.000000000e+00, v37;
	v46 =	vadd.f32 $1.000000000e+00, v44;
	vm4 =	vlt.f32 v34, $0.0e+00  }
0x298: {  	s13 =	simm.s32 $0x0;
	s14 =	simm.s32 $0x340;
	vm6 =	vlt.f32 v36, $0.0e+00;
	vm7 =	vlt.f32 v44, $0.0e+00;
	vm5 =	vlt.f32 v37, $0.0e+00  }
.LBB2_10:
0x299: {  	v62 =	vld [tilespmem:$0x1FD80];
	_ =	sdelay $0x4  }
0x29a: {  	v44 =	vsel vm7, v46, v44;
	vm7 =	vnez.u8 v62  }
0x29b: {  	v4 =	vsel vm7, v8, v4;
	v8 =	vld [tilespmem:$0x1FD90];
	_ =	sdelay $0x3  }
0x29c: {  	v47 =	vld [tilespmem:s14+$0xB0]  }
0x29d: {  	v61 =	vld [tilespmem:s14+$0xA0];
	vm7 =	vnez.u8 v8  }
0x29e: {  	v5 =	vsel vm7, v10, v5;
	v10 =	vld [tilespmem:$0x1FDA0]  }
0x29f: {  	v54 =	vld [tilespmem:s14+$0x30]  }
0x2a0: {  	v55 =	vld [tilespmem:s14+$0x40]  }
0x2a1: {  	[tilespmem:s12+$0xFFFFFF50] =	vst v45;
	v60 =	vld [tilespmem:s14+$0x90]  }
0x2a2: {  	v9 =	vsel vm8, v15, v9;
	v63 =	vsel vm5, v42, v37;
	v37 =	vsub.f32 v61, v2;
	v8 =	vld [tilespmem:s14+$0xFFFFFF50]  }
0x2a3: {  	v57 =	vld [tilespmem:s14+$0x60];
	v15 =	vsel vm12, v23, v18;
	v23 =	vsub.f32 v47, v1;
	vm7 =	vnez.u8 v10  }
0x2a4: {  	v42 =	vadd.f32 $1.000000000e+00, v37;
	vm5 =	vlt.f32 v37, $0.0e+00;
	[tilespmem:s12+$0xFFFFFF40] =	vst v44;
	v10 =	vld [tilespmem:$0x1FDB0];
	v6 =	vsel vm7, v11, v6  }
0x2a5: {  	v11 =	vsel vm9, v17, v12;
	v12 =	vsel vm10, v19, v14;
	v14 =	vld [tilespmem:s14+$0xFFFFFF70];
	[tilespmem:s12+$0xFFFFFF70] =	vst v29;
	v17 =	vsel vm14, v27, v22  }
0x2a6: {  	v19 =	vsel vm15, v30, v24;
	v22 =	vsel vm1, v38, v28;
	v24 =	vsel vm0, v39, v31;
	v18 =	vld [tilespmem:s14+$0xFFFFFF80];
	[tilespmem:s12+$0xFFFFFF80] =	vst v4  }
0x2a7: {  	v58 =	vld [tilespmem:s14+$0x70];
	v29 =	vsub.f32 v8, v2;
	v31 =	vsel vm6, v43, v36;
	v36 =	vsub.f32 v60, v3;
	[tilespmem:s12+$0x30] =	vst v19  }
0x2a8: {  	v28 =	vsel vm4, v40, v34;
	vm0 =	vlt.f32 v23, $0.0e+00;
	[tilespmem:s12+$0x60] =	vst v24;
	v24 =	vsub.f32 v54, v3;
	v56 =	vld [tilespmem:s14+$0x50]  }
0x2a9: {  	v52 =	vadd.f32 $1.000000000e+00, v29;
	[tilespmem:s12+$0x50] =	vst v22;
	v22 =	vimm.s32 $0x0;
	v59 =	vld [tilespmem:s14+$0x80];
	v43 =	vadd.f32 $1.000000000e+00, v36  }
0x2aa: {  	vm6 =	vlt.f32 v36, $0.0e+00;
	vm15 =	vlt.f32 v24, $0.0e+00;
	vm7 =	vnez.u8 v10;
	v10 =	vld [tilespmem:s14+$0xFFFFFF60];
	[tilespmem:s12+$0xFFFFFF60] =	vst v32  }
0x2ab: {  	v7 =	vsel vm7, v13, v7;
	v13 =	vsel vm11, v21, v16;
	v16 =	vsel vm13, v25, v20;
	v21 =	vld [tilespmem:s14+$0xFFFFFF90];
	[tilespmem:s12+$0xFFFFFF90] =	vst v5  }
0x2ac: {  	v20 =	vsel vm2, v35, v26;
	v25 =	vld [tilespmem:s14+$0xFFFFFFA0];
	[tilespmem:s12+$0xFFFFFFA0] =	vst v6;
	v5 =	vadd.f32 $1.000000000e+00, v23;
	v53 =	vsub.f32 v14, v3  }
0x2ad: {  	v26 =	vsel vm3, v41, v33;
	v33 =	vsub.f32 v58, v2;
	v27 =	vld [tilespmem:s14+$0xFFFFFFB0];
	[tilespmem:s12+$0xFFFFFFB0] =	vst v7;
	v4 =	vsub.f32 v18, v2  }
0x2ae: {  	v7 =	vimm.s32 $0x0;
	[tilespmem:s12+$0x70] =	vst v26;
	v26 =	vsub.f32 v55, v2;
	v6 =	vsel vm0, v5, v23  }
0x2af: {  	[tilespmem:s12+$0x80] =	vst v28;
	v62 =	vld [tilespmem:s14+$0xFFFFFF40];
	vm0 =	vlt.f32 v29, $0.0e+00;
	v5 =	vimm.s32 $0x0;
	v49 =	vadd.f32 $1.000000000e+00, v53  }
0x2b0: {  	v14 =	vld [tilespmem:s14+$0xFFFFFFC0];
	[tilespmem:s12+$0xFFFFFFC0] =	vst v9;
	v9 =	vimm.s32 $0x0;
	v28 =	vsub.f32 v56, v1;
	v34 =	vsub.f32 v59, v1  }
0x2b1: {  	v18 =	vld [tilespmem:s14+$0xFFFFFFD0];
	[tilespmem:s12+$0xFFFFFFD0] =	vst v11;
	v41 =	vadd.f32 $1.000000000e+00, v33;
	vm3 =	vlt.f32 v33, $0.0e+00;
	v5 =	vsel vm0, $0xFFFFFFFF, v5  }
0x2b2: {  	[tilespmem:s14+$0xB0] =	vst v6;
	v6 =	vimm.s32 $0x0;
	v8 =	vadd.f32 $1.000000000e+00, v4;
	v35 =	vadd.f32 $1.000000000e+00, v26  }
0x2b3: {  	vm2 =	vlt.f32 v26, $0.0e+00;
	v32 =	vsub.f32 v10, v1;
	[tilespmem:s12+$0x90] =	vst v31;
	v31 =	vsub.f32 v57, v3  }
0x2b4: {  	v23 =	vld [tilespmem:s14+$0xFFFFFFF0];
	[tilespmem:$0x1FD40] =	vst v5;
	v38 =	vadd.f32 $1.000000000e+00, v28;
	vm1 =	vlt.f32 v28, $0.0e+00;
	v40 =	vadd.f32 $1.000000000e+00, v34  }
0x2b5: {  	vm4 =	vlt.f32 v34, $0.0e+00;
	v5 =	vsub.f32 v21, v1;
	v21 =	vld [tilespmem:s14+$0xFFFFFFE0];
	[tilespmem:s12+$0xFFFFFFE0] =	vst v12;
	v12 =	vimm.s32 $0x0  }
0x2b6: {  	v44 =	vsub.f32 v62, v3;
	v48 =	vadd.f32 $1.000000000e+00, v32;
	vm0 =	vlt.f32 v32, $0.0e+00  }
0x2b7: {  	[tilespmem:s12+$0x40] =	vst v20;
	v50 =	vld [tilespmem:$0x1FD40];
	v39 =	vadd.f32 $1.000000000e+00, v31;
	v6 =	vsel vm0, $0xFFFFFFFF, v6;
	vm0 =	vlt.f32 v53, $0.0e+00  }
0x2b8: {  	v10 =	vadd.f32 $1.000000000e+00, v5;
	vm7 =	vlt.f32 v44, $0.0e+00;
	[tilespmem:$0x1FD50] =	vst v6;
	v7 =	vsel vm0, $0xFFFFFFFF, v7  }
0x2b9: {  	v46 =	vadd.f32 $1.000000000e+00, v44;
	v6 =	vsub.f32 v25, v3;
	v25 =	vld [tilespmem:s14+$0x0];
	vm0 =	vlt.f32 v4, $0.0e+00;
	[tilespmem:$0x1FD60] =	vst v7  }
0x2ba: {  	v7 =	vsub.f32 v27, v2;
	v9 =	vsel vm0, $0xFFFFFFFF, v9;
	v27 =	vld [tilespmem:s14+$0x10];
	[tilespmem:s12+$0x0] =	vst v15;
	vm0 =	vlt.f32 v5, $0.0e+00  }
0x2bb: {  	[tilespmem:$0x1FD80] =	vst v9;
	v11 =	vadd.f32 $1.000000000e+00, v6;
	v9 =	vsub.f32 v14, v1;
	v12 =	vsel vm0, $0xFFFFFFFF, v12  }
0x2bc: {  	v30 =	vld [tilespmem:s14+$0x20];
	[tilespmem:s12+$0x10] =	vst v16;
	vm0 =	vlt.f32 v6, $0.0e+00;
	v14 =	vimm.s32 $0x0;
	vm8 =	vnez.u8 v50  }
0x2bd: {  	v16 =	vimm.s32 $0x0;
	[tilespmem:$0x1FD90] =	vst v12;
	v14 =	vsel vm0, $0xFFFFFFFF, v14;
	v45 =	vsel vm8, v52, v29;
	v29 =	vld [tilespmem:$0x1FD50]  }
0x2be: {  	v12 =	vsub.f32 v18, v3;
	vm0 =	vlt.f32 v7, $0.0e+00;
	[tilespmem:$0x1FDA0] =	vst v14;
	v14 =	vsub.f32 v21, v2  }
0x2bf: {  	[tilespmem:s12+$0xFFFFFFF0] =	vst v13;
	v13 =	vadd.f32 $1.000000000e+00, v7;
	v15 =	vadd.f32 $1.000000000e+00, v9;
	v16 =	vsel vm0, $0xFFFFFFFF, v16  }
0x2c0: {  	[tilespmem:s12+$0x20] =	vst v17;
	vm9 =	vlt.f32 v9, $0.0e+00;
	v17 =	vadd.f32 $1.000000000e+00, v12;
	vm0 =	vlt.f32 v14, $0.0e+00  }
0x2c1: {  	[tilespmem:$0x1FDB0] =	vst v16;
	v16 =	vsub.f32 v23, v1;
	v18 =	vsub.f32 v25, v3;
	v22 =	vsel vm0, $0xFFFFFFFF, v22  }
0x2c2: {  	s13 =	sadd.s32 $0x8, s13;
	vm8 =	vmmov vm9;
	v19 =	vadd.f32 $1.000000000e+00, v14;
	[tilespmem:$0x1FD70] =	vst v22;
	vm9 =	vnez.u8 v29;
	v29 =	vld [tilespmem:$0x1FD60]  }
0x2c3: {  	p0 =	slt.u32 s13, $0x1F8;
	[tilespmem:s12+$0xA0] =	vst v63;
	vm10 =	vlt.f32 v12, $0.0e+00;
	v20 =	vsub.f32 v27, v2;
	v21 =	vadd.f32 $1.000000000e+00, v16;
	v63 =	vld [tilespmem:$0x1FD70]  }
.Ltmp4:
0x2c4: {  	v23 =	vadd.f32 $1.000000000e+00, v18;
	vm11 =	vlt.f32 v16, $0.0e+00;
	vm12 =	vlt.f32 v18, $0.0e+00;
	(pc) =	sbr.rel @p0 .LBB2_10-.Ltmp4, $4  }
0x2c5: {  	vm0 =	vlt.f32 v31, $0.0e+00;
	v22 =	vsub.f32 v30, v1;
	v25 =	vadd.f32 $1.000000000e+00, v20  }
0x2c6: {  	vm13 =	vlt.f32 v20, $0.0e+00;
	v30 =	vadd.f32 $1.000000000e+00, v24;
	v32 =	vsel vm9, v48, v32  }
0x2c7: {  	vm9 =	vmmov vm10;
	v27 =	vadd.f32 $1.000000000e+00, v22;
	vm10 =	vnez.u8 v29  }
0x2c8: {  	s12 =	smov.u32 s14;
	s14 =	sadd.s32 $0x180, s14;
	vm14 =	vlt.f32 v22, $0.0e+00;
	v29 =	vsel vm10, v49, v53;
	vm10 =	vnez.u8 v63  }
0x2c9: {  	[tilespmem:s12+$0xFFFFFF50] =	vst v45  }
0x2ca: {  	v44 =	vsel vm7, v46, v44;
	[tilespmem:s12+$0xFFFFFF60] =	vst v32  }
0x2cb: {  	[tilespmem:s12+$0xFFFFFF40] =	vst v44  }
0x2cc: {  	v32 =	vld [tilespmem:$0x1FD80];
	_ =	sdelay $0x4  }
0x2cd: {  	[tilespmem:s12+$0xFFFFFF70] =	vst v29;
	vm7 =	vnez.u8 v32  }
0x2ce: {  	v4 =	vsel vm7, v8, v4;
	v8 =	vld [tilespmem:$0x1FD90]  }
0x2cf: {  	[tilespmem:s12+$0xFFFFFF80] =	vst v4  }
0x2d0: {  	v4 =	vld [tilespmem:$0x1FDA0];
	_ =	sdelay $0x2  }
0x2d1: {  	vm7 =	vnez.u8 v8  }
0x2d2: {  	v5 =	vsel vm7, v10, v5  }
0x2d3: {  	vm7 =	vnez.u8 v4;
	[tilespmem:s12+$0xFFFFFF90] =	vst v5  }
0x2d4: {  	v4 =	vsel vm7, v11, v6;
	v5 =	vld [tilespmem:$0x1FDB0]  }
0x2d5: {  	[tilespmem:s12+$0xFFFFFFA0] =	vst v4;
	v4 =	vsel vm8, v15, v9  }
0x2d6: {  	[tilespmem:s12+$0xFFFFFFC0] =	vst v4;
	v4 =	vsel vm10, v19, v14  }
0x2d7: {  	[tilespmem:s12+$0xFFFFFFE0] =	vst v4;
	v4 =	vsel vm12, v23, v18  }
0x2d8: {  	[tilespmem:s12+$0x0] =	vst v4;
	v4 =	vsel vm14, v27, v22  }
0x2d9: {  	vm7 =	vnez.u8 v5;
	[tilespmem:s12+$0x20] =	vst v4;
	v4 =	vsel vm2, v35, v26  }
0x2da: {  	v5 =	vsel vm7, v13, v7;
	[tilespmem:s12+$0x40] =	vst v4  }
0x2db: {  	v4 =	vsel vm0, v39, v31;
	[tilespmem:s12+$0xFFFFFFB0] =	vst v5  }
0x2dc: {  	v5 =	vsel vm9, v17, v12;
	[tilespmem:s12+$0x60] =	vst v4  }
0x2dd: {  	v4 =	vsel vm4, v40, v34;
	[tilespmem:s12+$0xFFFFFFD0] =	vst v5  }
0x2de: {  	v5 =	vsel vm11, v21, v16;
	[tilespmem:s12+$0x80] =	vst v4  }
0x2df: {  	v4 =	vsel vm5, v42, v37;
	[tilespmem:s12+$0xFFFFFFF0] =	vst v5  }
0x2e0: {  	v5 =	vsel vm13, v25, v20;
	[tilespmem:s12+$0xA0] =	vst v4  }
0x2e1: {  	[tilespmem:s12+$0x10] =	vst v5;
	v5 =	vsel vm15, v30, v24  }
0x2e2: {  	[tilespmem:s12+$0x30] =	vst v5;
	v5 =	vsel vm1, v38, v28  }
0x2e3: {  	[tilespmem:s12+$0x50] =	vst v5;
	v5 =	vsel vm3, v41, v33  }
0x2e4: {  	[tilespmem:s12+$0x70] =	vst v5;
	v5 =	vsel vm6, v43, v36  }
0x2e5: {  	[tilespmem:s12+$0x90] =	vst v5  }
0x2e6: {  	s12 =	rddreg [dreg:$0xa]  }
0x2e7: {  	[hbm4b:s12+s2] =	stream.linear.scatter [tilespmem:s9], [sflag:$0x1], $0x6000, $0x38;
	[tilespmem:$0xC100] =	vst v63  }
0x2e8: {  	_ =	swait.ge [sflag:s8], $0x6000  }
0x2e9: {  	[sflag:s8] =	ssyncset.done $0x0  }
0x2ea: {  	s26 =	rddreg [dreg:$0xb];
	[sflag:s8] =	ssyncadd.s32 $0xFFFFA000  }
0x2eb: {  	[tilespmem:s10], [sflag:$0x1] =	stream.linear.gather [hbm4b:s26+s2], $0x6000, $0x38;
	[tilespmem:$0xC100] =	vst v63  }
0x2ec: {  	_ =	swait.ge [sflag:s8], $0x6000  }
0x2ed: {  	[sflag:s8] =	ssyncset.done $0x0  }
0x2ee: {  	s12 =	simm.s32 $0x61C0;
	[sflag:s8] =	ssyncadd.s32 $0xFFFFA000  }
0x2ef: {  	v4 =	vld [tilespmem:s12+$0xB0]  }
0x2f0: {  	v5 =	vld [tilespmem:s12+$0xFFFFFF50]  }
0x2f1: {  	v6 =	vld [tilespmem:s12+$0xFFFFFF60]  }
0x2f2: {  	v7 =	vld [tilespmem:s12+$0xFFFFFF70]  }
0x2f3: {  	v8 =	vld [tilespmem:s12+$0xFFFFFF80]  }
0x2f4: {  	v9 =	vld [tilespmem:s12+$0xFFFFFF90]  }
0x2f5: {  	v11 =	vld [tilespmem:s12+$0xFFFFFFA0]  }
0x2f6: {  	v12 =	vld [tilespmem:s12+$0xFFFFFFB0];
	v10 =	vsub.f32 v4, v1  }
0x2f7: {  	v29 =	vsub.f32 v5, v2  }
0x2f8: {  	v54 =	vsub.f32 v6, v1;
	v5 =	vadd.f32 $1.000000000e+00, v10  }
0x2f9: {  	v14 =	vld [tilespmem:s12+$0xFFFFFFD0];
	v56 =	vsub.f32 v7, v3;
	v4 =	vsub.f32 v8, v2;
	vm0 =	vlt.f32 v10, $0.0e+00  }
0x2fa: {  	v13 =	vld [tilespmem:s12+$0xFFFFFFC0];
	v6 =	vsub.f32 v11, v3;
	v24 =	vsel vm0, v5, v10;
	v5 =	vsub.f32 v9, v1  }
0x2fb: {  	v16 =	vld [tilespmem:s12+$0xFFFFFFE0];
	v7 =	vsub.f32 v12, v2;
	vm2 =	vlt.f32 v4, $0.0e+00;
	v9 =	vimm.s32 $0x0  }
0x2fc: {  	v18 =	vld [tilespmem:s12+$0xFFFFFFF0];
	v12 =	vimm.s32 $0x0;
	v9 =	vsel vm2, $0xFFFFFFFF, v9;
	vm2 =	vlt.f32 v5, $0.0e+00  }
0x2fd: {  	v20 =	vld [tilespmem:s12+$0x0];
	[tilespmem:$0x1FD00] =	vst v9;
	v12 =	vsel vm2, $0xFFFFFFFF, v12  }
0x2fe: {  	v22 =	vld [tilespmem:s12+$0x10];
	vm2 =	vlt.f32 v6, $0.0e+00;
	[tilespmem:$0x1FD10] =	vst v12;
	v12 =	vsub.f32 v14, v3;
	v14 =	vimm.s32 $0x0  }
0x2ff: {  	v14 =	vsel vm2, $0xFFFFFFFF, v14  }
0x300: {  	v25 =	vld [tilespmem:s12+$0x20];
	vm2 =	vlt.f32 v7, $0.0e+00;
	[tilespmem:$0x1FD20] =	vst v14;
	v14 =	vsub.f32 v16, v2;
	v16 =	vimm.s32 $0x0  }
0x301: {  	v55 =	vadd.f32 $1.000000000e+00, v29;
	v57 =	vadd.f32 $1.000000000e+00, v54;
	v16 =	vsel vm2, $0xFFFFFFFF, v16  }
0x302: {  	vm1 =	vlt.f32 v29, $0.0e+00;
	v58 =	vadd.f32 $1.000000000e+00, v56;
	v8 =	vadd.f32 $1.000000000e+00, v4;
	v26 =	vld [tilespmem:s12+$0x30];
	[tilespmem:$0x1FD30] =	vst v16  }
0x303: {  	vm3 =	vlt.f32 v56, $0.0e+00;
	v11 =	vadd.f32 $1.000000000e+00, v6;
	v9 =	vsub.f32 v13, v1;
	v28 =	vld [tilespmem:s12+$0x40]  }
0x304: {  	vm0 =	vlt.f32 v54, $0.0e+00;
	v10 =	vadd.f32 $1.000000000e+00, v5;
	v13 =	vadd.f32 $1.000000000e+00, v7;
	v31 =	vld [tilespmem:s12+$0x50]  }
0x305: {  	v45 =	vsel vm1, v55, v29;
	v15 =	vadd.f32 $1.000000000e+00, v9;
	v17 =	vadd.f32 $1.000000000e+00, v12;
	v59 =	vld [tilespmem:s12+$0x60]  }
0x306: {  	v29 =	vsel vm3, v58, v56;
	v16 =	vsub.f32 v18, v1;
	v19 =	vadd.f32 $1.000000000e+00, v14;
	v60 =	vld [tilespmem:s12+$0x70]  }
0x307: {  	v32 =	vsel vm0, v57, v54;
	v18 =	vsub.f32 v20, v3;
	v20 =	vsub.f32 v22, v2;
	v61 =	vld [tilespmem:s12+$0x80]  }
0x308: {  	vm8 =	vlt.f32 v9, $0.0e+00;
	v62 =	vld [tilespmem:s12+$0x90];
	v21 =	vadd.f32 $1.000000000e+00, v16;
	v22 =	vsub.f32 v25, v1  }
0x309: {  	vm9 =	vlt.f32 v12, $0.0e+00;
	[tilespmem:s12+$0xB0] =	vst v24;
	v63 =	vld [tilespmem:s12+$0xA0];
	v23 =	vadd.f32 $1.000000000e+00, v18;
	v24 =	vsub.f32 v26, v3  }
0x30a: {  	vm10 =	vlt.f32 v14, $0.0e+00;
	v47 =	vld [tilespmem:s12+$0xFFFFFF40];
	v25 =	vadd.f32 $1.000000000e+00, v20;
	v27 =	vadd.f32 $1.000000000e+00, v22  }
0x30b: {  	vm11 =	vlt.f32 v16, $0.0e+00;
	v26 =	vsub.f32 v28, v2;
	v30 =	vadd.f32 $1.000000000e+00, v24  }
0x30c: {  	vm12 =	vlt.f32 v18, $0.0e+00;
	v28 =	vsub.f32 v31, v1;
	v31 =	vsub.f32 v59, v3  }
0x30d: {  	vm13 =	vlt.f32 v20, $0.0e+00;
	v33 =	vsub.f32 v60, v2;
	v34 =	vsub.f32 v61, v1  }
0x30e: {  	vm14 =	vlt.f32 v22, $0.0e+00;
	v36 =	vsub.f32 v62, v3;
	v37 =	vsub.f32 v63, v2  }
0x30f: {  	vm15 =	vlt.f32 v24, $0.0e+00;
	v44 =	vsub.f32 v47, v3;
	v35 =	vadd.f32 $1.000000000e+00, v26  }
0x310: {  	v38 =	vadd.f32 $1.000000000e+00, v28;
	vm2 =	vlt.f32 v26, $0.0e+00;
	v39 =	vadd.f32 $1.000000000e+00, v31  }
0x311: {  	vm1 =	vlt.f32 v28, $0.0e+00;
	v41 =	vadd.f32 $1.000000000e+00, v33;
	v40 =	vadd.f32 $1.000000000e+00, v34  }
0x312: {  	vm0 =	vlt.f32 v31, $0.0e+00;
	vm3 =	vlt.f32 v33, $0.0e+00;
	v43 =	vadd.f32 $1.000000000e+00, v36  }
0x313: {  	v42 =	vadd.f32 $1.000000000e+00, v37;
	v46 =	vadd.f32 $1.000000000e+00, v44;
	vm4 =	vlt.f32 v34, $0.0e+00  }
0x314: {  	s13 =	simm.s32 $0x0;
	s14 =	simm.s32 $0x6340;
	vm6 =	vlt.f32 v36, $0.0e+00;
	vm7 =	vlt.f32 v44, $0.0e+00;
	vm5 =	vlt.f32 v37, $0.0e+00  }
.LBB2_12:
0x315: {  	v62 =	vld [tilespmem:$0x1FD00];
	_ =	sdelay $0x4  }
0x316: {  	v44 =	vsel vm7, v46, v44;
	vm7 =	vnez.u8 v62  }
0x317: {  	v4 =	vsel vm7, v8, v4;
	v8 =	vld [tilespmem:$0x1FD10];
	_ =	sdelay $0x3  }
0x318: {  	v47 =	vld [tilespmem:s14+$0xB0]  }
0x319: {  	v61 =	vld [tilespmem:s14+$0xA0];
	vm7 =	vnez.u8 v8  }
0x31a: {  	v5 =	vsel vm7, v10, v5;
	v10 =	vld [tilespmem:$0x1FD20]  }
0x31b: {  	v54 =	vld [tilespmem:s14+$0x30]  }
0x31c: {  	v55 =	vld [tilespmem:s14+$0x40]  }
0x31d: {  	[tilespmem:s12+$0xFFFFFF50] =	vst v45;
	v60 =	vld [tilespmem:s14+$0x90]  }
0x31e: {  	v9 =	vsel vm8, v15, v9;
	v63 =	vsel vm5, v42, v37;
	v37 =	vsub.f32 v61, v2;
	v8 =	vld [tilespmem:s14+$0xFFFFFF50]  }
0x31f: {  	v57 =	vld [tilespmem:s14+$0x60];
	v15 =	vsel vm12, v23, v18;
	v23 =	vsub.f32 v47, v1;
	vm7 =	vnez.u8 v10  }
0x320: {  	v42 =	vadd.f32 $1.000000000e+00, v37;
	vm5 =	vlt.f32 v37, $0.0e+00;
	[tilespmem:s12+$0xFFFFFF40] =	vst v44;
	v10 =	vld [tilespmem:$0x1FD30];
	v6 =	vsel vm7, v11, v6  }
0x321: {  	v11 =	vsel vm9, v17, v12;
	v12 =	vsel vm10, v19, v14;
	v14 =	vld [tilespmem:s14+$0xFFFFFF70];
	[tilespmem:s12+$0xFFFFFF70] =	vst v29;
	v17 =	vsel vm14, v27, v22  }
0x322: {  	v19 =	vsel vm15, v30, v24;
	v22 =	vsel vm1, v38, v28;
	v24 =	vsel vm0, v39, v31;
	v18 =	vld [tilespmem:s14+$0xFFFFFF80];
	[tilespmem:s12+$0xFFFFFF80] =	vst v4  }
0x323: {  	v58 =	vld [tilespmem:s14+$0x70];
	v29 =	vsub.f32 v8, v2;
	v31 =	vsel vm6, v43, v36;
	v36 =	vsub.f32 v60, v3;
	[tilespmem:s12+$0x30] =	vst v19  }
0x324: {  	v28 =	vsel vm4, v40, v34;
	vm0 =	vlt.f32 v23, $0.0e+00;
	[tilespmem:s12+$0x60] =	vst v24;
	v24 =	vsub.f32 v54, v3;
	v56 =	vld [tilespmem:s14+$0x50]  }
0x325: {  	v52 =	vadd.f32 $1.000000000e+00, v29;
	[tilespmem:s12+$0x50] =	vst v22;
	v22 =	vimm.s32 $0x0;
	v59 =	vld [tilespmem:s14+$0x80];
	v43 =	vadd.f32 $1.000000000e+00, v36  }
0x326: {  	vm6 =	vlt.f32 v36, $0.0e+00;
	vm15 =	vlt.f32 v24, $0.0e+00;
	vm7 =	vnez.u8 v10;
	v10 =	vld [tilespmem:s14+$0xFFFFFF60];
	[tilespmem:s12+$0xFFFFFF60] =	vst v32  }
0x327: {  	v7 =	vsel vm7, v13, v7;
	v13 =	vsel vm11, v21, v16;
	v16 =	vsel vm13, v25, v20;
	v21 =	vld [tilespmem:s14+$0xFFFFFF90];
	[tilespmem:s12+$0xFFFFFF90] =	vst v5  }
0x328: {  	v20 =	vsel vm2, v35, v26;
	v25 =	vld [tilespmem:s14+$0xFFFFFFA0];
	[tilespmem:s12+$0xFFFFFFA0] =	vst v6;
	v5 =	vadd.f32 $1.000000000e+00, v23;
	v53 =	vsub.f32 v14, v3  }
0x329: {  	v26 =	vsel vm3, v41, v33;
	v33 =	vsub.f32 v58, v2;
	v27 =	vld [tilespmem:s14+$0xFFFFFFB0];
	[tilespmem:s12+$0xFFFFFFB0] =	vst v7;
	v4 =	vsub.f32 v18, v2  }
0x32a: {  	v7 =	vimm.s32 $0x0;
	[tilespmem:s12+$0x70] =	vst v26;
	v26 =	vsub.f32 v55, v2;
	v6 =	vsel vm0, v5, v23  }
0x32b: {  	[tilespmem:s12+$0x80] =	vst v28;
	v62 =	vld [tilespmem:s14+$0xFFFFFF40];
	vm0 =	vlt.f32 v29, $0.0e+00;
	v5 =	vimm.s32 $0x0;
	v49 =	vadd.f32 $1.000000000e+00, v53  }
0x32c: {  	v14 =	vld [tilespmem:s14+$0xFFFFFFC0];
	[tilespmem:s12+$0xFFFFFFC0] =	vst v9;
	v9 =	vimm.s32 $0x0;
	v28 =	vsub.f32 v56, v1;
	v34 =	vsub.f32 v59, v1  }
0x32d: {  	v18 =	vld [tilespmem:s14+$0xFFFFFFD0];
	[tilespmem:s12+$0xFFFFFFD0] =	vst v11;
	v41 =	vadd.f32 $1.000000000e+00, v33;
	vm3 =	vlt.f32 v33, $0.0e+00;
	v5 =	vsel vm0, $0xFFFFFFFF, v5  }
0x32e: {  	[tilespmem:s14+$0xB0] =	vst v6;
	v6 =	vimm.s32 $0x0;
	v8 =	vadd.f32 $1.000000000e+00, v4;
	v35 =	vadd.f32 $1.000000000e+00, v26  }
0x32f: {  	vm2 =	vlt.f32 v26, $0.0e+00;
	v32 =	vsub.f32 v10, v1;
	[tilespmem:s12+$0x90] =	vst v31;
	v31 =	vsub.f32 v57, v3  }
0x330: {  	v23 =	vld [tilespmem:s14+$0xFFFFFFF0];
	[tilespmem:$0x1FCC0] =	vst v5;
	v38 =	vadd.f32 $1.000000000e+00, v28;
	vm1 =	vlt.f32 v28, $0.0e+00;
	v40 =	vadd.f32 $1.000000000e+00, v34  }
0x331: {  	vm4 =	vlt.f32 v34, $0.0e+00;
	v5 =	vsub.f32 v21, v1;
	v21 =	vld [tilespmem:s14+$0xFFFFFFE0];
	[tilespmem:s12+$0xFFFFFFE0] =	vst v12;
	v12 =	vimm.s32 $0x0  }
0x332: {  	v44 =	vsub.f32 v62, v3;
	v48 =	vadd.f32 $1.000000000e+00, v32;
	vm0 =	vlt.f32 v32, $0.0e+00  }
0x333: {  	[tilespmem:s12+$0x40] =	vst v20;
	v50 =	vld [tilespmem:$0x1FCC0];
	v39 =	vadd.f32 $1.000000000e+00, v31;
	v6 =	vsel vm0, $0xFFFFFFFF, v6;
	vm0 =	vlt.f32 v53, $0.0e+00  }
0x334: {  	v10 =	vadd.f32 $1.000000000e+00, v5;
	vm7 =	vlt.f32 v44, $0.0e+00;
	[tilespmem:$0x1FCD0] =	vst v6;
	v7 =	vsel vm0, $0xFFFFFFFF, v7  }
0x335: {  	v46 =	vadd.f32 $1.000000000e+00, v44;
	v6 =	vsub.f32 v25, v3;
	v25 =	vld [tilespmem:s14+$0x0];
	vm0 =	vlt.f32 v4, $0.0e+00;
	[tilespmem:$0x1FCE0] =	vst v7  }
0x336: {  	v7 =	vsub.f32 v27, v2;
	v9 =	vsel vm0, $0xFFFFFFFF, v9;
	v27 =	vld [tilespmem:s14+$0x10];
	[tilespmem:s12+$0x0] =	vst v15;
	vm0 =	vlt.f32 v5, $0.0e+00  }
0x337: {  	[tilespmem:$0x1FD00] =	vst v9;
	v11 =	vadd.f32 $1.000000000e+00, v6;
	v9 =	vsub.f32 v14, v1;
	v12 =	vsel vm0, $0xFFFFFFFF, v12  }
0x338: {  	v30 =	vld [tilespmem:s14+$0x20];
	[tilespmem:s12+$0x10] =	vst v16;
	vm0 =	vlt.f32 v6, $0.0e+00;
	v14 =	vimm.s32 $0x0;
	vm8 =	vnez.u8 v50  }
0x339: {  	v16 =	vimm.s32 $0x0;
	[tilespmem:$0x1FD10] =	vst v12;
	v14 =	vsel vm0, $0xFFFFFFFF, v14;
	v45 =	vsel vm8, v52, v29;
	v29 =	vld [tilespmem:$0x1FCD0]  }
0x33a: {  	v12 =	vsub.f32 v18, v3;
	vm0 =	vlt.f32 v7, $0.0e+00;
	[tilespmem:$0x1FD20] =	vst v14;
	v14 =	vsub.f32 v21, v2  }
0x33b: {  	[tilespmem:s12+$0xFFFFFFF0] =	vst v13;
	v13 =	vadd.f32 $1.000000000e+00, v7;
	v15 =	vadd.f32 $1.000000000e+00, v9;
	v16 =	vsel vm0, $0xFFFFFFFF, v16  }
0x33c: {  	[tilespmem:s12+$0x20] =	vst v17;
	vm9 =	vlt.f32 v9, $0.0e+00;
	v17 =	vadd.f32 $1.000000000e+00, v12;
	vm0 =	vlt.f32 v14, $0.0e+00  }
0x33d: {  	[tilespmem:$0x1FD30] =	vst v16;
	v16 =	vsub.f32 v23, v1;
	v18 =	vsub.f32 v25, v3;
	v22 =	vsel vm0, $0xFFFFFFFF, v22  }
0x33e: {  	s13 =	sadd.s32 $0x8, s13;
	vm8 =	vmmov vm9;
	v19 =	vadd.f32 $1.000000000e+00, v14;
	[tilespmem:$0x1FCF0] =	vst v22;
	vm9 =	vnez.u8 v29;
	v29 =	vld [tilespmem:$0x1FCE0]  }
0x33f: {  	p0 =	slt.u32 s13, $0x1F8;
	[tilespmem:s12+$0xA0] =	vst v63;
	vm10 =	vlt.f32 v12, $0.0e+00;
	v20 =	vsub.f32 v27, v2;
	v21 =	vadd.f32 $1.000000000e+00, v16;
	v63 =	vld [tilespmem:$0x1FCF0]  }
.Ltmp5:
0x340: {  	v23 =	vadd.f32 $1.000000000e+00, v18;
	vm11 =	vlt.f32 v16, $0.0e+00;
	vm12 =	vlt.f32 v18, $0.0e+00;
	(pc) =	sbr.rel @p0 .LBB2_12-.Ltmp5, $4  }
0x341: {  	vm0 =	vlt.f32 v31, $0.0e+00;
	v22 =	vsub.f32 v30, v1;
	v25 =	vadd.f32 $1.000000000e+00, v20  }
0x342: {  	vm13 =	vlt.f32 v20, $0.0e+00;
	v30 =	vadd.f32 $1.000000000e+00, v24;
	v32 =	vsel vm9, v48, v32  }
0x343: {  	vm9 =	vmmov vm10;
	v27 =	vadd.f32 $1.000000000e+00, v22;
	vm10 =	vnez.u8 v29  }
0x344: {  	s12 =	smov.u32 s14;
	s14 =	sadd.s32 $0x180, s14;
	vm14 =	vlt.f32 v22, $0.0e+00;
	v29 =	vsel vm10, v49, v53;
	vm10 =	vnez.u8 v63  }
0x345: {  	[tilespmem:s12+$0xFFFFFF50] =	vst v45  }
0x346: {  	v44 =	vsel vm7, v46, v44;
	[tilespmem:s12+$0xFFFFFF60] =	vst v32  }
0x347: {  	[tilespmem:s12+$0xFFFFFF40] =	vst v44  }
0x348: {  	v32 =	vld [tilespmem:$0x1FD00];
	_ =	sdelay $0x4  }
0x349: {  	[tilespmem:s12+$0xFFFFFF70] =	vst v29;
	vm7 =	vnez.u8 v32  }
0x34a: {  	v4 =	vsel vm7, v8, v4;
	v8 =	vld [tilespmem:$0x1FD10]  }
0x34b: {  	[tilespmem:s12+$0xFFFFFF80] =	vst v4  }
0x34c: {  	v4 =	vld [tilespmem:$0x1FD20];
	_ =	sdelay $0x2  }
0x34d: {  	vm7 =	vnez.u8 v8  }
0x34e: {  	v5 =	vsel vm7, v10, v5  }
0x34f: {  	vm7 =	vnez.u8 v4;
	[tilespmem:s12+$0xFFFFFF90] =	vst v5  }
0x350: {  	v4 =	vsel vm7, v11, v6;
	v5 =	vld [tilespmem:$0x1FD30]  }
0x351: {  	[tilespmem:s12+$0xFFFFFFA0] =	vst v4;
	v4 =	vsel vm8, v15, v9  }
0x352: {  	[tilespmem:s12+$0xFFFFFFC0] =	vst v4;
	v4 =	vsel vm10, v19, v14  }
0x353: {  	[tilespmem:s12+$0xFFFFFFE0] =	vst v4;
	v4 =	vsel vm12, v23, v18  }
0x354: {  	[tilespmem:s12+$0x0] =	vst v4;
	v4 =	vsel vm14, v27, v22  }
0x355: {  	vm7 =	vnez.u8 v5;
	[tilespmem:s12+$0x20] =	vst v4;
	v4 =	vsel vm2, v35, v26  }
0x356: {  	v5 =	vsel vm7, v13, v7;
	[tilespmem:s12+$0x40] =	vst v4  }
0x357: {  	v4 =	vsel vm0, v39, v31;
	[tilespmem:s12+$0xFFFFFFB0] =	vst v5  }
0x358: {  	v5 =	vsel vm9, v17, v12;
	[tilespmem:s12+$0x60] =	vst v4  }
0x359: {  	v4 =	vsel vm4, v40, v34;
	[tilespmem:s12+$0xFFFFFFD0] =	vst v5  }
0x35a: {  	v5 =	vsel vm11, v21, v16;
	[tilespmem:s12+$0x80] =	vst v4  }
0x35b: {  	v4 =	vsel vm5, v42, v37;
	[tilespmem:s12+$0xFFFFFFF0] =	vst v5  }
0x35c: {  	v5 =	vsel vm13, v25, v20;
	[tilespmem:s12+$0xA0] =	vst v4  }
0x35d: {  	[tilespmem:s12+$0x10] =	vst v5;
	v5 =	vsel vm15, v30, v24  }
0x35e: {  	[tilespmem:s12+$0x30] =	vst v5;
	v5 =	vsel vm1, v38, v28  }
0x35f: {  	[tilespmem:s12+$0x50] =	vst v5;
	v5 =	vsel vm3, v41, v33  }
0x360: {  	[tilespmem:s12+$0x70] =	vst v5;
	v5 =	vsel vm6, v43, v36  }
0x361: {  	[tilespmem:s12+$0x90] =	vst v5  }
0x362: {  	s12 =	rddreg [dreg:$0xc]  }
0x363: {  	[hbm4b:s12+s2] =	stream.linear.scatter [tilespmem:s10], [sflag:$0x1], $0x6000, $0x38;
	[tilespmem:$0xC100] =	vst v63  }
0x364: {  	_ =	swait.ge [sflag:s8], $0x6000  }
0x365: {  	[sflag:s8] =	ssyncset.done $0x0  }
0x366: {  	s26 =	rddreg [dreg:$0xd];
	[sflag:s8] =	ssyncadd.s32 $0xFFFFA000  }
0x367: {  	[tilespmem:s9], [sflag:$0x1] =	stream.linear.gather [hbm4b:s26+s2], $0x6000, $0x38;
	[tilespmem:$0xC100] =	vst v63  }
0x368: {  	_ =	swait.ge [sflag:s8], $0x6000  }
0x369: {  	[sflag:s8] =	ssyncset.done $0x0  }
0x36a: {  	s12 =	simm.s32 $0x1C0;
	[sflag:s8] =	ssyncadd.s32 $0xFFFFA000  }
0x36b: {  	v4 =	vld [tilespmem:s12+$0xB0]  }
0x36c: {  	v5 =	vld [tilespmem:s12+$0xFFFFFF50]  }
0x36d: {  	v6 =	vld [tilespmem:s12+$0xFFFFFF60]  }
0x36e: {  	v7 =	vld [tilespmem:s12+$0xFFFFFF70]  }
0x36f: {  	v8 =	vld [tilespmem:s12+$0xFFFFFF80]  }
0x370: {  	v9 =	vld [tilespmem:s12+$0xFFFFFF90]  }
0x371: {  	v11 =	vld [tilespmem:s12+$0xFFFFFFA0]  }
0x372: {  	v12 =	vld [tilespmem:s12+$0xFFFFFFB0];
	v10 =	vsub.f32 v4, v1  }
0x373: {  	v29 =	vsub.f32 v5, v2  }
0x374: {  	v54 =	vsub.f32 v6, v1;
	v5 =	vadd.f32 $1.000000000e+00, v10  }
0x375: {  	v14 =	vld [tilespmem:s12+$0xFFFFFFD0];
	v56 =	vsub.f32 v7, v3;
	v4 =	vsub.f32 v8, v2;
	vm0 =	vlt.f32 v10, $0.0e+00  }
0x376: {  	v13 =	vld [tilespmem:s12+$0xFFFFFFC0];
	v6 =	vsub.f32 v11, v3;
	v24 =	vsel vm0, v5, v10;
	v5 =	vsub.f32 v9, v1  }
0x377: {  	v16 =	vld [tilespmem:s12+$0xFFFFFFE0];
	v7 =	vsub.f32 v12, v2;
	vm2 =	vlt.f32 v4, $0.0e+00;
	v9 =	vimm.s32 $0x0  }
0x378: {  	v18 =	vld [tilespmem:s12+$0xFFFFFFF0];
	v12 =	vimm.s32 $0x0;
	v9 =	vsel vm2, $0xFFFFFFFF, v9;
	vm2 =	vlt.f32 v5, $0.0e+00  }
0x379: {  	v20 =	vld [tilespmem:s12+$0x0];
	[tilespmem:$0x1FC80] =	vst v9;
	v12 =	vsel vm2, $0xFFFFFFFF, v12  }
0x37a: {  	v22 =	vld [tilespmem:s12+$0x10];
	vm2 =	vlt.f32 v6, $0.0e+00;
	[tilespmem:$0x1FC90] =	vst v12;
	v12 =	vsub.f32 v14, v3;
	v14 =	vimm.s32 $0x0  }
0x37b: {  	v14 =	vsel vm2, $0xFFFFFFFF, v14  }
0x37c: {  	v25 =	vld [tilespmem:s12+$0x20];
	vm2 =	vlt.f32 v7, $0.0e+00;
	[tilespmem:$0x1FCA0] =	vst v14;
	v14 =	vsub.f32 v16, v2;
	v16 =	vimm.s32 $0x0  }
0x37d: {  	v55 =	vadd.f32 $1.000000000e+00, v29;
	v57 =	vadd.f32 $1.000000000e+00, v54;
	v16 =	vsel vm2, $0xFFFFFFFF, v16  }
0x37e: {  	vm1 =	vlt.f32 v29, $0.0e+00;
	v58 =	vadd.f32 $1.000000000e+00, v56;
	v8 =	vadd.f32 $1.000000000e+00, v4;
	v26 =	vld [tilespmem:s12+$0x30];
	[tilespmem:$0x1FCB0] =	vst v16  }
0x37f: {  	vm3 =	vlt.f32 v56, $0.0e+00;
	v11 =	vadd.f32 $1.000000000e+00, v6;
	v9 =	vsub.f32 v13, v1;
	v28 =	vld [tilespmem:s12+$0x40]  }
0x380: {  	vm0 =	vlt.f32 v54, $0.0e+00;
	v10 =	vadd.f32 $1.000000000e+00, v5;
	v13 =	vadd.f32 $1.000000000e+00, v7;
	v31 =	vld [tilespmem:s12+$0x50]  }
0x381: {  	v45 =	vsel vm1, v55, v29;
	v15 =	vadd.f32 $1.000000000e+00, v9;
	v17 =	vadd.f32 $1.000000000e+00, v12;
	v59 =	vld [tilespmem:s12+$0x60]  }
0x382: {  	v29 =	vsel vm3, v58, v56;
	v16 =	vsub.f32 v18, v1;
	v19 =	vadd.f32 $1.000000000e+00, v14;
	v60 =	vld [tilespmem:s12+$0x70]  }
0x383: {  	v32 =	vsel vm0, v57, v54;
	v18 =	vsub.f32 v20, v3;
	v20 =	vsub.f32 v22, v2;
	v61 =	vld [tilespmem:s12+$0x80]  }
0x384: {  	vm8 =	vlt.f32 v9, $0.0e+00;
	v62 =	vld [tilespmem:s12+$0x90];
	v21 =	vadd.f32 $1.000000000e+00, v16;
	v22 =	vsub.f32 v25, v1  }
0x385: {  	vm9 =	vlt.f32 v12, $0.0e+00;
	[tilespmem:s12+$0xB0] =	vst v24;
	v63 =	vld [tilespmem:s12+$0xA0];
	v23 =	vadd.f32 $1.000000000e+00, v18;
	v24 =	vsub.f32 v26, v3  }
0x386: {  	vm10 =	vlt.f32 v14, $0.0e+00;
	v47 =	vld [tilespmem:s12+$0xFFFFFF40];
	v25 =	vadd.f32 $1.000000000e+00, v20;
	v27 =	vadd.f32 $1.000000000e+00, v22  }
0x387: {  	vm11 =	vlt.f32 v16, $0.0e+00;
	v26 =	vsub.f32 v28, v2;
	v30 =	vadd.f32 $1.000000000e+00, v24  }
0x388: {  	vm12 =	vlt.f32 v18, $0.0e+00;
	v28 =	vsub.f32 v31, v1;
	v31 =	vsub.f32 v59, v3  }
0x389: {  	vm13 =	vlt.f32 v20, $0.0e+00;
	v33 =	vsub.f32 v60, v2;
	v34 =	vsub.f32 v61, v1  }
0x38a: {  	vm14 =	vlt.f32 v22, $0.0e+00;
	v36 =	vsub.f32 v62, v3;
	v37 =	vsub.f32 v63, v2  }
0x38b: {  	vm15 =	vlt.f32 v24, $0.0e+00;
	v44 =	vsub.f32 v47, v3;
	v35 =	vadd.f32 $1.000000000e+00, v26  }
0x38c: {  	v38 =	vadd.f32 $1.000000000e+00, v28;
	vm2 =	vlt.f32 v26, $0.0e+00;
	v39 =	vadd.f32 $1.000000000e+00, v31  }
0x38d: {  	vm1 =	vlt.f32 v28, $0.0e+00;
	v41 =	vadd.f32 $1.000000000e+00, v33;
	v40 =	vadd.f32 $1.000000000e+00, v34  }
0x38e: {  	vm0 =	vlt.f32 v31, $0.0e+00;
	vm3 =	vlt.f32 v33, $0.0e+00;
	v43 =	vadd.f32 $1.000000000e+00, v36  }
0x38f: {  	v42 =	vadd.f32 $1.000000000e+00, v37;
	v46 =	vadd.f32 $1.000000000e+00, v44;
	vm4 =	vlt.f32 v34, $0.0e+00  }
0x390: {  	s13 =	simm.s32 $0x0;
	s14 =	simm.s32 $0x340;
	vm6 =	vlt.f32 v36, $0.0e+00;
	vm7 =	vlt.f32 v44, $0.0e+00;
	vm5 =	vlt.f32 v37, $0.0e+00  }
.LBB2_14:
0x391: {  	v62 =	vld [tilespmem:$0x1FC80];
	_ =	sdelay $0x4  }
0x392: {  	v44 =	vsel vm7, v46, v44;
	vm7 =	vnez.u8 v62  }
0x393: {  	v4 =	vsel vm7, v8, v4;
	v8 =	vld [tilespmem:$0x1FC90];
	_ =	sdelay $0x3  }
0x394: {  	v47 =	vld [tilespmem:s14+$0xB0]  }
0x395: {  	v61 =	vld [tilespmem:s14+$0xA0];
	vm7 =	vnez.u8 v8  }
0x396: {  	v5 =	vsel vm7, v10, v5;
	v10 =	vld [tilespmem:$0x1FCA0]  }
0x397: {  	v54 =	vld [tilespmem:s14+$0x30]  }
0x398: {  	v55 =	vld [tilespmem:s14+$0x40]  }
0x399: {  	[tilespmem:s12+$0xFFFFFF50] =	vst v45;
	v60 =	vld [tilespmem:s14+$0x90]  }
0x39a: {  	v9 =	vsel vm8, v15, v9;
	v63 =	vsel vm5, v42, v37;
	v37 =	vsub.f32 v61, v2;
	v8 =	vld [tilespmem:s14+$0xFFFFFF50]  }
0x39b: {  	v57 =	vld [tilespmem:s14+$0x60];
	v15 =	vsel vm12, v23, v18;
	v23 =	vsub.f32 v47, v1;
	vm7 =	vnez.u8 v10  }
0x39c: {  	v42 =	vadd.f32 $1.000000000e+00, v37;
	vm5 =	vlt.f32 v37, $0.0e+00;
	[tilespmem:s12+$0xFFFFFF40] =	vst v44;
	v10 =	vld [tilespmem:$0x1FCB0];
	v6 =	vsel vm7, v11, v6  }
0x39d: {  	v11 =	vsel vm9, v17, v12;
	v12 =	vsel vm10, v19, v14;
	v14 =	vld [tilespmem:s14+$0xFFFFFF70];
	[tilespmem:s12+$0xFFFFFF70] =	vst v29;
	v17 =	vsel vm14, v27, v22  }
0x39e: {  	v19 =	vsel vm15, v30, v24;
	v22 =	vsel vm1, v38, v28;
	v24 =	vsel vm0, v39, v31;
	v18 =	vld [tilespmem:s14+$0xFFFFFF80];
	[tilespmem:s12+$0xFFFFFF80] =	vst v4  }
0x39f: {  	v58 =	vld [tilespmem:s14+$0x70];
	v29 =	vsub.f32 v8, v2;
	v31 =	vsel vm6, v43, v36;
	v36 =	vsub.f32 v60, v3;
	[tilespmem:s12+$0x30] =	vst v19  }
0x3a0: {  	v28 =	vsel vm4, v40, v34;
	vm0 =	vlt.f32 v23, $0.0e+00;
	[tilespmem:s12+$0x60] =	vst v24;
	v24 =	vsub.f32 v54, v3;
	v56 =	vld [tilespmem:s14+$0x50]  }
0x3a1: {  	v52 =	vadd.f32 $1.000000000e+00, v29;
	[tilespmem:s12+$0x50] =	vst v22;
	v22 =	vimm.s32 $0x0;
	v59 =	vld [tilespmem:s14+$0x80];
	v43 =	vadd.f32 $1.000000000e+00, v36  }
0x3a2: {  	vm6 =	vlt.f32 v36, $0.0e+00;
	vm15 =	vlt.f32 v24, $0.0e+00;
	vm7 =	vnez.u8 v10;
	v10 =	vld [tilespmem:s14+$0xFFFFFF60];
	[tilespmem:s12+$0xFFFFFF60] =	vst v32  }
0x3a3: {  	v7 =	vsel vm7, v13, v7;
	v13 =	vsel vm11, v21, v16;
	v16 =	vsel vm13, v25, v20;
	v21 =	vld [tilespmem:s14+$0xFFFFFF90];
	[tilespmem:s12+$0xFFFFFF90] =	vst v5  }
0x3a4: {  	v20 =	vsel vm2, v35, v26;
	v25 =	vld [tilespmem:s14+$0xFFFFFFA0];
	[tilespmem:s12+$0xFFFFFFA0] =	vst v6;
	v5 =	vadd.f32 $1.000000000e+00, v23;
	v53 =	vsub.f32 v14, v3  }
0x3a5: {  	v26 =	vsel vm3, v41, v33;
	v33 =	vsub.f32 v58, v2;
	v27 =	vld [tilespmem:s14+$0xFFFFFFB0];
	[tilespmem:s12+$0xFFFFFFB0] =	vst v7;
	v4 =	vsub.f32 v18, v2  }
0x3a6: {  	v7 =	vimm.s32 $0x0;
	[tilespmem:s12+$0x70] =	vst v26;
	v26 =	vsub.f32 v55, v2;
	v6 =	vsel vm0, v5, v23  }
0x3a7: {  	[tilespmem:s12+$0x80] =	vst v28;
	v62 =	vld [tilespmem:s14+$0xFFFFFF40];
	vm0 =	vlt.f32 v29, $0.0e+00;
	v5 =	vimm.s32 $0x0;
	v49 =	vadd.f32 $1.000000000e+00, v53  }
0x3a8: {  	v14 =	vld [tilespmem:s14+$0xFFFFFFC0];
	[tilespmem:s12+$0xFFFFFFC0] =	vst v9;
	v9 =	vimm.s32 $0x0;
	v28 =	vsub.f32 v56, v1;
	v34 =	vsub.f32 v59, v1  }
0x3a9: {  	v18 =	vld [tilespmem:s14+$0xFFFFFFD0];
	[tilespmem:s12+$0xFFFFFFD0] =	vst v11;
	v41 =	vadd.f32 $1.000000000e+00, v33;
	vm3 =	vlt.f32 v33, $0.0e+00;
	v5 =	vsel vm0, $0xFFFFFFFF, v5  }
0x3aa: {  	[tilespmem:s14+$0xB0] =	vst v6;
	v6 =	vimm.s32 $0x0;
	v8 =	vadd.f32 $1.000000000e+00, v4;
	v35 =	vadd.f32 $1.000000000e+00, v26  }
0x3ab: {  	vm2 =	vlt.f32 v26, $0.0e+00;
	v32 =	vsub.f32 v10, v1;
	[tilespmem:s12+$0x90] =	vst v31;
	v31 =	vsub.f32 v57, v3  }
0x3ac: {  	v23 =	vld [tilespmem:s14+$0xFFFFFFF0];
	[tilespmem:$0x1FC40] =	vst v5;
	v38 =	vadd.f32 $1.000000000e+00, v28;
	vm1 =	vlt.f32 v28, $0.0e+00;
	v40 =	vadd.f32 $1.000000000e+00, v34  }
0x3ad: {  	vm4 =	vlt.f32 v34, $0.0e+00;
	v5 =	vsub.f32 v21, v1;
	v21 =	vld [tilespmem:s14+$0xFFFFFFE0];
	[tilespmem:s12+$0xFFFFFFE0] =	vst v12;
	v12 =	vimm.s32 $0x0  }
0x3ae: {  	v44 =	vsub.f32 v62, v3;
	v48 =	vadd.f32 $1.000000000e+00, v32;
	vm0 =	vlt.f32 v32, $0.0e+00  }
0x3af: {  	[tilespmem:s12+$0x40] =	vst v20;
	v50 =	vld [tilespmem:$0x1FC40];
	v39 =	vadd.f32 $1.000000000e+00, v31;
	v6 =	vsel vm0, $0xFFFFFFFF, v6;
	vm0 =	vlt.f32 v53, $0.0e+00  }
0x3b0: {  	v10 =	vadd.f32 $1.000000000e+00, v5;
	vm7 =	vlt.f32 v44, $0.0e+00;
	[tilespmem:$0x1FC50] =	vst v6;
	v7 =	vsel vm0, $0xFFFFFFFF, v7  }
0x3b1: {  	v46 =	vadd.f32 $1.000000000e+00, v44;
	v6 =	vsub.f32 v25, v3;
	v25 =	vld [tilespmem:s14+$0x0];
	vm0 =	vlt.f32 v4, $0.0e+00;
	[tilespmem:$0x1FC60] =	vst v7  }
0x3b2: {  	v7 =	vsub.f32 v27, v2;
	v9 =	vsel vm0, $0xFFFFFFFF, v9;
	v27 =	vld [tilespmem:s14+$0x10];
	[tilespmem:s12+$0x0] =	vst v15;
	vm0 =	vlt.f32 v5, $0.0e+00  }
0x3b3: {  	[tilespmem:$0x1FC80] =	vst v9;
	v11 =	vadd.f32 $1.000000000e+00, v6;
	v9 =	vsub.f32 v14, v1;
	v12 =	vsel vm0, $0xFFFFFFFF, v12  }
0x3b4: {  	v30 =	vld [tilespmem:s14+$0x20];
	[tilespmem:s12+$0x10] =	vst v16;
	vm0 =	vlt.f32 v6, $0.0e+00;
	v14 =	vimm.s32 $0x0;
	vm8 =	vnez.u8 v50  }
0x3b5: {  	v16 =	vimm.s32 $0x0;
	[tilespmem:$0x1FC90] =	vst v12;
	v14 =	vsel vm0, $0xFFFFFFFF, v14;
	v45 =	vsel vm8, v52, v29;
	v29 =	vld [tilespmem:$0x1FC50]  }
0x3b6: {  	v12 =	vsub.f32 v18, v3;
	vm0 =	vlt.f32 v7, $0.0e+00;
	[tilespmem:$0x1FCA0] =	vst v14;
	v14 =	vsub.f32 v21, v2  }
0x3b7: {  	[tilespmem:s12+$0xFFFFFFF0] =	vst v13;
	v13 =	vadd.f32 $1.000000000e+00, v7;
	v15 =	vadd.f32 $1.000000000e+00, v9;
	v16 =	vsel vm0, $0xFFFFFFFF, v16  }
0x3b8: {  	[tilespmem:s12+$0x20] =	vst v17;
	vm9 =	vlt.f32 v9, $0.0e+00;
	v17 =	vadd.f32 $1.000000000e+00, v12;
	vm0 =	vlt.f32 v14, $0.0e+00  }
0x3b9: {  	[tilespmem:$0x1FCB0] =	vst v16;
	v16 =	vsub.f32 v23, v1;
	v18 =	vsub.f32 v25, v3;
	v22 =	vsel vm0, $0xFFFFFFFF, v22  }
0x3ba: {  	s13 =	sadd.s32 $0x8, s13;
	vm8 =	vmmov vm9;
	v19 =	vadd.f32 $1.000000000e+00, v14;
	[tilespmem:$0x1FC70] =	vst v22;
	vm9 =	vnez.u8 v29;
	v29 =	vld [tilespmem:$0x1FC60]  }
0x3bb: {  	p0 =	slt.u32 s13, $0x1F8;
	[tilespmem:s12+$0xA0] =	vst v63;
	vm10 =	vlt.f32 v12, $0.0e+00;
	v20 =	vsub.f32 v27, v2;
	v21 =	vadd.f32 $1.000000000e+00, v16;
	v63 =	vld [tilespmem:$0x1FC70]  }
.Ltmp6:
0x3bc: {  	v23 =	vadd.f32 $1.000000000e+00, v18;
	vm11 =	vlt.f32 v16, $0.0e+00;
	vm12 =	vlt.f32 v18, $0.0e+00;
	(pc) =	sbr.rel @p0 .LBB2_14-.Ltmp6, $4  }
0x3bd: {  	vm0 =	vlt.f32 v31, $0.0e+00;
	v22 =	vsub.f32 v30, v1;
	v25 =	vadd.f32 $1.000000000e+00, v20  }
0x3be: {  	vm13 =	vlt.f32 v20, $0.0e+00;
	v30 =	vadd.f32 $1.000000000e+00, v24;
	v32 =	vsel vm9, v48, v32  }
0x3bf: {  	vm9 =	vmmov vm10;
	v27 =	vadd.f32 $1.000000000e+00, v22;
	vm10 =	vnez.u8 v29  }
0x3c0: {  	s12 =	smov.u32 s14;
	s14 =	sadd.s32 $0x180, s14;
	vm14 =	vlt.f32 v22, $0.0e+00;
	v29 =	vsel vm10, v49, v53;
	vm10 =	vnez.u8 v63  }
0x3c1: {  	[tilespmem:s12+$0xFFFFFF50] =	vst v45  }
0x3c2: {  	v44 =	vsel vm7, v46, v44;
	[tilespmem:s12+$0xFFFFFF60] =	vst v32  }
0x3c3: {  	[tilespmem:s12+$0xFFFFFF40] =	vst v44  }
0x3c4: {  	v32 =	vld [tilespmem:$0x1FC80];
	_ =	sdelay $0x4  }
0x3c5: {  	[tilespmem:s12+$0xFFFFFF70] =	vst v29;
	vm7 =	vnez.u8 v32  }
0x3c6: {  	v4 =	vsel vm7, v8, v4;
	v8 =	vld [tilespmem:$0x1FC90]  }
0x3c7: {  	[tilespmem:s12+$0xFFFFFF80] =	vst v4  }
0x3c8: {  	v4 =	vld [tilespmem:$0x1FCA0];
	_ =	sdelay $0x2  }
0x3c9: {  	vm7 =	vnez.u8 v8  }
0x3ca: {  	v5 =	vsel vm7, v10, v5  }
0x3cb: {  	vm7 =	vnez.u8 v4;
	[tilespmem:s12+$0xFFFFFF90] =	vst v5  }
0x3cc: {  	v4 =	vsel vm7, v11, v6;
	v5 =	vld [tilespmem:$0x1FCB0]  }
0x3cd: {  	[tilespmem:s12+$0xFFFFFFA0] =	vst v4;
	v4 =	vsel vm8, v15, v9  }
0x3ce: {  	[tilespmem:s12+$0xFFFFFFC0] =	vst v4;
	v4 =	vsel vm10, v19, v14  }
0x3cf: {  	[tilespmem:s12+$0xFFFFFFE0] =	vst v4;
	v4 =	vsel vm12, v23, v18  }
0x3d0: {  	[tilespmem:s12+$0x0] =	vst v4;
	v4 =	vsel vm14, v27, v22  }
0x3d1: {  	vm7 =	vnez.u8 v5;
	[tilespmem:s12+$0x20] =	vst v4;
	v4 =	vsel vm2, v35, v26  }
0x3d2: {  	v5 =	vsel vm7, v13, v7;
	[tilespmem:s12+$0x40] =	vst v4  }
0x3d3: {  	v4 =	vsel vm0, v39, v31;
	[tilespmem:s12+$0xFFFFFFB0] =	vst v5  }
0x3d4: {  	v5 =	vsel vm9, v17, v12;
	[tilespmem:s12+$0x60] =	vst v4  }
0x3d5: {  	v4 =	vsel vm4, v40, v34;
	[tilespmem:s12+$0xFFFFFFD0] =	vst v5  }
0x3d6: {  	v5 =	vsel vm11, v21, v16;
	[tilespmem:s12+$0x80] =	vst v4  }
0x3d7: {  	v4 =	vsel vm5, v42, v37;
	[tilespmem:s12+$0xFFFFFFF0] =	vst v5  }
0x3d8: {  	v5 =	vsel vm13, v25, v20;
	[tilespmem:s12+$0xA0] =	vst v4  }
0x3d9: {  	[tilespmem:s12+$0x10] =	vst v5;
	v5 =	vsel vm15, v30, v24  }
0x3da: {  	[tilespmem:s12+$0x30] =	vst v5;
	v5 =	vsel vm1, v38, v28  }
0x3db: {  	[tilespmem:s12+$0x50] =	vst v5;
	v5 =	vsel vm3, v41, v33  }
0x3dc: {  	[tilespmem:s12+$0x70] =	vst v5;
	v5 =	vsel vm6, v43, v36  }
0x3dd: {  	[tilespmem:s12+$0x90] =	vst v5  }
0x3de: {  	s12 =	rddreg [dreg:$0xe]  }
0x3df: {  	[hbm4b:s12+s2] =	stream.linear.scatter [tilespmem:s9], [sflag:$0x1], $0x6000, $0x38;
	[tilespmem:$0xC100] =	vst v63  }
0x3e0: {  	_ =	swait.ge [sflag:s8], $0x6000  }
0x3e1: {  	[sflag:s8] =	ssyncset.done $0x0  }
0x3e2: {  	s26 =	rddreg [dreg:$0xf];
	[sflag:s8] =	ssyncadd.s32 $0xFFFFA000  }
0x3e3: {  	[tilespmem:s10], [sflag:$0x1] =	stream.linear.gather [hbm4b:s26+s2], $0x6000, $0x38;
	[tilespmem:$0xC100] =	vst v63  }
0x3e4: {  	_ =	swait.ge [sflag:s8], $0x6000  }
0x3e5: {  	[sflag:s8] =	ssyncset.done $0x0  }
0x3e6: {  	s12 =	simm.s32 $0x61C0;
	[sflag:s8] =	ssyncadd.s32 $0xFFFFA000  }
0x3e7: {  	v4 =	vld [tilespmem:s12+$0xB0]  }
0x3e8: {  	v5 =	vld [tilespmem:s12+$0xFFFFFF50]  }
0x3e9: {  	v6 =	vld [tilespmem:s12+$0xFFFFFF60]  }
0x3ea: {  	v7 =	vld [tilespmem:s12+$0xFFFFFF70]  }
0x3eb: {  	v8 =	vld [tilespmem:s12+$0xFFFFFF80]  }
0x3ec: {  	v9 =	vld [tilespmem:s12+$0xFFFFFF90]  }
0x3ed: {  	v11 =	vld [tilespmem:s12+$0xFFFFFFA0]  }
0x3ee: {  	v12 =	vld [tilespmem:s12+$0xFFFFFFB0];
	v10 =	vsub.f32 v4, v1  }
0x3ef: {  	v29 =	vsub.f32 v5, v2  }
0x3f0: {  	v54 =	vsub.f32 v6, v1;
	v5 =	vadd.f32 $1.000000000e+00, v10  }
0x3f1: {  	v14 =	vld [tilespmem:s12+$0xFFFFFFD0];
	v56 =	vsub.f32 v7, v3;
	v4 =	vsub.f32 v8, v2;
	vm0 =	vlt.f32 v10, $0.0e+00  }
0x3f2: {  	v13 =	vld [tilespmem:s12+$0xFFFFFFC0];
	v6 =	vsub.f32 v11, v3;
	v24 =	vsel vm0, v5, v10;
	v5 =	vsub.f32 v9, v1  }
0x3f3: {  	v16 =	vld [tilespmem:s12+$0xFFFFFFE0];
	v7 =	vsub.f32 v12, v2;
	vm2 =	vlt.f32 v4, $0.0e+00;
	v9 =	vimm.s32 $0x0  }
0x3f4: {  	v18 =	vld [tilespmem:s12+$0xFFFFFFF0];
	v12 =	vimm.s32 $0x0;
	v9 =	vsel vm2, $0xFFFFFFFF, v9;
	vm2 =	vlt.f32 v5, $0.0e+00  }
0x3f5: {  	v20 =	vld [tilespmem:s12+$0x0];
	[tilespmem:$0x1FC00] =	vst v9;
	v12 =	vsel vm2, $0xFFFFFFFF, v12  }
0x3f6: {  	v22 =	vld [tilespmem:s12+$0x10];
	vm2 =	vlt.f32 v6, $0.0e+00;
	[tilespmem:$0x1FC10] =	vst v12;
	v12 =	vsub.f32 v14, v3;
	v14 =	vimm.s32 $0x0  }
0x3f7: {  	v14 =	vsel vm2, $0xFFFFFFFF, v14  }
0x3f8: {  	v25 =	vld [tilespmem:s12+$0x20];
	vm2 =	vlt.f32 v7, $0.0e+00;
	[tilespmem:$0x1FC20] =	vst v14;
	v14 =	vsub.f32 v16, v2;
	v16 =	vimm.s32 $0x0  }
0x3f9: {  	v55 =	vadd.f32 $1.000000000e+00, v29;
	v57 =	vadd.f32 $1.000000000e+00, v54;
	v16 =	vsel vm2, $0xFFFFFFFF, v16  }
0x3fa: {  	vm1 =	vlt.f32 v29, $0.0e+00;
	v58 =	vadd.f32 $1.000000000e+00, v56;
	v8 =	vadd.f32 $1.000000000e+00, v4;
	v26 =	vld [tilespmem:s12+$0x30];
	[tilespmem:$0x1FC30] =	vst v16  }
0x3fb: {  	vm3 =	vlt.f32 v56, $0.0e+00;
	v11 =	vadd.f32 $1.000000000e+00, v6;
	v9 =	vsub.f32 v13, v1;
	v28 =	vld [tilespmem:s12+$0x40]  }
0x3fc: {  	vm0 =	vlt.f32 v54, $0.0e+00;
	v10 =	vadd.f32 $1.000000000e+00, v5;
	v13 =	vadd.f32 $1.000000000e+00, v7;
	v31 =	vld [tilespmem:s12+$0x50]  }
0x3fd: {  	v45 =	vsel vm1, v55, v29;
	v15 =	vadd.f32 $1.000000000e+00, v9;
	v17 =	vadd.f32 $1.000000000e+00, v12;
	v59 =	vld [tilespmem:s12+$0x60]  }
0x3fe: {  	v29 =	vsel vm3, v58, v56;
	v16 =	vsub.f32 v18, v1;
	v19 =	vadd.f32 $1.000000000e+00, v14;
	v60 =	vld [tilespmem:s12+$0x70]  }
0x3ff: {  	v32 =	vsel vm0, v57, v54;
	v18 =	vsub.f32 v20, v3;
	v20 =	vsub.f32 v22, v2;
	v61 =	vld [tilespmem:s12+$0x80]  }
0x400: {  	vm8 =	vlt.f32 v9, $0.0e+00;
	v62 =	vld [tilespmem:s12+$0x90];
	v21 =	vadd.f32 $1.000000000e+00, v16;
	v22 =	vsub.f32 v25, v1  }
0x401: {  	vm9 =	vlt.f32 v12, $0.0e+00;
	[tilespmem:s12+$0xB0] =	vst v24;
	v63 =	vld [tilespmem:s12+$0xA0];
	v23 =	vadd.f32 $1.000000000e+00, v18;
	v24 =	vsub.f32 v26, v3  }
0x402: {  	vm10 =	vlt.f32 v14, $0.0e+00;
	v47 =	vld [tilespmem:s12+$0xFFFFFF40];
	v25 =	vadd.f32 $1.000000000e+00, v20;
	v27 =	vadd.f32 $1.000000000e+00, v22  }
0x403: {  	vm11 =	vlt.f32 v16, $0.0e+00;
	v26 =	vsub.f32 v28, v2;
	v30 =	vadd.f32 $1.000000000e+00, v24  }
0x404: {  	vm12 =	vlt.f32 v18, $0.0e+00;
	v28 =	vsub.f32 v31, v1;
	v31 =	vsub.f32 v59, v3  }
0x405: {  	vm13 =	vlt.f32 v20, $0.0e+00;
	v33 =	vsub.f32 v60, v2;
	v34 =	vsub.f32 v61, v1  }
0x406: {  	vm14 =	vlt.f32 v22, $0.0e+00;
	v36 =	vsub.f32 v62, v3;
	v37 =	vsub.f32 v63, v2  }
0x407: {  	vm15 =	vlt.f32 v24, $0.0e+00;
	v44 =	vsub.f32 v47, v3;
	v35 =	vadd.f32 $1.000000000e+00, v26  }
0x408: {  	v38 =	vadd.f32 $1.000000000e+00, v28;
	vm2 =	vlt.f32 v26, $0.0e+00;
	v39 =	vadd.f32 $1.000000000e+00, v31  }
0x409: {  	vm1 =	vlt.f32 v28, $0.0e+00;
	v41 =	vadd.f32 $1.000000000e+00, v33;
	v40 =	vadd.f32 $1.000000000e+00, v34  }
0x40a: {  	vm0 =	vlt.f32 v31, $0.0e+00;
	vm3 =	vlt.f32 v33, $0.0e+00;
	v43 =	vadd.f32 $1.000000000e+00, v36  }
0x40b: {  	v42 =	vadd.f32 $1.000000000e+00, v37;
	v46 =	vadd.f32 $1.000000000e+00, v44;
	vm4 =	vlt.f32 v34, $0.0e+00  }
0x40c: {  	s13 =	simm.s32 $0x0;
	s14 =	simm.s32 $0x6340;
	vm6 =	vlt.f32 v36, $0.0e+00;
	vm7 =	vlt.f32 v44, $0.0e+00;
	vm5 =	vlt.f32 v37, $0.0e+00  }
.LBB2_16:
0x40d: {  	v62 =	vld [tilespmem:$0x1FC00];
	_ =	sdelay $0x4  }
0x40e: {  	v44 =	vsel vm7, v46, v44;
	vm7 =	vnez.u8 v62  }
0x40f: {  	v4 =	vsel vm7, v8, v4;
	v8 =	vld [tilespmem:$0x1FC10];
	_ =	sdelay $0x3  }
0x410: {  	v47 =	vld [tilespmem:s14+$0xB0]  }
0x411: {  	v61 =	vld [tilespmem:s14+$0xA0];
	vm7 =	vnez.u8 v8  }
0x412: {  	v5 =	vsel vm7, v10, v5;
	v10 =	vld [tilespmem:$0x1FC20]  }
0x413: {  	v54 =	vld [tilespmem:s14+$0x30]  }
0x414: {  	v55 =	vld [tilespmem:s14+$0x40]  }
0x415: {  	[tilespmem:s12+$0xFFFFFF50] =	vst v45;
	v60 =	vld [tilespmem:s14+$0x90]  }
0x416: {  	v9 =	vsel vm8, v15, v9;
	v63 =	vsel vm5, v42, v37;
	v37 =	vsub.f32 v61, v2;
	v8 =	vld [tilespmem:s14+$0xFFFFFF50]  }
0x417: {  	v57 =	vld [tilespmem:s14+$0x60];
	v15 =	vsel vm12, v23, v18;
	v23 =	vsub.f32 v47, v1;
	vm7 =	vnez.u8 v10  }
0x418: {  	v42 =	vadd.f32 $1.000000000e+00, v37;
	vm5 =	vlt.f32 v37, $0.0e+00;
	[tilespmem:s12+$0xFFFFFF40] =	vst v44;
	v10 =	vld [tilespmem:$0x1FC30];
	v6 =	vsel vm7, v11, v6  }
0x419: {  	v11 =	vsel vm9, v17, v12;
	v12 =	vsel vm10, v19, v14;
	v14 =	vld [tilespmem:s14+$0xFFFFFF70];
	[tilespmem:s12+$0xFFFFFF70] =	vst v29;
	v17 =	vsel vm14, v27, v22  }
0x41a: {  	v19 =	vsel vm15, v30, v24;
	v22 =	vsel vm1, v38, v28;
	v24 =	vsel vm0, v39, v31;
	v18 =	vld [tilespmem:s14+$0xFFFFFF80];
	[tilespmem:s12+$0xFFFFFF80] =	vst v4  }
0x41b: {  	v58 =	vld [tilespmem:s14+$0x70];
	v29 =	vsub.f32 v8, v2;
	v31 =	vsel vm6, v43, v36;
	v36 =	vsub.f32 v60, v3;
	[tilespmem:s12+$0x30] =	vst v19  }
0x41c: {  	v28 =	vsel vm4, v40, v34;
	vm0 =	vlt.f32 v23, $0.0e+00;
	[tilespmem:s12+$0x60] =	vst v24;
	v24 =	vsub.f32 v54, v3;
	v56 =	vld [tilespmem:s14+$0x50]  }
0x41d: {  	v52 =	vadd.f32 $1.000000000e+00, v29;
	[tilespmem:s12+$0x50] =	vst v22;
	v22 =	vimm.s32 $0x0;
	v59 =	vld [tilespmem:s14+$0x80];
	v43 =	vadd.f32 $1.000000000e+00, v36  }
0x41e: {  	vm6 =	vlt.f32 v36, $0.0e+00;
	vm15 =	vlt.f32 v24, $0.0e+00;
	vm7 =	vnez.u8 v10;
	v10 =	vld [tilespmem:s14+$0xFFFFFF60];
	[tilespmem:s12+$0xFFFFFF60] =	vst v32  }
0x41f: {  	v7 =	vsel vm7, v13, v7;
	v13 =	vsel vm11, v21, v16;
	v16 =	vsel vm13, v25, v20;
	v21 =	vld [tilespmem:s14+$0xFFFFFF90];
	[tilespmem:s12+$0xFFFFFF90] =	vst v5  }
0x420: {  	v20 =	vsel vm2, v35, v26;
	v25 =	vld [tilespmem:s14+$0xFFFFFFA0];
	[tilespmem:s12+$0xFFFFFFA0] =	vst v6;
	v5 =	vadd.f32 $1.000000000e+00, v23;
	v53 =	vsub.f32 v14, v3  }
0x421: {  	v26 =	vsel vm3, v41, v33;
	v33 =	vsub.f32 v58, v2;
	v27 =	vld [tilespmem:s14+$0xFFFFFFB0];
	[tilespmem:s12+$0xFFFFFFB0] =	vst v7;
	v4 =	vsub.f32 v18, v2  }
0x422: {  	v7 =	vimm.s32 $0x0;
	[tilespmem:s12+$0x70] =	vst v26;
	v26 =	vsub.f32 v55, v2;
	v6 =	vsel vm0, v5, v23  }
0x423: {  	[tilespmem:s12+$0x80] =	vst v28;
	v62 =	vld [tilespmem:s14+$0xFFFFFF40];
	vm0 =	vlt.f32 v29, $0.0e+00;
	v5 =	vimm.s32 $0x0;
	v49 =	vadd.f32 $1.000000000e+00, v53  }
0x424: {  	v14 =	vld [tilespmem:s14+$0xFFFFFFC0];
	[tilespmem:s12+$0xFFFFFFC0] =	vst v9;
	v9 =	vimm.s32 $0x0;
	v28 =	vsub.f32 v56, v1;
	v34 =	vsub.f32 v59, v1  }
0x425: {  	v18 =	vld [tilespmem:s14+$0xFFFFFFD0];
	[tilespmem:s12+$0xFFFFFFD0] =	vst v11;
	v41 =	vadd.f32 $1.000000000e+00, v33;
	vm3 =	vlt.f32 v33, $0.0e+00;
	v5 =	vsel vm0, $0xFFFFFFFF, v5  }
0x426: {  	[tilespmem:s14+$0xB0] =	vst v6;
	v6 =	vimm.s32 $0x0;
	v8 =	vadd.f32 $1.000000000e+00, v4;
	v35 =	vadd.f32 $1.000000000e+00, v26  }
0x427: {  	vm2 =	vlt.f32 v26, $0.0e+00;
	v32 =	vsub.f32 v10, v1;
	[tilespmem:s12+$0x90] =	vst v31;
	v31 =	vsub.f32 v57, v3  }
0x428: {  	v23 =	vld [tilespmem:s14+$0xFFFFFFF0];
	[tilespmem:$0x1FBC0] =	vst v5;
	v38 =	vadd.f32 $1.000000000e+00, v28;
	vm1 =	vlt.f32 v28, $0.0e+00;
	v40 =	vadd.f32 $1.000000000e+00, v34  }
0x429: {  	vm4 =	vlt.f32 v34, $0.0e+00;
	v5 =	vsub.f32 v21, v1;
	v21 =	vld [tilespmem:s14+$0xFFFFFFE0];
	[tilespmem:s12+$0xFFFFFFE0] =	vst v12;
	v12 =	vimm.s32 $0x0  }
0x42a: {  	v44 =	vsub.f32 v62, v3;
	v48 =	vadd.f32 $1.000000000e+00, v32;
	vm0 =	vlt.f32 v32, $0.0e+00  }
0x42b: {  	[tilespmem:s12+$0x40] =	vst v20;
	v50 =	vld [tilespmem:$0x1FBC0];
	v39 =	vadd.f32 $1.000000000e+00, v31;
	v6 =	vsel vm0, $0xFFFFFFFF, v6;
	vm0 =	vlt.f32 v53, $0.0e+00  }
0x42c: {  	v10 =	vadd.f32 $1.000000000e+00, v5;
	vm7 =	vlt.f32 v44, $0.0e+00;
	[tilespmem:$0x1FBD0] =	vst v6;
	v7 =	vsel vm0, $0xFFFFFFFF, v7  }
0x42d: {  	v46 =	vadd.f32 $1.000000000e+00, v44;
	v6 =	vsub.f32 v25, v3;
	v25 =	vld [tilespmem:s14+$0x0];
	vm0 =	vlt.f32 v4, $0.0e+00;
	[tilespmem:$0x1FBE0] =	vst v7  }
0x42e: {  	v7 =	vsub.f32 v27, v2;
	v9 =	vsel vm0, $0xFFFFFFFF, v9;
	v27 =	vld [tilespmem:s14+$0x10];
	[tilespmem:s12+$0x0] =	vst v15;
	vm0 =	vlt.f32 v5, $0.0e+00  }
0x42f: {  	[tilespmem:$0x1FC00] =	vst v9;
	v11 =	vadd.f32 $1.000000000e+00, v6;
	v9 =	vsub.f32 v14, v1;
	v12 =	vsel vm0, $0xFFFFFFFF, v12  }
0x430: {  	v30 =	vld [tilespmem:s14+$0x20];
	[tilespmem:s12+$0x10] =	vst v16;
	vm0 =	vlt.f32 v6, $0.0e+00;
	v14 =	vimm.s32 $0x0;
	vm8 =	vnez.u8 v50  }
0x431: {  	v16 =	vimm.s32 $0x0;
	[tilespmem:$0x1FC10] =	vst v12;
	v14 =	vsel vm0, $0xFFFFFFFF, v14;
	v45 =	vsel vm8, v52, v29;
	v29 =	vld [tilespmem:$0x1FBD0]  }
0x432: {  	v12 =	vsub.f32 v18, v3;
	vm0 =	vlt.f32 v7, $0.0e+00;
	[tilespmem:$0x1FC20] =	vst v14;
	v14 =	vsub.f32 v21, v2  }
0x433: {  	[tilespmem:s12+$0xFFFFFFF0] =	vst v13;
	v13 =	vadd.f32 $1.000000000e+00, v7;
	v15 =	vadd.f32 $1.000000000e+00, v9;
	v16 =	vsel vm0, $0xFFFFFFFF, v16  }
0x434: {  	[tilespmem:s12+$0x20] =	vst v17;
	vm9 =	vlt.f32 v9, $0.0e+00;
	v17 =	vadd.f32 $1.000000000e+00, v12;
	vm0 =	vlt.f32 v14, $0.0e+00  }
0x435: {  	[tilespmem:$0x1FC30] =	vst v16;
	v16 =	vsub.f32 v23, v1;
	v18 =	vsub.f32 v25, v3;
	v22 =	vsel vm0, $0xFFFFFFFF, v22  }
0x436: {  	s13 =	sadd.s32 $0x8, s13;
	vm8 =	vmmov vm9;
	v19 =	vadd.f32 $1.000000000e+00, v14;
	[tilespmem:$0x1FBF0] =	vst v22;
	vm9 =	vnez.u8 v29;
	v29 =	vld [tilespmem:$0x1FBE0]  }
0x437: {  	p0 =	slt.u32 s13, $0x1F8;
	[tilespmem:s12+$0xA0] =	vst v63;
	vm10 =	vlt.f32 v12, $0.0e+00;
	v20 =	vsub.f32 v27, v2;
	v21 =	vadd.f32 $1.000000000e+00, v16;
	v63 =	vld [tilespmem:$0x1FBF0]  }
.Ltmp7:
0x438: {  	v23 =	vadd.f32 $1.000000000e+00, v18;
	vm11 =	vlt.f32 v16, $0.0e+00;
	vm12 =	vlt.f32 v18, $0.0e+00;
	(pc) =	sbr.rel @p0 .LBB2_16-.Ltmp7, $4  }
0x439: {  	vm0 =	vlt.f32 v31, $0.0e+00;
	v22 =	vsub.f32 v30, v1;
	v25 =	vadd.f32 $1.000000000e+00, v20  }
0x43a: {  	vm13 =	vlt.f32 v20, $0.0e+00;
	v30 =	vadd.f32 $1.000000000e+00, v24;
	v32 =	vsel vm9, v48, v32  }
0x43b: {  	vm9 =	vmmov vm10;
	v27 =	vadd.f32 $1.000000000e+00, v22;
	vm10 =	vnez.u8 v29  }
0x43c: {  	s12 =	smov.u32 s14;
	s14 =	sadd.s32 $0x180, s14;
	vm14 =	vlt.f32 v22, $0.0e+00;
	v29 =	vsel vm10, v49, v53;
	vm10 =	vnez.u8 v63  }
0x43d: {  	[tilespmem:s12+$0xFFFFFF50] =	vst v45  }
0x43e: {  	v44 =	vsel vm7, v46, v44;
	[tilespmem:s12+$0xFFFFFF60] =	vst v32  }
0x43f: {  	[tilespmem:s12+$0xFFFFFF40] =	vst v44  }
0x440: {  	v32 =	vld [tilespmem:$0x1FC00];
	_ =	sdelay $0x4  }
0x441: {  	[tilespmem:s12+$0xFFFFFF70] =	vst v29;
	vm7 =	vnez.u8 v32  }
0x442: {  	v4 =	vsel vm7, v8, v4;
	v8 =	vld [tilespmem:$0x1FC10]  }
0x443: {  	[tilespmem:s12+$0xFFFFFF80] =	vst v4  }
0x444: {  	v4 =	vld [tilespmem:$0x1FC20];
	_ =	sdelay $0x2  }
0x445: {  	vm7 =	vnez.u8 v8  }
0x446: {  	v5 =	vsel vm7, v10, v5  }
0x447: {  	vm7 =	vnez.u8 v4;
	[tilespmem:s12+$0xFFFFFF90] =	vst v5  }
0x448: {  	v4 =	vsel vm7, v11, v6;
	v5 =	vld [tilespmem:$0x1FC30]  }
0x449: {  	[tilespmem:s12+$0xFFFFFFA0] =	vst v4;
	v4 =	vsel vm8, v15, v9  }
0x44a: {  	[tilespmem:s12+$0xFFFFFFC0] =	vst v4;
	v4 =	vsel vm10, v19, v14  }
0x44b: {  	[tilespmem:s12+$0xFFFFFFE0] =	vst v4;
	v4 =	vsel vm12, v23, v18  }
0x44c: {  	[tilespmem:s12+$0x0] =	vst v4;
	v4 =	vsel vm14, v27, v22  }
0x44d: {  	vm7 =	vnez.u8 v5;
	[tilespmem:s12+$0x20] =	vst v4;
	v4 =	vsel vm2, v35, v26  }
0x44e: {  	v5 =	vsel vm7, v13, v7;
	[tilespmem:s12+$0x40] =	vst v4  }
0x44f: {  	v4 =	vsel vm0, v39, v31;
	[tilespmem:s12+$0xFFFFFFB0] =	vst v5  }
0x450: {  	v5 =	vsel vm9, v17, v12;
	[tilespmem:s12+$0x60] =	vst v4  }
0x451: {  	v4 =	vsel vm4, v40, v34;
	[tilespmem:s12+$0xFFFFFFD0] =	vst v5  }
0x452: {  	v5 =	vsel vm11, v21, v16;
	[tilespmem:s12+$0x80] =	vst v4  }
0x453: {  	v4 =	vsel vm5, v42, v37;
	[tilespmem:s12+$0xFFFFFFF0] =	vst v5  }
0x454: {  	v5 =	vsel vm13, v25, v20;
	[tilespmem:s12+$0xA0] =	vst v4  }
0x455: {  	[tilespmem:s12+$0x10] =	vst v5;
	v5 =	vsel vm15, v30, v24  }
0x456: {  	[tilespmem:s12+$0x30] =	vst v5;
	v5 =	vsel vm1, v38, v28  }
0x457: {  	[tilespmem:s12+$0x50] =	vst v5;
	v5 =	vsel vm3, v41, v33  }
0x458: {  	[tilespmem:s12+$0x70] =	vst v5;
	v5 =	vsel vm6, v43, v36  }
0x459: {  	[tilespmem:s12+$0x90] =	vst v5  }
0x45a: {  	s12 =	rddreg [dreg:$0x10]  }
0x45b: {  	[hbm4b:s12+s2] =	stream.linear.scatter [tilespmem:s10], [sflag:$0x1], $0x6000, $0x38;
	[tilespmem:$0xC100] =	vst v63  }
0x45c: {  	_ =	swait.ge [sflag:s8], $0x6000  }
0x45d: {  	[sflag:s8] =	ssyncset.done $0x0  }
0x45e: {  	s26 =	rddreg [dreg:$0x11];
	[sflag:s8] =	ssyncadd.s32 $0xFFFFA000  }
0x45f: {  	[tilespmem:s9], [sflag:$0x1] =	stream.linear.gather [hbm4b:s26+s2], $0x6000, $0x38;
	[tilespmem:$0xC100] =	vst v63  }
0x460: {  	_ =	swait.ge [sflag:s8], $0x6000  }
0x461: {  	[sflag:s8] =	ssyncset.done $0x0  }
0x462: {  	s12 =	simm.s32 $0x1C0;
	[sflag:s8] =	ssyncadd.s32 $0xFFFFA000  }
0x463: {  	v4 =	vld [tilespmem:s12+$0xB0]  }
0x464: {  	v5 =	vld [tilespmem:s12+$0xFFFFFF50]  }
0x465: {  	v6 =	vld [tilespmem:s12+$0xFFFFFF60]  }
0x466: {  	v7 =	vld [tilespmem:s12+$0xFFFFFF70]  }
0x467: {  	v8 =	vld [tilespmem:s12+$0xFFFFFF80]  }
0x468: {  	v9 =	vld [tilespmem:s12+$0xFFFFFF90]  }
0x469: {  	v11 =	vld [tilespmem:s12+$0xFFFFFFA0]  }
0x46a: {  	v12 =	vld [tilespmem:s12+$0xFFFFFFB0];
	v10 =	vsub.f32 v4, v1  }
0x46b: {  	v29 =	vsub.f32 v5, v2  }
0x46c: {  	v54 =	vsub.f32 v6, v1;
	v5 =	vadd.f32 $1.000000000e+00, v10  }
0x46d: {  	v14 =	vld [tilespmem:s12+$0xFFFFFFD0];
	v56 =	vsub.f32 v7, v3;
	v4 =	vsub.f32 v8, v2;
	vm0 =	vlt.f32 v10, $0.0e+00  }
0x46e: {  	v13 =	vld [tilespmem:s12+$0xFFFFFFC0];
	v6 =	vsub.f32 v11, v3;
	v24 =	vsel vm0, v5, v10;
	v5 =	vsub.f32 v9, v1  }
0x46f: {  	v16 =	vld [tilespmem:s12+$0xFFFFFFE0];
	v7 =	vsub.f32 v12, v2;
	vm2 =	vlt.f32 v4, $0.0e+00;
	v9 =	vimm.s32 $0x0  }
0x470: {  	v18 =	vld [tilespmem:s12+$0xFFFFFFF0];
	v12 =	vimm.s32 $0x0;
	v9 =	vsel vm2, $0xFFFFFFFF, v9;
	vm2 =	vlt.f32 v5, $0.0e+00  }
0x471: {  	v20 =	vld [tilespmem:s12+$0x0];
	[tilespmem:$0x1FB80] =	vst v9;
	v12 =	vsel vm2, $0xFFFFFFFF, v12  }
0x472: {  	v22 =	vld [tilespmem:s12+$0x10];
	vm2 =	vlt.f32 v6, $0.0e+00;
	[tilespmem:$0x1FB90] =	vst v12;
	v12 =	vsub.f32 v14, v3;
	v14 =	vimm.s32 $0x0  }
0x473: {  	v14 =	vsel vm2, $0xFFFFFFFF, v14  }
0x474: {  	v25 =	vld [tilespmem:s12+$0x20];
	vm2 =	vlt.f32 v7, $0.0e+00;
	[tilespmem:$0x1FBA0] =	vst v14;
	v14 =	vsub.f32 v16, v2;
	v16 =	vimm.s32 $0x0  }
0x475: {  	v55 =	vadd.f32 $1.000000000e+00, v29;
	v57 =	vadd.f32 $1.000000000e+00, v54;
	v16 =	vsel vm2, $0xFFFFFFFF, v16  }
0x476: {  	vm1 =	vlt.f32 v29, $0.0e+00;
	v58 =	vadd.f32 $1.000000000e+00, v56;
	v8 =	vadd.f32 $1.000000000e+00, v4;
	v26 =	vld [tilespmem:s12+$0x30];
	[tilespmem:$0x1FBB0] =	vst v16  }
0x477: {  	vm3 =	vlt.f32 v56, $0.0e+00;
	v11 =	vadd.f32 $1.000000000e+00, v6;
	v9 =	vsub.f32 v13, v1;
	v28 =	vld [tilespmem:s12+$0x40]  }
0x478: {  	vm0 =	vlt.f32 v54, $0.0e+00;
	v10 =	vadd.f32 $1.000000000e+00, v5;
	v13 =	vadd.f32 $1.000000000e+00, v7;
	v31 =	vld [tilespmem:s12+$0x50]  }
0x479: {  	v45 =	vsel vm1, v55, v29;
	v15 =	vadd.f32 $1.000000000e+00, v9;
	v17 =	vadd.f32 $1.000000000e+00, v12;
	v59 =	vld [tilespmem:s12+$0x60]  }
0x47a: {  	v29 =	vsel vm3, v58, v56;
	v16 =	vsub.f32 v18, v1;
	v19 =	vadd.f32 $1.000000000e+00, v14;
	v60 =	vld [tilespmem:s12+$0x70]  }
0x47b: {  	v32 =	vsel vm0, v57, v54;
	v18 =	vsub.f32 v20, v3;
	v20 =	vsub.f32 v22, v2;
	v61 =	vld [tilespmem:s12+$0x80]  }
0x47c: {  	vm8 =	vlt.f32 v9, $0.0e+00;
	v62 =	vld [tilespmem:s12+$0x90];
	v21 =	vadd.f32 $1.000000000e+00, v16;
	v22 =	vsub.f32 v25, v1  }
0x47d: {  	vm9 =	vlt.f32 v12, $0.0e+00;
	[tilespmem:s12+$0xB0] =	vst v24;
	v63 =	vld [tilespmem:s12+$0xA0];
	v23 =	vadd.f32 $1.000000000e+00, v18;
	v24 =	vsub.f32 v26, v3  }
0x47e: {  	vm10 =	vlt.f32 v14, $0.0e+00;
	v47 =	vld [tilespmem:s12+$0xFFFFFF40];
	v25 =	vadd.f32 $1.000000000e+00, v20;
	v27 =	vadd.f32 $1.000000000e+00, v22  }
0x47f: {  	vm11 =	vlt.f32 v16, $0.0e+00;
	v26 =	vsub.f32 v28, v2;
	v30 =	vadd.f32 $1.000000000e+00, v24  }
0x480: {  	vm12 =	vlt.f32 v18, $0.0e+00;
	v28 =	vsub.f32 v31, v1;
	v31 =	vsub.f32 v59, v3  }
0x481: {  	vm13 =	vlt.f32 v20, $0.0e+00;
	v33 =	vsub.f32 v60, v2;
	v34 =	vsub.f32 v61, v1  }
0x482: {  	vm14 =	vlt.f32 v22, $0.0e+00;
	v36 =	vsub.f32 v62, v3;
	v37 =	vsub.f32 v63, v2  }
0x483: {  	vm15 =	vlt.f32 v24, $0.0e+00;
	v44 =	vsub.f32 v47, v3;
	v35 =	vadd.f32 $1.000000000e+00, v26  }
0x484: {  	v38 =	vadd.f32 $1.000000000e+00, v28;
	vm2 =	vlt.f32 v26, $0.0e+00;
	v39 =	vadd.f32 $1.000000000e+00, v31  }
0x485: {  	vm1 =	vlt.f32 v28, $0.0e+00;
	v41 =	vadd.f32 $1.000000000e+00, v33;
	v40 =	vadd.f32 $1.000000000e+00, v34  }
0x486: {  	vm0 =	vlt.f32 v31, $0.0e+00;
	vm3 =	vlt.f32 v33, $0.0e+00;
	v43 =	vadd.f32 $1.000000000e+00, v36  }
0x487: {  	v42 =	vadd.f32 $1.000000000e+00, v37;
	v46 =	vadd.f32 $1.000000000e+00, v44;
	vm4 =	vlt.f32 v34, $0.0e+00  }
0x488: {  	s13 =	simm.s32 $0x0;
	s14 =	simm.s32 $0x340;
	vm6 =	vlt.f32 v36, $0.0e+00;
	vm7 =	vlt.f32 v44, $0.0e+00;
	vm5 =	vlt.f32 v37, $0.0e+00  }
.LBB2_18:
0x489: {  	v62 =	vld [tilespmem:$0x1FB80];
	_ =	sdelay $0x4  }
0x48a: {  	v44 =	vsel vm7, v46, v44;
	vm7 =	vnez.u8 v62  }
0x48b: {  	v4 =	vsel vm7, v8, v4;
	v8 =	vld [tilespmem:$0x1FB90];
	_ =	sdelay $0x3  }
0x48c: {  	v47 =	vld [tilespmem:s14+$0xB0]  }
0x48d: {  	v61 =	vld [tilespmem:s14+$0xA0];
	vm7 =	vnez.u8 v8  }
0x48e: {  	v5 =	vsel vm7, v10, v5;
	v10 =	vld [tilespmem:$0x1FBA0]  }
0x48f: {  	v54 =	vld [tilespmem:s14+$0x30]  }
0x490: {  	v55 =	vld [tilespmem:s14+$0x40]  }
0x491: {  	[tilespmem:s12+$0xFFFFFF50] =	vst v45;
	v60 =	vld [tilespmem:s14+$0x90]  }
0x492: {  	v9 =	vsel vm8, v15, v9;
	v63 =	vsel vm5, v42, v37;
	v37 =	vsub.f32 v61, v2;
	v8 =	vld [tilespmem:s14+$0xFFFFFF50]  }
0x493: {  	v57 =	vld [tilespmem:s14+$0x60];
	v15 =	vsel vm12, v23, v18;
	v23 =	vsub.f32 v47, v1;
	vm7 =	vnez.u8 v10  }
0x494: {  	v42 =	vadd.f32 $1.000000000e+00, v37;
	vm5 =	vlt.f32 v37, $0.0e+00;
	[tilespmem:s12+$0xFFFFFF40] =	vst v44;
	v10 =	vld [tilespmem:$0x1FBB0];
	v6 =	vsel vm7, v11, v6  }
0x495: {  	v11 =	vsel vm9, v17, v12;
	v12 =	vsel vm10, v19, v14;
	v14 =	vld [tilespmem:s14+$0xFFFFFF70];
	[tilespmem:s12+$0xFFFFFF70] =	vst v29;
	v17 =	vsel vm14, v27, v22  }
0x496: {  	v19 =	vsel vm15, v30, v24;
	v22 =	vsel vm1, v38, v28;
	v24 =	vsel vm0, v39, v31;
	v18 =	vld [tilespmem:s14+$0xFFFFFF80];
	[tilespmem:s12+$0xFFFFFF80] =	vst v4  }
0x497: {  	v58 =	vld [tilespmem:s14+$0x70];
	v29 =	vsub.f32 v8, v2;
	v31 =	vsel vm6, v43, v36;
	v36 =	vsub.f32 v60, v3;
	[tilespmem:s12+$0x30] =	vst v19  }
0x498: {  	v28 =	vsel vm4, v40, v34;
	vm0 =	vlt.f32 v23, $0.0e+00;
	[tilespmem:s12+$0x60] =	vst v24;
	v24 =	vsub.f32 v54, v3;
	v56 =	vld [tilespmem:s14+$0x50]  }
0x499: {  	v52 =	vadd.f32 $1.000000000e+00, v29;
	[tilespmem:s12+$0x50] =	vst v22;
	v22 =	vimm.s32 $0x0;
	v59 =	vld [tilespmem:s14+$0x80];
	v43 =	vadd.f32 $1.000000000e+00, v36  }
0x49a: {  	vm6 =	vlt.f32 v36, $0.0e+00;
	vm15 =	vlt.f32 v24, $0.0e+00;
	vm7 =	vnez.u8 v10;
	v10 =	vld [tilespmem:s14+$0xFFFFFF60];
	[tilespmem:s12+$0xFFFFFF60] =	vst v32  }
0x49b: {  	v7 =	vsel vm7, v13, v7;
	v13 =	vsel vm11, v21, v16;
	v16 =	vsel vm13, v25, v20;
	v21 =	vld [tilespmem:s14+$0xFFFFFF90];
	[tilespmem:s12+$0xFFFFFF90] =	vst v5  }
0x49c: {  	v20 =	vsel vm2, v35, v26;
	v25 =	vld [tilespmem:s14+$0xFFFFFFA0];
	[tilespmem:s12+$0xFFFFFFA0] =	vst v6;
	v5 =	vadd.f32 $1.000000000e+00, v23;
	v53 =	vsub.f32 v14, v3  }
0x49d: {  	v26 =	vsel vm3, v41, v33;
	v33 =	vsub.f32 v58, v2;
	v27 =	vld [tilespmem:s14+$0xFFFFFFB0];
	[tilespmem:s12+$0xFFFFFFB0] =	vst v7;
	v4 =	vsub.f32 v18, v2  }
0x49e: {  	v7 =	vimm.s32 $0x0;
	[tilespmem:s12+$0x70] =	vst v26;
	v26 =	vsub.f32 v55, v2;
	v6 =	vsel vm0, v5, v23  }
0x49f: {  	[tilespmem:s12+$0x80] =	vst v28;
	v62 =	vld [tilespmem:s14+$0xFFFFFF40];
	vm0 =	vlt.f32 v29, $0.0e+00;
	v5 =	vimm.s32 $0x0;
	v49 =	vadd.f32 $1.000000000e+00, v53  }
0x4a0: {  	v14 =	vld [tilespmem:s14+$0xFFFFFFC0];
	[tilespmem:s12+$0xFFFFFFC0] =	vst v9;
	v9 =	vimm.s32 $0x0;
	v28 =	vsub.f32 v56, v1;
	v34 =	vsub.f32 v59, v1  }
0x4a1: {  	v18 =	vld [tilespmem:s14+$0xFFFFFFD0];
	[tilespmem:s12+$0xFFFFFFD0] =	vst v11;
	v41 =	vadd.f32 $1.000000000e+00, v33;
	vm3 =	vlt.f32 v33, $0.0e+00;
	v5 =	vsel vm0, $0xFFFFFFFF, v5  }
0x4a2: {  	[tilespmem:s14+$0xB0] =	vst v6;
	v6 =	vimm.s32 $0x0;
	v8 =	vadd.f32 $1.000000000e+00, v4;
	v35 =	vadd.f32 $1.000000000e+00, v26  }
0x4a3: {  	vm2 =	vlt.f32 v26, $0.0e+00;
	v32 =	vsub.f32 v10, v1;
	[tilespmem:s12+$0x90] =	vst v31;
	v31 =	vsub.f32 v57, v3  }
0x4a4: {  	v23 =	vld [tilespmem:s14+$0xFFFFFFF0];
	[tilespmem:$0x1FB40] =	vst v5;
	v38 =	vadd.f32 $1.000000000e+00, v28;
	vm1 =	vlt.f32 v28, $0.0e+00;
	v40 =	vadd.f32 $1.000000000e+00, v34  }
0x4a5: {  	vm4 =	vlt.f32 v34, $0.0e+00;
	v5 =	vsub.f32 v21, v1;
	v21 =	vld [tilespmem:s14+$0xFFFFFFE0];
	[tilespmem:s12+$0xFFFFFFE0] =	vst v12;
	v12 =	vimm.s32 $0x0  }
0x4a6: {  	v44 =	vsub.f32 v62, v3;
	v48 =	vadd.f32 $1.000000000e+00, v32;
	vm0 =	vlt.f32 v32, $0.0e+00  }
0x4a7: {  	[tilespmem:s12+$0x40] =	vst v20;
	v50 =	vld [tilespmem:$0x1FB40];
	v39 =	vadd.f32 $1.000000000e+00, v31;
	v6 =	vsel vm0, $0xFFFFFFFF, v6;
	vm0 =	vlt.f32 v53, $0.0e+00  }
0x4a8: {  	v10 =	vadd.f32 $1.000000000e+00, v5;
	vm7 =	vlt.f32 v44, $0.0e+00;
	[tilespmem:$0x1FB50] =	vst v6;
	v7 =	vsel vm0, $0xFFFFFFFF, v7  }
0x4a9: {  	v46 =	vadd.f32 $1.000000000e+00, v44;
	v6 =	vsub.f32 v25, v3;
	v25 =	vld [tilespmem:s14+$0x0];
	vm0 =	vlt.f32 v4, $0.0e+00;
	[tilespmem:$0x1FB60] =	vst v7  }
0x4aa: {  	v7 =	vsub.f32 v27, v2;
	v9 =	vsel vm0, $0xFFFFFFFF, v9;
	v27 =	vld [tilespmem:s14+$0x10];
	[tilespmem:s12+$0x0] =	vst v15;
	vm0 =	vlt.f32 v5, $0.0e+00  }
0x4ab: {  	[tilespmem:$0x1FB80] =	vst v9;
	v11 =	vadd.f32 $1.000000000e+00, v6;
	v9 =	vsub.f32 v14, v1;
	v12 =	vsel vm0, $0xFFFFFFFF, v12  }
0x4ac: {  	v30 =	vld [tilespmem:s14+$0x20];
	[tilespmem:s12+$0x10] =	vst v16;
	vm0 =	vlt.f32 v6, $0.0e+00;
	v14 =	vimm.s32 $0x0;
	vm8 =	vnez.u8 v50  }
0x4ad: {  	v16 =	vimm.s32 $0x0;
	[tilespmem:$0x1FB90] =	vst v12;
	v14 =	vsel vm0, $0xFFFFFFFF, v14;
	v45 =	vsel vm8, v52, v29;
	v29 =	vld [tilespmem:$0x1FB50]  }
0x4ae: {  	v12 =	vsub.f32 v18, v3;
	vm0 =	vlt.f32 v7, $0.0e+00;
	[tilespmem:$0x1FBA0] =	vst v14;
	v14 =	vsub.f32 v21, v2  }
0x4af: {  	[tilespmem:s12+$0xFFFFFFF0] =	vst v13;
	v13 =	vadd.f32 $1.000000000e+00, v7;
	v15 =	vadd.f32 $1.000000000e+00, v9;
	v16 =	vsel vm0, $0xFFFFFFFF, v16  }
0x4b0: {  	[tilespmem:s12+$0x20] =	vst v17;
	vm9 =	vlt.f32 v9, $0.0e+00;
	v17 =	vadd.f32 $1.000000000e+00, v12;
	vm0 =	vlt.f32 v14, $0.0e+00  }
0x4b1: {  	[tilespmem:$0x1FBB0] =	vst v16;
	v16 =	vsub.f32 v23, v1;
	v18 =	vsub.f32 v25, v3;
	v22 =	vsel vm0, $0xFFFFFFFF, v22  }
0x4b2: {  	s13 =	sadd.s32 $0x8, s13;
	vm8 =	vmmov vm9;
	v19 =	vadd.f32 $1.000000000e+00, v14;
	[tilespmem:$0x1FB70] =	vst v22;
	vm9 =	vnez.u8 v29;
	v29 =	vld [tilespmem:$0x1FB60]  }
0x4b3: {  	p0 =	slt.u32 s13, $0x1F8;
	[tilespmem:s12+$0xA0] =	vst v63;
	vm10 =	vlt.f32 v12, $0.0e+00;
	v20 =	vsub.f32 v27, v2;
	v21 =	vadd.f32 $1.000000000e+00, v16;
	v63 =	vld [tilespmem:$0x1FB70]  }
.Ltmp8:
0x4b4: {  	v23 =	vadd.f32 $1.000000000e+00, v18;
	vm11 =	vlt.f32 v16, $0.0e+00;
	vm12 =	vlt.f32 v18, $0.0e+00;
	(pc) =	sbr.rel @p0 .LBB2_18-.Ltmp8, $4  }
0x4b5: {  	vm0 =	vlt.f32 v31, $0.0e+00;
	v22 =	vsub.f32 v30, v1;
	v25 =	vadd.f32 $1.000000000e+00, v20  }
0x4b6: {  	vm13 =	vlt.f32 v20, $0.0e+00;
	v30 =	vadd.f32 $1.000000000e+00, v24;
	v32 =	vsel vm9, v48, v32  }
0x4b7: {  	vm9 =	vmmov vm10;
	v27 =	vadd.f32 $1.000000000e+00, v22;
	vm10 =	vnez.u8 v29  }
0x4b8: {  	s12 =	smov.u32 s14;
	s14 =	sadd.s32 $0x180, s14;
	vm14 =	vlt.f32 v22, $0.0e+00;
	v29 =	vsel vm10, v49, v53;
	vm10 =	vnez.u8 v63  }
0x4b9: {  	[tilespmem:s12+$0xFFFFFF50] =	vst v45  }
0x4ba: {  	v44 =	vsel vm7, v46, v44;
	[tilespmem:s12+$0xFFFFFF60] =	vst v32  }
0x4bb: {  	[tilespmem:s12+$0xFFFFFF40] =	vst v44  }
0x4bc: {  	v32 =	vld [tilespmem:$0x1FB80];
	_ =	sdelay $0x4  }
0x4bd: {  	[tilespmem:s12+$0xFFFFFF70] =	vst v29;
	vm7 =	vnez.u8 v32  }
0x4be: {  	v4 =	vsel vm7, v8, v4;
	v8 =	vld [tilespmem:$0x1FB90]  }
0x4bf: {  	[tilespmem:s12+$0xFFFFFF80] =	vst v4  }
0x4c0: {  	v4 =	vld [tilespmem:$0x1FBA0];
	_ =	sdelay $0x2  }
0x4c1: {  	vm7 =	vnez.u8 v8  }
0x4c2: {  	v5 =	vsel vm7, v10, v5  }
0x4c3: {  	vm7 =	vnez.u8 v4;
	[tilespmem:s12+$0xFFFFFF90] =	vst v5  }
0x4c4: {  	v4 =	vsel vm7, v11, v6;
	v5 =	vld [tilespmem:$0x1FBB0]  }
0x4c5: {  	[tilespmem:s12+$0xFFFFFFA0] =	vst v4;
	v4 =	vsel vm8, v15, v9  }
0x4c6: {  	[tilespmem:s12+$0xFFFFFFC0] =	vst v4;
	v4 =	vsel vm10, v19, v14  }
0x4c7: {  	[tilespmem:s12+$0xFFFFFFE0] =	vst v4;
	v4 =	vsel vm12, v23, v18  }
0x4c8: {  	[tilespmem:s12+$0x0] =	vst v4;
	v4 =	vsel vm14, v27, v22  }
0x4c9: {  	vm7 =	vnez.u8 v5;
	[tilespmem:s12+$0x20] =	vst v4;
	v4 =	vsel vm2, v35, v26  }
0x4ca: {  	v5 =	vsel vm7, v13, v7;
	[tilespmem:s12+$0x40] =	vst v4  }
0x4cb: {  	v4 =	vsel vm0, v39, v31;
	[tilespmem:s12+$0xFFFFFFB0] =	vst v5  }
0x4cc: {  	v5 =	vsel vm9, v17, v12;
	[tilespmem:s12+$0x60] =	vst v4  }
0x4cd: {  	v4 =	vsel vm4, v40, v34;
	[tilespmem:s12+$0xFFFFFFD0] =	vst v5  }
0x4ce: {  	v5 =	vsel vm11, v21, v16;
	[tilespmem:s12+$0x80] =	vst v4  }
0x4cf: {  	v4 =	vsel vm5, v42, v37;
	[tilespmem:s12+$0xFFFFFFF0] =	vst v5  }
0x4d0: {  	v5 =	vsel vm13, v25, v20;
	[tilespmem:s12+$0xA0] =	vst v4  }
0x4d1: {  	[tilespmem:s12+$0x10] =	vst v5;
	v5 =	vsel vm15, v30, v24  }
0x4d2: {  	[tilespmem:s12+$0x30] =	vst v5;
	v5 =	vsel vm1, v38, v28  }
0x4d3: {  	[tilespmem:s12+$0x50] =	vst v5;
	v5 =	vsel vm3, v41, v33  }
0x4d4: {  	[tilespmem:s12+$0x70] =	vst v5;
	v5 =	vsel vm6, v43, v36  }
0x4d5: {  	[tilespmem:s12+$0x90] =	vst v5  }
0x4d6: {  	s12 =	rddreg [dreg:$0x12]  }
0x4d7: {  	[hbm4b:s12+s2] =	stream.linear.scatter [tilespmem:s9], [sflag:$0x1], $0x6000, $0x38;
	[tilespmem:$0xC100] =	vst v63  }
0x4d8: {  	_ =	swait.ge [sflag:s8], $0x6000  }
0x4d9: {  	[sflag:s8] =	ssyncset.done $0x0  }
0x4da: {  	s26 =	rddreg [dreg:$0x13];
	[sflag:s8] =	ssyncadd.s32 $0xFFFFA000  }
0x4db: {  	[tilespmem:s10], [sflag:$0x1] =	stream.linear.gather [hbm4b:s26+s2], $0x6000, $0x38;
	[tilespmem:$0xC100] =	vst v63  }
0x4dc: {  	_ =	swait.ge [sflag:s8], $0x6000  }
0x4dd: {  	[sflag:s8] =	ssyncset.done $0x0  }
0x4de: {  	s12 =	simm.s32 $0x61C0;
	[sflag:s8] =	ssyncadd.s32 $0xFFFFA000  }
0x4df: {  	v4 =	vld [tilespmem:s12+$0xB0]  }
0x4e0: {  	v5 =	vld [tilespmem:s12+$0xFFFFFF50]  }
0x4e1: {  	v6 =	vld [tilespmem:s12+$0xFFFFFF60]  }
0x4e2: {  	v7 =	vld [tilespmem:s12+$0xFFFFFF70]  }
0x4e3: {  	v8 =	vld [tilespmem:s12+$0xFFFFFF80]  }
0x4e4: {  	v9 =	vld [tilespmem:s12+$0xFFFFFF90]  }
0x4e5: {  	v11 =	vld [tilespmem:s12+$0xFFFFFFA0]  }
0x4e6: {  	v12 =	vld [tilespmem:s12+$0xFFFFFFB0];
	v10 =	vsub.f32 v4, v1  }
0x4e7: {  	v29 =	vsub.f32 v5, v2  }
0x4e8: {  	v54 =	vsub.f32 v6, v1;
	v5 =	vadd.f32 $1.000000000e+00, v10  }
0x4e9: {  	v14 =	vld [tilespmem:s12+$0xFFFFFFD0];
	v56 =	vsub.f32 v7, v3;
	v4 =	vsub.f32 v8, v2;
	vm0 =	vlt.f32 v10, $0.0e+00  }
0x4ea: {  	v13 =	vld [tilespmem:s12+$0xFFFFFFC0];
	v6 =	vsub.f32 v11, v3;
	v24 =	vsel vm0, v5, v10;
	v5 =	vsub.f32 v9, v1  }
0x4eb: {  	v16 =	vld [tilespmem:s12+$0xFFFFFFE0];
	v7 =	vsub.f32 v12, v2;
	vm2 =	vlt.f32 v4, $0.0e+00;
	v9 =	vimm.s32 $0x0  }
0x4ec: {  	v18 =	vld [tilespmem:s12+$0xFFFFFFF0];
	v12 =	vimm.s32 $0x0;
	v9 =	vsel vm2, $0xFFFFFFFF, v9;
	vm2 =	vlt.f32 v5, $0.0e+00  }
0x4ed: {  	v20 =	vld [tilespmem:s12+$0x0];
	[tilespmem:$0x1FB00] =	vst v9;
	v12 =	vsel vm2, $0xFFFFFFFF, v12  }
0x4ee: {  	v22 =	vld [tilespmem:s12+$0x10];
	vm2 =	vlt.f32 v6, $0.0e+00;
	[tilespmem:$0x1FB10] =	vst v12;
	v12 =	vsub.f32 v14, v3;
	v14 =	vimm.s32 $0x0  }
0x4ef: {  	v14 =	vsel vm2, $0xFFFFFFFF, v14  }
0x4f0: {  	v25 =	vld [tilespmem:s12+$0x20];
	vm2 =	vlt.f32 v7, $0.0e+00;
	[tilespmem:$0x1FB20] =	vst v14;
	v14 =	vsub.f32 v16, v2;
	v16 =	vimm.s32 $0x0  }
0x4f1: {  	v55 =	vadd.f32 $1.000000000e+00, v29;
	v57 =	vadd.f32 $1.000000000e+00, v54;
	v16 =	vsel vm2, $0xFFFFFFFF, v16  }
0x4f2: {  	vm1 =	vlt.f32 v29, $0.0e+00;
	v58 =	vadd.f32 $1.000000000e+00, v56;
	v8 =	vadd.f32 $1.000000000e+00, v4;
	v26 =	vld [tilespmem:s12+$0x30];
	[tilespmem:$0x1FB30] =	vst v16  }
0x4f3: {  	vm3 =	vlt.f32 v56, $0.0e+00;
	v11 =	vadd.f32 $1.000000000e+00, v6;
	v9 =	vsub.f32 v13, v1;
	v28 =	vld [tilespmem:s12+$0x40]  }
0x4f4: {  	vm0 =	vlt.f32 v54, $0.0e+00;
	v10 =	vadd.f32 $1.000000000e+00, v5;
	v13 =	vadd.f32 $1.000000000e+00, v7;
	v31 =	vld [tilespmem:s12+$0x50]  }
0x4f5: {  	v45 =	vsel vm1, v55, v29;
	v15 =	vadd.f32 $1.000000000e+00, v9;
	v17 =	vadd.f32 $1.000000000e+00, v12;
	v59 =	vld [tilespmem:s12+$0x60]  }
0x4f6: {  	v29 =	vsel vm3, v58, v56;
	v16 =	vsub.f32 v18, v1;
	v19 =	vadd.f32 $1.000000000e+00, v14;
	v60 =	vld [tilespmem:s12+$0x70]  }
0x4f7: {  	v32 =	vsel vm0, v57, v54;
	v18 =	vsub.f32 v20, v3;
	v20 =	vsub.f32 v22, v2;
	v61 =	vld [tilespmem:s12+$0x80]  }
0x4f8: {  	vm8 =	vlt.f32 v9, $0.0e+00;
	v62 =	vld [tilespmem:s12+$0x90];
	v21 =	vadd.f32 $1.000000000e+00, v16;
	v22 =	vsub.f32 v25, v1  }
0x4f9: {  	vm9 =	vlt.f32 v12, $0.0e+00;
	[tilespmem:s12+$0xB0] =	vst v24;
	v63 =	vld [tilespmem:s12+$0xA0];
	v23 =	vadd.f32 $1.000000000e+00, v18;
	v24 =	vsub.f32 v26, v3  }
0x4fa: {  	vm10 =	vlt.f32 v14, $0.0e+00;
	v47 =	vld [tilespmem:s12+$0xFFFFFF40];
	v25 =	vadd.f32 $1.000000000e+00, v20;
	v27 =	vadd.f32 $1.000000000e+00, v22  }
0x4fb: {  	vm11 =	vlt.f32 v16, $0.0e+00;
	v26 =	vsub.f32 v28, v2;
	v30 =	vadd.f32 $1.000000000e+00, v24  }
0x4fc: {  	vm12 =	vlt.f32 v18, $0.0e+00;
	v28 =	vsub.f32 v31, v1;
	v31 =	vsub.f32 v59, v3  }
0x4fd: {  	vm13 =	vlt.f32 v20, $0.0e+00;
	v33 =	vsub.f32 v60, v2;
	v34 =	vsub.f32 v61, v1  }
0x4fe: {  	vm14 =	vlt.f32 v22, $0.0e+00;
	v36 =	vsub.f32 v62, v3;
	v37 =	vsub.f32 v63, v2  }
0x4ff: {  	vm15 =	vlt.f32 v24, $0.0e+00;
	v44 =	vsub.f32 v47, v3;
	v35 =	vadd.f32 $1.000000000e+00, v26  }
0x500: {  	v38 =	vadd.f32 $1.000000000e+00, v28;
	vm2 =	vlt.f32 v26, $0.0e+00;
	v39 =	vadd.f32 $1.000000000e+00, v31  }
0x501: {  	vm1 =	vlt.f32 v28, $0.0e+00;
	v41 =	vadd.f32 $1.000000000e+00, v33;
	v40 =	vadd.f32 $1.000000000e+00, v34  }
0x502: {  	vm0 =	vlt.f32 v31, $0.0e+00;
	vm3 =	vlt.f32 v33, $0.0e+00;
	v43 =	vadd.f32 $1.000000000e+00, v36  }
0x503: {  	v42 =	vadd.f32 $1.000000000e+00, v37;
	v46 =	vadd.f32 $1.000000000e+00, v44;
	vm4 =	vlt.f32 v34, $0.0e+00  }
0x504: {  	s13 =	simm.s32 $0x0;
	s14 =	simm.s32 $0x6340;
	vm6 =	vlt.f32 v36, $0.0e+00;
	vm7 =	vlt.f32 v44, $0.0e+00;
	vm5 =	vlt.f32 v37, $0.0e+00  }
.LBB2_20:
0x505: {  	v62 =	vld [tilespmem:$0x1FB00];
	_ =	sdelay $0x4  }
0x506: {  	v44 =	vsel vm7, v46, v44;
	vm7 =	vnez.u8 v62  }
0x507: {  	v4 =	vsel vm7, v8, v4;
	v8 =	vld [tilespmem:$0x1FB10];
	_ =	sdelay $0x3  }
0x508: {  	v47 =	vld [tilespmem:s14+$0xB0]  }
0x509: {  	v61 =	vld [tilespmem:s14+$0xA0];
	vm7 =	vnez.u8 v8  }
0x50a: {  	v5 =	vsel vm7, v10, v5;
	v10 =	vld [tilespmem:$0x1FB20]  }
0x50b: {  	v54 =	vld [tilespmem:s14+$0x30]  }
0x50c: {  	v55 =	vld [tilespmem:s14+$0x40]  }
0x50d: {  	[tilespmem:s12+$0xFFFFFF50] =	vst v45;
	v60 =	vld [tilespmem:s14+$0x90]  }
0x50e: {  	v9 =	vsel vm8, v15, v9;
	v63 =	vsel vm5, v42, v37;
	v37 =	vsub.f32 v61, v2;
	v8 =	vld [tilespmem:s14+$0xFFFFFF50]  }
0x50f: {  	v57 =	vld [tilespmem:s14+$0x60];
	v15 =	vsel vm12, v23, v18;
	v23 =	vsub.f32 v47, v1;
	vm7 =	vnez.u8 v10  }
0x510: {  	v42 =	vadd.f32 $1.000000000e+00, v37;
	vm5 =	vlt.f32 v37, $0.0e+00;
	[tilespmem:s12+$0xFFFFFF40] =	vst v44;
	v10 =	vld [tilespmem:$0x1FB30];
	v6 =	vsel vm7, v11, v6  }
0x511: {  	v11 =	vsel vm9, v17, v12;
	v12 =	vsel vm10, v19, v14;
	v14 =	vld [tilespmem:s14+$0xFFFFFF70];
	[tilespmem:s12+$0xFFFFFF70] =	vst v29;
	v17 =	vsel vm14, v27, v22  }
0x512: {  	v19 =	vsel vm15, v30, v24;
	v22 =	vsel vm1, v38, v28;
	v24 =	vsel vm0, v39, v31;
	v18 =	vld [tilespmem:s14+$0xFFFFFF80];
	[tilespmem:s12+$0xFFFFFF80] =	vst v4  }
0x513: {  	v58 =	vld [tilespmem:s14+$0x70];
	v29 =	vsub.f32 v8, v2;
	v31 =	vsel vm6, v43, v36;
	v36 =	vsub.f32 v60, v3;
	[tilespmem:s12+$0x30] =	vst v19  }
0x514: {  	v28 =	vsel vm4, v40, v34;
	vm0 =	vlt.f32 v23, $0.0e+00;
	[tilespmem:s12+$0x60] =	vst v24;
	v24 =	vsub.f32 v54, v3;
	v56 =	vld [tilespmem:s14+$0x50]  }
0x515: {  	v52 =	vadd.f32 $1.000000000e+00, v29;
	[tilespmem:s12+$0x50] =	vst v22;
	v22 =	vimm.s32 $0x0;
	v59 =	vld [tilespmem:s14+$0x80];
	v43 =	vadd.f32 $1.000000000e+00, v36  }
0x516: {  	vm6 =	vlt.f32 v36, $0.0e+00;
	vm15 =	vlt.f32 v24, $0.0e+00;
	vm7 =	vnez.u8 v10;
	v10 =	vld [tilespmem:s14+$0xFFFFFF60];
	[tilespmem:s12+$0xFFFFFF60] =	vst v32  }
0x517: {  	v7 =	vsel vm7, v13, v7;
	v13 =	vsel vm11, v21, v16;
	v16 =	vsel vm13, v25, v20;
	v21 =	vld [tilespmem:s14+$0xFFFFFF90];
	[tilespmem:s12+$0xFFFFFF90] =	vst v5  }
0x518: {  	v20 =	vsel vm2, v35, v26;
	v25 =	vld [tilespmem:s14+$0xFFFFFFA0];
	[tilespmem:s12+$0xFFFFFFA0] =	vst v6;
	v5 =	vadd.f32 $1.000000000e+00, v23;
	v53 =	vsub.f32 v14, v3  }
0x519: {  	v26 =	vsel vm3, v41, v33;
	v33 =	vsub.f32 v58, v2;
	v27 =	vld [tilespmem:s14+$0xFFFFFFB0];
	[tilespmem:s12+$0xFFFFFFB0] =	vst v7;
	v4 =	vsub.f32 v18, v2  }
0x51a: {  	v7 =	vimm.s32 $0x0;
	[tilespmem:s12+$0x70] =	vst v26;
	v26 =	vsub.f32 v55, v2;
	v6 =	vsel vm0, v5, v23  }
0x51b: {  	[tilespmem:s12+$0x80] =	vst v28;
	v62 =	vld [tilespmem:s14+$0xFFFFFF40];
	vm0 =	vlt.f32 v29, $0.0e+00;
	v5 =	vimm.s32 $0x0;
	v49 =	vadd.f32 $1.000000000e+00, v53  }
0x51c: {  	v14 =	vld [tilespmem:s14+$0xFFFFFFC0];
	[tilespmem:s12+$0xFFFFFFC0] =	vst v9;
	v9 =	vimm.s32 $0x0;
	v28 =	vsub.f32 v56, v1;
	v34 =	vsub.f32 v59, v1  }
0x51d: {  	v18 =	vld [tilespmem:s14+$0xFFFFFFD0];
	[tilespmem:s12+$0xFFFFFFD0] =	vst v11;
	v41 =	vadd.f32 $1.000000000e+00, v33;
	vm3 =	vlt.f32 v33, $0.0e+00;
	v5 =	vsel vm0, $0xFFFFFFFF, v5  }
0x51e: {  	[tilespmem:s14+$0xB0] =	vst v6;
	v6 =	vimm.s32 $0x0;
	v8 =	vadd.f32 $1.000000000e+00, v4;
	v35 =	vadd.f32 $1.000000000e+00, v26  }
0x51f: {  	vm2 =	vlt.f32 v26, $0.0e+00;
	v32 =	vsub.f32 v10, v1;
	[tilespmem:s12+$0x90] =	vst v31;
	v31 =	vsub.f32 v57, v3  }
0x520: {  	v23 =	vld [tilespmem:s14+$0xFFFFFFF0];
	[tilespmem:$0x1FAC0] =	vst v5;
	v38 =	vadd.f32 $1.000000000e+00, v28;
	vm1 =	vlt.f32 v28, $0.0e+00;
	v40 =	vadd.f32 $1.000000000e+00, v34  }
0x521: {  	vm4 =	vlt.f32 v34, $0.0e+00;
	v5 =	vsub.f32 v21, v1;
	v21 =	vld [tilespmem:s14+$0xFFFFFFE0];
	[tilespmem:s12+$0xFFFFFFE0] =	vst v12;
	v12 =	vimm.s32 $0x0  }
0x522: {  	v44 =	vsub.f32 v62, v3;
	v48 =	vadd.f32 $1.000000000e+00, v32;
	vm0 =	vlt.f32 v32, $0.0e+00  }
0x523: {  	[tilespmem:s12+$0x40] =	vst v20;
	v50 =	vld [tilespmem:$0x1FAC0];
	v39 =	vadd.f32 $1.000000000e+00, v31;
	v6 =	vsel vm0, $0xFFFFFFFF, v6;
	vm0 =	vlt.f32 v53, $0.0e+00  }
0x524: {  	v10 =	vadd.f32 $1.000000000e+00, v5;
	vm7 =	vlt.f32 v44, $0.0e+00;
	[tilespmem:$0x1FAD0] =	vst v6;
	v7 =	vsel vm0, $0xFFFFFFFF, v7  }
0x525: {  	v46 =	vadd.f32 $1.000000000e+00, v44;
	v6 =	vsub.f32 v25, v3;
	v25 =	vld [tilespmem:s14+$0x0];
	vm0 =	vlt.f32 v4, $0.0e+00;
	[tilespmem:$0x1FAE0] =	vst v7  }
0x526: {  	v7 =	vsub.f32 v27, v2;
	v9 =	vsel vm0, $0xFFFFFFFF, v9;
	v27 =	vld [tilespmem:s14+$0x10];
	[tilespmem:s12+$0x0] =	vst v15;
	vm0 =	vlt.f32 v5, $0.0e+00  }
0x527: {  	[tilespmem:$0x1FB00] =	vst v9;
	v11 =	vadd.f32 $1.000000000e+00, v6;
	v9 =	vsub.f32 v14, v1;
	v12 =	vsel vm0, $0xFFFFFFFF, v12  }
0x528: {  	v30 =	vld [tilespmem:s14+$0x20];
	[tilespmem:s12+$0x10] =	vst v16;
	vm0 =	vlt.f32 v6, $0.0e+00;
	v14 =	vimm.s32 $0x0;
	vm8 =	vnez.u8 v50  }
0x529: {  	v16 =	vimm.s32 $0x0;
	[tilespmem:$0x1FB10] =	vst v12;
	v14 =	vsel vm0, $0xFFFFFFFF, v14;
	v45 =	vsel vm8, v52, v29;
	v29 =	vld [tilespmem:$0x1FAD0]  }
0x52a: {  	v12 =	vsub.f32 v18, v3;
	vm0 =	vlt.f32 v7, $0.0e+00;
	[tilespmem:$0x1FB20] =	vst v14;
	v14 =	vsub.f32 v21, v2  }
0x52b: {  	[tilespmem:s12+$0xFFFFFFF0] =	vst v13;
	v13 =	vadd.f32 $1.000000000e+00, v7;
	v15 =	vadd.f32 $1.000000000e+00, v9;
	v16 =	vsel vm0, $0xFFFFFFFF, v16  }
0x52c: {  	[tilespmem:s12+$0x20] =	vst v17;
	vm9 =	vlt.f32 v9, $0.0e+00;
	v17 =	vadd.f32 $1.000000000e+00, v12;
	vm0 =	vlt.f32 v14, $0.0e+00  }
0x52d: {  	[tilespmem:$0x1FB30] =	vst v16;
	v16 =	vsub.f32 v23, v1;
	v18 =	vsub.f32 v25, v3;
	v22 =	vsel vm0, $0xFFFFFFFF, v22  }
0x52e: {  	s13 =	sadd.s32 $0x8, s13;
	vm8 =	vmmov vm9;
	v19 =	vadd.f32 $1.000000000e+00, v14;
	[tilespmem:$0x1FAF0] =	vst v22;
	vm9 =	vnez.u8 v29;
	v29 =	vld [tilespmem:$0x1FAE0]  }
0x52f: {  	p0 =	slt.u32 s13, $0x1F8;
	[tilespmem:s12+$0xA0] =	vst v63;
	vm10 =	vlt.f32 v12, $0.0e+00;
	v20 =	vsub.f32 v27, v2;
	v21 =	vadd.f32 $1.000000000e+00, v16;
	v63 =	vld [tilespmem:$0x1FAF0]  }
.Ltmp9:
0x530: {  	v23 =	vadd.f32 $1.000000000e+00, v18;
	vm11 =	vlt.f32 v16, $0.0e+00;
	vm12 =	vlt.f32 v18, $0.0e+00;
	(pc) =	sbr.rel @p0 .LBB2_20-.Ltmp9, $4  }
0x531: {  	vm0 =	vlt.f32 v31, $0.0e+00;
	v22 =	vsub.f32 v30, v1;
	v25 =	vadd.f32 $1.000000000e+00, v20  }
0x532: {  	vm13 =	vlt.f32 v20, $0.0e+00;
	v30 =	vadd.f32 $1.000000000e+00, v24;
	v32 =	vsel vm9, v48, v32  }
0x533: {  	vm9 =	vmmov vm10;
	v27 =	vadd.f32 $1.000000000e+00, v22;
	vm10 =	vnez.u8 v29  }
0x534: {  	s12 =	smov.u32 s14;
	s14 =	sadd.s32 $0x180, s14;
	vm14 =	vlt.f32 v22, $0.0e+00;
	v29 =	vsel vm10, v49, v53;
	vm10 =	vnez.u8 v63  }
0x535: {  	[tilespmem:s12+$0xFFFFFF50] =	vst v45  }
0x536: {  	v44 =	vsel vm7, v46, v44;
	[tilespmem:s12+$0xFFFFFF60] =	vst v32  }
0x537: {  	[tilespmem:s12+$0xFFFFFF40] =	vst v44  }
0x538: {  	v32 =	vld [tilespmem:$0x1FB00];
	_ =	sdelay $0x4  }
0x539: {  	[tilespmem:s12+$0xFFFFFF70] =	vst v29;
	vm7 =	vnez.u8 v32  }
0x53a: {  	v4 =	vsel vm7, v8, v4;
	v8 =	vld [tilespmem:$0x1FB10]  }
0x53b: {  	[tilespmem:s12+$0xFFFFFF80] =	vst v4  }
0x53c: {  	v4 =	vld [tilespmem:$0x1FB20];
	_ =	sdelay $0x2  }
0x53d: {  	vm7 =	vnez.u8 v8  }
0x53e: {  	v5 =	vsel vm7, v10, v5  }
0x53f: {  	vm7 =	vnez.u8 v4;
	[tilespmem:s12+$0xFFFFFF90] =	vst v5  }
0x540: {  	v4 =	vsel vm7, v11, v6;
	v5 =	vld [tilespmem:$0x1FB30]  }
0x541: {  	[tilespmem:s12+$0xFFFFFFA0] =	vst v4;
	v4 =	vsel vm8, v15, v9  }
0x542: {  	[tilespmem:s12+$0xFFFFFFC0] =	vst v4;
	v4 =	vsel vm10, v19, v14  }
0x543: {  	[tilespmem:s12+$0xFFFFFFE0] =	vst v4;
	v4 =	vsel vm12, v23, v18  }
0x544: {  	[tilespmem:s12+$0x0] =	vst v4;
	v4 =	vsel vm14, v27, v22  }
0x545: {  	vm7 =	vnez.u8 v5;
	[tilespmem:s12+$0x20] =	vst v4;
	v4 =	vsel vm2, v35, v26  }
0x546: {  	v5 =	vsel vm7, v13, v7;
	[tilespmem:s12+$0x40] =	vst v4  }
0x547: {  	v4 =	vsel vm0, v39, v31;
	[tilespmem:s12+$0xFFFFFFB0] =	vst v5  }
0x548: {  	v5 =	vsel vm9, v17, v12;
	[tilespmem:s12+$0x60] =	vst v4  }
0x549: {  	v4 =	vsel vm4, v40, v34;
	[tilespmem:s12+$0xFFFFFFD0] =	vst v5  }
0x54a: {  	v5 =	vsel vm11, v21, v16;
	[tilespmem:s12+$0x80] =	vst v4  }
0x54b: {  	v4 =	vsel vm5, v42, v37;
	[tilespmem:s12+$0xFFFFFFF0] =	vst v5  }
0x54c: {  	v5 =	vsel vm13, v25, v20;
	[tilespmem:s12+$0xA0] =	vst v4  }
0x54d: {  	[tilespmem:s12+$0x10] =	vst v5;
	v5 =	vsel vm15, v30, v24  }
0x54e: {  	[tilespmem:s12+$0x30] =	vst v5;
	v5 =	vsel vm1, v38, v28  }
0x54f: {  	[tilespmem:s12+$0x50] =	vst v5;
	v5 =	vsel vm3, v41, v33  }
0x550: {  	[tilespmem:s12+$0x70] =	vst v5;
	v5 =	vsel vm6, v43, v36  }
0x551: {  	[tilespmem:s12+$0x90] =	vst v5  }
0x552: {  	s12 =	rddreg [dreg:$0x14]  }
0x553: {  	[hbm4b:s12+s2] =	stream.linear.scatter [tilespmem:s10], [sflag:$0x1], $0x6000, $0x38;
	[tilespmem:$0xC100] =	vst v63  }
0x554: {  	_ =	swait.ge [sflag:s8], $0x6000  }
0x555: {  	[sflag:s8] =	ssyncset.done $0x0  }
0x556: {  	s26 =	rddreg [dreg:$0x15];
	[sflag:s8] =	ssyncadd.s32 $0xFFFFA000  }
0x557: {  	[tilespmem:s9], [sflag:$0x1] =	stream.linear.gather [hbm4b:s26+s2], $0x6000, $0x38;
	[tilespmem:$0xC100] =	vst v63  }
0x558: {  	_ =	swait.ge [sflag:s8], $0x6000  }
0x559: {  	[sflag:s8] =	ssyncset.done $0x0  }
0x55a: {  	s12 =	simm.s32 $0x1C0;
	[sflag:s8] =	ssyncadd.s32 $0xFFFFA000  }
0x55b: {  	v4 =	vld [tilespmem:s12+$0xB0]  }
0x55c: {  	v5 =	vld [tilespmem:s12+$0xFFFFFF50]  }
0x55d: {  	v6 =	vld [tilespmem:s12+$0xFFFFFF60]  }
0x55e: {  	v7 =	vld [tilespmem:s12+$0xFFFFFF70]  }
0x55f: {  	v8 =	vld [tilespmem:s12+$0xFFFFFF80]  }
0x560: {  	v9 =	vld [tilespmem:s12+$0xFFFFFF90]  }
0x561: {  	v11 =	vld [tilespmem:s12+$0xFFFFFFA0]  }
0x562: {  	v12 =	vld [tilespmem:s12+$0xFFFFFFB0];
	v10 =	vsub.f32 v4, v1  }
0x563: {  	v29 =	vsub.f32 v5, v2  }
0x564: {  	v54 =	vsub.f32 v6, v1;
	v5 =	vadd.f32 $1.000000000e+00, v10  }
0x565: {  	v14 =	vld [tilespmem:s12+$0xFFFFFFD0];
	v56 =	vsub.f32 v7, v3;
	v4 =	vsub.f32 v8, v2;
	vm0 =	vlt.f32 v10, $0.0e+00  }
0x566: {  	v13 =	vld [tilespmem:s12+$0xFFFFFFC0];
	v6 =	vsub.f32 v11, v3;
	v24 =	vsel vm0, v5, v10;
	v5 =	vsub.f32 v9, v1  }
0x567: {  	v16 =	vld [tilespmem:s12+$0xFFFFFFE0];
	v7 =	vsub.f32 v12, v2;
	vm2 =	vlt.f32 v4, $0.0e+00;
	v9 =	vimm.s32 $0x0  }
0x568: {  	v18 =	vld [tilespmem:s12+$0xFFFFFFF0];
	v12 =	vimm.s32 $0x0;
	v9 =	vsel vm2, $0xFFFFFFFF, v9;
	vm2 =	vlt.f32 v5, $0.0e+00  }
0x569: {  	v20 =	vld [tilespmem:s12+$0x0];
	[tilespmem:$0x1FA80] =	vst v9;
	v12 =	vsel vm2, $0xFFFFFFFF, v12  }
0x56a: {  	v22 =	vld [tilespmem:s12+$0x10];
	vm2 =	vlt.f32 v6, $0.0e+00;
	[tilespmem:$0x1FA90] =	vst v12;
	v12 =	vsub.f32 v14, v3;
	v14 =	vimm.s32 $0x0  }
0x56b: {  	v14 =	vsel vm2, $0xFFFFFFFF, v14  }
0x56c: {  	v25 =	vld [tilespmem:s12+$0x20];
	vm2 =	vlt.f32 v7, $0.0e+00;
	[tilespmem:$0x1FAA0] =	vst v14;
	v14 =	vsub.f32 v16, v2;
	v16 =	vimm.s32 $0x0  }
0x56d: {  	v55 =	vadd.f32 $1.000000000e+00, v29;
	v57 =	vadd.f32 $1.000000000e+00, v54;
	v16 =	vsel vm2, $0xFFFFFFFF, v16  }
0x56e: {  	vm1 =	vlt.f32 v29, $0.0e+00;
	v58 =	vadd.f32 $1.000000000e+00, v56;
	v8 =	vadd.f32 $1.000000000e+00, v4;
	v26 =	vld [tilespmem:s12+$0x30];
	[tilespmem:$0x1FAB0] =	vst v16  }
0x56f: {  	vm3 =	vlt.f32 v56, $0.0e+00;
	v11 =	vadd.f32 $1.000000000e+00, v6;
	v9 =	vsub.f32 v13, v1;
	v28 =	vld [tilespmem:s12+$0x40]  }
0x570: {  	vm0 =	vlt.f32 v54, $0.0e+00;
	v10 =	vadd.f32 $1.000000000e+00, v5;
	v13 =	vadd.f32 $1.000000000e+00, v7;
	v31 =	vld [tilespmem:s12+$0x50]  }
0x571: {  	v45 =	vsel vm1, v55, v29;
	v15 =	vadd.f32 $1.000000000e+00, v9;
	v17 =	vadd.f32 $1.000000000e+00, v12;
	v59 =	vld [tilespmem:s12+$0x60]  }
0x572: {  	v29 =	vsel vm3, v58, v56;
	v16 =	vsub.f32 v18, v1;
	v19 =	vadd.f32 $1.000000000e+00, v14;
	v60 =	vld [tilespmem:s12+$0x70]  }
0x573: {  	v32 =	vsel vm0, v57, v54;
	v18 =	vsub.f32 v20, v3;
	v20 =	vsub.f32 v22, v2;
	v61 =	vld [tilespmem:s12+$0x80]  }
0x574: {  	vm8 =	vlt.f32 v9, $0.0e+00;
	v62 =	vld [tilespmem:s12+$0x90];
	v21 =	vadd.f32 $1.000000000e+00, v16;
	v22 =	vsub.f32 v25, v1  }
0x575: {  	vm9 =	vlt.f32 v12, $0.0e+00;
	[tilespmem:s12+$0xB0] =	vst v24;
	v63 =	vld [tilespmem:s12+$0xA0];
	v23 =	vadd.f32 $1.000000000e+00, v18;
	v24 =	vsub.f32 v26, v3  }
0x576: {  	vm10 =	vlt.f32 v14, $0.0e+00;
	v47 =	vld [tilespmem:s12+$0xFFFFFF40];
	v25 =	vadd.f32 $1.000000000e+00, v20;
	v27 =	vadd.f32 $1.000000000e+00, v22  }
0x577: {  	vm11 =	vlt.f32 v16, $0.0e+00;
	v26 =	vsub.f32 v28, v2;
	v30 =	vadd.f32 $1.000000000e+00, v24  }
0x578: {  	vm12 =	vlt.f32 v18, $0.0e+00;
	v28 =	vsub.f32 v31, v1;
	v31 =	vsub.f32 v59, v3  }
0x579: {  	vm13 =	vlt.f32 v20, $0.0e+00;
	v33 =	vsub.f32 v60, v2;
	v34 =	vsub.f32 v61, v1  }
0x57a: {  	vm14 =	vlt.f32 v22, $0.0e+00;
	v36 =	vsub.f32 v62, v3;
	v37 =	vsub.f32 v63, v2  }
0x57b: {  	vm15 =	vlt.f32 v24, $0.0e+00;
	v44 =	vsub.f32 v47, v3;
	v35 =	vadd.f32 $1.000000000e+00, v26  }
0x57c: {  	v38 =	vadd.f32 $1.000000000e+00, v28;
	vm2 =	vlt.f32 v26, $0.0e+00;
	v39 =	vadd.f32 $1.000000000e+00, v31  }
0x57d: {  	vm1 =	vlt.f32 v28, $0.0e+00;
	v41 =	vadd.f32 $1.000000000e+00, v33;
	v40 =	vadd.f32 $1.000000000e+00, v34  }
0x57e: {  	vm0 =	vlt.f32 v31, $0.0e+00;
	vm3 =	vlt.f32 v33, $0.0e+00;
	v43 =	vadd.f32 $1.000000000e+00, v36  }
0x57f: {  	v42 =	vadd.f32 $1.000000000e+00, v37;
	v46 =	vadd.f32 $1.000000000e+00, v44;
	vm4 =	vlt.f32 v34, $0.0e+00  }
0x580: {  	s13 =	simm.s32 $0x0;
	s14 =	simm.s32 $0x340;
	vm6 =	vlt.f32 v36, $0.0e+00;
	vm7 =	vlt.f32 v44, $0.0e+00;
	vm5 =	vlt.f32 v37, $0.0e+00  }
.LBB2_22:
0x581: {  	v62 =	vld [tilespmem:$0x1FA80];
	_ =	sdelay $0x4  }
0x582: {  	v44 =	vsel vm7, v46, v44;
	vm7 =	vnez.u8 v62  }
0x583: {  	v4 =	vsel vm7, v8, v4;
	v8 =	vld [tilespmem:$0x1FA90];
	_ =	sdelay $0x3  }
0x584: {  	v47 =	vld [tilespmem:s14+$0xB0]  }
0x585: {  	v61 =	vld [tilespmem:s14+$0xA0];
	vm7 =	vnez.u8 v8  }
0x586: {  	v5 =	vsel vm7, v10, v5;
	v10 =	vld [tilespmem:$0x1FAA0]  }
0x587: {  	v54 =	vld [tilespmem:s14+$0x30]  }
0x588: {  	v55 =	vld [tilespmem:s14+$0x40]  }
0x589: {  	[tilespmem:s12+$0xFFFFFF50] =	vst v45;
	v60 =	vld [tilespmem:s14+$0x90]  }
0x58a: {  	v9 =	vsel vm8, v15, v9;
	v63 =	vsel vm5, v42, v37;
	v37 =	vsub.f32 v61, v2;
	v8 =	vld [tilespmem:s14+$0xFFFFFF50]  }
0x58b: {  	v57 =	vld [tilespmem:s14+$0x60];
	v15 =	vsel vm12, v23, v18;
	v23 =	vsub.f32 v47, v1;
	vm7 =	vnez.u8 v10  }
0x58c: {  	v42 =	vadd.f32 $1.000000000e+00, v37;
	vm5 =	vlt.f32 v37, $0.0e+00;
	[tilespmem:s12+$0xFFFFFF40] =	vst v44;
	v10 =	vld [tilespmem:$0x1FAB0];
	v6 =	vsel vm7, v11, v6  }
0x58d: {  	v11 =	vsel vm9, v17, v12;
	v12 =	vsel vm10, v19, v14;
	v14 =	vld [tilespmem:s14+$0xFFFFFF70];
	[tilespmem:s12+$0xFFFFFF70] =	vst v29;
	v17 =	vsel vm14, v27, v22  }
0x58e: {  	v19 =	vsel vm15, v30, v24;
	v22 =	vsel vm1, v38, v28;
	v24 =	vsel vm0, v39, v31;
	v18 =	vld [tilespmem:s14+$0xFFFFFF80];
	[tilespmem:s12+$0xFFFFFF80] =	vst v4  }
0x58f: {  	v58 =	vld [tilespmem:s14+$0x70];
	v29 =	vsub.f32 v8, v2;
	v31 =	vsel vm6, v43, v36;
	v36 =	vsub.f32 v60, v3;
	[tilespmem:s12+$0x30] =	vst v19  }
0x590: {  	v28 =	vsel vm4, v40, v34;
	vm0 =	vlt.f32 v23, $0.0e+00;
	[tilespmem:s12+$0x60] =	vst v24;
	v24 =	vsub.f32 v54, v3;
	v56 =	vld [tilespmem:s14+$0x50]  }
0x591: {  	v52 =	vadd.f32 $1.000000000e+00, v29;
	[tilespmem:s12+$0x50] =	vst v22;
	v22 =	vimm.s32 $0x0;
	v59 =	vld [tilespmem:s14+$0x80];
	v43 =	vadd.f32 $1.000000000e+00, v36  }
0x592: {  	vm6 =	vlt.f32 v36, $0.0e+00;
	vm15 =	vlt.f32 v24, $0.0e+00;
	vm7 =	vnez.u8 v10;
	v10 =	vld [tilespmem:s14+$0xFFFFFF60];
	[tilespmem:s12+$0xFFFFFF60] =	vst v32  }
0x593: {  	v7 =	vsel vm7, v13, v7;
	v13 =	vsel vm11, v21, v16;
	v16 =	vsel vm13, v25, v20;
	v21 =	vld [tilespmem:s14+$0xFFFFFF90];
	[tilespmem:s12+$0xFFFFFF90] =	vst v5  }
0x594: {  	v20 =	vsel vm2, v35, v26;
	v25 =	vld [tilespmem:s14+$0xFFFFFFA0];
	[tilespmem:s12+$0xFFFFFFA0] =	vst v6;
	v5 =	vadd.f32 $1.000000000e+00, v23;
	v53 =	vsub.f32 v14, v3  }
0x595: {  	v26 =	vsel vm3, v41, v33;
	v33 =	vsub.f32 v58, v2;
	v27 =	vld [tilespmem:s14+$0xFFFFFFB0];
	[tilespmem:s12+$0xFFFFFFB0] =	vst v7;
	v4 =	vsub.f32 v18, v2  }
0x596: {  	v7 =	vimm.s32 $0x0;
	[tilespmem:s12+$0x70] =	vst v26;
	v26 =	vsub.f32 v55, v2;
	v6 =	vsel vm0, v5, v23  }
0x597: {  	[tilespmem:s12+$0x80] =	vst v28;
	v62 =	vld [tilespmem:s14+$0xFFFFFF40];
	vm0 =	vlt.f32 v29, $0.0e+00;
	v5 =	vimm.s32 $0x0;
	v49 =	vadd.f32 $1.000000000e+00, v53  }
0x598: {  	v14 =	vld [tilespmem:s14+$0xFFFFFFC0];
	[tilespmem:s12+$0xFFFFFFC0] =	vst v9;
	v9 =	vimm.s32 $0x0;
	v28 =	vsub.f32 v56, v1;
	v34 =	vsub.f32 v59, v1  }
0x599: {  	v18 =	vld [tilespmem:s14+$0xFFFFFFD0];
	[tilespmem:s12+$0xFFFFFFD0] =	vst v11;
	v41 =	vadd.f32 $1.000000000e+00, v33;
	vm3 =	vlt.f32 v33, $0.0e+00;
	v5 =	vsel vm0, $0xFFFFFFFF, v5  }
0x59a: {  	[tilespmem:s14+$0xB0] =	vst v6;
	v6 =	vimm.s32 $0x0;
	v8 =	vadd.f32 $1.000000000e+00, v4;
	v35 =	vadd.f32 $1.000000000e+00, v26  }
0x59b: {  	vm2 =	vlt.f32 v26, $0.0e+00;
	v32 =	vsub.f32 v10, v1;
	[tilespmem:s12+$0x90] =	vst v31;
	v31 =	vsub.f32 v57, v3  }
0x59c: {  	v23 =	vld [tilespmem:s14+$0xFFFFFFF0];
	[tilespmem:$0x1FA40] =	vst v5;
	v38 =	vadd.f32 $1.000000000e+00, v28;
	vm1 =	vlt.f32 v28, $0.0e+00;
	v40 =	vadd.f32 $1.000000000e+00, v34  }
0x59d: {  	vm4 =	vlt.f32 v34, $0.0e+00;
	v5 =	vsub.f32 v21, v1;
	v21 =	vld [tilespmem:s14+$0xFFFFFFE0];
	[tilespmem:s12+$0xFFFFFFE0] =	vst v12;
	v12 =	vimm.s32 $0x0  }
0x59e: {  	v44 =	vsub.f32 v62, v3;
	v48 =	vadd.f32 $1.000000000e+00, v32;
	vm0 =	vlt.f32 v32, $0.0e+00  }
0x59f: {  	[tilespmem:s12+$0x40] =	vst v20;
	v50 =	vld [tilespmem:$0x1FA40];
	v39 =	vadd.f32 $1.000000000e+00, v31;
	v6 =	vsel vm0, $0xFFFFFFFF, v6;
	vm0 =	vlt.f32 v53, $0.0e+00  }
0x5a0: {  	v10 =	vadd.f32 $1.000000000e+00, v5;
	vm7 =	vlt.f32 v44, $0.0e+00;
	[tilespmem:$0x1FA50] =	vst v6;
	v7 =	vsel vm0, $0xFFFFFFFF, v7  }
0x5a1: {  	v46 =	vadd.f32 $1.000000000e+00, v44;
	v6 =	vsub.f32 v25, v3;
	v25 =	vld [tilespmem:s14+$0x0];
	vm0 =	vlt.f32 v4, $0.0e+00;
	[tilespmem:$0x1FA60] =	vst v7  }
0x5a2: {  	v7 =	vsub.f32 v27, v2;
	v9 =	vsel vm0, $0xFFFFFFFF, v9;
	v27 =	vld [tilespmem:s14+$0x10];
	[tilespmem:s12+$0x0] =	vst v15;
	vm0 =	vlt.f32 v5, $0.0e+00  }
0x5a3: {  	[tilespmem:$0x1FA80] =	vst v9;
	v11 =	vadd.f32 $1.000000000e+00, v6;
	v9 =	vsub.f32 v14, v1;
	v12 =	vsel vm0, $0xFFFFFFFF, v12  }
0x5a4: {  	v30 =	vld [tilespmem:s14+$0x20];
	[tilespmem:s12+$0x10] =	vst v16;
	vm0 =	vlt.f32 v6, $0.0e+00;
	v14 =	vimm.s32 $0x0;
	vm8 =	vnez.u8 v50  }
0x5a5: {  	v16 =	vimm.s32 $0x0;
	[tilespmem:$0x1FA90] =	vst v12;
	v14 =	vsel vm0, $0xFFFFFFFF, v14;
	v45 =	vsel vm8, v52, v29;
	v29 =	vld [tilespmem:$0x1FA50]  }
0x5a6: {  	v12 =	vsub.f32 v18, v3;
	vm0 =	vlt.f32 v7, $0.0e+00;
	[tilespmem:$0x1FAA0] =	vst v14;
	v14 =	vsub.f32 v21, v2  }
0x5a7: {  	[tilespmem:s12+$0xFFFFFFF0] =	vst v13;
	v13 =	vadd.f32 $1.000000000e+00, v7;
	v15 =	vadd.f32 $1.000000000e+00, v9;
	v16 =	vsel vm0, $0xFFFFFFFF, v16  }
0x5a8: {  	[tilespmem:s12+$0x20] =	vst v17;
	vm9 =	vlt.f32 v9, $0.0e+00;
	v17 =	vadd.f32 $1.000000000e+00, v12;
	vm0 =	vlt.f32 v14, $0.0e+00  }
0x5a9: {  	[tilespmem:$0x1FAB0] =	vst v16;
	v16 =	vsub.f32 v23, v1;
	v18 =	vsub.f32 v25, v3;
	v22 =	vsel vm0, $0xFFFFFFFF, v22  }
0x5aa: {  	s13 =	sadd.s32 $0x8, s13;
	vm8 =	vmmov vm9;
	v19 =	vadd.f32 $1.000000000e+00, v14;
	[tilespmem:$0x1FA70] =	vst v22;
	vm9 =	vnez.u8 v29;
	v29 =	vld [tilespmem:$0x1FA60]  }
0x5ab: {  	p0 =	slt.u32 s13, $0x1F8;
	[tilespmem:s12+$0xA0] =	vst v63;
	vm10 =	vlt.f32 v12, $0.0e+00;
	v20 =	vsub.f32 v27, v2;
	v21 =	vadd.f32 $1.000000000e+00, v16;
	v63 =	vld [tilespmem:$0x1FA70]  }
.Ltmp10:
0x5ac: {  	v23 =	vadd.f32 $1.000000000e+00, v18;
	vm11 =	vlt.f32 v16, $0.0e+00;
	vm12 =	vlt.f32 v18, $0.0e+00;
	(pc) =	sbr.rel @p0 .LBB2_22-.Ltmp10, $4  }
0x5ad: {  	vm0 =	vlt.f32 v31, $0.0e+00;
	v22 =	vsub.f32 v30, v1;
	v25 =	vadd.f32 $1.000000000e+00, v20  }
0x5ae: {  	vm13 =	vlt.f32 v20, $0.0e+00;
	v30 =	vadd.f32 $1.000000000e+00, v24;
	v32 =	vsel vm9, v48, v32  }
0x5af: {  	vm9 =	vmmov vm10;
	v27 =	vadd.f32 $1.000000000e+00, v22;
	vm10 =	vnez.u8 v29  }
0x5b0: {  	s12 =	smov.u32 s14;
	s14 =	sadd.s32 $0x180, s14;
	vm14 =	vlt.f32 v22, $0.0e+00;
	v29 =	vsel vm10, v49, v53;
	vm10 =	vnez.u8 v63  }
0x5b1: {  	[tilespmem:s12+$0xFFFFFF50] =	vst v45  }
0x5b2: {  	v44 =	vsel vm7, v46, v44;
	[tilespmem:s12+$0xFFFFFF60] =	vst v32  }
0x5b3: {  	[tilespmem:s12+$0xFFFFFF40] =	vst v44  }
0x5b4: {  	v32 =	vld [tilespmem:$0x1FA80];
	_ =	sdelay $0x4  }
0x5b5: {  	[tilespmem:s12+$0xFFFFFF70] =	vst v29;
	vm7 =	vnez.u8 v32  }
0x5b6: {  	v4 =	vsel vm7, v8, v4;
	v8 =	vld [tilespmem:$0x1FA90]  }
0x5b7: {  	[tilespmem:s12+$0xFFFFFF80] =	vst v4  }
0x5b8: {  	v4 =	vld [tilespmem:$0x1FAA0];
	_ =	sdelay $0x2  }
0x5b9: {  	vm7 =	vnez.u8 v8  }
0x5ba: {  	v5 =	vsel vm7, v10, v5  }
0x5bb: {  	vm7 =	vnez.u8 v4;
	[tilespmem:s12+$0xFFFFFF90] =	vst v5  }
0x5bc: {  	v4 =	vsel vm7, v11, v6;
	v5 =	vld [tilespmem:$0x1FAB0]  }
0x5bd: {  	[tilespmem:s12+$0xFFFFFFA0] =	vst v4;
	v4 =	vsel vm8, v15, v9  }
0x5be: {  	[tilespmem:s12+$0xFFFFFFC0] =	vst v4;
	v4 =	vsel vm10, v19, v14  }
0x5bf: {  	[tilespmem:s12+$0xFFFFFFE0] =	vst v4;
	v4 =	vsel vm12, v23, v18  }
0x5c0: {  	[tilespmem:s12+$0x0] =	vst v4;
	v4 =	vsel vm14, v27, v22  }
0x5c1: {  	vm7 =	vnez.u8 v5;
	[tilespmem:s12+$0x20] =	vst v4;
	v4 =	vsel vm2, v35, v26  }
0x5c2: {  	v5 =	vsel vm7, v13, v7;
	[tilespmem:s12+$0x40] =	vst v4  }
0x5c3: {  	v4 =	vsel vm0, v39, v31;
	[tilespmem:s12+$0xFFFFFFB0] =	vst v5  }
0x5c4: {  	v5 =	vsel vm9, v17, v12;
	[tilespmem:s12+$0x60] =	vst v4  }
0x5c5: {  	v4 =	vsel vm4, v40, v34;
	[tilespmem:s12+$0xFFFFFFD0] =	vst v5  }
0x5c6: {  	v5 =	vsel vm11, v21, v16;
	[tilespmem:s12+$0x80] =	vst v4  }
0x5c7: {  	v4 =	vsel vm5, v42, v37;
	[tilespmem:s12+$0xFFFFFFF0] =	vst v5  }
0x5c8: {  	v5 =	vsel vm13, v25, v20;
	[tilespmem:s12+$0xA0] =	vst v4  }
0x5c9: {  	[tilespmem:s12+$0x10] =	vst v5;
	v5 =	vsel vm15, v30, v24  }
0x5ca: {  	[tilespmem:s12+$0x30] =	vst v5;
	v5 =	vsel vm1, v38, v28  }
0x5cb: {  	[tilespmem:s12+$0x50] =	vst v5;
	v5 =	vsel vm3, v41, v33  }
0x5cc: {  	[tilespmem:s12+$0x70] =	vst v5;
	v5 =	vsel vm6, v43, v36  }
0x5cd: {  	[tilespmem:s12+$0x90] =	vst v5  }
0x5ce: {  	s12 =	rddreg [dreg:$0x16]  }
0x5cf: {  	[hbm4b:s12+s2] =	stream.linear.scatter [tilespmem:s9], [sflag:$0x1], $0x6000, $0x38;
	[tilespmem:$0xC100] =	vst v63  }
0x5d0: {  	_ =	swait.ge [sflag:s8], $0x6000  }
0x5d1: {  	[sflag:s8] =	ssyncset.done $0x0  }
0x5d2: {  	s26 =	rddreg [dreg:$0x17];
	[sflag:s8] =	ssyncadd.s32 $0xFFFFA000  }
0x5d3: {  	[tilespmem:s10], [sflag:$0x1] =	stream.linear.gather [hbm4b:s26+s2], $0x6000, $0x38;
	[tilespmem:$0xC100] =	vst v63  }
0x5d4: {  	_ =	swait.ge [sflag:s8], $0x6000  }
0x5d5: {  	[sflag:s8] =	ssyncset.done $0x0  }
0x5d6: {  	s12 =	simm.s32 $0x61C0;
	[sflag:s8] =	ssyncadd.s32 $0xFFFFA000  }
0x5d7: {  	v4 =	vld [tilespmem:s12+$0xB0]  }
0x5d8: {  	v5 =	vld [tilespmem:s12+$0xFFFFFF50]  }
0x5d9: {  	v6 =	vld [tilespmem:s12+$0xFFFFFF60]  }
0x5da: {  	v7 =	vld [tilespmem:s12+$0xFFFFFF70]  }
0x5db: {  	v8 =	vld [tilespmem:s12+$0xFFFFFF80]  }
0x5dc: {  	v9 =	vld [tilespmem:s12+$0xFFFFFF90]  }
0x5dd: {  	v11 =	vld [tilespmem:s12+$0xFFFFFFA0]  }
0x5de: {  	v12 =	vld [tilespmem:s12+$0xFFFFFFB0];
	v10 =	vsub.f32 v4, v1  }
0x5df: {  	v29 =	vsub.f32 v5, v2  }
0x5e0: {  	v54 =	vsub.f32 v6, v1;
	v5 =	vadd.f32 $1.000000000e+00, v10  }
0x5e1: {  	v14 =	vld [tilespmem:s12+$0xFFFFFFD0];
	v56 =	vsub.f32 v7, v3;
	v4 =	vsub.f32 v8, v2;
	vm0 =	vlt.f32 v10, $0.0e+00  }
0x5e2: {  	v13 =	vld [tilespmem:s12+$0xFFFFFFC0];
	v6 =	vsub.f32 v11, v3;
	v24 =	vsel vm0, v5, v10;
	v5 =	vsub.f32 v9, v1  }
0x5e3: {  	v16 =	vld [tilespmem:s12+$0xFFFFFFE0];
	v7 =	vsub.f32 v12, v2;
	vm2 =	vlt.f32 v4, $0.0e+00;
	v9 =	vimm.s32 $0x0  }
0x5e4: {  	v18 =	vld [tilespmem:s12+$0xFFFFFFF0];
	v12 =	vimm.s32 $0x0;
	v9 =	vsel vm2, $0xFFFFFFFF, v9;
	vm2 =	vlt.f32 v5, $0.0e+00  }
0x5e5: {  	v20 =	vld [tilespmem:s12+$0x0];
	[tilespmem:$0x1FA00] =	vst v9;
	v12 =	vsel vm2, $0xFFFFFFFF, v12  }
0x5e6: {  	v22 =	vld [tilespmem:s12+$0x10];
	vm2 =	vlt.f32 v6, $0.0e+00;
	[tilespmem:$0x1FA10] =	vst v12;
	v12 =	vsub.f32 v14, v3;
	v14 =	vimm.s32 $0x0  }
0x5e7: {  	v14 =	vsel vm2, $0xFFFFFFFF, v14  }
0x5e8: {  	v25 =	vld [tilespmem:s12+$0x20];
	vm2 =	vlt.f32 v7, $0.0e+00;
	[tilespmem:$0x1FA20] =	vst v14;
	v14 =	vsub.f32 v16, v2;
	v16 =	vimm.s32 $0x0  }
0x5e9: {  	v55 =	vadd.f32 $1.000000000e+00, v29;
	v57 =	vadd.f32 $1.000000000e+00, v54;
	v16 =	vsel vm2, $0xFFFFFFFF, v16  }
0x5ea: {  	vm1 =	vlt.f32 v29, $0.0e+00;
	v58 =	vadd.f32 $1.000000000e+00, v56;
	v8 =	vadd.f32 $1.000000000e+00, v4;
	v26 =	vld [tilespmem:s12+$0x30];
	[tilespmem:$0x1FA30] =	vst v16  }
0x5eb: {  	vm3 =	vlt.f32 v56, $0.0e+00;
	v11 =	vadd.f32 $1.000000000e+00, v6;
	v9 =	vsub.f32 v13, v1;
	v28 =	vld [tilespmem:s12+$0x40]  }
0x5ec: {  	vm0 =	vlt.f32 v54, $0.0e+00;
	v10 =	vadd.f32 $1.000000000e+00, v5;
	v13 =	vadd.f32 $1.000000000e+00, v7;
	v31 =	vld [tilespmem:s12+$0x50]  }
0x5ed: {  	v45 =	vsel vm1, v55, v29;
	v15 =	vadd.f32 $1.000000000e+00, v9;
	v17 =	vadd.f32 $1.000000000e+00, v12;
	v59 =	vld [tilespmem:s12+$0x60]  }
0x5ee: {  	v29 =	vsel vm3, v58, v56;
	v16 =	vsub.f32 v18, v1;
	v19 =	vadd.f32 $1.000000000e+00, v14;
	v60 =	vld [tilespmem:s12+$0x70]  }
0x5ef: {  	v32 =	vsel vm0, v57, v54;
	v18 =	vsub.f32 v20, v3;
	v20 =	vsub.f32 v22, v2;
	v61 =	vld [tilespmem:s12+$0x80]  }
0x5f0: {  	vm8 =	vlt.f32 v9, $0.0e+00;
	v62 =	vld [tilespmem:s12+$0x90];
	v21 =	vadd.f32 $1.000000000e+00, v16;
	v22 =	vsub.f32 v25, v1  }
0x5f1: {  	vm9 =	vlt.f32 v12, $0.0e+00;
	[tilespmem:s12+$0xB0] =	vst v24;
	v63 =	vld [tilespmem:s12+$0xA0];
	v23 =	vadd.f32 $1.000000000e+00, v18;
	v24 =	vsub.f32 v26, v3  }
0x5f2: {  	vm10 =	vlt.f32 v14, $0.0e+00;
	v47 =	vld [tilespmem:s12+$0xFFFFFF40];
	v25 =	vadd.f32 $1.000000000e+00, v20;
	v27 =	vadd.f32 $1.000000000e+00, v22  }
0x5f3: {  	vm11 =	vlt.f32 v16, $0.0e+00;
	v26 =	vsub.f32 v28, v2;
	v30 =	vadd.f32 $1.000000000e+00, v24  }
0x5f4: {  	vm12 =	vlt.f32 v18, $0.0e+00;
	v28 =	vsub.f32 v31, v1;
	v31 =	vsub.f32 v59, v3  }
0x5f5: {  	vm13 =	vlt.f32 v20, $0.0e+00;
	v33 =	vsub.f32 v60, v2;
	v34 =	vsub.f32 v61, v1  }
0x5f6: {  	vm14 =	vlt.f32 v22, $0.0e+00;
	v36 =	vsub.f32 v62, v3;
	v37 =	vsub.f32 v63, v2  }
0x5f7: {  	vm15 =	vlt.f32 v24, $0.0e+00;
	v44 =	vsub.f32 v47, v3;
	v35 =	vadd.f32 $1.000000000e+00, v26  }
0x5f8: {  	v38 =	vadd.f32 $1.000000000e+00, v28;
	vm2 =	vlt.f32 v26, $0.0e+00;
	v39 =	vadd.f32 $1.000000000e+00, v31  }
0x5f9: {  	vm1 =	vlt.f32 v28, $0.0e+00;
	v41 =	vadd.f32 $1.000000000e+00, v33;
	v40 =	vadd.f32 $1.000000000e+00, v34  }
0x5fa: {  	vm0 =	vlt.f32 v31, $0.0e+00;
	vm3 =	vlt.f32 v33, $0.0e+00;
	v43 =	vadd.f32 $1.000000000e+00, v36  }
0x5fb: {  	v42 =	vadd.f32 $1.000000000e+00, v37;
	v46 =	vadd.f32 $1.000000000e+00, v44;
	vm4 =	vlt.f32 v34, $0.0e+00  }
0x5fc: {  	s13 =	simm.s32 $0x0;
	s14 =	simm.s32 $0x6340;
	vm6 =	vlt.f32 v36, $0.0e+00;
	vm7 =	vlt.f32 v44, $0.0e+00;
	vm5 =	vlt.f32 v37, $0.0e+00  }
.LBB2_24:
0x5fd: {  	v62 =	vld [tilespmem:$0x1FA00];
	_ =	sdelay $0x4  }
0x5fe: {  	v44 =	vsel vm7, v46, v44;
	vm7 =	vnez.u8 v62  }
0x5ff: {  	v4 =	vsel vm7, v8, v4;
	v8 =	vld [tilespmem:$0x1FA10];
	_ =	sdelay $0x3  }
0x600: {  	v47 =	vld [tilespmem:s14+$0xB0]  }
0x601: {  	v61 =	vld [tilespmem:s14+$0xA0];
	vm7 =	vnez.u8 v8  }
0x602: {  	v5 =	vsel vm7, v10, v5;
	v10 =	vld [tilespmem:$0x1FA20]  }
0x603: {  	v54 =	vld [tilespmem:s14+$0x30]  }
0x604: {  	v55 =	vld [tilespmem:s14+$0x40]  }
0x605: {  	[tilespmem:s12+$0xFFFFFF50] =	vst v45;
	v60 =	vld [tilespmem:s14+$0x90]  }
0x606: {  	v9 =	vsel vm8, v15, v9;
	v63 =	vsel vm5, v42, v37;
	v37 =	vsub.f32 v61, v2;
	v8 =	vld [tilespmem:s14+$0xFFFFFF50]  }
0x607: {  	v57 =	vld [tilespmem:s14+$0x60];
	v15 =	vsel vm12, v23, v18;
	v23 =	vsub.f32 v47, v1;
	vm7 =	vnez.u8 v10  }
0x608: {  	v42 =	vadd.f32 $1.000000000e+00, v37;
	vm5 =	vlt.f32 v37, $0.0e+00;
	[tilespmem:s12+$0xFFFFFF40] =	vst v44;
	v10 =	vld [tilespmem:$0x1FA30];
	v6 =	vsel vm7, v11, v6  }
0x609: {  	v11 =	vsel vm9, v17, v12;
	v12 =	vsel vm10, v19, v14;
	v14 =	vld [tilespmem:s14+$0xFFFFFF70];
	[tilespmem:s12+$0xFFFFFF70] =	vst v29;
	v17 =	vsel vm14, v27, v22  }
0x60a: {  	v19 =	vsel vm15, v30, v24;
	v22 =	vsel vm1, v38, v28;
	v24 =	vsel vm0, v39, v31;
	v18 =	vld [tilespmem:s14+$0xFFFFFF80];
	[tilespmem:s12+$0xFFFFFF80] =	vst v4  }
0x60b: {  	v58 =	vld [tilespmem:s14+$0x70];
	v29 =	vsub.f32 v8, v2;
	v31 =	vsel vm6, v43, v36;
	v36 =	vsub.f32 v60, v3;
	[tilespmem:s12+$0x30] =	vst v19  }
0x60c: {  	v28 =	vsel vm4, v40, v34;
	vm0 =	vlt.f32 v23, $0.0e+00;
	[tilespmem:s12+$0x60] =	vst v24;
	v24 =	vsub.f32 v54, v3;
	v56 =	vld [tilespmem:s14+$0x50]  }
0x60d: {  	v52 =	vadd.f32 $1.000000000e+00, v29;
	[tilespmem:s12+$0x50] =	vst v22;
	v22 =	vimm.s32 $0x0;
	v59 =	vld [tilespmem:s14+$0x80];
	v43 =	vadd.f32 $1.000000000e+00, v36  }
0x60e: {  	vm6 =	vlt.f32 v36, $0.0e+00;
	vm15 =	vlt.f32 v24, $0.0e+00;
	vm7 =	vnez.u8 v10;
	v10 =	vld [tilespmem:s14+$0xFFFFFF60];
	[tilespmem:s12+$0xFFFFFF60] =	vst v32  }
0x60f: {  	v7 =	vsel vm7, v13, v7;
	v13 =	vsel vm11, v21, v16;
	v16 =	vsel vm13, v25, v20;
	v21 =	vld [tilespmem:s14+$0xFFFFFF90];
	[tilespmem:s12+$0xFFFFFF90] =	vst v5  }
0x610: {  	v20 =	vsel vm2, v35, v26;
	v25 =	vld [tilespmem:s14+$0xFFFFFFA0];
	[tilespmem:s12+$0xFFFFFFA0] =	vst v6;
	v5 =	vadd.f32 $1.000000000e+00, v23;
	v53 =	vsub.f32 v14, v3  }
0x611: {  	v26 =	vsel vm3, v41, v33;
	v33 =	vsub.f32 v58, v2;
	v27 =	vld [tilespmem:s14+$0xFFFFFFB0];
	[tilespmem:s12+$0xFFFFFFB0] =	vst v7;
	v4 =	vsub.f32 v18, v2  }
0x612: {  	v7 =	vimm.s32 $0x0;
	[tilespmem:s12+$0x70] =	vst v26;
	v26 =	vsub.f32 v55, v2;
	v6 =	vsel vm0, v5, v23  }
0x613: {  	[tilespmem:s12+$0x80] =	vst v28;
	v62 =	vld [tilespmem:s14+$0xFFFFFF40];
	vm0 =	vlt.f32 v29, $0.0e+00;
	v5 =	vimm.s32 $0x0;
	v49 =	vadd.f32 $1.000000000e+00, v53  }
0x614: {  	v14 =	vld [tilespmem:s14+$0xFFFFFFC0];
	[tilespmem:s12+$0xFFFFFFC0] =	vst v9;
	v9 =	vimm.s32 $0x0;
	v28 =	vsub.f32 v56, v1;
	v34 =	vsub.f32 v59, v1  }
0x615: {  	v18 =	vld [tilespmem:s14+$0xFFFFFFD0];
	[tilespmem:s12+$0xFFFFFFD0] =	vst v11;
	v41 =	vadd.f32 $1.000000000e+00, v33;
	vm3 =	vlt.f32 v33, $0.0e+00;
	v5 =	vsel vm0, $0xFFFFFFFF, v5  }
0x616: {  	[tilespmem:s14+$0xB0] =	vst v6;
	v6 =	vimm.s32 $0x0;
	v8 =	vadd.f32 $1.000000000e+00, v4;
	v35 =	vadd.f32 $1.000000000e+00, v26  }
0x617: {  	vm2 =	vlt.f32 v26, $0.0e+00;
	v32 =	vsub.f32 v10, v1;
	[tilespmem:s12+$0x90] =	vst v31;
	v31 =	vsub.f32 v57, v3  }
0x618: {  	v23 =	vld [tilespmem:s14+$0xFFFFFFF0];
	[tilespmem:$0x1F9C0] =	vst v5;
	v38 =	vadd.f32 $1.000000000e+00, v28;
	vm1 =	vlt.f32 v28, $0.0e+00;
	v40 =	vadd.f32 $1.000000000e+00, v34  }
0x619: {  	vm4 =	vlt.f32 v34, $0.0e+00;
	v5 =	vsub.f32 v21, v1;
	v21 =	vld [tilespmem:s14+$0xFFFFFFE0];
	[tilespmem:s12+$0xFFFFFFE0] =	vst v12;
	v12 =	vimm.s32 $0x0  }
0x61a: {  	v44 =	vsub.f32 v62, v3;
	v48 =	vadd.f32 $1.000000000e+00, v32;
	vm0 =	vlt.f32 v32, $0.0e+00  }
0x61b: {  	[tilespmem:s12+$0x40] =	vst v20;
	v50 =	vld [tilespmem:$0x1F9C0];
	v39 =	vadd.f32 $1.000000000e+00, v31;
	v6 =	vsel vm0, $0xFFFFFFFF, v6;
	vm0 =	vlt.f32 v53, $0.0e+00  }
0x61c: {  	v10 =	vadd.f32 $1.000000000e+00, v5;
	vm7 =	vlt.f32 v44, $0.0e+00;
	[tilespmem:$0x1F9D0] =	vst v6;
	v7 =	vsel vm0, $0xFFFFFFFF, v7  }
0x61d: {  	v46 =	vadd.f32 $1.000000000e+00, v44;
	v6 =	vsub.f32 v25, v3;
	v25 =	vld [tilespmem:s14+$0x0];
	vm0 =	vlt.f32 v4, $0.0e+00;
	[tilespmem:$0x1F9E0] =	vst v7  }
0x61e: {  	v7 =	vsub.f32 v27, v2;
	v9 =	vsel vm0, $0xFFFFFFFF, v9;
	v27 =	vld [tilespmem:s14+$0x10];
	[tilespmem:s12+$0x0] =	vst v15;
	vm0 =	vlt.f32 v5, $0.0e+00  }
0x61f: {  	[tilespmem:$0x1FA00] =	vst v9;
	v11 =	vadd.f32 $1.000000000e+00, v6;
	v9 =	vsub.f32 v14, v1;
	v12 =	vsel vm0, $0xFFFFFFFF, v12  }
0x620: {  	v30 =	vld [tilespmem:s14+$0x20];
	[tilespmem:s12+$0x10] =	vst v16;
	vm0 =	vlt.f32 v6, $0.0e+00;
	v14 =	vimm.s32 $0x0;
	vm8 =	vnez.u8 v50  }
0x621: {  	v16 =	vimm.s32 $0x0;
	[tilespmem:$0x1FA10] =	vst v12;
	v14 =	vsel vm0, $0xFFFFFFFF, v14;
	v45 =	vsel vm8, v52, v29;
	v29 =	vld [tilespmem:$0x1F9D0]  }
0x622: {  	v12 =	vsub.f32 v18, v3;
	vm0 =	vlt.f32 v7, $0.0e+00;
	[tilespmem:$0x1FA20] =	vst v14;
	v14 =	vsub.f32 v21, v2  }
0x623: {  	[tilespmem:s12+$0xFFFFFFF0] =	vst v13;
	v13 =	vadd.f32 $1.000000000e+00, v7;
	v15 =	vadd.f32 $1.000000000e+00, v9;
	v16 =	vsel vm0, $0xFFFFFFFF, v16  }
0x624: {  	[tilespmem:s12+$0x20] =	vst v17;
	vm9 =	vlt.f32 v9, $0.0e+00;
	v17 =	vadd.f32 $1.000000000e+00, v12;
	vm0 =	vlt.f32 v14, $0.0e+00  }
0x625: {  	[tilespmem:$0x1FA30] =	vst v16;
	v16 =	vsub.f32 v23, v1;
	v18 =	vsub.f32 v25, v3;
	v22 =	vsel vm0, $0xFFFFFFFF, v22  }
0x626: {  	s13 =	sadd.s32 $0x8, s13;
	vm8 =	vmmov vm9;
	v19 =	vadd.f32 $1.000000000e+00, v14;
	[tilespmem:$0x1F9F0] =	vst v22;
	vm9 =	vnez.u8 v29;
	v29 =	vld [tilespmem:$0x1F9E0]  }
0x627: {  	p0 =	slt.u32 s13, $0x1F8;
	[tilespmem:s12+$0xA0] =	vst v63;
	vm10 =	vlt.f32 v12, $0.0e+00;
	v20 =	vsub.f32 v27, v2;
	v21 =	vadd.f32 $1.000000000e+00, v16;
	v63 =	vld [tilespmem:$0x1F9F0]  }
.Ltmp11:
0x628: {  	v23 =	vadd.f32 $1.000000000e+00, v18;
	vm11 =	vlt.f32 v16, $0.0e+00;
	vm12 =	vlt.f32 v18, $0.0e+00;
	(pc) =	sbr.rel @p0 .LBB2_24-.Ltmp11, $4  }
0x629: {  	vm0 =	vlt.f32 v31, $0.0e+00;
	v22 =	vsub.f32 v30, v1;
	v25 =	vadd.f32 $1.000000000e+00, v20  }
0x62a: {  	vm13 =	vlt.f32 v20, $0.0e+00;
	v30 =	vadd.f32 $1.000000000e+00, v24;
	v32 =	vsel vm9, v48, v32  }
0x62b: {  	vm9 =	vmmov vm10;
	v27 =	vadd.f32 $1.000000000e+00, v22;
	vm10 =	vnez.u8 v29  }
0x62c: {  	s12 =	smov.u32 s14;
	s14 =	sadd.s32 $0x180, s14;
	vm14 =	vlt.f32 v22, $0.0e+00;
	v29 =	vsel vm10, v49, v53;
	vm10 =	vnez.u8 v63  }
0x62d: {  	[tilespmem:s12+$0xFFFFFF50] =	vst v45  }
0x62e: {  	v44 =	vsel vm7, v46, v44;
	[tilespmem:s12+$0xFFFFFF60] =	vst v32  }
0x62f: {  	[tilespmem:s12+$0xFFFFFF40] =	vst v44  }
0x630: {  	v32 =	vld [tilespmem:$0x1FA00];
	_ =	sdelay $0x4  }
0x631: {  	[tilespmem:s12+$0xFFFFFF70] =	vst v29;
	vm7 =	vnez.u8 v32  }
0x632: {  	v4 =	vsel vm7, v8, v4;
	v8 =	vld [tilespmem:$0x1FA10]  }
0x633: {  	[tilespmem:s12+$0xFFFFFF80] =	vst v4  }
0x634: {  	v4 =	vld [tilespmem:$0x1FA20];
	_ =	sdelay $0x2  }
0x635: {  	vm7 =	vnez.u8 v8  }
0x636: {  	v5 =	vsel vm7, v10, v5  }
0x637: {  	vm7 =	vnez.u8 v4;
	[tilespmem:s12+$0xFFFFFF90] =	vst v5  }
0x638: {  	v4 =	vsel vm7, v11, v6;
	v5 =	vld [tilespmem:$0x1FA30]  }
0x639: {  	[tilespmem:s12+$0xFFFFFFA0] =	vst v4;
	v4 =	vsel vm8, v15, v9  }
0x63a: {  	[tilespmem:s12+$0xFFFFFFC0] =	vst v4;
	v4 =	vsel vm10, v19, v14  }
0x63b: {  	[tilespmem:s12+$0xFFFFFFE0] =	vst v4;
	v4 =	vsel vm12, v23, v18  }
0x63c: {  	[tilespmem:s12+$0x0] =	vst v4;
	v4 =	vsel vm14, v27, v22  }
0x63d: {  	vm7 =	vnez.u8 v5;
	[tilespmem:s12+$0x20] =	vst v4;
	v4 =	vsel vm2, v35, v26  }
0x63e: {  	v5 =	vsel vm7, v13, v7;
	[tilespmem:s12+$0x40] =	vst v4  }
0x63f: {  	v4 =	vsel vm0, v39, v31;
	[tilespmem:s12+$0xFFFFFFB0] =	vst v5  }
0x640: {  	v5 =	vsel vm9, v17, v12;
	[tilespmem:s12+$0x60] =	vst v4  }
0x641: {  	v4 =	vsel vm4, v40, v34;
	[tilespmem:s12+$0xFFFFFFD0] =	vst v5  }
0x642: {  	v5 =	vsel vm11, v21, v16;
	[tilespmem:s12+$0x80] =	vst v4  }
0x643: {  	v4 =	vsel vm5, v42, v37;
	[tilespmem:s12+$0xFFFFFFF0] =	vst v5  }
0x644: {  	v5 =	vsel vm13, v25, v20;
	[tilespmem:s12+$0xA0] =	vst v4  }
0x645: {  	[tilespmem:s12+$0x10] =	vst v5;
	v5 =	vsel vm15, v30, v24  }
0x646: {  	[tilespmem:s12+$0x30] =	vst v5;
	v5 =	vsel vm1, v38, v28  }
0x647: {  	[tilespmem:s12+$0x50] =	vst v5;
	v5 =	vsel vm3, v41, v33  }
0x648: {  	[tilespmem:s12+$0x70] =	vst v5;
	v5 =	vsel vm6, v43, v36  }
0x649: {  	[tilespmem:s12+$0x90] =	vst v5  }
0x64a: {  	s12 =	rddreg [dreg:$0x18]  }
0x64b: {  	[hbm4b:s12+s2] =	stream.linear.scatter [tilespmem:s10], [sflag:$0x1], $0x6000, $0x38;
	[tilespmem:$0xC100] =	vst v63  }
0x64c: {  	_ =	swait.ge [sflag:s8], $0x6000  }
0x64d: {  	[sflag:s8] =	ssyncset.done $0x0  }
0x64e: {  	s26 =	rddreg [dreg:$0x19];
	[sflag:s8] =	ssyncadd.s32 $0xFFFFA000  }
0x64f: {  	[tilespmem:s9], [sflag:$0x1] =	stream.linear.gather [hbm4b:s26+s2], $0x6000, $0x38;
	[tilespmem:$0xC100] =	vst v63  }
0x650: {  	_ =	swait.ge [sflag:s8], $0x6000  }
0x651: {  	[sflag:s8] =	ssyncset.done $0x0  }
0x652: {  	s12 =	simm.s32 $0x1C0;
	[sflag:s8] =	ssyncadd.s32 $0xFFFFA000  }
0x653: {  	v4 =	vld [tilespmem:s12+$0xB0]  }
0x654: {  	v5 =	vld [tilespmem:s12+$0xFFFFFF50]  }
0x655: {  	v6 =	vld [tilespmem:s12+$0xFFFFFF60]  }
0x656: {  	v7 =	vld [tilespmem:s12+$0xFFFFFF70]  }
0x657: {  	v8 =	vld [tilespmem:s12+$0xFFFFFF80]  }
0x658: {  	v9 =	vld [tilespmem:s12+$0xFFFFFF90]  }
0x659: {  	v11 =	vld [tilespmem:s12+$0xFFFFFFA0]  }
0x65a: {  	v12 =	vld [tilespmem:s12+$0xFFFFFFB0];
	v10 =	vsub.f32 v4, v1  }
0x65b: {  	v29 =	vsub.f32 v5, v2  }
0x65c: {  	v54 =	vsub.f32 v6, v1;
	v5 =	vadd.f32 $1.000000000e+00, v10  }
0x65d: {  	v14 =	vld [tilespmem:s12+$0xFFFFFFD0];
	v56 =	vsub.f32 v7, v3;
	v4 =	vsub.f32 v8, v2;
	vm0 =	vlt.f32 v10, $0.0e+00  }
0x65e: {  	v13 =	vld [tilespmem:s12+$0xFFFFFFC0];
	v6 =	vsub.f32 v11, v3;
	v24 =	vsel vm0, v5, v10;
	v5 =	vsub.f32 v9, v1  }
0x65f: {  	v16 =	vld [tilespmem:s12+$0xFFFFFFE0];
	v7 =	vsub.f32 v12, v2;
	vm2 =	vlt.f32 v4, $0.0e+00;
	v9 =	vimm.s32 $0x0  }
0x660: {  	v18 =	vld [tilespmem:s12+$0xFFFFFFF0];
	v12 =	vimm.s32 $0x0;
	v9 =	vsel vm2, $0xFFFFFFFF, v9;
	vm2 =	vlt.f32 v5, $0.0e+00  }
0x661: {  	v20 =	vld [tilespmem:s12+$0x0];
	[tilespmem:$0x1F980] =	vst v9;
	v12 =	vsel vm2, $0xFFFFFFFF, v12  }
0x662: {  	v22 =	vld [tilespmem:s12+$0x10];
	vm2 =	vlt.f32 v6, $0.0e+00;
	[tilespmem:$0x1F990] =	vst v12;
	v12 =	vsub.f32 v14, v3;
	v14 =	vimm.s32 $0x0  }
0x663: {  	v14 =	vsel vm2, $0xFFFFFFFF, v14  }
0x664: {  	v25 =	vld [tilespmem:s12+$0x20];
	vm2 =	vlt.f32 v7, $0.0e+00;
	[tilespmem:$0x1F9A0] =	vst v14;
	v14 =	vsub.f32 v16, v2;
	v16 =	vimm.s32 $0x0  }
0x665: {  	v55 =	vadd.f32 $1.000000000e+00, v29;
	v57 =	vadd.f32 $1.000000000e+00, v54;
	v16 =	vsel vm2, $0xFFFFFFFF, v16  }
0x666: {  	vm1 =	vlt.f32 v29, $0.0e+00;
	v58 =	vadd.f32 $1.000000000e+00, v56;
	v8 =	vadd.f32 $1.000000000e+00, v4;
	v26 =	vld [tilespmem:s12+$0x30];
	[tilespmem:$0x1F9B0] =	vst v16  }
0x667: {  	vm3 =	vlt.f32 v56, $0.0e+00;
	v11 =	vadd.f32 $1.000000000e+00, v6;
	v9 =	vsub.f32 v13, v1;
	v28 =	vld [tilespmem:s12+$0x40]  }
0x668: {  	vm0 =	vlt.f32 v54, $0.0e+00;
	v10 =	vadd.f32 $1.000000000e+00, v5;
	v13 =	vadd.f32 $1.000000000e+00, v7;
	v31 =	vld [tilespmem:s12+$0x50]  }
0x669: {  	v45 =	vsel vm1, v55, v29;
	v15 =	vadd.f32 $1.000000000e+00, v9;
	v17 =	vadd.f32 $1.000000000e+00, v12;
	v59 =	vld [tilespmem:s12+$0x60]  }
0x66a: {  	v29 =	vsel vm3, v58, v56;
	v16 =	vsub.f32 v18, v1;
	v19 =	vadd.f32 $1.000000000e+00, v14;
	v60 =	vld [tilespmem:s12+$0x70]  }
0x66b: {  	v32 =	vsel vm0, v57, v54;
	v18 =	vsub.f32 v20, v3;
	v20 =	vsub.f32 v22, v2;
	v61 =	vld [tilespmem:s12+$0x80]  }
0x66c: {  	vm8 =	vlt.f32 v9, $0.0e+00;
	v62 =	vld [tilespmem:s12+$0x90];
	v21 =	vadd.f32 $1.000000000e+00, v16;
	v22 =	vsub.f32 v25, v1  }
0x66d: {  	vm9 =	vlt.f32 v12, $0.0e+00;
	[tilespmem:s12+$0xB0] =	vst v24;
	v63 =	vld [tilespmem:s12+$0xA0];
	v23 =	vadd.f32 $1.000000000e+00, v18;
	v24 =	vsub.f32 v26, v3  }
0x66e: {  	vm10 =	vlt.f32 v14, $0.0e+00;
	v47 =	vld [tilespmem:s12+$0xFFFFFF40];
	v25 =	vadd.f32 $1.000000000e+00, v20;
	v27 =	vadd.f32 $1.000000000e+00, v22  }
0x66f: {  	vm11 =	vlt.f32 v16, $0.0e+00;
	v26 =	vsub.f32 v28, v2;
	v30 =	vadd.f32 $1.000000000e+00, v24  }
0x670: {  	vm12 =	vlt.f32 v18, $0.0e+00;
	v28 =	vsub.f32 v31, v1;
	v31 =	vsub.f32 v59, v3  }
0x671: {  	vm13 =	vlt.f32 v20, $0.0e+00;
	v33 =	vsub.f32 v60, v2;
	v34 =	vsub.f32 v61, v1  }
0x672: {  	vm14 =	vlt.f32 v22, $0.0e+00;
	v36 =	vsub.f32 v62, v3;
	v37 =	vsub.f32 v63, v2  }
0x673: {  	vm15 =	vlt.f32 v24, $0.0e+00;
	v44 =	vsub.f32 v47, v3;
	v35 =	vadd.f32 $1.000000000e+00, v26  }
0x674: {  	v38 =	vadd.f32 $1.000000000e+00, v28;
	vm2 =	vlt.f32 v26, $0.0e+00;
	v39 =	vadd.f32 $1.000000000e+00, v31  }
0x675: {  	vm1 =	vlt.f32 v28, $0.0e+00;
	v41 =	vadd.f32 $1.000000000e+00, v33;
	v40 =	vadd.f32 $1.000000000e+00, v34  }
0x676: {  	vm0 =	vlt.f32 v31, $0.0e+00;
	vm3 =	vlt.f32 v33, $0.0e+00;
	v43 =	vadd.f32 $1.000000000e+00, v36  }
0x677: {  	v42 =	vadd.f32 $1.000000000e+00, v37;
	v46 =	vadd.f32 $1.000000000e+00, v44;
	vm4 =	vlt.f32 v34, $0.0e+00  }
0x678: {  	s13 =	simm.s32 $0x0;
	s14 =	simm.s32 $0x340;
	vm6 =	vlt.f32 v36, $0.0e+00;
	vm7 =	vlt.f32 v44, $0.0e+00;
	vm5 =	vlt.f32 v37, $0.0e+00  }
.LBB2_26:
0x679: {  	v62 =	vld [tilespmem:$0x1F980];
	_ =	sdelay $0x4  }
0x67a: {  	v44 =	vsel vm7, v46, v44;
	vm7 =	vnez.u8 v62  }
0x67b: {  	v4 =	vsel vm7, v8, v4;
	v8 =	vld [tilespmem:$0x1F990];
	_ =	sdelay $0x3  }
0x67c: {  	v47 =	vld [tilespmem:s14+$0xB0]  }
0x67d: {  	v61 =	vld [tilespmem:s14+$0xA0];
	vm7 =	vnez.u8 v8  }
0x67e: {  	v5 =	vsel vm7, v10, v5;
	v10 =	vld [tilespmem:$0x1F9A0]  }
0x67f: {  	v54 =	vld [tilespmem:s14+$0x30]  }
0x680: {  	v55 =	vld [tilespmem:s14+$0x40]  }
0x681: {  	[tilespmem:s12+$0xFFFFFF50] =	vst v45;
	v60 =	vld [tilespmem:s14+$0x90]  }
0x682: {  	v9 =	vsel vm8, v15, v9;
	v63 =	vsel vm5, v42, v37;
	v37 =	vsub.f32 v61, v2;
	v8 =	vld [tilespmem:s14+$0xFFFFFF50]  }
0x683: {  	v57 =	vld [tilespmem:s14+$0x60];
	v15 =	vsel vm12, v23, v18;
	v23 =	vsub.f32 v47, v1;
	vm7 =	vnez.u8 v10  }
0x684: {  	v42 =	vadd.f32 $1.000000000e+00, v37;
	vm5 =	vlt.f32 v37, $0.0e+00;
	[tilespmem:s12+$0xFFFFFF40] =	vst v44;
	v10 =	vld [tilespmem:$0x1F9B0];
	v6 =	vsel vm7, v11, v6  }
0x685: {  	v11 =	vsel vm9, v17, v12;
	v12 =	vsel vm10, v19, v14;
	v14 =	vld [tilespmem:s14+$0xFFFFFF70];
	[tilespmem:s12+$0xFFFFFF70] =	vst v29;
	v17 =	vsel vm14, v27, v22  }
0x686: {  	v19 =	vsel vm15, v30, v24;
	v22 =	vsel vm1, v38, v28;
	v24 =	vsel vm0, v39, v31;
	v18 =	vld [tilespmem:s14+$0xFFFFFF80];
	[tilespmem:s12+$0xFFFFFF80] =	vst v4  }
0x687: {  	v58 =	vld [tilespmem:s14+$0x70];
	v29 =	vsub.f32 v8, v2;
	v31 =	vsel vm6, v43, v36;
	v36 =	vsub.f32 v60, v3;
	[tilespmem:s12+$0x30] =	vst v19  }
0x688: {  	v28 =	vsel vm4, v40, v34;
	vm0 =	vlt.f32 v23, $0.0e+00;
	[tilespmem:s12+$0x60] =	vst v24;
	v24 =	vsub.f32 v54, v3;
	v56 =	vld [tilespmem:s14+$0x50]  }
0x689: {  	v52 =	vadd.f32 $1.000000000e+00, v29;
	[tilespmem:s12+$0x50] =	vst v22;
	v22 =	vimm.s32 $0x0;
	v59 =	vld [tilespmem:s14+$0x80];
	v43 =	vadd.f32 $1.000000000e+00, v36  }
0x68a: {  	vm6 =	vlt.f32 v36, $0.0e+00;
	vm15 =	vlt.f32 v24, $0.0e+00;
	vm7 =	vnez.u8 v10;
	v10 =	vld [tilespmem:s14+$0xFFFFFF60];
	[tilespmem:s12+$0xFFFFFF60] =	vst v32  }
0x68b: {  	v7 =	vsel vm7, v13, v7;
	v13 =	vsel vm11, v21, v16;
	v16 =	vsel vm13, v25, v20;
	v21 =	vld [tilespmem:s14+$0xFFFFFF90];
	[tilespmem:s12+$0xFFFFFF90] =	vst v5  }
0x68c: {  	v20 =	vsel vm2, v35, v26;
	v25 =	vld [tilespmem:s14+$0xFFFFFFA0];
	[tilespmem:s12+$0xFFFFFFA0] =	vst v6;
	v5 =	vadd.f32 $1.000000000e+00, v23;
	v53 =	vsub.f32 v14, v3  }
0x68d: {  	v26 =	vsel vm3, v41, v33;
	v33 =	vsub.f32 v58, v2;
	v27 =	vld [tilespmem:s14+$0xFFFFFFB0];
	[tilespmem:s12+$0xFFFFFFB0] =	vst v7;
	v4 =	vsub.f32 v18, v2  }
0x68e: {  	v7 =	vimm.s32 $0x0;
	[tilespmem:s12+$0x70] =	vst v26;
	v26 =	vsub.f32 v55, v2;
	v6 =	vsel vm0, v5, v23  }
0x68f: {  	[tilespmem:s12+$0x80] =	vst v28;
	v62 =	vld [tilespmem:s14+$0xFFFFFF40];
	vm0 =	vlt.f32 v29, $0.0e+00;
	v5 =	vimm.s32 $0x0;
	v49 =	vadd.f32 $1.000000000e+00, v53  }
0x690: {  	v14 =	vld [tilespmem:s14+$0xFFFFFFC0];
	[tilespmem:s12+$0xFFFFFFC0] =	vst v9;
	v9 =	vimm.s32 $0x0;
	v28 =	vsub.f32 v56, v1;
	v34 =	vsub.f32 v59, v1  }
0x691: {  	v18 =	vld [tilespmem:s14+$0xFFFFFFD0];
	[tilespmem:s12+$0xFFFFFFD0] =	vst v11;
	v41 =	vadd.f32 $1.000000000e+00, v33;
	vm3 =	vlt.f32 v33, $0.0e+00;
	v5 =	vsel vm0, $0xFFFFFFFF, v5  }
0x692: {  	[tilespmem:s14+$0xB0] =	vst v6;
	v6 =	vimm.s32 $0x0;
	v8 =	vadd.f32 $1.000000000e+00, v4;
	v35 =	vadd.f32 $1.000000000e+00, v26  }
0x693: {  	vm2 =	vlt.f32 v26, $0.0e+00;
	v32 =	vsub.f32 v10, v1;
	[tilespmem:s12+$0x90] =	vst v31;
	v31 =	vsub.f32 v57, v3  }
0x694: {  	v23 =	vld [tilespmem:s14+$0xFFFFFFF0];
	[tilespmem:$0x1F940] =	vst v5;
	v38 =	vadd.f32 $1.000000000e+00, v28;
	vm1 =	vlt.f32 v28, $0.0e+00;
	v40 =	vadd.f32 $1.000000000e+00, v34  }
0x695: {  	vm4 =	vlt.f32 v34, $0.0e+00;
	v5 =	vsub.f32 v21, v1;
	v21 =	vld [tilespmem:s14+$0xFFFFFFE0];
	[tilespmem:s12+$0xFFFFFFE0] =	vst v12;
	v12 =	vimm.s32 $0x0  }
0x696: {  	v44 =	vsub.f32 v62, v3;
	v48 =	vadd.f32 $1.000000000e+00, v32;
	vm0 =	vlt.f32 v32, $0.0e+00  }
0x697: {  	[tilespmem:s12+$0x40] =	vst v20;
	v50 =	vld [tilespmem:$0x1F940];
	v39 =	vadd.f32 $1.000000000e+00, v31;
	v6 =	vsel vm0, $0xFFFFFFFF, v6;
	vm0 =	vlt.f32 v53, $0.0e+00  }
0x698: {  	v10 =	vadd.f32 $1.000000000e+00, v5;
	vm7 =	vlt.f32 v44, $0.0e+00;
	[tilespmem:$0x1F950] =	vst v6;
	v7 =	vsel vm0, $0xFFFFFFFF, v7  }
0x699: {  	v46 =	vadd.f32 $1.000000000e+00, v44;
	v6 =	vsub.f32 v25, v3;
	v25 =	vld [tilespmem:s14+$0x0];
	vm0 =	vlt.f32 v4, $0.0e+00;
	[tilespmem:$0x1F960] =	vst v7  }
0x69a: {  	v7 =	vsub.f32 v27, v2;
	v9 =	vsel vm0, $0xFFFFFFFF, v9;
	v27 =	vld [tilespmem:s14+$0x10];
	[tilespmem:s12+$0x0] =	vst v15;
	vm0 =	vlt.f32 v5, $0.0e+00  }
0x69b: {  	[tilespmem:$0x1F980] =	vst v9;
	v11 =	vadd.f32 $1.000000000e+00, v6;
	v9 =	vsub.f32 v14, v1;
	v12 =	vsel vm0, $0xFFFFFFFF, v12  }
0x69c: {  	v30 =	vld [tilespmem:s14+$0x20];
	[tilespmem:s12+$0x10] =	vst v16;
	vm0 =	vlt.f32 v6, $0.0e+00;
	v14 =	vimm.s32 $0x0;
	vm8 =	vnez.u8 v50  }
0x69d: {  	v16 =	vimm.s32 $0x0;
	[tilespmem:$0x1F990] =	vst v12;
	v14 =	vsel vm0, $0xFFFFFFFF, v14;
	v45 =	vsel vm8, v52, v29;
	v29 =	vld [tilespmem:$0x1F950]  }
0x69e: {  	v12 =	vsub.f32 v18, v3;
	vm0 =	vlt.f32 v7, $0.0e+00;
	[tilespmem:$0x1F9A0] =	vst v14;
	v14 =	vsub.f32 v21, v2  }
0x69f: {  	[tilespmem:s12+$0xFFFFFFF0] =	vst v13;
	v13 =	vadd.f32 $1.000000000e+00, v7;
	v15 =	vadd.f32 $1.000000000e+00, v9;
	v16 =	vsel vm0, $0xFFFFFFFF, v16  }
0x6a0: {  	[tilespmem:s12+$0x20] =	vst v17;
	vm9 =	vlt.f32 v9, $0.0e+00;
	v17 =	vadd.f32 $1.000000000e+00, v12;
	vm0 =	vlt.f32 v14, $0.0e+00  }
0x6a1: {  	[tilespmem:$0x1F9B0] =	vst v16;
	v16 =	vsub.f32 v23, v1;
	v18 =	vsub.f32 v25, v3;
	v22 =	vsel vm0, $0xFFFFFFFF, v22  }
0x6a2: {  	s13 =	sadd.s32 $0x8, s13;
	vm8 =	vmmov vm9;
	v19 =	vadd.f32 $1.000000000e+00, v14;
	[tilespmem:$0x1F970] =	vst v22;
	vm9 =	vnez.u8 v29;
	v29 =	vld [tilespmem:$0x1F960]  }
0x6a3: {  	p0 =	slt.u32 s13, $0x1F8;
	[tilespmem:s12+$0xA0] =	vst v63;
	vm10 =	vlt.f32 v12, $0.0e+00;
	v20 =	vsub.f32 v27, v2;
	v21 =	vadd.f32 $1.000000000e+00, v16;
	v63 =	vld [tilespmem:$0x1F970]  }
.Ltmp12:
0x6a4: {  	v23 =	vadd.f32 $1.000000000e+00, v18;
	vm11 =	vlt.f32 v16, $0.0e+00;
	vm12 =	vlt.f32 v18, $0.0e+00;
	(pc) =	sbr.rel @p0 .LBB2_26-.Ltmp12, $4  }
0x6a5: {  	vm0 =	vlt.f32 v31, $0.0e+00;
	v22 =	vsub.f32 v30, v1;
	v25 =	vadd.f32 $1.000000000e+00, v20  }
0x6a6: {  	vm13 =	vlt.f32 v20, $0.0e+00;
	v30 =	vadd.f32 $1.000000000e+00, v24;
	v32 =	vsel vm9, v48, v32  }
0x6a7: {  	vm9 =	vmmov vm10;
	v27 =	vadd.f32 $1.000000000e+00, v22;
	vm10 =	vnez.u8 v29  }
0x6a8: {  	s12 =	smov.u32 s14;
	s14 =	sadd.s32 $0x180, s14;
	vm14 =	vlt.f32 v22, $0.0e+00;
	v29 =	vsel vm10, v49, v53;
	vm10 =	vnez.u8 v63  }
0x6a9: {  	[tilespmem:s12+$0xFFFFFF50] =	vst v45  }
0x6aa: {  	v44 =	vsel vm7, v46, v44;
	[tilespmem:s12+$0xFFFFFF60] =	vst v32  }
0x6ab: {  	[tilespmem:s12+$0xFFFFFF40] =	vst v44  }
0x6ac: {  	v32 =	vld [tilespmem:$0x1F980];
	_ =	sdelay $0x4  }
0x6ad: {  	[tilespmem:s12+$0xFFFFFF70] =	vst v29;
	vm7 =	vnez.u8 v32  }
0x6ae: {  	v4 =	vsel vm7, v8, v4;
	v8 =	vld [tilespmem:$0x1F990]  }
0x6af: {  	[tilespmem:s12+$0xFFFFFF80] =	vst v4  }
0x6b0: {  	v4 =	vld [tilespmem:$0x1F9A0];
	_ =	sdelay $0x2  }
0x6b1: {  	vm7 =	vnez.u8 v8  }
0x6b2: {  	v5 =	vsel vm7, v10, v5  }
0x6b3: {  	vm7 =	vnez.u8 v4;
	[tilespmem:s12+$0xFFFFFF90] =	vst v5  }
0x6b4: {  	v4 =	vsel vm7, v11, v6;
	v5 =	vld [tilespmem:$0x1F9B0]  }
0x6b5: {  	[tilespmem:s12+$0xFFFFFFA0] =	vst v4;
	v4 =	vsel vm8, v15, v9  }
0x6b6: {  	[tilespmem:s12+$0xFFFFFFC0] =	vst v4;
	v4 =	vsel vm10, v19, v14  }
0x6b7: {  	[tilespmem:s12+$0xFFFFFFE0] =	vst v4;
	v4 =	vsel vm12, v23, v18  }
0x6b8: {  	[tilespmem:s12+$0x0] =	vst v4;
	v4 =	vsel vm14, v27, v22  }
0x6b9: {  	vm7 =	vnez.u8 v5;
	[tilespmem:s12+$0x20] =	vst v4;
	v4 =	vsel vm2, v35, v26  }
0x6ba: {  	v5 =	vsel vm7, v13, v7;
	[tilespmem:s12+$0x40] =	vst v4  }
0x6bb: {  	v4 =	vsel vm0, v39, v31;
	[tilespmem:s12+$0xFFFFFFB0] =	vst v5  }
0x6bc: {  	v5 =	vsel vm9, v17, v12;
	[tilespmem:s12+$0x60] =	vst v4  }
0x6bd: {  	v4 =	vsel vm4, v40, v34;
	[tilespmem:s12+$0xFFFFFFD0] =	vst v5  }
0x6be: {  	v5 =	vsel vm11, v21, v16;
	[tilespmem:s12+$0x80] =	vst v4  }
0x6bf: {  	v4 =	vsel vm5, v42, v37;
	[tilespmem:s12+$0xFFFFFFF0] =	vst v5  }
0x6c0: {  	v5 =	vsel vm13, v25, v20;
	[tilespmem:s12+$0xA0] =	vst v4  }
0x6c1: {  	[tilespmem:s12+$0x10] =	vst v5;
	v5 =	vsel vm15, v30, v24  }
0x6c2: {  	[tilespmem:s12+$0x30] =	vst v5;
	v5 =	vsel vm1, v38, v28  }
0x6c3: {  	[tilespmem:s12+$0x50] =	vst v5;
	v5 =	vsel vm3, v41, v33  }
0x6c4: {  	[tilespmem:s12+$0x70] =	vst v5;
	v5 =	vsel vm6, v43, v36  }
0x6c5: {  	[tilespmem:s12+$0x90] =	vst v5  }
0x6c6: {  	s12 =	rddreg [dreg:$0x1a]  }
0x6c7: {  	[hbm4b:s12+s2] =	stream.linear.scatter [tilespmem:s9], [sflag:$0x1], $0x6000, $0x38;
	[tilespmem:$0xC100] =	vst v63  }
0x6c8: {  	_ =	swait.ge [sflag:s8], $0x6000  }
0x6c9: {  	[sflag:s8] =	ssyncset.done $0x0  }
0x6ca: {  	[sflag:s8] =	ssyncadd.s32 $0xFFFFA000  }
0x6cb: {  	[tilespmem:s10], [sflag:$0x1] =	stream.linear.gather [hbm4b:s28+s2], $0x6000, $0x38;
	[tilespmem:$0xC100] =	vst v63  }
0x6cc: {  	_ =	swait.ge [sflag:s8], $0x6000  }
0x6cd: {  	[sflag:s8] =	ssyncset.done $0x0  }
0x6ce: {  	s12 =	simm.s32 $0x61C0;
	[sflag:s8] =	ssyncadd.s32 $0xFFFFA000  }
0x6cf: {  	v4 =	vld [tilespmem:s12+$0xB0]  }
0x6d0: {  	v5 =	vld [tilespmem:s12+$0xFFFFFF50]  }
0x6d1: {  	v6 =	vld [tilespmem:s12+$0xFFFFFF60]  }
0x6d2: {  	v7 =	vld [tilespmem:s12+$0xFFFFFF70]  }
0x6d3: {  	v8 =	vld [tilespmem:s12+$0xFFFFFF80]  }
0x6d4: {  	v9 =	vld [tilespmem:s12+$0xFFFFFF90]  }
0x6d5: {  	v11 =	vld [tilespmem:s12+$0xFFFFFFA0]  }
0x6d6: {  	v12 =	vld [tilespmem:s12+$0xFFFFFFB0];
	v10 =	vsub.f32 v4, v1  }
0x6d7: {  	v29 =	vsub.f32 v5, v2  }
0x6d8: {  	v54 =	vsub.f32 v6, v1;
	v5 =	vadd.f32 $1.000000000e+00, v10  }
0x6d9: {  	v14 =	vld [tilespmem:s12+$0xFFFFFFD0];
	v56 =	vsub.f32 v7, v3;
	v4 =	vsub.f32 v8, v2;
	vm0 =	vlt.f32 v10, $0.0e+00  }
0x6da: {  	v13 =	vld [tilespmem:s12+$0xFFFFFFC0];
	v6 =	vsub.f32 v11, v3;
	v24 =	vsel vm0, v5, v10;
	v5 =	vsub.f32 v9, v1  }
0x6db: {  	v16 =	vld [tilespmem:s12+$0xFFFFFFE0];
	v7 =	vsub.f32 v12, v2;
	vm2 =	vlt.f32 v4, $0.0e+00;
	v9 =	vimm.s32 $0x0  }
0x6dc: {  	v18 =	vld [tilespmem:s12+$0xFFFFFFF0];
	v12 =	vimm.s32 $0x0;
	v9 =	vsel vm2, $0xFFFFFFFF, v9;
	vm2 =	vlt.f32 v5, $0.0e+00  }
0x6dd: {  	v20 =	vld [tilespmem:s12+$0x0];
	[tilespmem:$0x1F900] =	vst v9;
	v12 =	vsel vm2, $0xFFFFFFFF, v12  }
0x6de: {  	v22 =	vld [tilespmem:s12+$0x10];
	vm2 =	vlt.f32 v6, $0.0e+00;
	[tilespmem:$0x1F910] =	vst v12;
	v12 =	vsub.f32 v14, v3;
	v14 =	vimm.s32 $0x0  }
0x6df: {  	v14 =	vsel vm2, $0xFFFFFFFF, v14  }
0x6e0: {  	v25 =	vld [tilespmem:s12+$0x20];
	vm2 =	vlt.f32 v7, $0.0e+00;
	[tilespmem:$0x1F920] =	vst v14;
	v14 =	vsub.f32 v16, v2;
	v16 =	vimm.s32 $0x0  }
0x6e1: {  	v55 =	vadd.f32 $1.000000000e+00, v29;
	v57 =	vadd.f32 $1.000000000e+00, v54;
	v16 =	vsel vm2, $0xFFFFFFFF, v16  }
0x6e2: {  	vm1 =	vlt.f32 v29, $0.0e+00;
	v58 =	vadd.f32 $1.000000000e+00, v56;
	v8 =	vadd.f32 $1.000000000e+00, v4;
	v26 =	vld [tilespmem:s12+$0x30];
	[tilespmem:$0x1F930] =	vst v16  }
0x6e3: {  	vm3 =	vlt.f32 v56, $0.0e+00;
	v11 =	vadd.f32 $1.000000000e+00, v6;
	v9 =	vsub.f32 v13, v1;
	v28 =	vld [tilespmem:s12+$0x40]  }
0x6e4: {  	vm0 =	vlt.f32 v54, $0.0e+00;
	v10 =	vadd.f32 $1.000000000e+00, v5;
	v13 =	vadd.f32 $1.000000000e+00, v7;
	v31 =	vld [tilespmem:s12+$0x50]  }
0x6e5: {  	v45 =	vsel vm1, v55, v29;
	v15 =	vadd.f32 $1.000000000e+00, v9;
	v17 =	vadd.f32 $1.000000000e+00, v12;
	v59 =	vld [tilespmem:s12+$0x60]  }
0x6e6: {  	v29 =	vsel vm3, v58, v56;
	v16 =	vsub.f32 v18, v1;
	v19 =	vadd.f32 $1.000000000e+00, v14;
	v60 =	vld [tilespmem:s12+$0x70]  }
0x6e7: {  	v32 =	vsel vm0, v57, v54;
	v18 =	vsub.f32 v20, v3;
	v20 =	vsub.f32 v22, v2;
	v61 =	vld [tilespmem:s12+$0x80]  }
0x6e8: {  	vm8 =	vlt.f32 v9, $0.0e+00;
	v62 =	vld [tilespmem:s12+$0x90];
	v21 =	vadd.f32 $1.000000000e+00, v16;
	v22 =	vsub.f32 v25, v1  }
0x6e9: {  	vm9 =	vlt.f32 v12, $0.0e+00;
	[tilespmem:s12+$0xB0] =	vst v24;
	v63 =	vld [tilespmem:s12+$0xA0];
	v23 =	vadd.f32 $1.000000000e+00, v18;
	v24 =	vsub.f32 v26, v3  }
0x6ea: {  	vm10 =	vlt.f32 v14, $0.0e+00;
	v47 =	vld [tilespmem:s12+$0xFFFFFF40];
	v25 =	vadd.f32 $1.000000000e+00, v20;
	v27 =	vadd.f32 $1.000000000e+00, v22  }
0x6eb: {  	vm11 =	vlt.f32 v16, $0.0e+00;
	v26 =	vsub.f32 v28, v2;
	v30 =	vadd.f32 $1.000000000e+00, v24  }
0x6ec: {  	vm12 =	vlt.f32 v18, $0.0e+00;
	v28 =	vsub.f32 v31, v1;
	v31 =	vsub.f32 v59, v3  }
0x6ed: {  	vm13 =	vlt.f32 v20, $0.0e+00;
	v33 =	vsub.f32 v60, v2;
	v34 =	vsub.f32 v61, v1  }
0x6ee: {  	vm14 =	vlt.f32 v22, $0.0e+00;
	v36 =	vsub.f32 v62, v3;
	v37 =	vsub.f32 v63, v2  }
0x6ef: {  	vm15 =	vlt.f32 v24, $0.0e+00;
	v44 =	vsub.f32 v47, v3;
	v35 =	vadd.f32 $1.000000000e+00, v26  }
0x6f0: {  	v38 =	vadd.f32 $1.000000000e+00, v28;
	vm2 =	vlt.f32 v26, $0.0e+00;
	v39 =	vadd.f32 $1.000000000e+00, v31  }
0x6f1: {  	vm1 =	vlt.f32 v28, $0.0e+00;
	v41 =	vadd.f32 $1.000000000e+00, v33;
	v40 =	vadd.f32 $1.000000000e+00, v34  }
0x6f2: {  	vm0 =	vlt.f32 v31, $0.0e+00;
	vm3 =	vlt.f32 v33, $0.0e+00;
	v43 =	vadd.f32 $1.000000000e+00, v36  }
0x6f3: {  	v42 =	vadd.f32 $1.000000000e+00, v37;
	v46 =	vadd.f32 $1.000000000e+00, v44;
	vm4 =	vlt.f32 v34, $0.0e+00  }
0x6f4: {  	s13 =	simm.s32 $0x0;
	s14 =	simm.s32 $0x6340;
	vm6 =	vlt.f32 v36, $0.0e+00;
	vm7 =	vlt.f32 v44, $0.0e+00;
	vm5 =	vlt.f32 v37, $0.0e+00  }
.LBB2_28:
0x6f5: {  	v62 =	vld [tilespmem:$0x1F900];
	_ =	sdelay $0x4  }
0x6f6: {  	v44 =	vsel vm7, v46, v44;
	vm7 =	vnez.u8 v62  }
0x6f7: {  	v4 =	vsel vm7, v8, v4;
	v8 =	vld [tilespmem:$0x1F910];
	_ =	sdelay $0x3  }
0x6f8: {  	v47 =	vld [tilespmem:s14+$0xB0]  }
0x6f9: {  	v61 =	vld [tilespmem:s14+$0xA0];
	vm7 =	vnez.u8 v8  }
0x6fa: {  	v5 =	vsel vm7, v10, v5;
	v10 =	vld [tilespmem:$0x1F920]  }
0x6fb: {  	v54 =	vld [tilespmem:s14+$0x30]  }
0x6fc: {  	v55 =	vld [tilespmem:s14+$0x40]  }
0x6fd: {  	[tilespmem:s12+$0xFFFFFF50] =	vst v45;
	v60 =	vld [tilespmem:s14+$0x90]  }
0x6fe: {  	v9 =	vsel vm8, v15, v9;
	v63 =	vsel vm5, v42, v37;
	v37 =	vsub.f32 v61, v2;
	v8 =	vld [tilespmem:s14+$0xFFFFFF50]  }
0x6ff: {  	v57 =	vld [tilespmem:s14+$0x60];
	v15 =	vsel vm12, v23, v18;
	v23 =	vsub.f32 v47, v1;
	vm7 =	vnez.u8 v10  }
0x700: {  	v42 =	vadd.f32 $1.000000000e+00, v37;
	vm5 =	vlt.f32 v37, $0.0e+00;
	[tilespmem:s12+$0xFFFFFF40] =	vst v44;
	v10 =	vld [tilespmem:$0x1F930];
	v6 =	vsel vm7, v11, v6  }
0x701: {  	v11 =	vsel vm9, v17, v12;
	v12 =	vsel vm10, v19, v14;
	v14 =	vld [tilespmem:s14+$0xFFFFFF70];
	[tilespmem:s12+$0xFFFFFF70] =	vst v29;
	v17 =	vsel vm14, v27, v22  }
0x702: {  	v19 =	vsel vm15, v30, v24;
	v22 =	vsel vm1, v38, v28;
	v24 =	vsel vm0, v39, v31;
	v18 =	vld [tilespmem:s14+$0xFFFFFF80];
	[tilespmem:s12+$0xFFFFFF80] =	vst v4  }
0x703: {  	v58 =	vld [tilespmem:s14+$0x70];
	v29 =	vsub.f32 v8, v2;
	v31 =	vsel vm6, v43, v36;
	v36 =	vsub.f32 v60, v3;
	[tilespmem:s12+$0x30] =	vst v19  }
0x704: {  	v28 =	vsel vm4, v40, v34;
	vm0 =	vlt.f32 v23, $0.0e+00;
	[tilespmem:s12+$0x60] =	vst v24;
	v24 =	vsub.f32 v54, v3;
	v56 =	vld [tilespmem:s14+$0x50]  }
0x705: {  	v52 =	vadd.f32 $1.000000000e+00, v29;
	[tilespmem:s12+$0x50] =	vst v22;
	v22 =	vimm.s32 $0x0;
	v59 =	vld [tilespmem:s14+$0x80];
	v43 =	vadd.f32 $1.000000000e+00, v36  }
0x706: {  	vm6 =	vlt.f32 v36, $0.0e+00;
	vm15 =	vlt.f32 v24, $0.0e+00;
	vm7 =	vnez.u8 v10;
	v10 =	vld [tilespmem:s14+$0xFFFFFF60];
	[tilespmem:s12+$0xFFFFFF60] =	vst v32  }
0x707: {  	v7 =	vsel vm7, v13, v7;
	v13 =	vsel vm11, v21, v16;
	v16 =	vsel vm13, v25, v20;
	v21 =	vld [tilespmem:s14+$0xFFFFFF90];
	[tilespmem:s12+$0xFFFFFF90] =	vst v5  }
0x708: {  	v20 =	vsel vm2, v35, v26;
	v25 =	vld [tilespmem:s14+$0xFFFFFFA0];
	[tilespmem:s12+$0xFFFFFFA0] =	vst v6;
	v5 =	vadd.f32 $1.000000000e+00, v23;
	v53 =	vsub.f32 v14, v3  }
0x709: {  	v26 =	vsel vm3, v41, v33;
	v33 =	vsub.f32 v58, v2;
	v27 =	vld [tilespmem:s14+$0xFFFFFFB0];
	[tilespmem:s12+$0xFFFFFFB0] =	vst v7;
	v4 =	vsub.f32 v18, v2  }
0x70a: {  	v7 =	vimm.s32 $0x0;
	[tilespmem:s12+$0x70] =	vst v26;
	v26 =	vsub.f32 v55, v2;
	v6 =	vsel vm0, v5, v23  }
0x70b: {  	[tilespmem:s12+$0x80] =	vst v28;
	v62 =	vld [tilespmem:s14+$0xFFFFFF40];
	vm0 =	vlt.f32 v29, $0.0e+00;
	v5 =	vimm.s32 $0x0;
	v49 =	vadd.f32 $1.000000000e+00, v53  }
0x70c: {  	v14 =	vld [tilespmem:s14+$0xFFFFFFC0];
	[tilespmem:s12+$0xFFFFFFC0] =	vst v9;
	v9 =	vimm.s32 $0x0;
	v28 =	vsub.f32 v56, v1;
	v34 =	vsub.f32 v59, v1  }
0x70d: {  	v18 =	vld [tilespmem:s14+$0xFFFFFFD0];
	[tilespmem:s12+$0xFFFFFFD0] =	vst v11;
	v41 =	vadd.f32 $1.000000000e+00, v33;
	vm3 =	vlt.f32 v33, $0.0e+00;
	v5 =	vsel vm0, $0xFFFFFFFF, v5  }
0x70e: {  	[tilespmem:s14+$0xB0] =	vst v6;
	v6 =	vimm.s32 $0x0;
	v8 =	vadd.f32 $1.000000000e+00, v4;
	v35 =	vadd.f32 $1.000000000e+00, v26  }
0x70f: {  	vm2 =	vlt.f32 v26, $0.0e+00;
	v32 =	vsub.f32 v10, v1;
	[tilespmem:s12+$0x90] =	vst v31;
	v31 =	vsub.f32 v57, v3  }
0x710: {  	v23 =	vld [tilespmem:s14+$0xFFFFFFF0];
	[tilespmem:$0x1F8C0] =	vst v5;
	v38 =	vadd.f32 $1.000000000e+00, v28;
	vm1 =	vlt.f32 v28, $0.0e+00;
	v40 =	vadd.f32 $1.000000000e+00, v34  }
0x711: {  	vm4 =	vlt.f32 v34, $0.0e+00;
	v5 =	vsub.f32 v21, v1;
	v21 =	vld [tilespmem:s14+$0xFFFFFFE0];
	[tilespmem:s12+$0xFFFFFFE0] =	vst v12;
	v12 =	vimm.s32 $0x0  }
0x712: {  	v44 =	vsub.f32 v62, v3;
	v48 =	vadd.f32 $1.000000000e+00, v32;
	vm0 =	vlt.f32 v32, $0.0e+00  }
0x713: {  	[tilespmem:s12+$0x40] =	vst v20;
	v50 =	vld [tilespmem:$0x1F8C0];
	v39 =	vadd.f32 $1.000000000e+00, v31;
	v6 =	vsel vm0, $0xFFFFFFFF, v6;
	vm0 =	vlt.f32 v53, $0.0e+00  }
0x714: {  	v10 =	vadd.f32 $1.000000000e+00, v5;
	vm7 =	vlt.f32 v44, $0.0e+00;
	[tilespmem:$0x1F8D0] =	vst v6;
	v7 =	vsel vm0, $0xFFFFFFFF, v7  }
0x715: {  	v46 =	vadd.f32 $1.000000000e+00, v44;
	v6 =	vsub.f32 v25, v3;
	v25 =	vld [tilespmem:s14+$0x0];
	vm0 =	vlt.f32 v4, $0.0e+00;
	[tilespmem:$0x1F8E0] =	vst v7  }
0x716: {  	v7 =	vsub.f32 v27, v2;
	v9 =	vsel vm0, $0xFFFFFFFF, v9;
	v27 =	vld [tilespmem:s14+$0x10];
	[tilespmem:s12+$0x0] =	vst v15;
	vm0 =	vlt.f32 v5, $0.0e+00  }
0x717: {  	[tilespmem:$0x1F900] =	vst v9;
	v11 =	vadd.f32 $1.000000000e+00, v6;
	v9 =	vsub.f32 v14, v1;
	v12 =	vsel vm0, $0xFFFFFFFF, v12  }
0x718: {  	v30 =	vld [tilespmem:s14+$0x20];
	[tilespmem:s12+$0x10] =	vst v16;
	vm0 =	vlt.f32 v6, $0.0e+00;
	v14 =	vimm.s32 $0x0;
	vm8 =	vnez.u8 v50  }
0x719: {  	v16 =	vimm.s32 $0x0;
	[tilespmem:$0x1F910] =	vst v12;
	v14 =	vsel vm0, $0xFFFFFFFF, v14;
	v45 =	vsel vm8, v52, v29;
	v29 =	vld [tilespmem:$0x1F8D0]  }
0x71a: {  	v12 =	vsub.f32 v18, v3;
	vm0 =	vlt.f32 v7, $0.0e+00;
	[tilespmem:$0x1F920] =	vst v14;
	v14 =	vsub.f32 v21, v2  }
0x71b: {  	[tilespmem:s12+$0xFFFFFFF0] =	vst v13;
	v13 =	vadd.f32 $1.000000000e+00, v7;
	v15 =	vadd.f32 $1.000000000e+00, v9;
	v16 =	vsel vm0, $0xFFFFFFFF, v16  }
0x71c: {  	[tilespmem:s12+$0x20] =	vst v17;
	vm9 =	vlt.f32 v9, $0.0e+00;
	v17 =	vadd.f32 $1.000000000e+00, v12;
	vm0 =	vlt.f32 v14, $0.0e+00  }
0x71d: {  	[tilespmem:$0x1F930] =	vst v16;
	v16 =	vsub.f32 v23, v1;
	v18 =	vsub.f32 v25, v3;
	v22 =	vsel vm0, $0xFFFFFFFF, v22  }
0x71e: {  	s13 =	sadd.s32 $0x8, s13;
	vm8 =	vmmov vm9;
	v19 =	vadd.f32 $1.000000000e+00, v14;
	[tilespmem:$0x1F8F0] =	vst v22;
	vm9 =	vnez.u8 v29;
	v29 =	vld [tilespmem:$0x1F8E0]  }
0x71f: {  	p0 =	slt.u32 s13, $0x1F8;
	[tilespmem:s12+$0xA0] =	vst v63;
	vm10 =	vlt.f32 v12, $0.0e+00;
	v20 =	vsub.f32 v27, v2;
	v21 =	vadd.f32 $1.000000000e+00, v16;
	v63 =	vld [tilespmem:$0x1F8F0]  }
.Ltmp13:
0x720: {  	v23 =	vadd.f32 $1.000000000e+00, v18;
	vm11 =	vlt.f32 v16, $0.0e+00;
	vm12 =	vlt.f32 v18, $0.0e+00;
	(pc) =	sbr.rel @p0 .LBB2_28-.Ltmp13, $4  }
0x721: {  	vm0 =	vlt.f32 v31, $0.0e+00;
	v22 =	vsub.f32 v30, v1;
	v25 =	vadd.f32 $1.000000000e+00, v20  }
0x722: {  	vm13 =	vlt.f32 v20, $0.0e+00;
	v30 =	vadd.f32 $1.000000000e+00, v24;
	v32 =	vsel vm9, v48, v32  }
0x723: {  	vm9 =	vmmov vm10;
	v27 =	vadd.f32 $1.000000000e+00, v22;
	vm10 =	vnez.u8 v29  }
0x724: {  	s12 =	smov.u32 s14;
	s14 =	sadd.s32 $0x180, s14;
	vm14 =	vlt.f32 v22, $0.0e+00;
	v29 =	vsel vm10, v49, v53;
	vm10 =	vnez.u8 v63  }
0x725: {  	[tilespmem:s12+$0xFFFFFF50] =	vst v45  }
0x726: {  	v44 =	vsel vm7, v46, v44;
	[tilespmem:s12+$0xFFFFFF60] =	vst v32  }
0x727: {  	[tilespmem:s12+$0xFFFFFF40] =	vst v44  }
0x728: {  	v32 =	vld [tilespmem:$0x1F900];
	_ =	sdelay $0x4  }
0x729: {  	[tilespmem:s12+$0xFFFFFF70] =	vst v29;
	vm7 =	vnez.u8 v32  }
0x72a: {  	v4 =	vsel vm7, v8, v4;
	v8 =	vld [tilespmem:$0x1F910]  }
0x72b: {  	[tilespmem:s12+$0xFFFFFF80] =	vst v4  }
0x72c: {  	v4 =	vld [tilespmem:$0x1F920];
	_ =	sdelay $0x2  }
0x72d: {  	vm7 =	vnez.u8 v8  }
0x72e: {  	v5 =	vsel vm7, v10, v5  }
0x72f: {  	vm7 =	vnez.u8 v4;
	[tilespmem:s12+$0xFFFFFF90] =	vst v5  }
0x730: {  	v4 =	vsel vm7, v11, v6;
	v5 =	vld [tilespmem:$0x1F930]  }
0x731: {  	[tilespmem:s12+$0xFFFFFFA0] =	vst v4;
	v4 =	vsel vm8, v15, v9  }
0x732: {  	[tilespmem:s12+$0xFFFFFFC0] =	vst v4;
	v4 =	vsel vm10, v19, v14  }
0x733: {  	[tilespmem:s12+$0xFFFFFFE0] =	vst v4;
	v4 =	vsel vm12, v23, v18  }
0x734: {  	[tilespmem:s12+$0x0] =	vst v4;
	v4 =	vsel vm14, v27, v22  }
0x735: {  	vm7 =	vnez.u8 v5;
	[tilespmem:s12+$0x20] =	vst v4;
	v4 =	vsel vm2, v35, v26  }
0x736: {  	v5 =	vsel vm7, v13, v7;
	[tilespmem:s12+$0x40] =	vst v4  }
0x737: {  	v4 =	vsel vm0, v39, v31;
	[tilespmem:s12+$0xFFFFFFB0] =	vst v5  }
0x738: {  	v5 =	vsel vm9, v17, v12;
	[tilespmem:s12+$0x60] =	vst v4  }
0x739: {  	v4 =	vsel vm4, v40, v34;
	[tilespmem:s12+$0xFFFFFFD0] =	vst v5  }
0x73a: {  	v5 =	vsel vm11, v21, v16;
	[tilespmem:s12+$0x80] =	vst v4  }
0x73b: {  	v4 =	vsel vm5, v42, v37;
	[tilespmem:s12+$0xFFFFFFF0] =	vst v5  }
0x73c: {  	v5 =	vsel vm13, v25, v20;
	[tilespmem:s12+$0xA0] =	vst v4  }
0x73d: {  	[tilespmem:s12+$0x10] =	vst v5;
	v5 =	vsel vm15, v30, v24  }
0x73e: {  	[tilespmem:s12+$0x30] =	vst v5;
	v5 =	vsel vm1, v38, v28  }
0x73f: {  	[tilespmem:s12+$0x50] =	vst v5;
	v5 =	vsel vm3, v41, v33  }
0x740: {  	[tilespmem:s12+$0x70] =	vst v5;
	v5 =	vsel vm6, v43, v36  }
0x741: {  	[tilespmem:s12+$0x90] =	vst v5  }
0x742: {  	[hbm4b:s29+s2] =	stream.linear.scatter [tilespmem:s10], [sflag:$0x1], $0x6000, $0x38;
	[tilespmem:$0xC100] =	vst v63  }
0x743: {  	_ =	swait.ge [sflag:s8], $0x6000  }
0x744: {  	[sflag:s8] =	ssyncset.done $0x0  }
0x745: {  	[sflag:s8] =	ssyncadd.s32 $0xFFFFA000  }
0x746: {  	[tilespmem:s9], [sflag:$0x1] =	stream.linear.gather [hbm4b:s1+s2], $0x6000, $0x38;
	[tilespmem:$0xC100] =	vst v63  }
0x747: {  	_ =	swait.ge [sflag:s8], $0x6000  }
0x748: {  	[sflag:s8] =	ssyncset.done $0x0  }
0x749: {  	s12 =	simm.s32 $0x1C0;
	[sflag:s8] =	ssyncadd.s32 $0xFFFFA000  }
0x74a: {  	v4 =	vld [tilespmem:s12+$0xB0]  }
0x74b: {  	v5 =	vld [tilespmem:s12+$0xFFFFFF50]  }
0x74c: {  	v6 =	vld [tilespmem:s12+$0xFFFFFF60]  }
0x74d: {  	v7 =	vld [tilespmem:s12+$0xFFFFFF70]  }
0x74e: {  	v8 =	vld [tilespmem:s12+$0xFFFFFF80]  }
0x74f: {  	v9 =	vld [tilespmem:s12+$0xFFFFFF90]  }
0x750: {  	v11 =	vld [tilespmem:s12+$0xFFFFFFA0]  }
0x751: {  	v12 =	vld [tilespmem:s12+$0xFFFFFFB0];
	v10 =	vsub.f32 v4, v1  }
0x752: {  	v29 =	vsub.f32 v5, v2  }
0x753: {  	v54 =	vsub.f32 v6, v1;
	v5 =	vadd.f32 $1.000000000e+00, v10  }
0x754: {  	v14 =	vld [tilespmem:s12+$0xFFFFFFD0];
	v56 =	vsub.f32 v7, v3;
	v4 =	vsub.f32 v8, v2;
	vm0 =	vlt.f32 v10, $0.0e+00  }
0x755: {  	v13 =	vld [tilespmem:s12+$0xFFFFFFC0];
	v6 =	vsub.f32 v11, v3;
	v24 =	vsel vm0, v5, v10;
	v5 =	vsub.f32 v9, v1  }
0x756: {  	v16 =	vld [tilespmem:s12+$0xFFFFFFE0];
	v7 =	vsub.f32 v12, v2;
	vm2 =	vlt.f32 v4, $0.0e+00;
	v9 =	vimm.s32 $0x0  }
0x757: {  	v18 =	vld [tilespmem:s12+$0xFFFFFFF0];
	v12 =	vimm.s32 $0x0;
	v9 =	vsel vm2, $0xFFFFFFFF, v9;
	vm2 =	vlt.f32 v5, $0.0e+00  }
0x758: {  	v20 =	vld [tilespmem:s12+$0x0];
	[tilespmem:$0x1F880] =	vst v9;
	v12 =	vsel vm2, $0xFFFFFFFF, v12  }
0x759: {  	v22 =	vld [tilespmem:s12+$0x10];
	vm2 =	vlt.f32 v6, $0.0e+00;
	[tilespmem:$0x1F890] =	vst v12;
	v12 =	vsub.f32 v14, v3;
	v14 =	vimm.s32 $0x0  }
0x75a: {  	v14 =	vsel vm2, $0xFFFFFFFF, v14  }
0x75b: {  	v25 =	vld [tilespmem:s12+$0x20];
	vm2 =	vlt.f32 v7, $0.0e+00;
	[tilespmem:$0x1F8A0] =	vst v14;
	v14 =	vsub.f32 v16, v2;
	v16 =	vimm.s32 $0x0  }
0x75c: {  	v55 =	vadd.f32 $1.000000000e+00, v29;
	v57 =	vadd.f32 $1.000000000e+00, v54;
	v16 =	vsel vm2, $0xFFFFFFFF, v16  }
0x75d: {  	vm1 =	vlt.f32 v29, $0.0e+00;
	v58 =	vadd.f32 $1.000000000e+00, v56;
	v8 =	vadd.f32 $1.000000000e+00, v4;
	v26 =	vld [tilespmem:s12+$0x30];
	[tilespmem:$0x1F8B0] =	vst v16  }
0x75e: {  	vm3 =	vlt.f32 v56, $0.0e+00;
	v11 =	vadd.f32 $1.000000000e+00, v6;
	v9 =	vsub.f32 v13, v1;
	v28 =	vld [tilespmem:s12+$0x40]  }
0x75f: {  	vm0 =	vlt.f32 v54, $0.0e+00;
	v10 =	vadd.f32 $1.000000000e+00, v5;
	v13 =	vadd.f32 $1.000000000e+00, v7;
	v31 =	vld [tilespmem:s12+$0x50]  }
0x760: {  	v45 =	vsel vm1, v55, v29;
	v15 =	vadd.f32 $1.000000000e+00, v9;
	v17 =	vadd.f32 $1.000000000e+00, v12;
	v59 =	vld [tilespmem:s12+$0x60]  }
0x761: {  	v29 =	vsel vm3, v58, v56;
	v16 =	vsub.f32 v18, v1;
	v19 =	vadd.f32 $1.000000000e+00, v14;
	v60 =	vld [tilespmem:s12+$0x70]  }
0x762: {  	v32 =	vsel vm0, v57, v54;
	v18 =	vsub.f32 v20, v3;
	v20 =	vsub.f32 v22, v2;
	v61 =	vld [tilespmem:s12+$0x80]  }
0x763: {  	vm8 =	vlt.f32 v9, $0.0e+00;
	v62 =	vld [tilespmem:s12+$0x90];
	v21 =	vadd.f32 $1.000000000e+00, v16;
	v22 =	vsub.f32 v25, v1  }
0x764: {  	vm9 =	vlt.f32 v12, $0.0e+00;
	[tilespmem:s12+$0xB0] =	vst v24;
	v63 =	vld [tilespmem:s12+$0xA0];
	v23 =	vadd.f32 $1.000000000e+00, v18;
	v24 =	vsub.f32 v26, v3  }
0x765: {  	vm10 =	vlt.f32 v14, $0.0e+00;
	v47 =	vld [tilespmem:s12+$0xFFFFFF40];
	v25 =	vadd.f32 $1.000000000e+00, v20;
	v27 =	vadd.f32 $1.000000000e+00, v22  }
0x766: {  	vm11 =	vlt.f32 v16, $0.0e+00;
	v26 =	vsub.f32 v28, v2;
	v30 =	vadd.f32 $1.000000000e+00, v24  }
0x767: {  	vm12 =	vlt.f32 v18, $0.0e+00;
	v28 =	vsub.f32 v31, v1;
	v31 =	vsub.f32 v59, v3  }
0x768: {  	vm13 =	vlt.f32 v20, $0.0e+00;
	v33 =	vsub.f32 v60, v2;
	v34 =	vsub.f32 v61, v1  }
0x769: {  	vm14 =	vlt.f32 v22, $0.0e+00;
	v36 =	vsub.f32 v62, v3;
	v37 =	vsub.f32 v63, v2  }
0x76a: {  	vm15 =	vlt.f32 v24, $0.0e+00;
	v44 =	vsub.f32 v47, v3;
	v35 =	vadd.f32 $1.000000000e+00, v26  }
0x76b: {  	v38 =	vadd.f32 $1.000000000e+00, v28;
	vm2 =	vlt.f32 v26, $0.0e+00;
	v39 =	vadd.f32 $1.000000000e+00, v31  }
0x76c: {  	vm1 =	vlt.f32 v28, $0.0e+00;
	v41 =	vadd.f32 $1.000000000e+00, v33;
	v40 =	vadd.f32 $1.000000000e+00, v34  }
0x76d: {  	vm0 =	vlt.f32 v31, $0.0e+00;
	vm3 =	vlt.f32 v33, $0.0e+00;
	v43 =	vadd.f32 $1.000000000e+00, v36  }
0x76e: {  	v42 =	vadd.f32 $1.000000000e+00, v37;
	v46 =	vadd.f32 $1.000000000e+00, v44;
	vm4 =	vlt.f32 v34, $0.0e+00  }
0x76f: {  	s13 =	simm.s32 $0x0;
	s14 =	simm.s32 $0x340;
	vm6 =	vlt.f32 v36, $0.0e+00;
	vm7 =	vlt.f32 v44, $0.0e+00;
	vm5 =	vlt.f32 v37, $0.0e+00  }
.LBB2_30:
0x770: {  	v62 =	vld [tilespmem:$0x1F880];
	_ =	sdelay $0x4  }
0x771: {  	v44 =	vsel vm7, v46, v44;
	vm7 =	vnez.u8 v62  }
0x772: {  	v4 =	vsel vm7, v8, v4;
	v8 =	vld [tilespmem:$0x1F890];
	_ =	sdelay $0x3  }
0x773: {  	v47 =	vld [tilespmem:s14+$0xB0]  }
0x774: {  	v61 =	vld [tilespmem:s14+$0xA0];
	vm7 =	vnez.u8 v8  }
0x775: {  	v5 =	vsel vm7, v10, v5;
	v10 =	vld [tilespmem:$0x1F8A0]  }
0x776: {  	v54 =	vld [tilespmem:s14+$0x30]  }
0x777: {  	v55 =	vld [tilespmem:s14+$0x40]  }
0x778: {  	[tilespmem:s12+$0xFFFFFF50] =	vst v45;
	v60 =	vld [tilespmem:s14+$0x90]  }
0x779: {  	v9 =	vsel vm8, v15, v9;
	v63 =	vsel vm5, v42, v37;
	v37 =	vsub.f32 v61, v2;
	v8 =	vld [tilespmem:s14+$0xFFFFFF50]  }
0x77a: {  	v57 =	vld [tilespmem:s14+$0x60];
	v15 =	vsel vm12, v23, v18;
	v23 =	vsub.f32 v47, v1;
	vm7 =	vnez.u8 v10  }
0x77b: {  	v42 =	vadd.f32 $1.000000000e+00, v37;
	vm5 =	vlt.f32 v37, $0.0e+00;
	[tilespmem:s12+$0xFFFFFF40] =	vst v44;
	v10 =	vld [tilespmem:$0x1F8B0];
	v6 =	vsel vm7, v11, v6  }
0x77c: {  	v11 =	vsel vm9, v17, v12;
	v12 =	vsel vm10, v19, v14;
	v14 =	vld [tilespmem:s14+$0xFFFFFF70];
	[tilespmem:s12+$0xFFFFFF70] =	vst v29;
	v17 =	vsel vm14, v27, v22  }
0x77d: {  	v19 =	vsel vm15, v30, v24;
	v22 =	vsel vm1, v38, v28;
	v24 =	vsel vm0, v39, v31;
	v18 =	vld [tilespmem:s14+$0xFFFFFF80];
	[tilespmem:s12+$0xFFFFFF80] =	vst v4  }
0x77e: {  	v58 =	vld [tilespmem:s14+$0x70];
	v29 =	vsub.f32 v8, v2;
	v31 =	vsel vm6, v43, v36;
	v36 =	vsub.f32 v60, v3;
	[tilespmem:s12+$0x30] =	vst v19  }
0x77f: {  	v28 =	vsel vm4, v40, v34;
	vm0 =	vlt.f32 v23, $0.0e+00;
	[tilespmem:s12+$0x60] =	vst v24;
	v24 =	vsub.f32 v54, v3;
	v56 =	vld [tilespmem:s14+$0x50]  }
0x780: {  	v52 =	vadd.f32 $1.000000000e+00, v29;
	[tilespmem:s12+$0x50] =	vst v22;
	v22 =	vimm.s32 $0x0;
	v59 =	vld [tilespmem:s14+$0x80];
	v43 =	vadd.f32 $1.000000000e+00, v36  }
0x781: {  	vm6 =	vlt.f32 v36, $0.0e+00;
	vm15 =	vlt.f32 v24, $0.0e+00;
	vm7 =	vnez.u8 v10;
	v10 =	vld [tilespmem:s14+$0xFFFFFF60];
	[tilespmem:s12+$0xFFFFFF60] =	vst v32  }
0x782: {  	v7 =	vsel vm7, v13, v7;
	v13 =	vsel vm11, v21, v16;
	v16 =	vsel vm13, v25, v20;
	v21 =	vld [tilespmem:s14+$0xFFFFFF90];
	[tilespmem:s12+$0xFFFFFF90] =	vst v5  }
0x783: {  	v20 =	vsel vm2, v35, v26;
	v25 =	vld [tilespmem:s14+$0xFFFFFFA0];
	[tilespmem:s12+$0xFFFFFFA0] =	vst v6;
	v5 =	vadd.f32 $1.000000000e+00, v23;
	v53 =	vsub.f32 v14, v3  }
0x784: {  	v26 =	vsel vm3, v41, v33;
	v33 =	vsub.f32 v58, v2;
	v27 =	vld [tilespmem:s14+$0xFFFFFFB0];
	[tilespmem:s12+$0xFFFFFFB0] =	vst v7;
	v4 =	vsub.f32 v18, v2  }
0x785: {  	v7 =	vimm.s32 $0x0;
	[tilespmem:s12+$0x70] =	vst v26;
	v26 =	vsub.f32 v55, v2;
	v6 =	vsel vm0, v5, v23  }
0x786: {  	[tilespmem:s12+$0x80] =	vst v28;
	v62 =	vld [tilespmem:s14+$0xFFFFFF40];
	vm0 =	vlt.f32 v29, $0.0e+00;
	v5 =	vimm.s32 $0x0;
	v49 =	vadd.f32 $1.000000000e+00, v53  }
0x787: {  	v14 =	vld [tilespmem:s14+$0xFFFFFFC0];
	[tilespmem:s12+$0xFFFFFFC0] =	vst v9;
	v9 =	vimm.s32 $0x0;
	v28 =	vsub.f32 v56, v1;
	v34 =	vsub.f32 v59, v1  }
0x788: {  	v18 =	vld [tilespmem:s14+$0xFFFFFFD0];
	[tilespmem:s12+$0xFFFFFFD0] =	vst v11;
	v41 =	vadd.f32 $1.000000000e+00, v33;
	vm3 =	vlt.f32 v33, $0.0e+00;
	v5 =	vsel vm0, $0xFFFFFFFF, v5  }
0x789: {  	[tilespmem:s14+$0xB0] =	vst v6;
	v6 =	vimm.s32 $0x0;
	v8 =	vadd.f32 $1.000000000e+00, v4;
	v35 =	vadd.f32 $1.000000000e+00, v26  }
0x78a: {  	vm2 =	vlt.f32 v26, $0.0e+00;
	v32 =	vsub.f32 v10, v1;
	[tilespmem:s12+$0x90] =	vst v31;
	v31 =	vsub.f32 v57, v3  }
0x78b: {  	v23 =	vld [tilespmem:s14+$0xFFFFFFF0];
	[tilespmem:$0x1F840] =	vst v5;
	v38 =	vadd.f32 $1.000000000e+00, v28;
	vm1 =	vlt.f32 v28, $0.0e+00;
	v40 =	vadd.f32 $1.000000000e+00, v34  }
0x78c: {  	vm4 =	vlt.f32 v34, $0.0e+00;
	v5 =	vsub.f32 v21, v1;
	v21 =	vld [tilespmem:s14+$0xFFFFFFE0];
	[tilespmem:s12+$0xFFFFFFE0] =	vst v12;
	v12 =	vimm.s32 $0x0  }
0x78d: {  	v44 =	vsub.f32 v62, v3;
	v48 =	vadd.f32 $1.000000000e+00, v32;
	vm0 =	vlt.f32 v32, $0.0e+00  }
0x78e: {  	[tilespmem:s12+$0x40] =	vst v20;
	v50 =	vld [tilespmem:$0x1F840];
	v39 =	vadd.f32 $1.000000000e+00, v31;
	v6 =	vsel vm0, $0xFFFFFFFF, v6;
	vm0 =	vlt.f32 v53, $0.0e+00  }
0x78f: {  	v10 =	vadd.f32 $1.000000000e+00, v5;
	vm7 =	vlt.f32 v44, $0.0e+00;
	[tilespmem:$0x1F850] =	vst v6;
	v7 =	vsel vm0, $0xFFFFFFFF, v7  }
0x790: {  	v46 =	vadd.f32 $1.000000000e+00, v44;
	v6 =	vsub.f32 v25, v3;
	v25 =	vld [tilespmem:s14+$0x0];
	vm0 =	vlt.f32 v4, $0.0e+00;
	[tilespmem:$0x1F860] =	vst v7  }
0x791: {  	v7 =	vsub.f32 v27, v2;
	v9 =	vsel vm0, $0xFFFFFFFF, v9;
	v27 =	vld [tilespmem:s14+$0x10];
	[tilespmem:s12+$0x0] =	vst v15;
	vm0 =	vlt.f32 v5, $0.0e+00  }
0x792: {  	[tilespmem:$0x1F880] =	vst v9;
	v11 =	vadd.f32 $1.000000000e+00, v6;
	v9 =	vsub.f32 v14, v1;
	v12 =	vsel vm0, $0xFFFFFFFF, v12  }
0x793: {  	v30 =	vld [tilespmem:s14+$0x20];
	[tilespmem:s12+$0x10] =	vst v16;
	vm0 =	vlt.f32 v6, $0.0e+00;
	v14 =	vimm.s32 $0x0;
	vm8 =	vnez.u8 v50  }
0x794: {  	v16 =	vimm.s32 $0x0;
	[tilespmem:$0x1F890] =	vst v12;
	v14 =	vsel vm0, $0xFFFFFFFF, v14;
	v45 =	vsel vm8, v52, v29;
	v29 =	vld [tilespmem:$0x1F850]  }
0x795: {  	v12 =	vsub.f32 v18, v3;
	vm0 =	vlt.f32 v7, $0.0e+00;
	[tilespmem:$0x1F8A0] =	vst v14;
	v14 =	vsub.f32 v21, v2  }
0x796: {  	[tilespmem:s12+$0xFFFFFFF0] =	vst v13;
	v13 =	vadd.f32 $1.000000000e+00, v7;
	v15 =	vadd.f32 $1.000000000e+00, v9;
	v16 =	vsel vm0, $0xFFFFFFFF, v16  }
0x797: {  	[tilespmem:s12+$0x20] =	vst v17;
	vm9 =	vlt.f32 v9, $0.0e+00;
	v17 =	vadd.f32 $1.000000000e+00, v12;
	vm0 =	vlt.f32 v14, $0.0e+00  }
0x798: {  	[tilespmem:$0x1F8B0] =	vst v16;
	v16 =	vsub.f32 v23, v1;
	v18 =	vsub.f32 v25, v3;
	v22 =	vsel vm0, $0xFFFFFFFF, v22  }
0x799: {  	s13 =	sadd.s32 $0x8, s13;
	vm8 =	vmmov vm9;
	v19 =	vadd.f32 $1.000000000e+00, v14;
	[tilespmem:$0x1F870] =	vst v22;
	vm9 =	vnez.u8 v29;
	v29 =	vld [tilespmem:$0x1F860]  }
0x79a: {  	p0 =	slt.u32 s13, $0x1F8;
	[tilespmem:s12+$0xA0] =	vst v63;
	vm10 =	vlt.f32 v12, $0.0e+00;
	v20 =	vsub.f32 v27, v2;
	v21 =	vadd.f32 $1.000000000e+00, v16;
	v63 =	vld [tilespmem:$0x1F870]  }
.Ltmp14:
0x79b: {  	v23 =	vadd.f32 $1.000000000e+00, v18;
	vm11 =	vlt.f32 v16, $0.0e+00;
	vm12 =	vlt.f32 v18, $0.0e+00;
	(pc) =	sbr.rel @p0 .LBB2_30-.Ltmp14, $4  }
0x79c: {  	vm0 =	vlt.f32 v31, $0.0e+00;
	v22 =	vsub.f32 v30, v1;
	v25 =	vadd.f32 $1.000000000e+00, v20  }
0x79d: {  	vm13 =	vlt.f32 v20, $0.0e+00;
	v30 =	vadd.f32 $1.000000000e+00, v24;
	v32 =	vsel vm9, v48, v32  }
0x79e: {  	vm9 =	vmmov vm10;
	v27 =	vadd.f32 $1.000000000e+00, v22;
	vm10 =	vnez.u8 v29  }
0x79f: {  	s12 =	smov.u32 s14;
	s14 =	sadd.s32 $0x180, s14;
	vm14 =	vlt.f32 v22, $0.0e+00;
	v29 =	vsel vm10, v49, v53;
	vm10 =	vnez.u8 v63  }
0x7a0: {  	[tilespmem:s12+$0xFFFFFF50] =	vst v45  }
0x7a1: {  	v44 =	vsel vm7, v46, v44;
	[tilespmem:s12+$0xFFFFFF60] =	vst v32  }
0x7a2: {  	[tilespmem:s12+$0xFFFFFF40] =	vst v44  }
0x7a3: {  	v32 =	vld [tilespmem:$0x1F880];
	_ =	sdelay $0x4  }
0x7a4: {  	[tilespmem:s12+$0xFFFFFF70] =	vst v29;
	vm7 =	vnez.u8 v32  }
0x7a5: {  	v4 =	vsel vm7, v8, v4;
	v8 =	vld [tilespmem:$0x1F890]  }
0x7a6: {  	[tilespmem:s12+$0xFFFFFF80] =	vst v4  }
0x7a7: {  	v4 =	vld [tilespmem:$0x1F8A0];
	_ =	sdelay $0x2  }
0x7a8: {  	vm7 =	vnez.u8 v8  }
0x7a9: {  	v5 =	vsel vm7, v10, v5  }
0x7aa: {  	vm7 =	vnez.u8 v4;
	[tilespmem:s12+$0xFFFFFF90] =	vst v5  }
0x7ab: {  	v4 =	vsel vm7, v11, v6;
	v5 =	vld [tilespmem:$0x1F8B0]  }
0x7ac: {  	[tilespmem:s12+$0xFFFFFFA0] =	vst v4;
	v4 =	vsel vm8, v15, v9  }
0x7ad: {  	[tilespmem:s12+$0xFFFFFFC0] =	vst v4;
	v4 =	vsel vm10, v19, v14  }
0x7ae: {  	[tilespmem:s12+$0xFFFFFFE0] =	vst v4;
	v4 =	vsel vm12, v23, v18  }
0x7af: {  	[tilespmem:s12+$0x0] =	vst v4;
	v4 =	vsel vm14, v27, v22  }
0x7b0: {  	vm7 =	vnez.u8 v5;
	[tilespmem:s12+$0x20] =	vst v4;
	v4 =	vsel vm2, v35, v26  }
0x7b1: {  	v5 =	vsel vm7, v13, v7;
	[tilespmem:s12+$0x40] =	vst v4  }
0x7b2: {  	v4 =	vsel vm0, v39, v31;
	[tilespmem:s12+$0xFFFFFFB0] =	vst v5  }
0x7b3: {  	v5 =	vsel vm9, v17, v12;
	[tilespmem:s12+$0x60] =	vst v4  }
0x7b4: {  	v4 =	vsel vm4, v40, v34;
	[tilespmem:s12+$0xFFFFFFD0] =	vst v5  }
0x7b5: {  	v5 =	vsel vm11, v21, v16;
	[tilespmem:s12+$0x80] =	vst v4  }
0x7b6: {  	v4 =	vsel vm5, v42, v37;
	[tilespmem:s12+$0xFFFFFFF0] =	vst v5  }
0x7b7: {  	v5 =	vsel vm13, v25, v20;
	[tilespmem:s12+$0xA0] =	vst v4  }
0x7b8: {  	[tilespmem:s12+$0x10] =	vst v5;
	v5 =	vsel vm15, v30, v24  }
0x7b9: {  	[tilespmem:s12+$0x30] =	vst v5;
	v5 =	vsel vm1, v38, v28  }
0x7ba: {  	[tilespmem:s12+$0x50] =	vst v5;
	v5 =	vsel vm3, v41, v33  }
0x7bb: {  	[tilespmem:s12+$0x70] =	vst v5;
	v5 =	vsel vm6, v43, v36  }
0x7bc: {  	[tilespmem:s12+$0x90] =	vst v5  }
0x7bd: {  	[hbm4b:s0+s2] =	stream.linear.scatter [tilespmem:s9], [sflag:$0x1], $0x6000, $0x38;
	[tilespmem:$0xC100] =	vst v63  }
0x7be: {  	_ =	swait.ge [sflag:s8], $0x6000  }
0x7bf: {  	[sflag:s8] =	ssyncset.done $0x0  }
0x7c0: {  	[sflag:s8] =	ssyncadd.s32 $0xFFFFA000  }
0x7c1: {  	[tilespmem:s10], [sflag:$0x1] =	stream.linear.gather [hbm4b:s3+s2], $0x6000, $0x38;
	[tilespmem:$0xC100] =	vst v63  }
0x7c2: {  	_ =	swait.ge [sflag:s8], $0x6000  }
0x7c3: {  	[sflag:s8] =	ssyncset.done $0x0  }
0x7c4: {  	s12 =	simm.s32 $0x61C0;
	[sflag:s8] =	ssyncadd.s32 $0xFFFFA000  }
0x7c5: {  	v4 =	vld [tilespmem:s12+$0xB0]  }
0x7c6: {  	v5 =	vld [tilespmem:s12+$0xFFFFFF50]  }
0x7c7: {  	v6 =	vld [tilespmem:s12+$0xFFFFFF60]  }
0x7c8: {  	v7 =	vld [tilespmem:s12+$0xFFFFFF70]  }
0x7c9: {  	v8 =	vld [tilespmem:s12+$0xFFFFFF80]  }
0x7ca: {  	v9 =	vld [tilespmem:s12+$0xFFFFFF90]  }
0x7cb: {  	v11 =	vld [tilespmem:s12+$0xFFFFFFA0]  }
0x7cc: {  	v12 =	vld [tilespmem:s12+$0xFFFFFFB0];
	v10 =	vsub.f32 v4, v1  }
0x7cd: {  	v29 =	vsub.f32 v5, v2  }
0x7ce: {  	v54 =	vsub.f32 v6, v1;
	v5 =	vadd.f32 $1.000000000e+00, v10  }
0x7cf: {  	v14 =	vld [tilespmem:s12+$0xFFFFFFD0];
	v56 =	vsub.f32 v7, v3;
	v4 =	vsub.f32 v8, v2;
	vm0 =	vlt.f32 v10, $0.0e+00  }
0x7d0: {  	v13 =	vld [tilespmem:s12+$0xFFFFFFC0];
	v6 =	vsub.f32 v11, v3;
	v24 =	vsel vm0, v5, v10;
	v5 =	vsub.f32 v9, v1  }
0x7d1: {  	v16 =	vld [tilespmem:s12+$0xFFFFFFE0];
	v7 =	vsub.f32 v12, v2;
	vm2 =	vlt.f32 v4, $0.0e+00;
	v9 =	vimm.s32 $0x0  }
0x7d2: {  	v18 =	vld [tilespmem:s12+$0xFFFFFFF0];
	v12 =	vimm.s32 $0x0;
	v9 =	vsel vm2, $0xFFFFFFFF, v9;
	vm2 =	vlt.f32 v5, $0.0e+00  }
0x7d3: {  	v20 =	vld [tilespmem:s12+$0x0];
	[tilespmem:$0x1F800] =	vst v9;
	v12 =	vsel vm2, $0xFFFFFFFF, v12  }
0x7d4: {  	v22 =	vld [tilespmem:s12+$0x10];
	vm2 =	vlt.f32 v6, $0.0e+00;
	[tilespmem:$0x1F810] =	vst v12;
	v12 =	vsub.f32 v14, v3;
	v14 =	vimm.s32 $0x0  }
0x7d5: {  	v14 =	vsel vm2, $0xFFFFFFFF, v14  }
0x7d6: {  	v25 =	vld [tilespmem:s12+$0x20];
	vm2 =	vlt.f32 v7, $0.0e+00;
	[tilespmem:$0x1F820] =	vst v14;
	v14 =	vsub.f32 v16, v2;
	v16 =	vimm.s32 $0x0  }
0x7d7: {  	v55 =	vadd.f32 $1.000000000e+00, v29;
	v57 =	vadd.f32 $1.000000000e+00, v54;
	v16 =	vsel vm2, $0xFFFFFFFF, v16  }
0x7d8: {  	vm1 =	vlt.f32 v29, $0.0e+00;
	v58 =	vadd.f32 $1.000000000e+00, v56;
	v8 =	vadd.f32 $1.000000000e+00, v4;
	v26 =	vld [tilespmem:s12+$0x30];
	[tilespmem:$0x1F830] =	vst v16  }
0x7d9: {  	vm3 =	vlt.f32 v56, $0.0e+00;
	v11 =	vadd.f32 $1.000000000e+00, v6;
	v9 =	vsub.f32 v13, v1;
	v28 =	vld [tilespmem:s12+$0x40]  }
0x7da: {  	vm0 =	vlt.f32 v54, $0.0e+00;
	v10 =	vadd.f32 $1.000000000e+00, v5;
	v13 =	vadd.f32 $1.000000000e+00, v7;
	v31 =	vld [tilespmem:s12+$0x50]  }
0x7db: {  	v45 =	vsel vm1, v55, v29;
	v15 =	vadd.f32 $1.000000000e+00, v9;
	v17 =	vadd.f32 $1.000000000e+00, v12;
	v59 =	vld [tilespmem:s12+$0x60]  }
0x7dc: {  	v29 =	vsel vm3, v58, v56;
	v16 =	vsub.f32 v18, v1;
	v19 =	vadd.f32 $1.000000000e+00, v14;
	v60 =	vld [tilespmem:s12+$0x70]  }
0x7dd: {  	v32 =	vsel vm0, v57, v54;
	v18 =	vsub.f32 v20, v3;
	v20 =	vsub.f32 v22, v2;
	v61 =	vld [tilespmem:s12+$0x80]  }
0x7de: {  	vm8 =	vlt.f32 v9, $0.0e+00;
	v62 =	vld [tilespmem:s12+$0x90];
	v21 =	vadd.f32 $1.000000000e+00, v16;
	v22 =	vsub.f32 v25, v1  }
0x7df: {  	vm9 =	vlt.f32 v12, $0.0e+00;
	[tilespmem:s12+$0xB0] =	vst v24;
	v63 =	vld [tilespmem:s12+$0xA0];
	v23 =	vadd.f32 $1.000000000e+00, v18;
	v24 =	vsub.f32 v26, v3  }
0x7e0: {  	vm10 =	vlt.f32 v14, $0.0e+00;
	v47 =	vld [tilespmem:s12+$0xFFFFFF40];
	v25 =	vadd.f32 $1.000000000e+00, v20;
	v27 =	vadd.f32 $1.000000000e+00, v22  }
0x7e1: {  	vm11 =	vlt.f32 v16, $0.0e+00;
	v26 =	vsub.f32 v28, v2;
	v30 =	vadd.f32 $1.000000000e+00, v24  }
0x7e2: {  	vm12 =	vlt.f32 v18, $0.0e+00;
	v28 =	vsub.f32 v31, v1;
	v31 =	vsub.f32 v59, v3  }
0x7e3: {  	vm13 =	vlt.f32 v20, $0.0e+00;
	v33 =	vsub.f32 v60, v2;
	v34 =	vsub.f32 v61, v1  }
0x7e4: {  	vm14 =	vlt.f32 v22, $0.0e+00;
	v36 =	vsub.f32 v62, v3;
	v37 =	vsub.f32 v63, v2  }
0x7e5: {  	vm15 =	vlt.f32 v24, $0.0e+00;
	v44 =	vsub.f32 v47, v3;
	v35 =	vadd.f32 $1.000000000e+00, v26  }
0x7e6: {  	v38 =	vadd.f32 $1.000000000e+00, v28;
	vm2 =	vlt.f32 v26, $0.0e+00;
	v39 =	vadd.f32 $1.000000000e+00, v31  }
0x7e7: {  	vm1 =	vlt.f32 v28, $0.0e+00;
	v41 =	vadd.f32 $1.000000000e+00, v33;
	v40 =	vadd.f32 $1.000000000e+00, v34  }
0x7e8: {  	vm0 =	vlt.f32 v31, $0.0e+00;
	vm3 =	vlt.f32 v33, $0.0e+00;
	v43 =	vadd.f32 $1.000000000e+00, v36  }
0x7e9: {  	v42 =	vadd.f32 $1.000000000e+00, v37;
	v46 =	vadd.f32 $1.000000000e+00, v44;
	vm4 =	vlt.f32 v34, $0.0e+00  }
0x7ea: {  	s13 =	simm.s32 $0x0;
	s14 =	simm.s32 $0x6340;
	vm6 =	vlt.f32 v36, $0.0e+00;
	vm7 =	vlt.f32 v44, $0.0e+00;
	vm5 =	vlt.f32 v37, $0.0e+00  }
.LBB2_32:
0x7eb: {  	v62 =	vld [tilespmem:$0x1F800];
	_ =	sdelay $0x4  }
0x7ec: {  	v44 =	vsel vm7, v46, v44;
	vm7 =	vnez.u8 v62  }
0x7ed: {  	v4 =	vsel vm7, v8, v4;
	v8 =	vld [tilespmem:$0x1F810];
	_ =	sdelay $0x3  }
0x7ee: {  	v47 =	vld [tilespmem:s14+$0xB0]  }
0x7ef: {  	v61 =	vld [tilespmem:s14+$0xA0];
	vm7 =	vnez.u8 v8  }
0x7f0: {  	v5 =	vsel vm7, v10, v5;
	v10 =	vld [tilespmem:$0x1F820]  }
0x7f1: {  	v54 =	vld [tilespmem:s14+$0x30]  }
0x7f2: {  	v55 =	vld [tilespmem:s14+$0x40]  }
0x7f3: {  	[tilespmem:s12+$0xFFFFFF50] =	vst v45;
	v60 =	vld [tilespmem:s14+$0x90]  }
0x7f4: {  	v9 =	vsel vm8, v15, v9;
	v63 =	vsel vm5, v42, v37;
	v37 =	vsub.f32 v61, v2;
	v8 =	vld [tilespmem:s14+$0xFFFFFF50]  }
0x7f5: {  	v57 =	vld [tilespmem:s14+$0x60];
	v15 =	vsel vm12, v23, v18;
	v23 =	vsub.f32 v47, v1;
	vm7 =	vnez.u8 v10  }
0x7f6: {  	v42 =	vadd.f32 $1.000000000e+00, v37;
	vm5 =	vlt.f32 v37, $0.0e+00;
	[tilespmem:s12+$0xFFFFFF40] =	vst v44;
	v10 =	vld [tilespmem:$0x1F830];
	v6 =	vsel vm7, v11, v6  }
0x7f7: {  	v11 =	vsel vm9, v17, v12;
	v12 =	vsel vm10, v19, v14;
	v14 =	vld [tilespmem:s14+$0xFFFFFF70];
	[tilespmem:s12+$0xFFFFFF70] =	vst v29;
	v17 =	vsel vm14, v27, v22  }
0x7f8: {  	v19 =	vsel vm15, v30, v24;
	v22 =	vsel vm1, v38, v28;
	v24 =	vsel vm0, v39, v31;
	v18 =	vld [tilespmem:s14+$0xFFFFFF80];
	[tilespmem:s12+$0xFFFFFF80] =	vst v4  }
0x7f9: {  	v58 =	vld [tilespmem:s14+$0x70];
	v29 =	vsub.f32 v8, v2;
	v31 =	vsel vm6, v43, v36;
	v36 =	vsub.f32 v60, v3;
	[tilespmem:s12+$0x30] =	vst v19  }
0x7fa: {  	v28 =	vsel vm4, v40, v34;
	vm0 =	vlt.f32 v23, $0.0e+00;
	[tilespmem:s12+$0x60] =	vst v24;
	v24 =	vsub.f32 v54, v3;
	v56 =	vld [tilespmem:s14+$0x50]  }
0x7fb: {  	v52 =	vadd.f32 $1.000000000e+00, v29;
	[tilespmem:s12+$0x50] =	vst v22;
	v22 =	vimm.s32 $0x0;
	v59 =	vld [tilespmem:s14+$0x80];
	v43 =	vadd.f32 $1.000000000e+00, v36  }
0x7fc: {  	vm6 =	vlt.f32 v36, $0.0e+00;
	vm15 =	vlt.f32 v24, $0.0e+00;
	vm7 =	vnez.u8 v10;
	v10 =	vld [tilespmem:s14+$0xFFFFFF60];
	[tilespmem:s12+$0xFFFFFF60] =	vst v32  }
0x7fd: {  	v7 =	vsel vm7, v13, v7;
	v13 =	vsel vm11, v21, v16;
	v16 =	vsel vm13, v25, v20;
	v21 =	vld [tilespmem:s14+$0xFFFFFF90];
	[tilespmem:s12+$0xFFFFFF90] =	vst v5  }
0x7fe: {  	v20 =	vsel vm2, v35, v26;
	v25 =	vld [tilespmem:s14+$0xFFFFFFA0];
	[tilespmem:s12+$0xFFFFFFA0] =	vst v6;
	v5 =	vadd.f32 $1.000000000e+00, v23;
	v53 =	vsub.f32 v14, v3  }
0x7ff: {  	v26 =	vsel vm3, v41, v33;
	v33 =	vsub.f32 v58, v2;
	v27 =	vld [tilespmem:s14+$0xFFFFFFB0];
	[tilespmem:s12+$0xFFFFFFB0] =	vst v7;
	v4 =	vsub.f32 v18, v2  }
0x800: {  	v7 =	vimm.s32 $0x0;
	[tilespmem:s12+$0x70] =	vst v26;
	v26 =	vsub.f32 v55, v2;
	v6 =	vsel vm0, v5, v23  }
0x801: {  	[tilespmem:s12+$0x80] =	vst v28;
	v62 =	vld [tilespmem:s14+$0xFFFFFF40];
	vm0 =	vlt.f32 v29, $0.0e+00;
	v5 =	vimm.s32 $0x0;
	v49 =	vadd.f32 $1.000000000e+00, v53  }
0x802: {  	v14 =	vld [tilespmem:s14+$0xFFFFFFC0];
	[tilespmem:s12+$0xFFFFFFC0] =	vst v9;
	v9 =	vimm.s32 $0x0;
	v28 =	vsub.f32 v56, v1;
	v34 =	vsub.f32 v59, v1  }
0x803: {  	v18 =	vld [tilespmem:s14+$0xFFFFFFD0];
	[tilespmem:s12+$0xFFFFFFD0] =	vst v11;
	v41 =	vadd.f32 $1.000000000e+00, v33;
	vm3 =	vlt.f32 v33, $0.0e+00;
	v5 =	vsel vm0, $0xFFFFFFFF, v5  }
0x804: {  	[tilespmem:s14+$0xB0] =	vst v6;
	v6 =	vimm.s32 $0x0;
	v8 =	vadd.f32 $1.000000000e+00, v4;
	v35 =	vadd.f32 $1.000000000e+00, v26  }
0x805: {  	vm2 =	vlt.f32 v26, $0.0e+00;
	v32 =	vsub.f32 v10, v1;
	[tilespmem:s12+$0x90] =	vst v31;
	v31 =	vsub.f32 v57, v3  }
0x806: {  	v23 =	vld [tilespmem:s14+$0xFFFFFFF0];
	[tilespmem:$0x1F7C0] =	vst v5;
	v38 =	vadd.f32 $1.000000000e+00, v28;
	vm1 =	vlt.f32 v28, $0.0e+00;
	v40 =	vadd.f32 $1.000000000e+00, v34  }
0x807: {  	vm4 =	vlt.f32 v34, $0.0e+00;
	v5 =	vsub.f32 v21, v1;
	v21 =	vld [tilespmem:s14+$0xFFFFFFE0];
	[tilespmem:s12+$0xFFFFFFE0] =	vst v12;
	v12 =	vimm.s32 $0x0  }
0x808: {  	v44 =	vsub.f32 v62, v3;
	v48 =	vadd.f32 $1.000000000e+00, v32;
	vm0 =	vlt.f32 v32, $0.0e+00  }
0x809: {  	[tilespmem:s12+$0x40] =	vst v20;
	v50 =	vld [tilespmem:$0x1F7C0];
	v39 =	vadd.f32 $1.000000000e+00, v31;
	v6 =	vsel vm0, $0xFFFFFFFF, v6;
	vm0 =	vlt.f32 v53, $0.0e+00  }
0x80a: {  	v10 =	vadd.f32 $1.000000000e+00, v5;
	vm7 =	vlt.f32 v44, $0.0e+00;
	[tilespmem:$0x1F7D0] =	vst v6;
	v7 =	vsel vm0, $0xFFFFFFFF, v7  }
0x80b: {  	v46 =	vadd.f32 $1.000000000e+00, v44;
	v6 =	vsub.f32 v25, v3;
	v25 =	vld [tilespmem:s14+$0x0];
	vm0 =	vlt.f32 v4, $0.0e+00;
	[tilespmem:$0x1F7E0] =	vst v7  }
0x80c: {  	v7 =	vsub.f32 v27, v2;
	v9 =	vsel vm0, $0xFFFFFFFF, v9;
	v27 =	vld [tilespmem:s14+$0x10];
	[tilespmem:s12+$0x0] =	vst v15;
	vm0 =	vlt.f32 v5, $0.0e+00  }
0x80d: {  	[tilespmem:$0x1F800] =	vst v9;
	v11 =	vadd.f32 $1.000000000e+00, v6;
	v9 =	vsub.f32 v14, v1;
	v12 =	vsel vm0, $0xFFFFFFFF, v12  }
0x80e: {  	v30 =	vld [tilespmem:s14+$0x20];
	[tilespmem:s12+$0x10] =	vst v16;
	vm0 =	vlt.f32 v6, $0.0e+00;
	v14 =	vimm.s32 $0x0;
	vm8 =	vnez.u8 v50  }
0x80f: {  	v16 =	vimm.s32 $0x0;
	[tilespmem:$0x1F810] =	vst v12;
	v14 =	vsel vm0, $0xFFFFFFFF, v14;
	v45 =	vsel vm8, v52, v29;
	v29 =	vld [tilespmem:$0x1F7D0]  }
0x810: {  	v12 =	vsub.f32 v18, v3;
	vm0 =	vlt.f32 v7, $0.0e+00;
	[tilespmem:$0x1F820] =	vst v14;
	v14 =	vsub.f32 v21, v2  }
0x811: {  	[tilespmem:s12+$0xFFFFFFF0] =	vst v13;
	v13 =	vadd.f32 $1.000000000e+00, v7;
	v15 =	vadd.f32 $1.000000000e+00, v9;
	v16 =	vsel vm0, $0xFFFFFFFF, v16  }
0x812: {  	[tilespmem:s12+$0x20] =	vst v17;
	vm9 =	vlt.f32 v9, $0.0e+00;
	v17 =	vadd.f32 $1.000000000e+00, v12;
	vm0 =	vlt.f32 v14, $0.0e+00  }
0x813: {  	[tilespmem:$0x1F830] =	vst v16;
	v16 =	vsub.f32 v23, v1;
	v18 =	vsub.f32 v25, v3;
	v22 =	vsel vm0, $0xFFFFFFFF, v22  }
0x814: {  	s13 =	sadd.s32 $0x8, s13;
	vm8 =	vmmov vm9;
	v19 =	vadd.f32 $1.000000000e+00, v14;
	[tilespmem:$0x1F7F0] =	vst v22;
	vm9 =	vnez.u8 v29;
	v29 =	vld [tilespmem:$0x1F7E0]  }
0x815: {  	p0 =	slt.u32 s13, $0x1F8;
	[tilespmem:s12+$0xA0] =	vst v63;
	vm10 =	vlt.f32 v12, $0.0e+00;
	v20 =	vsub.f32 v27, v2;
	v21 =	vadd.f32 $1.000000000e+00, v16;
	v63 =	vld [tilespmem:$0x1F7F0]  }
.Ltmp15:
0x816: {  	v23 =	vadd.f32 $1.000000000e+00, v18;
	vm11 =	vlt.f32 v16, $0.0e+00;
	vm12 =	vlt.f32 v18, $0.0e+00;
	(pc) =	sbr.rel @p0 .LBB2_32-.Ltmp15, $4  }
0x817: {  	vm0 =	vlt.f32 v31, $0.0e+00;
	v22 =	vsub.f32 v30, v1;
	v25 =	vadd.f32 $1.000000000e+00, v20  }
0x818: {  	vm13 =	vlt.f32 v20, $0.0e+00;
	v30 =	vadd.f32 $1.000000000e+00, v24;
	v32 =	vsel vm9, v48, v32  }
0x819: {  	vm9 =	vmmov vm10;
	v27 =	vadd.f32 $1.000000000e+00, v22;
	vm10 =	vnez.u8 v29  }
0x81a: {  	s12 =	smov.u32 s14;
	s14 =	sadd.s32 $0x180, s14;
	vm14 =	vlt.f32 v22, $0.0e+00;
	v29 =	vsel vm10, v49, v53;
	vm10 =	vnez.u8 v63  }
0x81b: {  	[tilespmem:s12+$0xFFFFFF50] =	vst v45  }
0x81c: {  	v1 =	vsel vm7, v46, v44;
	[tilespmem:s12+$0xFFFFFF60] =	vst v32  }
0x81d: {  	[tilespmem:s12+$0xFFFFFF40] =	vst v1  }
0x81e: {  	v1 =	vld [tilespmem:$0x1F800];
	[tilespmem:s12+$0xFFFFFF70] =	vst v29  }
0x81f: {  	v2 =	vld [tilespmem:$0x1F810];
	_ =	sdelay $0x3  }
0x820: {  	vm7 =	vnez.u8 v1  }
0x821: {  	v1 =	vsel vm7, v8, v4;
	vm7 =	vnez.u8 v2  }
0x822: {  	v2 =	vsel vm7, v10, v5;
	[tilespmem:s12+$0xFFFFFF80] =	vst v1  }
0x823: {  	v1 =	vld [tilespmem:$0x1F820];
	[tilespmem:s12+$0xFFFFFF90] =	vst v2  }
0x824: {  	v2 =	vld [tilespmem:$0x1F830];
	_ =	sdelay $0x3  }
0x825: {  	vm7 =	vnez.u8 v1  }
0x826: {  	v1 =	vsel vm7, v11, v6;
	vm7 =	vnez.u8 v2  }
0x827: {  	v2 =	vsel vm7, v13, v7;
	[tilespmem:s12+$0xFFFFFFA0] =	vst v1  }
0x828: {  	v1 =	vsel vm8, v15, v9;
	[tilespmem:s12+$0xFFFFFFB0] =	vst v2  }
0x829: {  	v2 =	vsel vm9, v17, v12;
	[tilespmem:s12+$0xFFFFFFC0] =	vst v1  }
0x82a: {  	v1 =	vsel vm10, v19, v14;
	[tilespmem:s12+$0xFFFFFFD0] =	vst v2  }
0x82b: {  	v2 =	vsel vm11, v21, v16;
	[tilespmem:s12+$0xFFFFFFE0] =	vst v1  }
0x82c: {  	v1 =	vsel vm12, v23, v18;
	[tilespmem:s12+$0xFFFFFFF0] =	vst v2  }
0x82d: {  	v2 =	vsel vm13, v25, v20;
	[tilespmem:s12+$0x0] =	vst v1  }
0x82e: {  	v1 =	vsel vm14, v27, v22;
	[tilespmem:s12+$0x10] =	vst v2  }
0x82f: {  	v2 =	vsel vm15, v30, v24;
	[tilespmem:s12+$0x20] =	vst v1  }
0x830: {  	v1 =	vsel vm2, v35, v26;
	[tilespmem:s12+$0x30] =	vst v2  }
0x831: {  	v2 =	vsel vm1, v38, v28;
	[tilespmem:s12+$0x40] =	vst v1  }
0x832: {  	v1 =	vsel vm0, v39, v31;
	[tilespmem:s12+$0x50] =	vst v2  }
0x833: {  	v2 =	vsel vm3, v41, v33;
	[tilespmem:s12+$0x60] =	vst v1  }
0x834: {  	v1 =	vsel vm4, v40, v34;
	[tilespmem:s12+$0x70] =	vst v2  }
0x835: {  	s11 =	sadd.s32 $0x1, s11;
	v2 =	vsel vm6, v43, v36;
	[tilespmem:s12+$0x80] =	vst v1  }
0x836: {  	p0 =	sne.s32 s11, s7;
	v1 =	vsel vm5, v42, v37;
	[tilespmem:s12+$0x90] =	vst v2  }
.Ltmp16:
0x837: {  	[tilespmem:s12+$0xA0] =	vst v1;
	(pc) =	sbr.rel @p0 .LBB2_1-.Ltmp16, $4  }
0x838: {  	[hbm4b:s4+s2] =	stream.linear.scatter [tilespmem:s10], [sflag:$0x1], $0x6000, $0x38;
	[tilespmem:$0xC100] =	vst v63  }
0x839: {  	_ =	swait.ge [sflag:s8], $0x6000  }
0x83a: {  	[sflag:s8] =	ssyncset.done $0x0  }
0x83b: {  	[sflag:s8] =	ssyncadd.s32 $0xFFFFA000  }
0x83c: {  	_ =	sfence.sel $0x180000  }
0x83d: {  	[bflag:$0x0] =	sbarrier.arrive $0xFFFF  }
0x83e: {  	_ =	strace $0x90000047  }
0x83f: {  	s0 =	stileid.u32;
	[bflag:$0x2] =	sbarrier.arrive $0xFFFF  }
0x840: {  	p0 =	sne.s32 s0, $0x0;
	s0 =	rddreg [dreg:$0x2]  }
0x841: {  	s0 =	sadd.s32 @!p0 $0x100000, s0  }
0x842: {  	[sflag:s0] =	ssyncadd.tile.s32 @!p0 $0x1;
	_ =	shalt  }
.Lfunc_end2:
_tile_overlayer_lowered:
.L_overlay_start_2:
0x843: {  	(tag) =	ssettag $0x2  }
0x844: {  	s0 =	rddreg [dreg:$0x0];
	s2 =	stileid.u32  }
0x845: {  	s1 =	rddreg [dreg:$0x1];
	p0 =	sne.s32 s2, $0x0  }
0x846: {  	s3 =	rddreg [dreg:$0x2];
	[bflag:$0x3] =	sbarrier.arrive $0xFFFF;
	s2 =	simm.s32 @!p0 $0x1C01  }
0x847: {  	[timem:s3], [sflag:s2] =	dma.local @!p0 [hbm:s0], s1  }
0x848: {  	s0 =	simm.s32 @!p0 $0x1  }
0x849: {  	_ =	swait.ge @!p0 [sflag:s0], s1  }
0x84a: {  	s1 =	ssub.s32 @!p0 $0x0, s1;
	[sflag:s0] =	ssyncset.done @!p0 $0x0  }
0x84b: {  	[sflag:s0] =	ssyncadd.s32 @!p0 s1  }
0x84c: {  	[bflag:$0x3] =	sbarrier.arrive $0xFFFF  }
0x84d: {  	_ =	shalt  }

// kernel: sparse-core-data-format-call.cloned.1.call-start
scs
called_computation_lowered:
.L_overlay_start_0:
0x0: {  	s2 =	sld [smem:$0x3FD9]  }
0x1: {  	s3 =	sld [smem:$0x3FFE];
	_ =	sdelay $0x1  }
0x2: {  	s1 =	srdreg.scid  }
0x3: {  	s0 =	sand.u32 $0x1, s1  }
0x4: {  	s15 =	sshll.u32 s0, $0xA;
	s2 =	sadd.s32 s3, s2  }
0x5: {  	s2 =	sadd.s32 s2, s15  }
0x6: {  	[smem:$0x3FC1] =	sst s2  }
0x7: {  	_ = 	snop  }
0x8: {  	s2 =	sld [smem:$0x3FD0];
	_ =	sdelay $0x2  }
0x9: {  	s16 =	simm.s32 $0xA;
	s4 =	simm.s32 $0x10  }
0xa: {  	[smem:s4], [sflag:s16] =	dma.local [hbm:s2], $0x1  }
0xb: {  	_ =	swait.eq [sflag:s16], $0x1  }
0xc: {  	[sflag:s16] =	ssyncset.done $0x0  }
0xd: {  	[sflag:s16] =	ssyncadd.s32 $0xFFFFFFFF  }
0xe: {  	s17 =	sld [smem:$0x10];
	(tm) =	ssettm $0x1  }
0xf: {  	s18 =	sld [smem:$0x3FFB];
	_ =	sdelay $0x3  }
0x10: {  	_ =	strace s18  }
0x11: {  	s3 =	sld [smem:$0x3FFC];
	_ =	sdelay $0x3  }
0x12: {  	_ =	strace s3  }
0x13: {  	s3 =	sld [smem:$0x3FFD];
	_ =	sdelay $0x3  }
0x14: {  	_ =	strace s3  }
0x15: {  	_ =	strace $0x8FFFFFFF  }
0x16: {  	s19 =	sld [smem:$0x3FDB];
	_ =	sdelay $0x1  }
0x17: {  	s20 =	simm.s32 $_scs_section_size  }
0x18: {  	s5 =	simm.s32 $_size__tile_overlayer_lowered;
	s6 =	simm.s32 $_tile_overlayer_lowered  }
0x19: {  	s23 =	simm.s32 $0x1BFF;
	s22 =	sshll.u32 s6, $0x1;
	s3 =	sadd.s32 s20, s19  }
0x1a: {  	s7 =	simm.s32 $0x0;
	s21 =	sshll.u32 s5, $0x1;
	s5 =	sadd.s32 s22, s3  }
0x1b: {  	[timem:s7], [sflag:s23] =	dma.local [hbm:s5], s21  }
0x1c: {  	_ =	swait.ge [sflag:s23], s21  }
0x1d: {  	s4 =	ssub.s32 $0x0, s21;
	[sflag:s23] =	ssyncset.done $0x0  }
0x1e: {  	[sflag:s23] =	ssyncadd.s32 s4;
	_ =	sdelay $0x1  }
0x1f: {  	s24 =	simm.s32 $0x1B8B  }
0x20: {  	_ =	swait.ge [sflag:s24], $0x1  }
0x21: {  	[sflag:s24] =	ssyncset.done $0x0  }
0x22: {  	s26 =	simm.s32 $0x1B8E;
	s25 =	sld [smem:$0x3FFE];
	[sflag:s24] =	ssyncadd.s32 $0xFFFFFFFF  }
0x23: {  	s27 =	simm.s32 $execute0_lowered;
	[smem:$0x3FD2] =	sst s26  }
0x24: {  	s5 =	sshll.u32 s27, $0x1;
	_ =	strace $0x80000049;
	[dreg:$0x1] =	wrdreg $0xFFFFFFFF  }
0x25: {  	s28 =	simm.s32 $_size_execute0_lowered;
	s3 =	sadd.s32 s3, s5;
	[dreg:$0x0] =	wrdreg $0x0  }
0x26: {  	s5 =	sshll.u32 s28, $0x1;
	[dreg:$0x2] =	wrdreg s3  }
0x27: {  	[dreg:$0x3] =	wrdreg s5  }
0x28: {  	[dreg:$0x4] =	wrdreg $0xC0  }
0x29: {  	_ =	task [dreg:s7], $0x5FFFF  }
0x2a: {  	[dreg:$0x1] =	wrdreg $0xFFFFFFFF  }
0x2b: {  	[dreg:$0x0] =	wrdreg $0x60  }
0x2c: {  	[dreg:$0x2] =	wrdreg s25  }
0x2d: {  	[dreg:$0x3] =	wrdreg s17  }
0x2e: {  	[dreg:$0x4] =	wrdreg $0x9  }
0x2f: {  	_ =	task.clear_ibuf [dreg:s7], $0x5FFFF;
	_ =	strace $0x90000049  }
0x30: {  	s29 =	simm.s32 $0x9;
	_ =	strace $0x8000004B  }
0x31: {  	_ =	swait.ge [sflag:s29], $0x1  }
0x32: {  	[sflag:s29] =	ssyncadd.s32 $0xFFFFFFFF  }
0x33: {  	_ =	strace $0x9000004B  }
0x34: {  	_ =	sfence  }
0x35: {  	s30 =	sld [smem:$0x0];
	_ =	sdelay $0x2  }
0x36: {  	s31 =	sshll.u32 s1, $0xD;
	s1 =	sshrl.u32 s1, $0x2  }
0x37: {  	s3 =	sand.u32 $0x4000, s31;
	s1 =	sadd.s32 s1, s30  }
0x38: {  	s0 =	sor.u32 s3, s0;
	s1 =	sshll.u32 s1, $0x11  }
0x39: {  	s0 =	sor.u32 s1, s0  }
0x3a: {  	s0 =	sadd.s32 $0x8F2B, s0  }
0x3b: {  	[sflag:s0] =	ssyncadd.remote.s32 $0x1  }
0x3c: {  	_ =	sfence.sel $0xFFFF  }
0x3d: {  	[dreg:$0x0] =	wrdreg $0xFFFFFFFF;
	(pc) =	sbr.abs _section_cstart, $3  }
0x3e: {  	[dreg:$0x1] =	wrdreg $0xFFFFFFFF  }
0x3f: {  	_ =	task.clear_ibuf [dreg:s7], $0x2FFFF;
	_ =	strace $0x9FFFFFFF  }
0x40: {  	(tm) =	ssettm $0x7FFFFFFF  }
0x41: {  	_ =	shalt  }
tec
execute0_lowered:
.L_overlay_start_1:
0x0: {  	(tag) =	ssettag $0x1  }
0x1: {  	s0 =	srdreg.scid  }
0x2: {  	s5 =	rddreg [dreg:$0x0];
	s1 =	sshll.u32 s0, $0x4  }
0x3: {  	s2 =	rddreg [dreg:$0x1];
	s0 =	stileid.u32;
	s1 =	sand.u32 $0x10, s1  }
0x4: {  	s4 =	simm.s32 $0x1;
	s8 =	simm.s32 $0x2;
	s1 =	sor.u32 s0, s1  }
0x5: {  	s12 =	simm.s32 $0x0;
	s9 =	simm.s32 $0x0;
	s3 =	sshll.u32 s1, $0x7  }
0x6: {  	s11 =	simm.s32 $0x0;
	s5 =	sadd.s32 $0x181600, s5;
	s6 =	ssub.s32 $0x400000, s3  }
.Ltmp0:
0x7: {  	s1 =	rddreg [dreg:$0x2];
	s7 =	sand.u32 $0xF80, s6;
	(pc) =	sbr.rel .LBB1_1-.Ltmp0, $4  }
0x8: {  	_ =	strace $0x8000004A;
	p0 =	sne.s32 s7, $0x0;
	s7 =	simm.s32 $0x1  }
0x9: {  	[sflag:s4] =	ssyncpa.u1 $0x0;
	s6 =	sshrl.u32 s6, $0xC;
	s7 =	simm.s32 @!p0 $0x0  }
0xa: {  	s10 =	smov.u32 s3;
	[sflag:s8] =	ssyncpa.u1 $0x0;
	s6 =	sadd.s32 s7, s6  }
0xb: {  	s8 =	simm.s32 $0x1000000;
	p0 =	por $0x0, $0x0;
	s7 =	sadd.s32 $0x1, s6  }
.LBB1_4:
0xc: {  	p1 =	sgt.s32 s9, $0x3FFF80;
	s15 =	smov.u32 s9;
	s16 =	sshra.s32 s9, $0x1F  }
0xd: {  	s15 =	simm.s32 @!p1 $0x3FFF80;
	s16 =	sand.u32 s16, s9  }
0xe: {  	s15 =	ssub.s32 s15, s16  }
0xf: {  	s28 =	sand.u32 $0x78, s9;
	s17 =	sshll.u32 s9, $0x2;
	s15 =	sadd.s32 $0xFFC00080, s15  }
0x10: {  	s17 =	sand.u32 $0xFFFE00, s17;
	p1 =	sgt.s32 s15, $0x7F;
	s15 =	sshll.u32 s15, $0x4  }
0x11: {  	s29 =	sand.u32 $0x7, s9;
	s16 =	sor.u32 s28, s17;
	s15 =	ssub.s32 $0x800, s15  }
0x12: {  	s17 =	sshll.u32 s29, $0x12;
	s16 =	sshrl.u32 s16, $0x3;
	s15 =	sshrl.u32 s15, $0x2  }
0x13: {  	[tilespmem:s14+$0x0 ss:$0x81] =	vst.msk $0xffff, v0;
	s31 =	sor.u32 $0x200, s17;
	s30 =	sadd.s32 s2, s16;
	s15 =	simm.s32 @p1 $0x0  }
0x14: {  	[hbm4b:s30+s31] =	stream.strided.scatter [tilespmem:s13], [sflag:$0x2], s15, s8, s31, $0x20;
	[tilespmem:$0x4040] =	vst v63  }
.LBB1_5:
0x15: {  	p1 =	slt.u32 s11, $0x2  }
0x16: {  	p2 =	sgt.s32 @!p1 s12, $0x3FFF80  }
0x17: {  	s13 =	smov.u32 s12;
	s14 =	sshra.s32 @!p1 s12, $0x1F;
	p2 =	por !p2, p1  }
0x18: {  	s12 =	sand.u32 @!p1 s14, s12;
	s13 =	simm.s32 @p2 $0x3FFF80  }
0x19: {  	s12 =	ssub.s32 @!p1 s13, s12  }
0x1a: {  	s12 =	sadd.s32 @!p1 $0xFFC00080, s12  }
0x1b: {  	s13 =	sshll.u32 @!p1 s12, $0x4  }
0x1c: {  	p2 =	sgt.s32 @!p1 s12, $0x7F;
	s12 =	ssub.s32 @!p1 $0x800, s13  }
0x1d: {  	s14 =	sadd.s32 $0x1000, s10;
	p2 =	por !p2, p1;
	s12 =	sshrl.u32 @!p1 s12, $0x2  }
0x1e: {  	s12 =	simm.s32 @!p2 $0x0;
	p2 =	sgt.s32 s14, $0x3FFFFF  }
0x1f: {  	s14 =	smov.u32 @p2 s3;
	p2 =	sne.s32 s11, s7  }
.Ltmp1:
0x20: {  	_ = 	snop;
	(pc) =	sbr.rel @!p2 .LBB1_6-.Ltmp1, $4  }
0x21: {  	s13 =	simm.s32 @!p1 $0x2  }
0x22: {  	p0 =	por !p0, !p0;
	_ =	swait.ge @!p1 [sflag:s13], s12;
	s15 =	ssub.s32 @!p1 $0x0, s12  }
0x23: {  	s12 =	smov.u32 s9;
	s11 =	sadd.s32 $0x1, s11;
	[sflag:s13] =	ssyncset.done @!p1 $0x0  }
0x24: {  	s9 =	smov.u32 s10;
	s10 =	smov.u32 s14;
	[sflag:s13] =	ssyncadd.s32 @!p1 s15  }
.LBB1_1:
0x25: {  	p1 =	sge.u32 s11, s6  }
0x26: {  	s31 =	sadd.s32 $0xFFFFFFFF, s11;
	s13 =	sxor.u32 @!p1 $0xFFFFFFFF, s11;
	s14 =	sshll.u32 @!p1 s10, $0x4  }
0x27: {  	s15 =	simm.s32 @!p1 $0x20;
	s13 =	sshll.u32 @!p1 s13, $0xC;
	s14 =	sand.u32 @!p1 $0x3FFFFF0, s14  }
0x28: {  	s16 =	simm.s32 @!p1 $0x80;
	s13 =	sand.u32 @!p1 $0x1000, s13;
	s14 =	sadd.s32 @!p1 s5, s14  }
0x29: {  	[tilespmem:s13], [sflag:$0x1] =	stream.strided.gather @!p1 [hbm4b:s14+s15], $0x1000, s16, s15, $0x38;
	[tilespmem:$0x4040] =	vst v63  }
0x2a: {  	p1 =	sge.u32 s31, s6  }
.Ltmp2:
0x2b: {  	_ = 	snop;
	(pc) =	sbr.rel @p1 .LBB1_5-.Ltmp2, $1  }
0x2c: {  	_ =	sdelay $0x3  }
0x2d: {  	s13 =	simm.s32 $0x1  }
0x2e: {  	_ =	swait.ge [sflag:s4], $0x1000;
	s13 =	simm.s32 @!p0 $0x0  }
0x2f: {  	[sflag:s4] =	ssyncset.done $0x0;
	s14 =	sshll.u32 s13, $0xC  }
0x30: {  	[sflag:s4] =	ssyncadd.s32 $0xFFFFF000;
	s17 =	sor.u32 $0x10, s14  }
0x31: {  	s13 =	smul.u32 $0x4080, s13;
	v1 =	vld [tilespmem:s17+$0x0]  }
0x32: {  	s30 =	sand.u32 $0x1, s11;
	v0 =	vld [tilespmem:s17+$0xFFFFFFF0]  }
0x33: {  	s14 =	smul.u32 $0x4080, s30;
	s13 =	sshrl.u32 s13, $0x2  }
0x34: {  	s15 =	sor.u32 $0x2000, s13  }
0x35: {  	s31 =	sshrl.u32 s14, $0x2;
	s14 =	sadd.s32 $0x0, s15  }
0x36: {  	s16 =	simm.s32 $0x4;
	s17 =	sadd.s32 $0x20, s17;
	s13 =	sor.u32 $0x2000, s31;
	[tilespmem:s14+$0x810 ss:$0x81] =	vst.msk $0xffff, v1  }
.LBB1_3:
0x37: {  	v1 =	vld [tilespmem:s17+$0x0];
	p1 =	sne.s32 s16, $0x1FC;
	[tilespmem:s14+$0x0 ss:$0x81] =	vst.msk $0xffff, v0;
	s14 =	smov.u32 s16;
	s16 =	sadd.s32 $0x4, s16  }
.Ltmp3:
0x38: {  	v0 =	vld [tilespmem:s17+$0xFFFFFFF0];
	(pc) =	sbr.rel @p1 .LBB1_3-.Ltmp3, $4  }
0x39: {  	_ = 	snop  }
0x3a: {  	s14 =	sshra.s32 s14, $0x2  }
0x3b: {  	s14 =	sadd.s32 s14, s15  }
0x3c: {  	s17 =	sadd.s32 $0x20, s17;
	[tilespmem:s14+$0x810 ss:$0x81] =	vst.msk $0xffff, v1  }
.Ltmp4:
0x3d: {  	_ = 	snop;
	(pc) =	sbr.rel .LBB1_4-.Ltmp4, $1  }
0x3e: {  	_ =	sdelay $0x3  }
.LBB1_6:
0x3f: {  	_ =	sfence.sel $0x180000  }
0x40: {  	s2 =	simm.s32 $0x1;
	[bflag:$0x0] =	sbarrier.arrive $0xFFFF  }
0x41: {  	s31 =	simm.s32 $0x2;
	[sflag:s2] =	ssyncpa.u1 $0x1  }
0x42: {  	[sflag:s31] =	ssyncpa.u1 $0x1  }
0x43: {  	p0 =	sne.s32 s0, $0x0;
	_ =	strace $0x9000004A  }
0x44: {  	s0 =	sadd.s32 @!p0 $0x100000, s1;
	[bflag:$0x2] =	sbarrier.arrive $0xFFFF  }
0x45: {  	[sflag:s0] =	ssyncadd.tile.s32 @!p0 $0x1;
	_ =	shalt  }
.Lfunc_end1:
_tile_overlayer_lowered:
.L_overlay_start_2:
0x46: {  	(tag) =	ssettag $0x2  }
0x47: {  	s0 =	rddreg [dreg:$0x0];
	s2 =	stileid.u32  }
0x48: {  	s1 =	rddreg [dreg:$0x1];
	p0 =	sne.s32 s2, $0x0  }
0x49: {  	s3 =	rddreg [dreg:$0x2];
	[bflag:$0x3] =	sbarrier.arrive $0xFFFF;
	s2 =	simm.s32 @!p0 $0x1C01  }
0x4a: {  	[timem:s3], [sflag:s2] =	dma.local @!p0 [hbm:s0], s1  }
0x4b: {  	s0 =	simm.s32 @!p0 $0x1  }
0x4c: {  	_ =	swait.ge @!p0 [sflag:s0], s1  }
0x4d: {  	s1 =	ssub.s32 @!p0 $0x0, s1;
	[sflag:s0] =	ssyncset.done @!p0 $0x0  }
0x4e: {  	[sflag:s0] =	ssyncadd.s32 @!p0 s1  }
0x4f: {  	[bflag:$0x3] =	sbarrier.arrive $0xFFFF  }
0x50: {  	_ =	shalt  }

</sc_bundles>
